<compile_context>
chip_gen: v7x
topology: tpu7x:2x2x1
jax: 0.10.2.dev20260603
libtpu: 0.0.44.dev20260713+nightly
codegen_flags: <defaults>
</compile_context>

<pallas_src>
import functools

import jax
import jax.numpy as jnp
from jax import lax
from jax.experimental import pallas as pl
from jax.experimental.pallas import tpu as pltpu
from jax.experimental.pallas import tpu_sc as plsc

N_NODES = 10000
N_EDGES = 320000
D = 128

NC = 2
NS = 16
NW = NC * NS
EPW = N_EDGES // NW
CH = 40
NCH = EPW // CH
NB = 6
CSC = 25
SCH = NCH // CSC
NITER = -(-CSC // NB)
RPT = 624
TAIL = N_NODES - RPT * NS
ZR = 16

_mesh = plsc.VectorSubcoreMesh(core_axis_name="c", subcore_axis_name="s")


@functools.partial(
    pl.kernel,
    out_type=jax.ShapeDtypeStruct((NC, N_NODES, D), jnp.float32),
    mesh=_mesh,
    scratch_types=[
        pltpu.VMEM((2 * CSC * CH,), jnp.int32),
        pltpu.VMEM((2 * CSC * CH,), jnp.int32),
        pltpu.VMEM((NB, CH, D), jnp.float32),
        pltpu.VMEM((ZR, D), jnp.float32),
        pltpu.VMEM_SHARED((N_NODES, D), jnp.float32),
        pltpu.SemaphoreType.DMA((NB,)),
        pltpu.SemaphoreType.DMA((NB,)),
        pltpu.SemaphoreType.DMA,
        pltpu.SemaphoreType.DMA,
    ],
)
def _sc_agg(table, src, dst, out, sbuf, dbuf, rows, zbuf, acc, gsem, ssem,
            zsem, isem):
    cid = lax.axis_index("c")
    sid = lax.axis_index("s")
    wid = sid * NC + cid

    zv = jnp.zeros((16,), jnp.float32)
    for i in range(ZR):
        for j in range(D // 16):
            zbuf[i, pl.ds(j * 16, 16)] = zv

    def zero_issue(i, carry):
        pltpu.async_copy(zbuf, acc.at[pl.ds(sid * RPT + i * ZR, ZR)], zsem)
        return carry

    lax.fori_loop(0, RPT // ZR, zero_issue, 0)

    @pl.when(sid == 0)
    def _zero_tail():
        pltpu.async_copy(zbuf.at[pl.ds(0, TAIL)],
                         acc.at[pl.ds(RPT * NS, TAIL)], zsem)

    pltpu.sync_copy(src.at[pl.ds(wid * EPW, CSC * CH)],
                    sbuf.at[pl.ds(0, CSC * CH)])
    pltpu.sync_copy(dst.at[pl.ds(wid * EPW, CSC * CH)],
                    dbuf.at[pl.ds(0, CSC * CH)])
    for b in range(NB):
        pltpu.async_copy(table.at[sbuf.at[pl.ds(b * CH, CH)]], rows.at[b],
                         gsem.at[b])

    def zero_drain(i, carry):
        pltpu.make_async_copy(zbuf, acc.at[pl.ds(sid * RPT + i * ZR, ZR)],
                              zsem).wait()
        return carry

    lax.fori_loop(0, RPT // ZR, zero_drain, 0)

    @pl.when(sid == 0)
    def _zero_tail_drain():
        pltpu.make_async_copy(zbuf.at[pl.ds(0, TAIL)],
                              acc.at[pl.ds(RPT * NS, TAIL)], zsem).wait()

    plsc.subcore_barrier()

    def super_body(s, carry):
        p = (s % 2) * CSC * CH
        q = ((s + 1) % 2) * CSC * CH
        nbase = wid * EPW + (s + 1) * CSC * CH

        @pl.when(s + 1 < SCH)
        def _stage_next():
            pltpu.async_copy(src.at[pl.ds(nbase, CSC * CH)],
                             sbuf.at[pl.ds(q, CSC * CH)], isem)
            pltpu.async_copy(dst.at[pl.ds(nbase, CSC * CH)],
                             dbuf.at[pl.ds(q, CSC * CH)], isem)

        def main(i, carry2):
            for b in range(NB):
                j = i * NB + b

                @pl.when(j < CSC)
                def _scatter(b=b, j=j):
                    pltpu.make_async_copy(
                        table.at[sbuf.at[pl.ds(p + j * CH, CH)]], rows.at[b],
                        gsem.at[b]).wait()
                    pltpu.async_copy(rows.at[b],
                                     acc.at[dbuf.at[pl.ds(p + j * CH, CH)]],
                                     ssem.at[b], add=True)

            for b in range(NB):
                j = i * NB + b

                @pl.when(j < CSC)
                def _drain(b=b, j=j):
                    pltpu.make_async_copy(
                        rows.at[b], acc.at[dbuf.at[pl.ds(p + j * CH, CH)]],
                        ssem.at[b]).wait()

                @pl.when(j + NB < CSC)
                def _prefetch(b=b, j=j):
                    pltpu.async_copy(
                        table.at[sbuf.at[pl.ds(p + (j + NB) * CH, CH)]],
                        rows.at[b], gsem.at[b])

            return carry2

        lax.fori_loop(0, NITER, main, 0)

        @pl.when(s + 1 < SCH)
        def _prime_next():
            pltpu.make_async_copy(src.at[pl.ds(nbase, CSC * CH)],
                                  sbuf.at[pl.ds(q, CSC * CH)], isem).wait()
            pltpu.make_async_copy(dst.at[pl.ds(nbase, CSC * CH)],
                                  dbuf.at[pl.ds(q, CSC * CH)], isem).wait()
            for b in range(NB):
                pltpu.async_copy(table.at[sbuf.at[pl.ds(q + b * CH, CH)]],
                                 rows.at[b], gsem.at[b])
        return carry

    lax.fori_loop(0, SCH, super_body, 0)
    plsc.subcore_barrier()

    pltpu.sync_copy(acc.at[pl.ds(sid * RPT, RPT)],
                    out.at[cid, pl.ds(sid * RPT, RPT)])

    @pl.when(sid == 0)
    def _copy_tail():
        pltpu.sync_copy(acc.at[pl.ds(RPT * NS, TAIL)],
                        out.at[cid, pl.ds(RPT * NS, TAIL)])


_BN = 2000


def _root_body(x_ref, w_ref, b_ref, o_ref):
    o_ref[...] = jnp.dot(x_ref[...], w_ref[...],
                         preferred_element_type=jnp.float32) + b_ref[...]


def _root(x, w_root, b):
    return pl.pallas_call(
        _root_body,
        grid=(N_NODES // _BN,),
        in_specs=[
            pl.BlockSpec((_BN, D), lambda i: (i, 0)),
            pl.BlockSpec((D, D), lambda i: (0, 0)),
            pl.BlockSpec((1, D), lambda i: (0, 0)),
        ],
        out_specs=pl.BlockSpec((_BN, D), lambda i: (i, 0)),
        out_shape=jax.ShapeDtypeStruct((N_NODES, D), jnp.float32),
    )(x, w_root, b.reshape(1, D))


def _post_body(p_ref, r_ref, wrel_ref, o_ref, *, relu):
    agg = p_ref[0] + p_ref[1]
    acc = jnp.dot(agg, wrel_ref[...],
                  preferred_element_type=jnp.float32) + r_ref[...]
    o_ref[...] = jnp.maximum(acc, 0.0) if relu else acc


def _post(partials, root, w_rel, relu):
    return pl.pallas_call(
        functools.partial(_post_body, relu=relu),
        grid=(N_NODES // _BN,),
        in_specs=[
            pl.BlockSpec((NC, _BN, D), lambda i: (0, i, 0)),
            pl.BlockSpec((_BN, D), lambda i: (i, 0)),
            pl.BlockSpec((D, D), lambda i: (0, 0)),
        ],
        out_specs=pl.BlockSpec((_BN, D), lambda i: (i, 0)),
        out_shape=jax.ShapeDtypeStruct((N_NODES, D), jnp.float32),
    )(partials, root, w_rel)


def kernel(x, edge_index, W1_rel, b1, W1_root, W2_rel, b2, W2_root):
    ei = edge_index.astype(jnp.int32)
    src = ei[0]
    dst = ei[1]
    p1 = _sc_agg(x, src, dst)
    root1 = _root(x, W1_root, b1)
    h = _post(p1, root1, W1_rel, relu=True)
    p2 = _sc_agg(h, src, dst)
    root2 = _root(h, W2_root, b2)
    out = _post(p2, root2, W2_rel, relu=False)
    return out

# --- scband reference (transcript-rebuilt; emitter-appended) ---
"""Pipeline reference for scband-gnnmodel-57071525429602 (READ-ONLY COPY).

The authoritative reference and input builder live on the scoring server;
editing this copy changes nothing except your own understanding.
"""

import jax, jax.numpy as jnp
import numpy as np

N_NODES = 10000
N_EDGES = 320000
D_IN = 128
D_HID = 128


def setup_inputs(seed: int = 0) -> dict:
    key = jax.random.key(seed)
    k = jax.random.split(key, 8)
    x = jax.random.normal(k[0], (N_NODES, D_IN), dtype=jnp.float32)
    edge_index = jax.random.randint(k[1], (2, N_EDGES), 0, N_NODES, dtype=jnp.int64)
    s = 1.0 / np.sqrt(D_IN)
    W1_rel = jax.random.uniform(k[2], (D_IN, D_HID), jnp.float32, -s, s)
    b1 = jax.random.uniform(k[3], (D_HID,), jnp.float32, -s, s)
    W1_root = jax.random.uniform(k[4], (D_IN, D_HID), jnp.float32, -s, s)
    s2 = 1.0 / np.sqrt(D_HID)
    W2_rel = jax.random.uniform(k[5], (D_HID, D_HID), jnp.float32, -s2, s2)
    b2 = jax.random.uniform(k[6], (D_HID,), jnp.float32, -s2, s2)
    W2_root = jax.random.uniform(k[7], (D_HID, D_HID), jnp.float32, -s2, s2)
    return {"x": x, "edge_index": edge_index, "W1_rel": W1_rel, "b1": b1,
            "W1_root": W1_root, "W2_rel": W2_rel, "b2": b2, "W2_root": W2_root}


def reference(x, edge_index, W1_rel, b1, W1_root, W2_rel, b2, W2_root):
    # PyG GraphConv: out = lin_rel(sum_{j in N(i)} x_j) + lin_root(x_i)
    src = edge_index[0]
    dst = edge_index[1]
    n = x.shape[0]
    # Layer 1: GraphConv(128 -> 128) + ReLU (+ Dropout in eval = identity)
    agg1 = jax.ops.segment_sum(jnp.take(x, src, axis=0), dst, num_segments=n)
    h = agg1 @ W1_rel + b1 + x @ W1_root
    h = jax.nn.relu(h)
    # Layer 2: GraphConv(128 -> 128)
    agg2 = jax.ops.segment_sum(jnp.take(h, src, axis=0), dst, num_segments=n)
    out = agg2 @ W2_rel + b2 + h @ W2_root
    return out

if __name__ == "__main__":
    import jax
    _d = setup_inputs()
    print(jax.jit(kernel)(*tuple(_d.values())))

</pallas_src>

<mosaic_0001>
#map = affine_map<(d0, d1) -> (0, 0)>
#map1 = affine_map<(d0, d1) -> (0)>
#map2 = affine_map<(d0, d1) -> (0, 0, 0)>
module attributes {stable_mosaic.version = 14 : i64} {
  func.func @_sc_agg(%arg0: i32, %arg1: i32, %arg2: memref<10000x128xf32, #tpu.memory_space<hbm>>, %arg3: memref<320000xi32, #tpu.memory_space<hbm>>, %arg4: memref<320000xi32, #tpu.memory_space<hbm>>, %arg5: memref<2x10000x128xf32, #tpu.memory_space<hbm>>, %arg6: memref<2000xi32, #tpu.memory_space<vmem>>, %arg7: memref<2000xi32, #tpu.memory_space<vmem>>, %arg8: memref<6x40x128xf32, #tpu.memory_space<vmem>>, %arg9: memref<16x128xf32, #tpu.memory_space<vmem>>, %arg10: memref<10000x128xf32, #tpu.memory_space<vmem_shared>>, %arg11: memref<6x!tpu.dma_semaphore, #tpu.memory_space<semaphore_mem>>, %arg12: memref<6x!tpu.dma_semaphore, #tpu.memory_space<semaphore_mem>>, %arg13: memref<!tpu.dma_semaphore, #tpu.memory_space<semaphore_mem>>, %arg14: memref<!tpu.dma_semaphore, #tpu.memory_space<semaphore_mem>>) attributes {dimension_semantics = [#tpu.dimension_semantics<core_parallel>, #tpu.dimension_semantics<subcore_parallel>], iteration_bounds = array<i64: 2, 16>, scalar_prefetch = 0 : i64, scratch_operands = 9 : i64, tpu.core_type = #tpu.core_type<sc_vector_subcore>, window_params = [{transform_indices = #map}, {transform_indices = #map1}, {transform_indices = #map1}, {transform_indices = #map2}]} {
    %mul3A = arith.constant 2 : i32
    %mul3A_0 = arith.muli %arg1, %mul3A : i32
    %add3A = arith.addi %mul3A_0, %arg0 : i32
    %broadcast_in_dim3A = arith.constant 0.000000e+00 : f32
    %broadcast_in_dim3A_1 = vector.broadcast %broadcast_in_dim3A : f32 to vector<16xf32>
    %swap3A = arith.constant 0 : i32
    %swap3A_2 = arith.index_cast %swap3A : i32 to index
    %swap3A_3 = arith.constant 0 : index
    %swap3A_4 = tpu.vector_load %arg9[%swap3A_2, %swap3A_3] {strides = array<i32>} : memref<16x128xf32, #tpu.memory_space<vmem>>, vector<1x16xf32>,
    %swap3A_5 = vector.shape_cast %swap3A_4 : vector<1x16xf32> to vector<16xf32>
    %swap3A_6 = vector.shape_cast %broadcast_in_dim3A_1 : vector<16xf32> to vector<1x16xf32>
    tpu.vector_store %arg9[%swap3A_2, %swap3A_3], %swap3A_6 {strides = array<i32>} : memref<16x128xf32, #tpu.memory_space<vmem>>, vector<1x16xf32>,
    %swap3A_7 = arith.constant 0 : i32
    %swap3A_8 = arith.index_cast %swap3A_7 : i32 to index
    %swap3A_9 = arith.constant 16 : index
    %swap3A_10 = tpu.vector_load %arg9[%swap3A_8, %swap3A_9] {strides = array<i32>} : memref<16x128xf32, #tpu.memory_space<vmem>>, vector<1x16xf32>,
    %swap3A_11 = vector.shape_cast %swap3A_10 : vector<1x16xf32> to vector<16xf32>
    %swap3A_12 = vector.shape_cast %broadcast_in_dim3A_1 : vector<16xf32> to vector<1x16xf32>
    tpu.vector_store %arg9[%swap3A_8, %swap3A_9], %swap3A_12 {strides = array<i32>} : memref<16x128xf32, #tpu.memory_space<vmem>>, vector<1x16xf32>,
    %swap3A_13 = arith.constant 0 : i32
    %swap3A_14 = arith.index_cast %swap3A_13 : i32 to index
    %swap3A_15 = arith.constant 32 : index
    %swap3A_16 = tpu.vector_load %arg9[%swap3A_14, %swap3A_15] {strides = array<i32>} : memref<16x128xf32, #tpu.memory_space<vmem>>, vector<1x16xf32>,
    %swap3A_17 = vector.shape_cast %swap3A_16 : vector<1x16xf32> to vector<16xf32>
    %swap3A_18 = vector.shape_cast %broadcast_in_dim3A_1 : vector<16xf32> to vector<1x16xf32>
    tpu.vector_store %arg9[%swap3A_14, %swap3A_15], %swap3A_18 {strides = array<i32>} : memref<16x128xf32, #tpu.memory_space<vmem>>, vector<1x16xf32>,
    %swap3A_19 = arith.constant 0 : i32
    %swap3A_20 = arith.index_cast %swap3A_19 : i32 to index
    %swap3A_21 = arith.constant 48 : index
    %swap3A_22 = tpu.vector_load %arg9[%swap3A_20, %swap3A_21] {strides = array<i32>} : memref<16x128xf32, #tpu.memory_space<vmem>>, vector<1x16xf32>,
    %swap3A_23 = vector.shape_cast %swap3A_22 : vector<1x16xf32> to vector<16xf32>
    %swap3A_24 = vector.shape_cast %broadcast_in_dim3A_1 : vector<16xf32> to vector<1x16xf32>
    tpu.vector_store %arg9[%swap3A_20, %swap3A_21], %swap3A_24 {strides = array<i32>} : memref<16x128xf32, #tpu.memory_space<vmem>>, vector<1x16xf32>,
    %swap3A_25 = arith.constant 0 : i32
    %swap3A_26 = arith.index_cast %swap3A_25 : i32 to index
    %swap3A_27 = arith.constant 64 : index
    %swap3A_28 = tpu.vector_load %arg9[%swap3A_26, %swap3A_27] {strides = array<i32>} : memref<16x128xf32, #tpu.memory_space<vmem>>, vector<1x16xf32>,
    %swap3A_29 = vector.shape_cast %swap3A_28 : vector<1x16xf32> to vector<16xf32>
    %swap3A_30 = vector.shape_cast %broadcast_in_dim3A_1 : vector<16xf32> to vector<1x16xf32>
    tpu.vector_store %arg9[%swap3A_26, %swap3A_27], %swap3A_30 {strides = array<i32>} : memref<16x128xf32, #tpu.memory_space<vmem>>, vector<1x16xf32>,
    %swap3A_31 = arith.constant 0 : i32
    %swap3A_32 = arith.index_cast %swap3A_31 : i32 to index
    %swap3A_33 = arith.constant 80 : index
    %swap3A_34 = tpu.vector_load %arg9[%swap3A_32, %swap3A_33] {strides = array<i32>} : memref<16x128xf32, #tpu.memory_space<vmem>>, vector<1x16xf32>,
    %swap3A_35 = vector.shape_cast %swap3A_34 : vector<1x16xf32> to vector<16xf32>
    %swap3A_36 = vector.shape_cast %broadcast_in_dim3A_1 : vector<16xf32> to vector<1x16xf32>
    tpu.vector_store %arg9[%swap3A_32, %swap3A_33], %swap3A_36 {strides = array<i32>} : memref<16x128xf32, #tpu.memory_space<vmem>>, vector<1x16xf32>,
    %swap3A_37 = arith.constant 0 : i32
    %swap3A_38 = arith.index_cast %swap3A_37 : i32 to index
    %swap3A_39 = arith.constant 96 : index
    %swap3A_40 = tpu.vector_load %arg9[%swap3A_38, %swap3A_39] {strides = array<i32>} : memref<16x128xf32, #tpu.memory_space<vmem>>, vector<1x16xf32>,
    %swap3A_41 = vector.shape_cast %swap3A_40 : vector<1x16xf32> to vector<16xf32>
    %swap3A_42 = vector.shape_cast %broadcast_in_dim3A_1 : vector<16xf32> to vector<1x16xf32>
    tpu.vector_store %arg9[%swap3A_38, %swap3A_39], %swap3A_42 {strides = array<i32>} : memref<16x128xf32, #tpu.memory_space<vmem>>, vector<1x16xf32>,
    %swap3A_43 = arith.constant 0 : i32
    %swap3A_44 = arith.index_cast %swap3A_43 : i32 to index
    %swap3A_45 = arith.constant 112 : index
    %swap3A_46 = tpu.vector_load %arg9[%swap3A_44, %swap3A_45] {strides = array<i32>} : memref<16x128xf32, #tpu.memory_space<vmem>>, vector<1x16xf32>,
    %swap3A_47 = vector.shape_cast %swap3A_46 : vector<1x16xf32> to vector<16xf32>
    %swap3A_48 = vector.shape_cast %broadcast_in_dim3A_1 : vector<16xf32> to vector<1x16xf32>
    tpu.vector_store %arg9[%swap3A_44, %swap3A_45], %swap3A_48 {strides = array<i32>} : memref<16x128xf32, #tpu.memory_space<vmem>>, vector<1x16xf32>,
    %swap3A_49 = arith.constant 1 : i32
    %swap3A_50 = arith.index_cast %swap3A_49 : i32 to index
    %swap3A_51 = arith.constant 0 : index
    %swap3A_52 = tpu.vector_load %arg9[%swap3A_50, %swap3A_51] {strides = array<i32>} : memref<16x128xf32, #tpu.memory_space<vmem>>, vector<1x16xf32>,
    %swap3A_53 = vector.shape_cast %swap3A_52 : vector<1x16xf32> to vector<16xf32>
    %swap3A_54 = vector.shape_cast %broadcast_in_dim3A_1 : vector<16xf32> to vector<1x16xf32>
    tpu.vector_store %arg9[%swap3A_50, %swap3A_51], %swap3A_54 {strides = array<i32>} : memref<16x128xf32, #tpu.memory_space<vmem>>, vector<1x16xf32>,
    %swap3A_55 = arith.constant 1 : i32
    %swap3A_56 = arith.index_cast %swap3A_55 : i32 to index
    %swap3A_57 = arith.constant 16 : index
    %swap3A_58 = tpu.vector_load %arg9[%swap3A_56, %swap3A_57] {strides = array<i32>} : memref<16x128xf32, #tpu.memory_space<vmem>>, vector<1x16xf32>,
    %swap3A_59 = vector.shape_cast %swap3A_58 : vector<1x16xf32> to vector<16xf32>
    %swap3A_60 = vector.shape_cast %broadcast_in_dim3A_1 : vector<16xf32> to vector<1x16xf32>
    tpu.vector_store %arg9[%swap3A_56, %swap3A_57], %swap3A_60 {strides = array<i32>} : memref<16x128xf32, #tpu.memory_space<vmem>>, vector<1x16xf32>,
    %swap3A_61 = arith.constant 1 : i32
    %swap3A_62 = arith.index_cast %swap3A_61 : i32 to index
    %swap3A_63 = arith.constant 32 : index
    %swap3A_64 = tpu.vector_load %arg9[%swap3A_62, %swap3A_63] {strides = array<i32>} : memref<16x128xf32, #tpu.memory_space<vmem>>, vector<1x16xf32>,
    %swap3A_65 = vector.shape_cast %swap3A_64 : vector<1x16xf32> to vector<16xf32>
    %swap3A_66 = vector.shape_cast %broadcast_in_dim3A_1 : vector<16xf32> to vector<1x16xf32>
    tpu.vector_store %arg9[%swap3A_62, %swap3A_63], %swap3A_66 {strides = array<i32>} : memref<16x128xf32, #tpu.memory_space<vmem>>, vector<1x16xf32>,
    %swap3A_67 = arith.constant 1 : i32
    %swap3A_68 = arith.index_cast %swap3A_67 : i32 to index
    %swap3A_69 = arith.constant 48 : index
    %swap3A_70 = tpu.vector_load %arg9[%swap3A_68, %swap3A_69] {strides = array<i32>} : memref<16x128xf32, #tpu.memory_space<vmem>>, vector<1x16xf32>,
    %swap3A_71 = vector.shape_cast %swap3A_70 : vector<1x16xf32> to vector<16xf32>
    %swap3A_72 = vector.shape_cast %broadcast_in_dim3A_1 : vector<16xf32> to vector<1x16xf32>
    tpu.vector_store %arg9[%swap3A_68, %swap3A_69], %swap3A_72 {strides = array<i32>} : memref<16x128xf32, #tpu.memory_space<vmem>>, vector<1x16xf32>,
    %swap3A_73 = arith.constant 1 : i32
    %swap3A_74 = arith.index_cast %swap3A_73 : i32 to index
    %swap3A_75 = arith.constant 64 : index
    %swap3A_76 = tpu.vector_load %arg9[%swap3A_74, %swap3A_75] {strides = array<i32>} : memref<16x128xf32, #tpu.memory_space<vmem>>, vector<1x16xf32>,
    %swap3A_77 = vector.shape_cast %swap3A_76 : vector<1x16xf32> to vector<16xf32>
    %swap3A_78 = vector.shape_cast %broadcast_in_dim3A_1 : vector<16xf32> to vector<1x16xf32>
    tpu.vector_store %arg9[%swap3A_74, %swap3A_75], %swap3A_78 {strides = array<i32>} : memref<16x128xf32, #tpu.memory_space<vmem>>, vector<1x16xf32>,
    %swap3A_79 = arith.constant 1 : i32
    %swap3A_80 = arith.index_cast %swap3A_79 : i32 to index
    %swap3A_81 = arith.constant 80 : index
    %swap3A_82 = tpu.vector_load %arg9[%swap3A_80, %swap3A_81] {strides = array<i32>} : memref<16x128xf32, #tpu.memory_space<vmem>>, vector<1x16xf32>,
    %swap3A_83 = vector.shape_cast %swap3A_82 : vector<1x16xf32> to vector<16xf32>
    %swap3A_84 = vector.shape_cast %broadcast_in_dim3A_1 : vector<16xf32> to vector<1x16xf32>
    tpu.vector_store %arg9[%swap3A_80, %swap3A_81], %swap3A_84 {strides = array<i32>} : memref<16x128xf32, #tpu.memory_space<vmem>>, vector<1x16xf32>,
    %swap3A_85 = arith.constant 1 : i32
    %swap3A_86 = arith.index_cast %swap3A_85 : i32 to index
    %swap3A_87 = arith.constant 96 : index
    %swap3A_88 = tpu.vector_load %arg9[%swap3A_86, %swap3A_87] {strides = array<i32>} : memref<16x128xf32, #tpu.memory_space<vmem>>, vector<1x16xf32>,
    %swap3A_89 = vector.shape_cast %swap3A_88 : vector<1x16xf32> to vector<16xf32>
    %swap3A_90 = vector.shape_cast %broadcast_in_dim3A_1 : vector<16xf32> to vector<1x16xf32>
    tpu.vector_store %arg9[%swap3A_86, %swap3A_87], %swap3A_90 {strides = array<i32>} : memref<16x128xf32, #tpu.memory_space<vmem>>, vector<1x16xf32>,
    %swap3A_91 = arith.constant 1 : i32
    %swap3A_92 = arith.index_cast %swap3A_91 : i32 to index
    %swap3A_93 = arith.constant 112 : index
    %swap3A_94 = tpu.vector_load %arg9[%swap3A_92, %swap3A_93] {strides = array<i32>} : memref<16x128xf32, #tpu.memory_space<vmem>>, vector<1x16xf32>,
    %swap3A_95 = vector.shape_cast %swap3A_94 : vector<1x16xf32> to vector<16xf32>
    %swap3A_96 = vector.shape_cast %broadcast_in_dim3A_1 : vector<16xf32> to vector<1x16xf32>
    tpu.vector_store %arg9[%swap3A_92, %swap3A_93], %swap3A_96 {strides = array<i32>} : memref<16x128xf32, #tpu.memory_space<vmem>>, vector<1x16xf32>,
    %swap3A_97 = arith.constant 2 : i32
    %swap3A_98 = arith.index_cast %swap3A_97 : i32 to index
    %swap3A_99 = arith.constant 0 : index
    %swap3A_100 = tpu.vector_load %arg9[%swap3A_98, %swap3A_99] {strides = array<i32>} : memref<16x128xf32, #tpu.memory_space<vmem>>, vector<1x16xf32>,
    %swap3A_101 = vector.shape_cast %swap3A_100 : vector<1x16xf32> to vector<16xf32>
    %swap3A_102 = vector.shape_cast %broadcast_in_dim3A_1 : vector<16xf32> to vector<1x16xf32>
    tpu.vector_store %arg9[%swap3A_98, %swap3A_99], %swap3A_102 {strides = array<i32>} : memref<16x128xf32, #tpu.memory_space<vmem>>, vector<1x16xf32>,
    %swap3A_103 = arith.constant 2 : i32
    %swap3A_104 = arith.index_cast %swap3A_103 : i32 to index
    %swap3A_105 = arith.constant 16 : index
    %swap3A_106 = tpu.vector_load %arg9[%swap3A_104, %swap3A_105] {strides = array<i32>} : memref<16x128xf32, #tpu.memory_space<vmem>>, vector<1x16xf32>,
    %swap3A_107 = vector.shape_cast %swap3A_106 : vector<1x16xf32> to vector<16xf32>
    %swap3A_108 = vector.shape_cast %broadcast_in_dim3A_1 : vector<16xf32> to vector<1x16xf32>
    tpu.vector_store %arg9[%swap3A_104, %swap3A_105], %swap3A_108 {strides = array<i32>} : memref<16x128xf32, #tpu.memory_space<vmem>>, vector<1x16xf32>,
    %swap3A_109 = arith.constant 2 : i32
    %swap3A_110 = arith.index_cast %swap3A_109 : i32 to index
    %swap3A_111 = arith.constant 32 : index
    %swap3A_112 = tpu.vector_load %arg9[%swap3A_110, %swap3A_111] {strides = array<i32>} : memref<16x128xf32, #tpu.memory_space<vmem>>, vector<1x16xf32>,
    %swap3A_113 = vector.shape_cast %swap3A_112 : vector<1x16xf32> to vector<16xf32>
    %swap3A_114 = vector.shape_cast %broadcast_in_dim3A_1 : vector<16xf32> to vector<1x16xf32>
    tpu.vector_store %arg9[%swap3A_110, %swap3A_111], %swap3A_114 {strides = array<i32>} : memref<16x128xf32, #tpu.memory_space<vmem>>, vector<1x16xf32>,
    %swap3A_115 = arith.constant 2 : i32
    %swap3A_116 = arith.index_cast %swap3A_115 : i32 to index
    %swap3A_117 = arith.constant 48 : index
    %swap3A_118 = tpu.vector_load %arg9[%swap3A_116, %swap3A_117] {strides = array<i32>} : memref<16x128xf32, #tpu.memory_space<vmem>>, vector<1x16xf32>,
    %swap3A_119 = vector.shape_cast %swap3A_118 : vector<1x16xf32> to vector<16xf32>
    %swap3A_120 = vector.shape_cast %broadcast_in_dim3A_1 : vector<16xf32> to vector<1x16xf32>
    tpu.vector_store %arg9[%swap3A_116, %swap3A_117], %swap3A_120 {strides = array<i32>} : memref<16x128xf32, #tpu.memory_space<vmem>>, vector<1x16xf32>,
    %swap3A_121 = arith.constant 2 : i32
    %swap3A_122 = arith.index_cast %swap3A_121 : i32 to index
    %swap3A_123 = arith.constant 64 : index
    %swap3A_124 = tpu.vector_load %arg9[%swap3A_122, %swap3A_123] {strides = array<i32>} : memref<16x128xf32, #tpu.memory_space<vmem>>, vector<1x16xf32>,
    %swap3A_125 = vector.shape_cast %swap3A_124 : vector<1x16xf32> to vector<16xf32>
    %swap3A_126 = vector.shape_cast %broadcast_in_dim3A_1 : vector<16xf32> to vector<1x16xf32>
    tpu.vector_store %arg9[%swap3A_122, %swap3A_123], %swap3A_126 {strides = array<i32>} : memref<16x128xf32, #tpu.memory_space<vmem>>, vector<1x16xf32>,
    %swap3A_127 = arith.constant 2 : i32
    %swap3A_128 = arith.index_cast %swap3A_127 : i32 to index
    %swap3A_129 = arith.constant 80 : index
    %swap3A_130 = tpu.vector_load %arg9[%swap3A_128, %swap3A_129] {strides = array<i32>} : memref<16x128xf32, #tpu.memory_space<vmem>>, vector<1x16xf32>,
    %swap3A_131 = vector.shape_cast %swap3A_130 : vector<1x16xf32> to vector<16xf32>
    %swap3A_132 = vector.shape_cast %broadcast_in_dim3A_1 : vector<16xf32> to vector<1x16xf32>
    tpu.vector_store %arg9[%swap3A_128, %swap3A_129], %swap3A_132 {strides = array<i32>} : memref<16x128xf32, #tpu.memory_space<vmem>>, vector<1x16xf32>,
    %swap3A_133 = arith.constant 2 : i32
    %swap3A_134 = arith.index_cast %swap3A_133 : i32 to index
    %swap3A_135 = arith.constant 96 : index
    %swap3A_136 = tpu.vector_load %arg9[%swap3A_134, %swap3A_135] {strides = array<i32>} : memref<16x128xf32, #tpu.memory_space<vmem>>, vector<1x16xf32>,
    %swap3A_137 = vector.shape_cast %swap3A_136 : vector<1x16xf32> to vector<16xf32>
    %swap3A_138 = vector.shape_cast %broadcast_in_dim3A_1 : vector<16xf32> to vector<1x16xf32>
    tpu.vector_store %arg9[%swap3A_134, %swap3A_135], %swap3A_138 {strides = array<i32>} : memref<16x128xf32, #tpu.memory_space<vmem>>, vector<1x16xf32>,
    %swap3A_139 = arith.constant 2 : i32
    %swap3A_140 = arith.index_cast %swap3A_139 : i32 to index
    %swap3A_141 = arith.constant 112 : index
    %swap3A_142 = tpu.vector_load %arg9[%swap3A_140, %swap3A_141] {strides = array<i32>} : memref<16x128xf32, #tpu.memory_space<vmem>>, vector<1x16xf32>,
    %swap3A_143 = vector.shape_cast %swap3A_142 : vector<1x16xf32> to vector<16xf32>
    %swap3A_144 = vector.shape_cast %broadcast_in_dim3A_1 : vector<16xf32> to vector<1x16xf32>
    tpu.vector_store %arg9[%swap3A_140, %swap3A_141], %swap3A_144 {strides = array<i32>} : memref<16x128xf32, #tpu.memory_space<vmem>>, vector<1x16xf32>,
    %swap3A_145 = arith.constant 3 : i32
    %swap3A_146 = arith.index_cast %swap3A_145 : i32 to index
    %swap3A_147 = arith.constant 0 : index
    %swap3A_148 = tpu.vector_load %arg9[%swap3A_146, %swap3A_147] {strides = array<i32>} : memref<16x128xf32, #tpu.memory_space<vmem>>, vector<1x16xf32>,
    %swap3A_149 = vector.shape_cast %swap3A_148 : vector<1x16xf32> to vector<16xf32>
    %swap3A_150 = vector.shape_cast %broadcast_in_dim3A_1 : vector<16xf32> to vector<1x16xf32>
    tpu.vector_store %arg9[%swap3A_146, %swap3A_147], %swap3A_150 {strides = array<i32>} : memref<16x128xf32, #tpu.memory_space<vmem>>, vector<1x16xf32>,
    %swap3A_151 = arith.constant 3 : i32
    %swap3A_152 = arith.index_cast %swap3A_151 : i32 to index
    %swap3A_153 = arith.constant 16 : index
    %swap3A_154 = tpu.vector_load %arg9[%swap3A_152, %swap3A_153] {strides = array<i32>} : memref<16x128xf32, #tpu.memory_space<vmem>>, vector<1x16xf32>,
    %swap3A_155 = vector.shape_cast %swap3A_154 : vector<1x16xf32> to vector<16xf32>
    %swap3A_156 = vector.shape_cast %broadcast_in_dim3A_1 : vector<16xf32> to vector<1x16xf32>
    tpu.vector_store %arg9[%swap3A_152, %swap3A_153], %swap3A_156 {strides = array<i32>} : memref<16x128xf32, #tpu.memory_space<vmem>>, vector<1x16xf32>,
    %swap3A_157 = arith.constant 3 : i32
    %swap3A_158 = arith.index_cast %swap3A_157 : i32 to index
    %swap3A_159 = arith.constant 32 : index
    %swap3A_160 = tpu.vector_load %arg9[%swap3A_158, %swap3A_159] {strides = array<i32>} : memref<16x128xf32, #tpu.memory_space<vmem>>, vector<1x16xf32>,
    %swap3A_161 = vector.shape_cast %swap3A_160 : vector<1x16xf32> to vector<16xf32>
    %swap3A_162 = vector.shape_cast %broadcast_in_dim3A_1 : vector<16xf32> to vector<1x16xf32>
    tpu.vector_store %arg9[%swap3A_158, %swap3A_159], %swap3A_162 {strides = array<i32>} : memref<16x128xf32, #tpu.memory_space<vmem>>, vector<1x16xf32>,
    %swap3A_163 = arith.constant 3 : i32
    %swap3A_164 = arith.index_cast %swap3A_163 : i32 to index
    %swap3A_165 = arith.constant 48 : index
    %swap3A_166 = tpu.vector_load %arg9[%swap3A_164, %swap3A_165] {strides = array<i32>} : memref<16x128xf32, #tpu.memory_space<vmem>>, vector<1x16xf32>,
    %swap3A_167 = vector.shape_cast %swap3A_166 : vector<1x16xf32> to vector<16xf32>
    %swap3A_168 = vector.shape_cast %broadcast_in_dim3A_1 : vector<16xf32> to vector<1x16xf32>
    tpu.vector_store %arg9[%swap3A_164, %swap3A_165], %swap3A_168 {strides = array<i32>} : memref<16x128xf32, #tpu.memory_space<vmem>>, vector<1x16xf32>,
    %swap3A_169 = arith.constant 3 : i32
    %swap3A_170 = arith.index_cast %swap3A_169 : i32 to index
    %swap3A_171 = arith.constant 64 : index
    %swap3A_172 = tpu.vector_load %arg9[%swap3A_170, %swap3A_171] {strides = array<i32>} : memref<16x128xf32, #tpu.memory_space<vmem>>, vector<1x16xf32>,
    %swap3A_173 = vector.shape_cast %swap3A_172 : vector<1x16xf32> to vector<16xf32>
    %swap3A_174 = vector.shape_cast %broadcast_in_dim3A_1 : vector<16xf32> to vector<1x16xf32>
    tpu.vector_store %arg9[%swap3A_170, %swap3A_171], %swap3A_174 {strides = array<i32>} : memref<16x128xf32, #tpu.memory_space<vmem>>, vector<1x16xf32>,
    %swap3A_175 = arith.constant 3 : i32
    %swap3A_176 = arith.index_cast %swap3A_175 : i32 to index
    %swap3A_177 = arith.constant 80 : index
    %swap3A_178 = tpu.vector_load %arg9[%swap3A_176, %swap3A_177] {strides = array<i32>} : memref<16x128xf32, #tpu.memory_space<vmem>>, vector<1x16xf32>,
    %swap3A_179 = vector.shape_cast %swap3A_178 : vector<1x16xf32> to vector<16xf32>
    %swap3A_180 = vector.shape_cast %broadcast_in_dim3A_1 : vector<16xf32> to vector<1x16xf32>
    tpu.vector_store %arg9[%swap3A_176, %swap3A_177], %swap3A_180 {strides = array<i32>} : memref<16x128xf32, #tpu.memory_space<vmem>>, vector<1x16xf32>,
    %swap3A_181 = arith.constant 3 : i32
    %swap3A_182 = arith.index_cast %swap3A_181 : i32 to index
    %swap3A_183 = arith.constant 96 : index
    %swap3A_184 = tpu.vector_load %arg9[%swap3A_182, %swap3A_183] {strides = array<i32>} : memref<16x128xf32, #tpu.memory_space<vmem>>, vector<1x16xf32>,
    %swap3A_185 = vector.shape_cast %swap3A_184 : vector<1x16xf32> to vector<16xf32>
    %swap3A_186 = vector.shape_cast %broadcast_in_dim3A_1 : vector<16xf32> to vector<1x16xf32>
    tpu.vector_store %arg9[%swap3A_182, %swap3A_183], %swap3A_186 {strides = array<i32>} : memref<16x128xf32, #tpu.memory_space<vmem>>, vector<1x16xf32>,
    %swap3A_187 = arith.constant 3 : i32
    %swap3A_188 = arith.index_cast %swap3A_187 : i32 to index
    %swap3A_189 = arith.constant 112 : index
    %swap3A_190 = tpu.vector_load %arg9[%swap3A_188, %swap3A_189] {strides = array<i32>} : memref<16x128xf32, #tpu.memory_space<vmem>>, vector<1x16xf32>,
    %swap3A_191 = vector.shape_cast %swap3A_190 : vector<1x16xf32> to vector<16xf32>
    %swap3A_192 = vector.shape_cast %broadcast_in_dim3A_1 : vector<16xf32> to vector<1x16xf32>
    tpu.vector_store %arg9[%swap3A_188, %swap3A_189], %swap3A_192 {strides = array<i32>} : memref<16x128xf32, #tpu.memory_space<vmem>>, vector<1x16xf32>,
    %swap3A_193 = arith.constant 4 : i32
    %swap3A_194 = arith.index_cast %swap3A_193 : i32 to index
    %swap3A_195 = arith.constant 0 : index
    %swap3A_196 = tpu.vector_load %arg9[%swap3A_194, %swap3A_195] {strides = array<i32>} : memref<16x128xf32, #tpu.memory_space<vmem>>, vector<1x16xf32>,
    %swap3A_197 = vector.shape_cast %swap3A_196 : vector<1x16xf32> to vector<16xf32>
    %swap3A_198 = vector.shape_cast %broadcast_in_dim3A_1 : vector<16xf32> to vector<1x16xf32>
    tpu.vector_store %arg9[%swap3A_194, %swap3A_195], %swap3A_198 {strides = array<i32>} : memref<16x128xf32, #tpu.memory_space<vmem>>, vector<1x16xf32>,
    %swap3A_199 = arith.constant 4 : i32
    %swap3A_200 = arith.index_cast %swap3A_199 : i32 to index
    %swap3A_201 = arith.constant 16 : index
    %swap3A_202 = tpu.vector_load %arg9[%swap3A_200, %swap3A_201] {strides = array<i32>} : memref<16x128xf32, #tpu.memory_space<vmem>>, vector<1x16xf32>,
    %swap3A_203 = vector.shape_cast %swap3A_202 : vector<1x16xf32> to vector<16xf32>
    %swap3A_204 = vector.shape_cast %broadcast_in_dim3A_1 : vector<16xf32> to vector<1x16xf32>
    tpu.vector_store %arg9[%swap3A_200, %swap3A_201], %swap3A_204 {strides = array<i32>} : memref<16x128xf32, #tpu.memory_space<vmem>>, vector<1x16xf32>,
    %swap3A_205 = arith.constant 4 : i32
    %swap3A_206 = arith.index_cast %swap3A_205 : i32 to index
    %swap3A_207 = arith.constant 32 : index
    %swap3A_208 = tpu.vector_load %arg9[%swap3A_206, %swap3A_207] {strides = array<i32>} : memref<16x128xf32, #tpu.memory_space<vmem>>, vector<1x16xf32>,
    %swap3A_209 = vector.shape_cast %swap3A_208 : vector<1x16xf32> to vector<16xf32>
    %swap3A_210 = vector.shape_cast %broadcast_in_dim3A_1 : vector<16xf32> to vector<1x16xf32>
    tpu.vector_store %arg9[%swap3A_206, %swap3A_207], %swap3A_210 {strides = array<i32>} : memref<16x128xf32, #tpu.memory_space<vmem>>, vector<1x16xf32>,
    %swap3A_211 = arith.constant 4 : i32
    %swap3A_212 = arith.index_cast %swap3A_211 : i32 to index
    %swap3A_213 = arith.constant 48 : index
    %swap3A_214 = tpu.vector_load %arg9[%swap3A_212, %swap3A_213] {strides = array<i32>} : memref<16x128xf32, #tpu.memory_space<vmem>>, vector<1x16xf32>,
    %swap3A_215 = vector.shape_cast %swap3A_214 : vector<1x16xf32> to vector<16xf32>
    %swap3A_216 = vector.shape_cast %broadcast_in_dim3A_1 : vector<16xf32> to vector<1x16xf32>
    tpu.vector_store %arg9[%swap3A_212, %swap3A_213], %swap3A_216 {strides = array<i32>} : memref<16x128xf32, #tpu.memory_space<vmem>>, vector<1x16xf32>,
    %swap3A_217 = arith.constant 4 : i32
    %swap3A_218 = arith.index_cast %swap3A_217 : i32 to index
    %swap3A_219 = arith.constant 64 : index
    %swap3A_220 = tpu.vector_load %arg9[%swap3A_218, %swap3A_219] {strides = array<i32>} : memref<16x128xf32, #tpu.memory_space<vmem>>, vector<1x16xf32>,
    %swap3A_221 = vector.shape_cast %swap3A_220 : vector<1x16xf32> to vector<16xf32>
    %swap3A_222 = vector.shape_cast %broadcast_in_dim3A_1 : vector<16xf32> to vector<1x16xf32>
    tpu.vector_store %arg9[%swap3A_218, %swap3A_219], %swap3A_222 {strides = array<i32>} : memref<16x128xf32, #tpu.memory_space<vmem>>, vector<1x16xf32>,
    %swap3A_223 = arith.constant 4 : i32
    %swap3A_224 = arith.index_cast %swap3A_223 : i32 to index
    %swap3A_225 = arith.constant 80 : index
    %swap3A_226 = tpu.vector_load %arg9[%swap3A_224, %swap3A_225] {strides = array<i32>} : memref<16x128xf32, #tpu.memory_space<vmem>>, vector<1x16xf32>,
    %swap3A_227 = vector.shape_cast %swap3A_226 : vector<1x16xf32> to vector<16xf32>
    %swap3A_228 = vector.shape_cast %broadcast_in_dim3A_1 : vector<16xf32> to vector<1x16xf32>
    tpu.vector_store %arg9[%swap3A_224, %swap3A_225], %swap3A_228 {strides = array<i32>} : memref<16x128xf32, #tpu.memory_space<vmem>>, vector<1x16xf32>,
    %swap3A_229 = arith.constant 4 : i32
    %swap3A_230 = arith.index_cast %swap3A_229 : i32 to index
    %swap3A_231 = arith.constant 96 : index
    %swap3A_232 = tpu.vector_load %arg9[%swap3A_230, %swap3A_231] {strides = array<i32>} : memref<16x128xf32, #tpu.memory_space<vmem>>, vector<1x16xf32>,
    %swap3A_233 = vector.shape_cast %swap3A_232 : vector<1x16xf32> to vector<16xf32>
    %swap3A_234 = vector.shape_cast %broadcast_in_dim3A_1 : vector<16xf32> to vector<1x16xf32>
    tpu.vector_store %arg9[%swap3A_230, %swap3A_231], %swap3A_234 {strides = array<i32>} : memref<16x128xf32, #tpu.memory_space<vmem>>, vector<1x16xf32>,
    %swap3A_235 = arith.constant 4 : i32
    %swap3A_236 = arith.index_cast %swap3A_235 : i32 to index
    %swap3A_237 = arith.constant 112 : index
    %swap3A_238 = tpu.vector_load %arg9[%swap3A_236, %swap3A_237] {strides = array<i32>} : memref<16x128xf32, #tpu.memory_space<vmem>>, vector<1x16xf32>,
    %swap3A_239 = vector.shape_cast %swap3A_238 : vector<1x16xf32> to vector<16xf32>
    %swap3A_240 = vector.shape_cast %broadcast_in_dim3A_1 : vector<16xf32> to vector<1x16xf32>
    tpu.vector_store %arg9[%swap3A_236, %swap3A_237], %swap3A_240 {strides = array<i32>} : memref<16x128xf32, #tpu.memory_space<vmem>>, vector<1x16xf32>,
    %swap3A_241 = arith.constant 5 : i32
    %swap3A_242 = arith.index_cast %swap3A_241 : i32 to index
    %swap3A_243 = arith.constant 0 : index
    %swap3A_244 = tpu.vector_load %arg9[%swap3A_242, %swap3A_243] {strides = array<i32>} : memref<16x128xf32, #tpu.memory_space<vmem>>, vector<1x16xf32>,
    %swap3A_245 = vector.shape_cast %swap3A_244 : vector<1x16xf32> to vector<16xf32>
    %swap3A_246 = vector.shape_cast %broadcast_in_dim3A_1 : vector<16xf32> to vector<1x16xf32>
    tpu.vector_store %arg9[%swap3A_242, %swap3A_243], %swap3A_246 {strides = array<i32>} : memref<16x128xf32, #tpu.memory_space<vmem>>, vector<1x16xf32>,
    %swap3A_247 = arith.constant 5 : i32
    %swap3A_248 = arith.index_cast %swap3A_247 : i32 to index
    %swap3A_249 = arith.constant 16 : index
    %swap3A_250 = tpu.vector_load %arg9[%swap3A_248, %swap3A_249] {strides = array<i32>} : memref<16x128xf32, #tpu.memory_space<vmem>>, vector<1x16xf32>,
    %swap3A_251 = vector.shape_cast %swap3A_250 : vector<1x16xf32> to vector<16xf32>
    %swap3A_252 = vector.shape_cast %broadcast_in_dim3A_1 : vector<16xf32> to vector<1x16xf32>
    tpu.vector_store %arg9[%swap3A_248, %swap3A_249], %swap3A_252 {strides = array<i32>} : memref<16x128xf32, #tpu.memory_space<vmem>>, vector<1x16xf32>,
    %swap3A_253 = arith.constant 5 : i32
    %swap3A_254 = arith.index_cast %swap3A_253 : i32 to index
    %swap3A_255 = arith.constant 32 : index
    %swap3A_256 = tpu.vector_load %arg9[%swap3A_254, %swap3A_255] {strides = array<i32>} : memref<16x128xf32, #tpu.memory_space<vmem>>, vector<1x16xf32>,
    %swap3A_257 = vector.shape_cast %swap3A_256 : vector<1x16xf32> to vector<16xf32>
    %swap3A_258 = vector.shape_cast %broadcast_in_dim3A_1 : vector<16xf32> to vector<1x16xf32>
    tpu.vector_store %arg9[%swap3A_254, %swap3A_255], %swap3A_258 {strides = array<i32>} : memref<16x128xf32, #tpu.memory_space<vmem>>, vector<1x16xf32>,
    %swap3A_259 = arith.constant 5 : i32
    %swap3A_260 = arith.index_cast %swap3A_259 : i32 to index
    %swap3A_261 = arith.constant 48 : index
    %swap3A_262 = tpu.vector_load %arg9[%swap3A_260, %swap3A_261] {strides = array<i32>} : memref<16x128xf32, #tpu.memory_space<vmem>>, vector<1x16xf32>,
    %swap3A_263 = vector.shape_cast %swap3A_262 : vector<1x16xf32> to vector<16xf32>
    %swap3A_264 = vector.shape_cast %broadcast_in_dim3A_1 : vector<16xf32> to vector<1x16xf32>
    tpu.vector_store %arg9[%swap3A_260, %swap3A_261], %swap3A_264 {strides = array<i32>} : memref<16x128xf32, #tpu.memory_space<vmem>>, vector<1x16xf32>,
    %swap3A_265 = arith.constant 5 : i32
    %swap3A_266 = arith.index_cast %swap3A_265 : i32 to index
    %swap3A_267 = arith.constant 64 : index
    %swap3A_268 = tpu.vector_load %arg9[%swap3A_266, %swap3A_267] {strides = array<i32>} : memref<16x128xf32, #tpu.memory_space<vmem>>, vector<1x16xf32>,
    %swap3A_269 = vector.shape_cast %swap3A_268 : vector<1x16xf32> to vector<16xf32>
    %swap3A_270 = vector.shape_cast %broadcast_in_dim3A_1 : vector<16xf32> to vector<1x16xf32>
    tpu.vector_store %arg9[%swap3A_266, %swap3A_267], %swap3A_270 {strides = array<i32>} : memref<16x128xf32, #tpu.memory_space<vmem>>, vector<1x16xf32>,
    %swap3A_271 = arith.constant 5 : i32
    %swap3A_272 = arith.index_cast %swap3A_271 : i32 to index
    %swap3A_273 = arith.constant 80 : index
    %swap3A_274 = tpu.vector_load %arg9[%swap3A_272, %swap3A_273] {strides = array<i32>} : memref<16x128xf32, #tpu.memory_space<vmem>>, vector<1x16xf32>,
    %swap3A_275 = vector.shape_cast %swap3A_274 : vector<1x16xf32> to vector<16xf32>
    %swap3A_276 = vector.shape_cast %broadcast_in_dim3A_1 : vector<16xf32> to vector<1x16xf32>
    tpu.vector_store %arg9[%swap3A_272, %swap3A_273], %swap3A_276 {strides = array<i32>} : memref<16x128xf32, #tpu.memory_space<vmem>>, vector<1x16xf32>,
    %swap3A_277 = arith.constant 5 : i32
    %swap3A_278 = arith.index_cast %swap3A_277 : i32 to index
    %swap3A_279 = arith.constant 96 : index
    %swap3A_280 = tpu.vector_load %arg9[%swap3A_278, %swap3A_279] {strides = array<i32>} : memref<16x128xf32, #tpu.memory_space<vmem>>, vector<1x16xf32>,
    %swap3A_281 = vector.shape_cast %swap3A_280 : vector<1x16xf32> to vector<16xf32>
    %swap3A_282 = vector.shape_cast %broadcast_in_dim3A_1 : vector<16xf32> to vector<1x16xf32>
    tpu.vector_store %arg9[%swap3A_278, %swap3A_279], %swap3A_282 {strides = array<i32>} : memref<16x128xf32, #tpu.memory_space<vmem>>, vector<1x16xf32>,
    %swap3A_283 = arith.constant 5 : i32
    %swap3A_284 = arith.index_cast %swap3A_283 : i32 to index
    %swap3A_285 = arith.constant 112 : index
    %swap3A_286 = tpu.vector_load %arg9[%swap3A_284, %swap3A_285] {strides = array<i32>} : memref<16x128xf32, #tpu.memory_space<vmem>>, vector<1x16xf32>,
    %swap3A_287 = vector.shape_cast %swap3A_286 : vector<1x16xf32> to vector<16xf32>
    %swap3A_288 = vector.shape_cast %broadcast_in_dim3A_1 : vector<16xf32> to vector<1x16xf32>
    tpu.vector_store %arg9[%swap3A_284, %swap3A_285], %swap3A_288 {strides = array<i32>} : memref<16x128xf32, #tpu.memory_space<vmem>>, vector<1x16xf32>,
    %swap3A_289 = arith.constant 6 : i32
    %swap3A_290 = arith.index_cast %swap3A_289 : i32 to index
    %swap3A_291 = arith.constant 0 : index
    %swap3A_292 = tpu.vector_load %arg9[%swap3A_290, %swap3A_291] {strides = array<i32>} : memref<16x128xf32, #tpu.memory_space<vmem>>, vector<1x16xf32>,
    %swap3A_293 = vector.shape_cast %swap3A_292 : vector<1x16xf32> to vector<16xf32>
    %swap3A_294 = vector.shape_cast %broadcast_in_dim3A_1 : vector<16xf32> to vector<1x16xf32>
    tpu.vector_store %arg9[%swap3A_290, %swap3A_291], %swap3A_294 {strides = array<i32>} : memref<16x128xf32, #tpu.memory_space<vmem>>, vector<1x16xf32>,
    %swap3A_295 = arith.constant 6 : i32
    %swap3A_296 = arith.index_cast %swap3A_295 : i32 to index
    %swap3A_297 = arith.constant 16 : index
    %swap3A_298 = tpu.vector_load %arg9[%swap3A_296, %swap3A_297] {strides = array<i32>} : memref<16x128xf32, #tpu.memory_space<vmem>>, vector<1x16xf32>,
    %swap3A_299 = vector.shape_cast %swap3A_298 : vector<1x16xf32> to vector<16xf32>
    %swap3A_300 = vector.shape_cast %broadcast_in_dim3A_1 : vector<16xf32> to vector<1x16xf32>
    tpu.vector_store %arg9[%swap3A_296, %swap3A_297], %swap3A_300 {strides = array<i32>} : memref<16x128xf32, #tpu.memory_space<vmem>>, vector<1x16xf32>,
    %swap3A_301 = arith.constant 6 : i32
    %swap3A_302 = arith.index_cast %swap3A_301 : i32 to index
    %swap3A_303 = arith.constant 32 : index
    %swap3A_304 = tpu.vector_load %arg9[%swap3A_302, %swap3A_303] {strides = array<i32>} : memref<16x128xf32, #tpu.memory_space<vmem>>, vector<1x16xf32>,
    %swap3A_305 = vector.shape_cast %swap3A_304 : vector<1x16xf32> to vector<16xf32>
    %swap3A_306 = vector.shape_cast %broadcast_in_dim3A_1 : vector<16xf32> to vector<1x16xf32>
    tpu.vector_store %arg9[%swap3A_302, %swap3A_303], %swap3A_306 {strides = array<i32>} : memref<16x128xf32, #tpu.memory_space<vmem>>, vector<1x16xf32>,
    %swap3A_307 = arith.constant 6 : i32
    %swap3A_308 = arith.index_cast %swap3A_307 : i32 to index
    %swap3A_309 = arith.constant 48 : index
    %swap3A_310 = tpu.vector_load %arg9[%swap3A_308, %swap3A_309] {strides = array<i32>} : memref<16x128xf32, #tpu.memory_space<vmem>>, vector<1x16xf32>,
    %swap3A_311 = vector.shape_cast %swap3A_310 : vector<1x16xf32> to vector<16xf32>
    %swap3A_312 = vector.shape_cast %broadcast_in_dim3A_1 : vector<16xf32> to vector<1x16xf32>
    tpu.vector_store %arg9[%swap3A_308, %swap3A_309], %swap3A_312 {strides = array<i32>} : memref<16x128xf32, #tpu.memory_space<vmem>>, vector<1x16xf32>,
    %swap3A_313 = arith.constant 6 : i32
    %swap3A_314 = arith.index_cast %swap3A_313 : i32 to index
    %swap3A_315 = arith.constant 64 : index
    %swap3A_316 = tpu.vector_load %arg9[%swap3A_314, %swap3A_315] {strides = array<i32>} : memref<16x128xf32, #tpu.memory_space<vmem>>, vector<1x16xf32>,
    %swap3A_317 = vector.shape_cast %swap3A_316 : vector<1x16xf32> to vector<16xf32>
    %swap3A_318 = vector.shape_cast %broadcast_in_dim3A_1 : vector<16xf32> to vector<1x16xf32>
    tpu.vector_store %arg9[%swap3A_314, %swap3A_315], %swap3A_318 {strides = array<i32>} : memref<16x128xf32, #tpu.memory_space<vmem>>, vector<1x16xf32>,
    %swap3A_319 = arith.constant 6 : i32
    %swap3A_320 = arith.index_cast %swap3A_319 : i32 to index
    %swap3A_321 = arith.constant 80 : index
    %swap3A_322 = tpu.vector_load %arg9[%swap3A_320, %swap3A_321] {strides = array<i32>} : memref<16x128xf32, #tpu.memory_space<vmem>>, vector<1x16xf32>,
    %swap3A_323 = vector.shape_cast %swap3A_322 : vector<1x16xf32> to vector<16xf32>
    %swap3A_324 = vector.shape_cast %broadcast_in_dim3A_1 : vector<16xf32> to vector<1x16xf32>
    tpu.vector_store %arg9[%swap3A_320, %swap3A_321], %swap3A_324 {strides = array<i32>} : memref<16x128xf32, #tpu.memory_space<vmem>>, vector<1x16xf32>,
    %swap3A_325 = arith.constant 6 : i32
    %swap3A_326 = arith.index_cast %swap3A_325 : i32 to index
    %swap3A_327 = arith.constant 96 : index
    %swap3A_328 = tpu.vector_load %arg9[%swap3A_326, %swap3A_327] {strides = array<i32>} : memref<16x128xf32, #tpu.memory_space<vmem>>, vector<1x16xf32>,
    %swap3A_329 = vector.shape_cast %swap3A_328 : vector<1x16xf32> to vector<16xf32>
    %swap3A_330 = vector.shape_cast %broadcast_in_dim3A_1 : vector<16xf32> to vector<1x16xf32>
    tpu.vector_store %arg9[%swap3A_326, %swap3A_327], %swap3A_330 {strides = array<i32>} : memref<16x128xf32, #tpu.memory_space<vmem>>, vector<1x16xf32>,
    %swap3A_331 = arith.constant 6 : i32
    %swap3A_332 = arith.index_cast %swap3A_331 : i32 to index
    %swap3A_333 = arith.constant 112 : index
    %swap3A_334 = tpu.vector_load %arg9[%swap3A_332, %swap3A_333] {strides = array<i32>} : memref<16x128xf32, #tpu.memory_space<vmem>>, vector<1x16xf32>,
    %swap3A_335 = vector.shape_cast %swap3A_334 : vector<1x16xf32> to vector<16xf32>
    %swap3A_336 = vector.shape_cast %broadcast_in_dim3A_1 : vector<16xf32> to vector<1x16xf32>
    tpu.vector_store %arg9[%swap3A_332, %swap3A_333], %swap3A_336 {strides = array<i32>} : memref<16x128xf32, #tpu.memory_space<vmem>>, vector<1x16xf32>,
    %swap3A_337 = arith.constant 7 : i32
    %swap3A_338 = arith.index_cast %swap3A_337 : i32 to index
    %swap3A_339 = arith.constant 0 : index
    %swap3A_340 = tpu.vector_load %arg9[%swap3A_338, %swap3A_339] {strides = array<i32>} : memref<16x128xf32, #tpu.memory_space<vmem>>, vector<1x16xf32>,
    %swap3A_341 = vector.shape_cast %swap3A_340 : vector<1x16xf32> to vector<16xf32>
    %swap3A_342 = vector.shape_cast %broadcast_in_dim3A_1 : vector<16xf32> to vector<1x16xf32>
    tpu.vector_store %arg9[%swap3A_338, %swap3A_339], %swap3A_342 {strides = array<i32>} : memref<16x128xf32, #tpu.memory_space<vmem>>, vector<1x16xf32>,
    %swap3A_343 = arith.constant 7 : i32
    %swap3A_344 = arith.index_cast %swap3A_343 : i32 to index
    %swap3A_345 = arith.constant 16 : index
    %swap3A_346 = tpu.vector_load %arg9[%swap3A_344, %swap3A_345] {strides = array<i32>} : memref<16x128xf32, #tpu.memory_space<vmem>>, vector<1x16xf32>,
    %swap3A_347 = vector.shape_cast %swap3A_346 : vector<1x16xf32> to vector<16xf32>
    %swap3A_348 = vector.shape_cast %broadcast_in_dim3A_1 : vector<16xf32> to vector<1x16xf32>
    tpu.vector_store %arg9[%swap3A_344, %swap3A_345], %swap3A_348 {strides = array<i32>} : memref<16x128xf32, #tpu.memory_space<vmem>>, vector<1x16xf32>,
    %swap3A_349 = arith.constant 7 : i32
    %swap3A_350 = arith.index_cast %swap3A_349 : i32 to index
    %swap3A_351 = arith.constant 32 : index
    %swap3A_352 = tpu.vector_load %arg9[%swap3A_350, %swap3A_351] {strides = array<i32>} : memref<16x128xf32, #tpu.memory_space<vmem>>, vector<1x16xf32>,
    %swap3A_353 = vector.shape_cast %swap3A_352 : vector<1x16xf32> to vector<16xf32>
    %swap3A_354 = vector.shape_cast %broadcast_in_dim3A_1 : vector<16xf32> to vector<1x16xf32>
    tpu.vector_store %arg9[%swap3A_350, %swap3A_351], %swap3A_354 {strides = array<i32>} : memref<16x128xf32, #tpu.memory_space<vmem>>, vector<1x16xf32>,
    %swap3A_355 = arith.constant 7 : i32
    %swap3A_356 = arith.index_cast %swap3A_355 : i32 to index
    %swap3A_357 = arith.constant 48 : index
    %swap3A_358 = tpu.vector_load %arg9[%swap3A_356, %swap3A_357] {strides = array<i32>} : memref<16x128xf32, #tpu.memory_space<vmem>>, vector<1x16xf32>,
    %swap3A_359 = vector.shape_cast %swap3A_358 : vector<1x16xf32> to vector<16xf32>
    %swap3A_360 = vector.shape_cast %broadcast_in_dim3A_1 : vector<16xf32> to vector<1x16xf32>
    tpu.vector_store %arg9[%swap3A_356, %swap3A_357], %swap3A_360 {strides = array<i32>} : memref<16x128xf32, #tpu.memory_space<vmem>>, vector<1x16xf32>,
    %swap3A_361 = arith.constant 7 : i32
    %swap3A_362 = arith.index_cast %swap3A_361 : i32 to index
    %swap3A_363 = arith.constant 64 : index
    %swap3A_364 = tpu.vector_load %arg9[%swap3A_362, %swap3A_363] {strides = array<i32>} : memref<16x128xf32, #tpu.memory_space<vmem>>, vector<1x16xf32>,
    %swap3A_365 = vector.shape_cast %swap3A_364 : vector<1x16xf32> to vector<16xf32>
    %swap3A_366 = vector.shape_cast %broadcast_in_dim3A_1 : vector<16xf32> to vector<1x16xf32>
    tpu.vector_store %arg9[%swap3A_362, %swap3A_363], %swap3A_366 {strides = array<i32>} : memref<16x128xf32, #tpu.memory_space<vmem>>, vector<1x16xf32>,
    %swap3A_367 = arith.constant 7 : i32
    %swap3A_368 = arith.index_cast %swap3A_367 : i32 to index
    %swap3A_369 = arith.constant 80 : index
    %swap3A_370 = tpu.vector_load %arg9[%swap3A_368, %swap3A_369] {strides = array<i32>} : memref<16x128xf32, #tpu.memory_space<vmem>>, vector<1x16xf32>,
    %swap3A_371 = vector.shape_cast %swap3A_370 : vector<1x16xf32> to vector<16xf32>
    %swap3A_372 = vector.shape_cast %broadcast_in_dim3A_1 : vector<16xf32> to vector<1x16xf32>
    tpu.vector_store %arg9[%swap3A_368, %swap3A_369], %swap3A_372 {strides = array<i32>} : memref<16x128xf32, #tpu.memory_space<vmem>>, vector<1x16xf32>,
    %swap3A_373 = arith.constant 7 : i32
    %swap3A_374 = arith.index_cast %swap3A_373 : i32 to index
    %swap3A_375 = arith.constant 96 : index
    %swap3A_376 = tpu.vector_load %arg9[%swap3A_374, %swap3A_375] {strides = array<i32>} : memref<16x128xf32, #tpu.memory_space<vmem>>, vector<1x16xf32>,
    %swap3A_377 = vector.shape_cast %swap3A_376 : vector<1x16xf32> to vector<16xf32>
    %swap3A_378 = vector.shape_cast %broadcast_in_dim3A_1 : vector<16xf32> to vector<1x16xf32>
    tpu.vector_store %arg9[%swap3A_374, %swap3A_375], %swap3A_378 {strides = array<i32>} : memref<16x128xf32, #tpu.memory_space<vmem>>, vector<1x16xf32>,
    %swap3A_379 = arith.constant 7 : i32
    %swap3A_380 = arith.index_cast %swap3A_379 : i32 to index
    %swap3A_381 = arith.constant 112 : index
    %swap3A_382 = tpu.vector_load %arg9[%swap3A_380, %swap3A_381] {strides = array<i32>} : memref<16x128xf32, #tpu.memory_space<vmem>>, vector<1x16xf32>,
    %swap3A_383 = vector.shape_cast %swap3A_382 : vector<1x16xf32> to vector<16xf32>
    %swap3A_384 = vector.shape_cast %broadcast_in_dim3A_1 : vector<16xf32> to vector<1x16xf32>
    tpu.vector_store %arg9[%swap3A_380, %swap3A_381], %swap3A_384 {strides = array<i32>} : memref<16x128xf32, #tpu.memory_space<vmem>>, vector<1x16xf32>,
    %swap3A_385 = arith.constant 8 : i32
    %swap3A_386 = arith.index_cast %swap3A_385 : i32 to index
    %swap3A_387 = arith.constant 0 : index
    %swap3A_388 = tpu.vector_load %arg9[%swap3A_386, %swap3A_387] {strides = array<i32>} : memref<16x128xf32, #tpu.memory_space<vmem>>, vector<1x16xf32>,
    %swap3A_389 = vector.shape_cast %swap3A_388 : vector<1x16xf32> to vector<16xf32>
    %swap3A_390 = vector.shape_cast %broadcast_in_dim3A_1 : vector<16xf32> to vector<1x16xf32>
    tpu.vector_store %arg9[%swap3A_386, %swap3A_387], %swap3A_390 {strides = array<i32>} : memref<16x128xf32, #tpu.memory_space<vmem>>, vector<1x16xf32>,
    %swap3A_391 = arith.constant 8 : i32
    %swap3A_392 = arith.index_cast %swap3A_391 : i32 to index
    %swap3A_393 = arith.constant 16 : index
    %swap3A_394 = tpu.vector_load %arg9[%swap3A_392, %swap3A_393] {strides = array<i32>} : memref<16x128xf32, #tpu.memory_space<vmem>>, vector<1x16xf32>,
    %swap3A_395 = vector.shape_cast %swap3A_394 : vector<1x16xf32> to vector<16xf32>
    %swap3A_396 = vector.shape_cast %broadcast_in_dim3A_1 : vector<16xf32> to vector<1x16xf32>
    tpu.vector_store %arg9[%swap3A_392, %swap3A_393], %swap3A_396 {strides = array<i32>} : memref<16x128xf32, #tpu.memory_space<vmem>>, vector<1x16xf32>,
    %swap3A_397 = arith.constant 8 : i32
    %swap3A_398 = arith.index_cast %swap3A_397 : i32 to index
    %swap3A_399 = arith.constant 32 : index
    %swap3A_400 = tpu.vector_load %arg9[%swap3A_398, %swap3A_399] {strides = array<i32>} : memref<16x128xf32, #tpu.memory_space<vmem>>, vector<1x16xf32>,
    %swap3A_401 = vector.shape_cast %swap3A_400 : vector<1x16xf32> to vector<16xf32>
    %swap3A_402 = vector.shape_cast %broadcast_in_dim3A_1 : vector<16xf32> to vector<1x16xf32>
    tpu.vector_store %arg9[%swap3A_398, %swap3A_399], %swap3A_402 {strides = array<i32>} : memref<16x128xf32, #tpu.memory_space<vmem>>, vector<1x16xf32>,
    %swap3A_403 = arith.constant 8 : i32
    %swap3A_404 = arith.index_cast %swap3A_403 : i32 to index
    %swap3A_405 = arith.constant 48 : index
    %swap3A_406 = tpu.vector_load %arg9[%swap3A_404, %swap3A_405] {strides = array<i32>} : memref<16x128xf32, #tpu.memory_space<vmem>>, vector<1x16xf32>,
    %swap3A_407 = vector.shape_cast %swap3A_406 : vector<1x16xf32> to vector<16xf32>
    %swap3A_408 = vector.shape_cast %broadcast_in_dim3A_1 : vector<16xf32> to vector<1x16xf32>
    tpu.vector_store %arg9[%swap3A_404, %swap3A_405], %swap3A_408 {strides = array<i32>} : memref<16x128xf32, #tpu.memory_space<vmem>>, vector<1x16xf32>,
    %swap3A_409 = arith.constant 8 : i32
    %swap3A_410 = arith.index_cast %swap3A_409 : i32 to index
    %swap3A_411 = arith.constant 64 : index
    %swap3A_412 = tpu.vector_load %arg9[%swap3A_410, %swap3A_411] {strides = array<i32>} : memref<16x128xf32, #tpu.memory_space<vmem>>, vector<1x16xf32>,
    %swap3A_413 = vector.shape_cast %swap3A_412 : vector<1x16xf32> to vector<16xf32>
    %swap3A_414 = vector.shape_cast %broadcast_in_dim3A_1 : vector<16xf32> to vector<1x16xf32>
    tpu.vector_store %arg9[%swap3A_410, %swap3A_411], %swap3A_414 {strides = array<i32>} : memref<16x128xf32, #tpu.memory_space<vmem>>, vector<1x16xf32>,
    %swap3A_415 = arith.constant 8 : i32
    %swap3A_416 = arith.index_cast %swap3A_415 : i32 to index
    %swap3A_417 = arith.constant 80 : index
    %swap3A_418 = tpu.vector_load %arg9[%swap3A_416, %swap3A_417] {strides = array<i32>} : memref<16x128xf32, #tpu.memory_space<vmem>>, vector<1x16xf32>,
    %swap3A_419 = vector.shape_cast %swap3A_418 : vector<1x16xf32> to vector<16xf32>
    %swap3A_420 = vector.shape_cast %broadcast_in_dim3A_1 : vector<16xf32> to vector<1x16xf32>
    tpu.vector_store %arg9[%swap3A_416, %swap3A_417], %swap3A_420 {strides = array<i32>} : memref<16x128xf32, #tpu.memory_space<vmem>>, vector<1x16xf32>,
    %swap3A_421 = arith.constant 8 : i32
    %swap3A_422 = arith.index_cast %swap3A_421 : i32 to index
    %swap3A_423 = arith.constant 96 : index
    %swap3A_424 = tpu.vector_load %arg9[%swap3A_422, %swap3A_423] {strides = array<i32>} : memref<16x128xf32, #tpu.memory_space<vmem>>, vector<1x16xf32>,
    %swap3A_425 = vector.shape_cast %swap3A_424 : vector<1x16xf32> to vector<16xf32>
    %swap3A_426 = vector.shape_cast %broadcast_in_dim3A_1 : vector<16xf32> to vector<1x16xf32>
    tpu.vector_store %arg9[%swap3A_422, %swap3A_423], %swap3A_426 {strides = array<i32>} : memref<16x128xf32, #tpu.memory_space<vmem>>, vector<1x16xf32>,
    %swap3A_427 = arith.constant 8 : i32
    %swap3A_428 = arith.index_cast %swap3A_427 : i32 to index
    %swap3A_429 = arith.constant 112 : index
    %swap3A_430 = tpu.vector_load %arg9[%swap3A_428, %swap3A_429] {strides = array<i32>} : memref<16x128xf32, #tpu.memory_space<vmem>>, vector<1x16xf32>,
    %swap3A_431 = vector.shape_cast %swap3A_430 : vector<1x16xf32> to vector<16xf32>
    %swap3A_432 = vector.shape_cast %broadcast_in_dim3A_1 : vector<16xf32> to vector<1x16xf32>
    tpu.vector_store %arg9[%swap3A_428, %swap3A_429], %swap3A_432 {strides = array<i32>} : memref<16x128xf32, #tpu.memory_space<vmem>>, vector<1x16xf32>,
    %swap3A_433 = arith.constant 9 : i32
    %swap3A_434 = arith.index_cast %swap3A_433 : i32 to index
    %swap3A_435 = arith.constant 0 : index
    %swap3A_436 = tpu.vector_load %arg9[%swap3A_434, %swap3A_435] {strides = array<i32>} : memref<16x128xf32, #tpu.memory_space<vmem>>, vector<1x16xf32>,
    %swap3A_437 = vector.shape_cast %swap3A_436 : vector<1x16xf32> to vector<16xf32>
    %swap3A_438 = vector.shape_cast %broadcast_in_dim3A_1 : vector<16xf32> to vector<1x16xf32>
    tpu.vector_store %arg9[%swap3A_434, %swap3A_435], %swap3A_438 {strides = array<i32>} : memref<16x128xf32, #tpu.memory_space<vmem>>, vector<1x16xf32>,
    %swap3A_439 = arith.constant 9 : i32
    %swap3A_440 = arith.index_cast %swap3A_439 : i32 to index
    %swap3A_441 = arith.constant 16 : index
    %swap3A_442 = tpu.vector_load %arg9[%swap3A_440, %swap3A_441] {strides = array<i32>} : memref<16x128xf32, #tpu.memory_space<vmem>>, vector<1x16xf32>,
    %swap3A_443 = vector.shape_cast %swap3A_442 : vector<1x16xf32> to vector<16xf32>
    %swap3A_444 = vector.shape_cast %broadcast_in_dim3A_1 : vector<16xf32> to vector<1x16xf32>
    tpu.vector_store %arg9[%swap3A_440, %swap3A_441], %swap3A_444 {strides = array<i32>} : memref<16x128xf32, #tpu.memory_space<vmem>>, vector<1x16xf32>,
    %swap3A_445 = arith.constant 9 : i32
    %swap3A_446 = arith.index_cast %swap3A_445 : i32 to index
    %swap3A_447 = arith.constant 32 : index
    %swap3A_448 = tpu.vector_load %arg9[%swap3A_446, %swap3A_447] {strides = array<i32>} : memref<16x128xf32, #tpu.memory_space<vmem>>, vector<1x16xf32>,
    %swap3A_449 = vector.shape_cast %swap3A_448 : vector<1x16xf32> to vector<16xf32>
    %swap3A_450 = vector.shape_cast %broadcast_in_dim3A_1 : vector<16xf32> to vector<1x16xf32>
    tpu.vector_store %arg9[%swap3A_446, %swap3A_447], %swap3A_450 {strides = array<i32>} : memref<16x128xf32, #tpu.memory_space<vmem>>, vector<1x16xf32>,
    %swap3A_451 = arith.constant 9 : i32
    %swap3A_452 = arith.index_cast %swap3A_451 : i32 to index
    %swap3A_453 = arith.constant 48 : index
    %swap3A_454 = tpu.vector_load %arg9[%swap3A_452, %swap3A_453] {strides = array<i32>} : memref<16x128xf32, #tpu.memory_space<vmem>>, vector<1x16xf32>,
    %swap3A_455 = vector.shape_cast %swap3A_454 : vector<1x16xf32> to vector<16xf32>
    %swap3A_456 = vector.shape_cast %broadcast_in_dim3A_1 : vector<16xf32> to vector<1x16xf32>
    tpu.vector_store %arg9[%swap3A_452, %swap3A_453], %swap3A_456 {strides = array<i32>} : memref<16x128xf32, #tpu.memory_space<vmem>>, vector<1x16xf32>,
    %swap3A_457 = arith.constant 9 : i32
    %swap3A_458 = arith.index_cast %swap3A_457 : i32 to index
    %swap3A_459 = arith.constant 64 : index
    %swap3A_460 = tpu.vector_load %arg9[%swap3A_458, %swap3A_459] {strides = array<i32>} : memref<16x128xf32, #tpu.memory_space<vmem>>, vector<1x16xf32>,
    %swap3A_461 = vector.shape_cast %swap3A_460 : vector<1x16xf32> to vector<16xf32>
    %swap3A_462 = vector.shape_cast %broadcast_in_dim3A_1 : vector<16xf32> to vector<1x16xf32>
    tpu.vector_store %arg9[%swap3A_458, %swap3A_459], %swap3A_462 {strides = array<i32>} : memref<16x128xf32, #tpu.memory_space<vmem>>, vector<1x16xf32>,
    %swap3A_463 = arith.constant 9 : i32
    %swap3A_464 = arith.index_cast %swap3A_463 : i32 to index
    %swap3A_465 = arith.constant 80 : index
    %swap3A_466 = tpu.vector_load %arg9[%swap3A_464, %swap3A_465] {strides = array<i32>} : memref<16x128xf32, #tpu.memory_space<vmem>>, vector<1x16xf32>,
    %swap3A_467 = vector.shape_cast %swap3A_466 : vector<1x16xf32> to vector<16xf32>
    %swap3A_468 = vector.shape_cast %broadcast_in_dim3A_1 : vector<16xf32> to vector<1x16xf32>
    tpu.vector_store %arg9[%swap3A_464, %swap3A_465], %swap3A_468 {strides = array<i32>} : memref<16x128xf32, #tpu.memory_space<vmem>>, vector<1x16xf32>,
    %swap3A_469 = arith.constant 9 : i32
    %swap3A_470 = arith.index_cast %swap3A_469 : i32 to index
    %swap3A_471 = arith.constant 96 : index
    %swap3A_472 = tpu.vector_load %arg9[%swap3A_470, %swap3A_471] {strides = array<i32>} : memref<16x128xf32, #tpu.memory_space<vmem>>, vector<1x16xf32>,
    %swap3A_473 = vector.shape_cast %swap3A_472 : vector<1x16xf32> to vector<16xf32>
    %swap3A_474 = vector.shape_cast %broadcast_in_dim3A_1 : vector<16xf32> to vector<1x16xf32>
    tpu.vector_store %arg9[%swap3A_470, %swap3A_471], %swap3A_474 {strides = array<i32>} : memref<16x128xf32, #tpu.memory_space<vmem>>, vector<1x16xf32>,
    %swap3A_475 = arith.constant 9 : i32
    %swap3A_476 = arith.index_cast %swap3A_475 : i32 to index
    %swap3A_477 = arith.constant 112 : index
    %swap3A_478 = tpu.vector_load %arg9[%swap3A_476, %swap3A_477] {strides = array<i32>} : memref<16x128xf32, #tpu.memory_space<vmem>>, vector<1x16xf32>,
    %swap3A_479 = vector.shape_cast %swap3A_478 : vector<1x16xf32> to vector<16xf32>
    %swap3A_480 = vector.shape_cast %broadcast_in_dim3A_1 : vector<16xf32> to vector<1x16xf32>
    tpu.vector_store %arg9[%swap3A_476, %swap3A_477], %swap3A_480 {strides = array<i32>} : memref<16x128xf32, #tpu.memory_space<vmem>>, vector<1x16xf32>,
    %swap3A_481 = arith.constant 10 : i32
    %swap3A_482 = arith.index_cast %swap3A_481 : i32 to index
    %swap3A_483 = arith.constant 0 : index
    %swap3A_484 = tpu.vector_load %arg9[%swap3A_482, %swap3A_483] {strides = array<i32>} : memref<16x128xf32, #tpu.memory_space<vmem>>, vector<1x16xf32>,
    %swap3A_485 = vector.shape_cast %swap3A_484 : vector<1x16xf32> to vector<16xf32>
    %swap3A_486 = vector.shape_cast %broadcast_in_dim3A_1 : vector<16xf32> to vector<1x16xf32>
    tpu.vector_store %arg9[%swap3A_482, %swap3A_483], %swap3A_486 {strides = array<i32>} : memref<16x128xf32, #tpu.memory_space<vmem>>, vector<1x16xf32>,
    %swap3A_487 = arith.constant 10 : i32
    %swap3A_488 = arith.index_cast %swap3A_487 : i32 to index
    %swap3A_489 = arith.constant 16 : index
    %swap3A_490 = tpu.vector_load %arg9[%swap3A_488, %swap3A_489] {strides = array<i32>} : memref<16x128xf32, #tpu.memory_space<vmem>>, vector<1x16xf32>,
    %swap3A_491 = vector.shape_cast %swap3A_490 : vector<1x16xf32> to vector<16xf32>
    %swap3A_492 = vector.shape_cast %broadcast_in_dim3A_1 : vector<16xf32> to vector<1x16xf32>
    tpu.vector_store %arg9[%swap3A_488, %swap3A_489], %swap3A_492 {strides = array<i32>} : memref<16x128xf32, #tpu.memory_space<vmem>>, vector<1x16xf32>,
    %swap3A_493 = arith.constant 10 : i32
    %swap3A_494 = arith.index_cast %swap3A_493 : i32 to index
    %swap3A_495 = arith.constant 32 : index
    %swap3A_496 = tpu.vector_load %arg9[%swap3A_494, %swap3A_495] {strides = array<i32>} : memref<16x128xf32, #tpu.memory_space<vmem>>, vector<1x16xf32>,
    %swap3A_497 = vector.shape_cast %swap3A_496 : vector<1x16xf32> to vector<16xf32>
    %swap3A_498 = vector.shape_cast %broadcast_in_dim3A_1 : vector<16xf32> to vector<1x16xf32>
    tpu.vector_store %arg9[%swap3A_494, %swap3A_495], %swap3A_498 {strides = array<i32>} : memref<16x128xf32, #tpu.memory_space<vmem>>, vector<1x16xf32>,
    %swap3A_499 = arith.constant 10 : i32
    %swap3A_500 = arith.index_cast %swap3A_499 : i32 to index
    %swap3A_501 = arith.constant 48 : index
    %swap3A_502 = tpu.vector_load %arg9[%swap3A_500, %swap3A_501] {strides = array<i32>} : memref<16x128xf32, #tpu.memory_space<vmem>>, vector<1x16xf32>,
    %swap3A_503 = vector.shape_cast %swap3A_502 : vector<1x16xf32> to vector<16xf32>
    %swap3A_504 = vector.shape_cast %broadcast_in_dim3A_1 : vector<16xf32> to vector<1x16xf32>
    tpu.vector_store %arg9[%swap3A_500, %swap3A_501], %swap3A_504 {strides = array<i32>} : memref<16x128xf32, #tpu.memory_space<vmem>>, vector<1x16xf32>,
    %swap3A_505 = arith.constant 10 : i32
    %swap3A_506 = arith.index_cast %swap3A_505 : i32 to index
    %swap3A_507 = arith.constant 64 : index
    %swap3A_508 = tpu.vector_load %arg9[%swap3A_506, %swap3A_507] {strides = array<i32>} : memref<16x128xf32, #tpu.memory_space<vmem>>, vector<1x16xf32>,
    %swap3A_509 = vector.shape_cast %swap3A_508 : vector<1x16xf32> to vector<16xf32>
    %swap3A_510 = vector.shape_cast %broadcast_in_dim3A_1 : vector<16xf32> to vector<1x16xf32>
    tpu.vector_store %arg9[%swap3A_506, %swap3A_507], %swap3A_510 {strides = array<i32>} : memref<16x128xf32, #tpu.memory_space<vmem>>, vector<1x16xf32>,
    %swap3A_511 = arith.constant 10 : i32
    %swap3A_512 = arith.index_cast %swap3A_511 : i32 to index
    %swap3A_513 = arith.constant 80 : index
    %swap3A_514 = tpu.vector_load %arg9[%swap3A_512, %swap3A_513] {strides = array<i32>} : memref<16x128xf32, #tpu.memory_space<vmem>>, vector<1x16xf32>,
    %swap3A_515 = vector.shape_cast %swap3A_514 : vector<1x16xf32> to vector<16xf32>
    %swap3A_516 = vector.shape_cast %broadcast_in_dim3A_1 : vector<16xf32> to vector<1x16xf32>
    tpu.vector_store %arg9[%swap3A_512, %swap3A_513], %swap3A_516 {strides = array<i32>} : memref<16x128xf32, #tpu.memory_space<vmem>>, vector<1x16xf32>,
    %swap3A_517 = arith.constant 10 : i32
    %swap3A_518 = arith.index_cast %swap3A_517 : i32 to index
    %swap3A_519 = arith.constant 96 : index
    %swap3A_520 = tpu.vector_load %arg9[%swap3A_518, %swap3A_519] {strides = array<i32>} : memref<16x128xf32, #tpu.memory_space<vmem>>, vector<1x16xf32>,
    %swap3A_521 = vector.shape_cast %swap3A_520 : vector<1x16xf32> to vector<16xf32>
    %swap3A_522 = vector.shape_cast %broadcast_in_dim3A_1 : vector<16xf32> to vector<1x16xf32>
    tpu.vector_store %arg9[%swap3A_518, %swap3A_519], %swap3A_522 {strides = array<i32>} : memref<16x128xf32, #tpu.memory_space<vmem>>, vector<1x16xf32>,
    %swap3A_523 = arith.constant 10 : i32
    %swap3A_524 = arith.index_cast %swap3A_523 : i32 to index
    %swap3A_525 = arith.constant 112 : index
    %swap3A_526 = tpu.vector_load %arg9[%swap3A_524, %swap3A_525] {strides = array<i32>} : memref<16x128xf32, #tpu.memory_space<vmem>>, vector<1x16xf32>,
    %swap3A_527 = vector.shape_cast %swap3A_526 : vector<1x16xf32> to vector<16xf32>
    %swap3A_528 = vector.shape_cast %broadcast_in_dim3A_1 : vector<16xf32> to vector<1x16xf32>
    tpu.vector_store %arg9[%swap3A_524, %swap3A_525], %swap3A_528 {strides = array<i32>} : memref<16x128xf32, #tpu.memory_space<vmem>>, vector<1x16xf32>,
    %swap3A_529 = arith.constant 11 : i32
    %swap3A_530 = arith.index_cast %swap3A_529 : i32 to index
    %swap3A_531 = arith.constant 0 : index
    %swap3A_532 = tpu.vector_load %arg9[%swap3A_530, %swap3A_531] {strides = array<i32>} : memref<16x128xf32, #tpu.memory_space<vmem>>, vector<1x16xf32>,
    %swap3A_533 = vector.shape_cast %swap3A_532 : vector<1x16xf32> to vector<16xf32>
    %swap3A_534 = vector.shape_cast %broadcast_in_dim3A_1 : vector<16xf32> to vector<1x16xf32>
    tpu.vector_store %arg9[%swap3A_530, %swap3A_531], %swap3A_534 {strides = array<i32>} : memref<16x128xf32, #tpu.memory_space<vmem>>, vector<1x16xf32>,
    %swap3A_535 = arith.constant 11 : i32
    %swap3A_536 = arith.index_cast %swap3A_535 : i32 to index
    %swap3A_537 = arith.constant 16 : index
    %swap3A_538 = tpu.vector_load %arg9[%swap3A_536, %swap3A_537] {strides = array<i32>} : memref<16x128xf32, #tpu.memory_space<vmem>>, vector<1x16xf32>,
    %swap3A_539 = vector.shape_cast %swap3A_538 : vector<1x16xf32> to vector<16xf32>
    %swap3A_540 = vector.shape_cast %broadcast_in_dim3A_1 : vector<16xf32> to vector<1x16xf32>
    tpu.vector_store %arg9[%swap3A_536, %swap3A_537], %swap3A_540 {strides = array<i32>} : memref<16x128xf32, #tpu.memory_space<vmem>>, vector<1x16xf32>,
    %swap3A_541 = arith.constant 11 : i32
    %swap3A_542 = arith.index_cast %swap3A_541 : i32 to index
    %swap3A_543 = arith.constant 32 : index
    %swap3A_544 = tpu.vector_load %arg9[%swap3A_542, %swap3A_543] {strides = array<i32>} : memref<16x128xf32, #tpu.memory_space<vmem>>, vector<1x16xf32>,
    %swap3A_545 = vector.shape_cast %swap3A_544 : vector<1x16xf32> to vector<16xf32>
    %swap3A_546 = vector.shape_cast %broadcast_in_dim3A_1 : vector<16xf32> to vector<1x16xf32>
    tpu.vector_store %arg9[%swap3A_542, %swap3A_543], %swap3A_546 {strides = array<i32>} : memref<16x128xf32, #tpu.memory_space<vmem>>, vector<1x16xf32>,
    %swap3A_547 = arith.constant 11 : i32
    %swap3A_548 = arith.index_cast %swap3A_547 : i32 to index
    %swap3A_549 = arith.constant 48 : index
    %swap3A_550 = tpu.vector_load %arg9[%swap3A_548, %swap3A_549] {strides = array<i32>} : memref<16x128xf32, #tpu.memory_space<vmem>>, vector<1x16xf32>,
    %swap3A_551 = vector.shape_cast %swap3A_550 : vector<1x16xf32> to vector<16xf32>
    %swap3A_552 = vector.shape_cast %broadcast_in_dim3A_1 : vector<16xf32> to vector<1x16xf32>
    tpu.vector_store %arg9[%swap3A_548, %swap3A_549], %swap3A_552 {strides = array<i32>} : memref<16x128xf32, #tpu.memory_space<vmem>>, vector<1x16xf32>,
    %swap3A_553 = arith.constant 11 : i32
    %swap3A_554 = arith.index_cast %swap3A_553 : i32 to index
    %swap3A_555 = arith.constant 64 : index
    %swap3A_556 = tpu.vector_load %arg9[%swap3A_554, %swap3A_555] {strides = array<i32>} : memref<16x128xf32, #tpu.memory_space<vmem>>, vector<1x16xf32>,
    %swap3A_557 = vector.shape_cast %swap3A_556 : vector<1x16xf32> to vector<16xf32>
    %swap3A_558 = vector.shape_cast %broadcast_in_dim3A_1 : vector<16xf32> to vector<1x16xf32>
    tpu.vector_store %arg9[%swap3A_554, %swap3A_555], %swap3A_558 {strides = array<i32>} : memref<16x128xf32, #tpu.memory_space<vmem>>, vector<1x16xf32>,
    %swap3A_559 = arith.constant 11 : i32
    %swap3A_560 = arith.index_cast %swap3A_559 : i32 to index
    %swap3A_561 = arith.constant 80 : index
    %swap3A_562 = tpu.vector_load %arg9[%swap3A_560, %swap3A_561] {strides = array<i32>} : memref<16x128xf32, #tpu.memory_space<vmem>>, vector<1x16xf32>,
    %swap3A_563 = vector.shape_cast %swap3A_562 : vector<1x16xf32> to vector<16xf32>
    %swap3A_564 = vector.shape_cast %broadcast_in_dim3A_1 : vector<16xf32> to vector<1x16xf32>
    tpu.vector_store %arg9[%swap3A_560, %swap3A_561], %swap3A_564 {strides = array<i32>} : memref<16x128xf32, #tpu.memory_space<vmem>>, vector<1x16xf32>,
    %swap3A_565 = arith.constant 11 : i32
    %swap3A_566 = arith.index_cast %swap3A_565 : i32 to index
    %swap3A_567 = arith.constant 96 : index
    %swap3A_568 = tpu.vector_load %arg9[%swap3A_566, %swap3A_567] {strides = array<i32>} : memref<16x128xf32, #tpu.memory_space<vmem>>, vector<1x16xf32>,
    %swap3A_569 = vector.shape_cast %swap3A_568 : vector<1x16xf32> to vector<16xf32>
    %swap3A_570 = vector.shape_cast %broadcast_in_dim3A_1 : vector<16xf32> to vector<1x16xf32>
    tpu.vector_store %arg9[%swap3A_566, %swap3A_567], %swap3A_570 {strides = array<i32>} : memref<16x128xf32, #tpu.memory_space<vmem>>, vector<1x16xf32>,
    %swap3A_571 = arith.constant 11 : i32
    %swap3A_572 = arith.index_cast %swap3A_571 : i32 to index
    %swap3A_573 = arith.constant 112 : index
    %swap3A_574 = tpu.vector_load %arg9[%swap3A_572, %swap3A_573] {strides = array<i32>} : memref<16x128xf32, #tpu.memory_space<vmem>>, vector<1x16xf32>,
    %swap3A_575 = vector.shape_cast %swap3A_574 : vector<1x16xf32> to vector<16xf32>
    %swap3A_576 = vector.shape_cast %broadcast_in_dim3A_1 : vector<16xf32> to vector<1x16xf32>
    tpu.vector_store %arg9[%swap3A_572, %swap3A_573], %swap3A_576 {strides = array<i32>} : memref<16x128xf32, #tpu.memory_space<vmem>>, vector<1x16xf32>,
    %swap3A_577 = arith.constant 12 : i32
    %swap3A_578 = arith.index_cast %swap3A_577 : i32 to index
    %swap3A_579 = arith.constant 0 : index
    %swap3A_580 = tpu.vector_load %arg9[%swap3A_578, %swap3A_579] {strides = array<i32>} : memref<16x128xf32, #tpu.memory_space<vmem>>, vector<1x16xf32>,
    %swap3A_581 = vector.shape_cast %swap3A_580 : vector<1x16xf32> to vector<16xf32>
    %swap3A_582 = vector.shape_cast %broadcast_in_dim3A_1 : vector<16xf32> to vector<1x16xf32>
    tpu.vector_store %arg9[%swap3A_578, %swap3A_579], %swap3A_582 {strides = array<i32>} : memref<16x128xf32, #tpu.memory_space<vmem>>, vector<1x16xf32>,
    %swap3A_583 = arith.constant 12 : i32
    %swap3A_584 = arith.index_cast %swap3A_583 : i32 to index
    %swap3A_585 = arith.constant 16 : index
    %swap3A_586 = tpu.vector_load %arg9[%swap3A_584, %swap3A_585] {strides = array<i32>} : memref<16x128xf32, #tpu.memory_space<vmem>>, vector<1x16xf32>,
    %swap3A_587 = vector.shape_cast %swap3A_586 : vector<1x16xf32> to vector<16xf32>
    %swap3A_588 = vector.shape_cast %broadcast_in_dim3A_1 : vector<16xf32> to vector<1x16xf32>
    tpu.vector_store %arg9[%swap3A_584, %swap3A_585], %swap3A_588 {strides = array<i32>} : memref<16x128xf32, #tpu.memory_space<vmem>>, vector<1x16xf32>,
    %swap3A_589 = arith.constant 12 : i32
    %swap3A_590 = arith.index_cast %swap3A_589 : i32 to index
    %swap3A_591 = arith.constant 32 : index
    %swap3A_592 = tpu.vector_load %arg9[%swap3A_590, %swap3A_591] {strides = array<i32>} : memref<16x128xf32, #tpu.memory_space<vmem>>, vector<1x16xf32>,
    %swap3A_593 = vector.shape_cast %swap3A_592 : vector<1x16xf32> to vector<16xf32>
    %swap3A_594 = vector.shape_cast %broadcast_in_dim3A_1 : vector<16xf32> to vector<1x16xf32>
    tpu.vector_store %arg9[%swap3A_590, %swap3A_591], %swap3A_594 {strides = array<i32>} : memref<16x128xf32, #tpu.memory_space<vmem>>, vector<1x16xf32>,
    %swap3A_595 = arith.constant 12 : i32
    %swap3A_596 = arith.index_cast %swap3A_595 : i32 to index
    %swap3A_597 = arith.constant 48 : index
    %swap3A_598 = tpu.vector_load %arg9[%swap3A_596, %swap3A_597] {strides = array<i32>} : memref<16x128xf32, #tpu.memory_space<vmem>>, vector<1x16xf32>,
    %swap3A_599 = vector.shape_cast %swap3A_598 : vector<1x16xf32> to vector<16xf32>
    %swap3A_600 = vector.shape_cast %broadcast_in_dim3A_1 : vector<16xf32> to vector<1x16xf32>
    tpu.vector_store %arg9[%swap3A_596, %swap3A_597], %swap3A_600 {strides = array<i32>} : memref<16x128xf32, #tpu.memory_space<vmem>>, vector<1x16xf32>,
    %swap3A_601 = arith.constant 12 : i32
    %swap3A_602 = arith.index_cast %swap3A_601 : i32 to index
    %swap3A_603 = arith.constant 64 : index
    %swap3A_604 = tpu.vector_load %arg9[%swap3A_602, %swap3A_603] {strides = array<i32>} : memref<16x128xf32, #tpu.memory_space<vmem>>, vector<1x16xf32>,
    %swap3A_605 = vector.shape_cast %swap3A_604 : vector<1x16xf32> to vector<16xf32>
    %swap3A_606 = vector.shape_cast %broadcast_in_dim3A_1 : vector<16xf32> to vector<1x16xf32>
    tpu.vector_store %arg9[%swap3A_602, %swap3A_603], %swap3A_606 {strides = array<i32>} : memref<16x128xf32, #tpu.memory_space<vmem>>, vector<1x16xf32>,
    %swap3A_607 = arith.constant 12 : i32
    %swap3A_608 = arith.index_cast %swap3A_607 : i32 to index
    %swap3A_609 = arith.constant 80 : index
    %swap3A_610 = tpu.vector_load %arg9[%swap3A_608, %swap3A_609] {strides = array<i32>} : memref<16x128xf32, #tpu.memory_space<vmem>>, vector<1x16xf32>,
    %swap3A_611 = vector.shape_cast %swap3A_610 : vector<1x16xf32> to vector<16xf32>
    %swap3A_612 = vector.shape_cast %broadcast_in_dim3A_1 : vector<16xf32> to vector<1x16xf32>
    tpu.vector_store %arg9[%swap3A_608, %swap3A_609], %swap3A_612 {strides = array<i32>} : memref<16x128xf32, #tpu.memory_space<vmem>>, vector<1x16xf32>,
    %swap3A_613 = arith.constant 12 : i32
    %swap3A_614 = arith.index_cast %swap3A_613 : i32 to index
    %swap3A_615 = arith.constant 96 : index
    %swap3A_616 = tpu.vector_load %arg9[%swap3A_614, %swap3A_615] {strides = array<i32>} : memref<16x128xf32, #tpu.memory_space<vmem>>, vector<1x16xf32>,
    %swap3A_617 = vector.shape_cast %swap3A_616 : vector<1x16xf32> to vector<16xf32>
    %swap3A_618 = vector.shape_cast %broadcast_in_dim3A_1 : vector<16xf32> to vector<1x16xf32>
    tpu.vector_store %arg9[%swap3A_614, %swap3A_615], %swap3A_618 {strides = array<i32>} : memref<16x128xf32, #tpu.memory_space<vmem>>, vector<1x16xf32>,
    %swap3A_619 = arith.constant 12 : i32
    %swap3A_620 = arith.index_cast %swap3A_619 : i32 to index
    %swap3A_621 = arith.constant 112 : index
    %swap3A_622 = tpu.vector_load %arg9[%swap3A_620, %swap3A_621] {strides = array<i32>} : memref<16x128xf32, #tpu.memory_space<vmem>>, vector<1x16xf32>,
    %swap3A_623 = vector.shape_cast %swap3A_622 : vector<1x16xf32> to vector<16xf32>
    %swap3A_624 = vector.shape_cast %broadcast_in_dim3A_1 : vector<16xf32> to vector<1x16xf32>
    tpu.vector_store %arg9[%swap3A_620, %swap3A_621], %swap3A_624 {strides = array<i32>} : memref<16x128xf32, #tpu.memory_space<vmem>>, vector<1x16xf32>,
    %swap3A_625 = arith.constant 13 : i32
    %swap3A_626 = arith.index_cast %swap3A_625 : i32 to index
    %swap3A_627 = arith.constant 0 : index
    %swap3A_628 = tpu.vector_load %arg9[%swap3A_626, %swap3A_627] {strides = array<i32>} : memref<16x128xf32, #tpu.memory_space<vmem>>, vector<1x16xf32>,
    %swap3A_629 = vector.shape_cast %swap3A_628 : vector<1x16xf32> to vector<16xf32>
    %swap3A_630 = vector.shape_cast %broadcast_in_dim3A_1 : vector<16xf32> to vector<1x16xf32>
    tpu.vector_store %arg9[%swap3A_626, %swap3A_627], %swap3A_630 {strides = array<i32>} : memref<16x128xf32, #tpu.memory_space<vmem>>, vector<1x16xf32>,
    %swap3A_631 = arith.constant 13 : i32
    %swap3A_632 = arith.index_cast %swap3A_631 : i32 to index
    %swap3A_633 = arith.constant 16 : index
    %swap3A_634 = tpu.vector_load %arg9[%swap3A_632, %swap3A_633] {strides = array<i32>} : memref<16x128xf32, #tpu.memory_space<vmem>>, vector<1x16xf32>,
    %swap3A_635 = vector.shape_cast %swap3A_634 : vector<1x16xf32> to vector<16xf32>
    %swap3A_636 = vector.shape_cast %broadcast_in_dim3A_1 : vector<16xf32> to vector<1x16xf32>
    tpu.vector_store %arg9[%swap3A_632, %swap3A_633], %swap3A_636 {strides = array<i32>} : memref<16x128xf32, #tpu.memory_space<vmem>>, vector<1x16xf32>,
    %swap3A_637 = arith.constant 13 : i32
    %swap3A_638 = arith.index_cast %swap3A_637 : i32 to index
    %swap3A_639 = arith.constant 32 : index
    %swap3A_640 = tpu.vector_load %arg9[%swap3A_638, %swap3A_639] {strides = array<i32>} : memref<16x128xf32, #tpu.memory_space<vmem>>, vector<1x16xf32>,
    %swap3A_641 = vector.shape_cast %swap3A_640 : vector<1x16xf32> to vector<16xf32>
    %swap3A_642 = vector.shape_cast %broadcast_in_dim3A_1 : vector<16xf32> to vector<1x16xf32>
    tpu.vector_store %arg9[%swap3A_638, %swap3A_639], %swap3A_642 {strides = array<i32>} : memref<16x128xf32, #tpu.memory_space<vmem>>, vector<1x16xf32>,
    %swap3A_643 = arith.constant 13 : i32
    %swap3A_644 = arith.index_cast %swap3A_643 : i32 to index
    %swap3A_645 = arith.constant 48 : index
    %swap3A_646 = tpu.vector_load %arg9[%swap3A_644, %swap3A_645] {strides = array<i32>} : memref<16x128xf32, #tpu.memory_space<vmem>>, vector<1x16xf32>,
    %swap3A_647 = vector.shape_cast %swap3A_646 : vector<1x16xf32> to vector<16xf32>
    %swap3A_648 = vector.shape_cast %broadcast_in_dim3A_1 : vector<16xf32> to vector<1x16xf32>
    tpu.vector_store %arg9[%swap3A_644, %swap3A_645], %swap3A_648 {strides = array<i32>} : memref<16x128xf32, #tpu.memory_space<vmem>>, vector<1x16xf32>,
    %swap3A_649 = arith.constant 13 : i32
    %swap3A_650 = arith.index_cast %swap3A_649 : i32 to index
    %swap3A_651 = arith.constant 64 : index
    %swap3A_652 = tpu.vector_load %arg9[%swap3A_650, %swap3A_651] {strides = array<i32>} : memref<16x128xf32, #tpu.memory_space<vmem>>, vector<1x16xf32>,
    %swap3A_653 = vector.shape_cast %swap3A_652 : vector<1x16xf32> to vector<16xf32>
    %swap3A_654 = vector.shape_cast %broadcast_in_dim3A_1 : vector<16xf32> to vector<1x16xf32>
    tpu.vector_store %arg9[%swap3A_650, %swap3A_651], %swap3A_654 {strides = array<i32>} : memref<16x128xf32, #tpu.memory_space<vmem>>, vector<1x16xf32>,
    %swap3A_655 = arith.constant 13 : i32
    %swap3A_656 = arith.index_cast %swap3A_655 : i32 to index
    %swap3A_657 = arith.constant 80 : index
    %swap3A_658 = tpu.vector_load %arg9[%swap3A_656, %swap3A_657] {strides = array<i32>} : memref<16x128xf32, #tpu.memory_space<vmem>>, vector<1x16xf32>,
    %swap3A_659 = vector.shape_cast %swap3A_658 : vector<1x16xf32> to vector<16xf32>
    %swap3A_660 = vector.shape_cast %broadcast_in_dim3A_1 : vector<16xf32> to vector<1x16xf32>
    tpu.vector_store %arg9[%swap3A_656, %swap3A_657], %swap3A_660 {strides = array<i32>} : memref<16x128xf32, #tpu.memory_space<vmem>>, vector<1x16xf32>,
    %swap3A_661 = arith.constant 13 : i32
    %swap3A_662 = arith.index_cast %swap3A_661 : i32 to index
    %swap3A_663 = arith.constant 96 : index
    %swap3A_664 = tpu.vector_load %arg9[%swap3A_662, %swap3A_663] {strides = array<i32>} : memref<16x128xf32, #tpu.memory_space<vmem>>, vector<1x16xf32>,
    %swap3A_665 = vector.shape_cast %swap3A_664 : vector<1x16xf32> to vector<16xf32>
    %swap3A_666 = vector.shape_cast %broadcast_in_dim3A_1 : vector<16xf32> to vector<1x16xf32>
    tpu.vector_store %arg9[%swap3A_662, %swap3A_663], %swap3A_666 {strides = array<i32>} : memref<16x128xf32, #tpu.memory_space<vmem>>, vector<1x16xf32>,
    %swap3A_667 = arith.constant 13 : i32
    %swap3A_668 = arith.index_cast %swap3A_667 : i32 to index
    %swap3A_669 = arith.constant 112 : index
    %swap3A_670 = tpu.vector_load %arg9[%swap3A_668, %swap3A_669] {strides = array<i32>} : memref<16x128xf32, #tpu.memory_space<vmem>>, vector<1x16xf32>,
    %swap3A_671 = vector.shape_cast %swap3A_670 : vector<1x16xf32> to vector<16xf32>
    %swap3A_672 = vector.shape_cast %broadcast_in_dim3A_1 : vector<16xf32> to vector<1x16xf32>
    tpu.vector_store %arg9[%swap3A_668, %swap3A_669], %swap3A_672 {strides = array<i32>} : memref<16x128xf32, #tpu.memory_space<vmem>>, vector<1x16xf32>,
    %swap3A_673 = arith.constant 14 : i32
    %swap3A_674 = arith.index_cast %swap3A_673 : i32 to index
    %swap3A_675 = arith.constant 0 : index
    %swap3A_676 = tpu.vector_load %arg9[%swap3A_674, %swap3A_675] {strides = array<i32>} : memref<16x128xf32, #tpu.memory_space<vmem>>, vector<1x16xf32>,
    %swap3A_677 = vector.shape_cast %swap3A_676 : vector<1x16xf32> to vector<16xf32>
    %swap3A_678 = vector.shape_cast %broadcast_in_dim3A_1 : vector<16xf32> to vector<1x16xf32>
    tpu.vector_store %arg9[%swap3A_674, %swap3A_675], %swap3A_678 {strides = array<i32>} : memref<16x128xf32, #tpu.memory_space<vmem>>, vector<1x16xf32>,
    %swap3A_679 = arith.constant 14 : i32
    %swap3A_680 = arith.index_cast %swap3A_679 : i32 to index
    %swap3A_681 = arith.constant 16 : index
    %swap3A_682 = tpu.vector_load %arg9[%swap3A_680, %swap3A_681] {strides = array<i32>} : memref<16x128xf32, #tpu.memory_space<vmem>>, vector<1x16xf32>,
    %swap3A_683 = vector.shape_cast %swap3A_682 : vector<1x16xf32> to vector<16xf32>
    %swap3A_684 = vector.shape_cast %broadcast_in_dim3A_1 : vector<16xf32> to vector<1x16xf32>
    tpu.vector_store %arg9[%swap3A_680, %swap3A_681], %swap3A_684 {strides = array<i32>} : memref<16x128xf32, #tpu.memory_space<vmem>>, vector<1x16xf32>,
    %swap3A_685 = arith.constant 14 : i32
    %swap3A_686 = arith.index_cast %swap3A_685 : i32 to index
    %swap3A_687 = arith.constant 32 : index
    %swap3A_688 = tpu.vector_load %arg9[%swap3A_686, %swap3A_687] {strides = array<i32>} : memref<16x128xf32, #tpu.memory_space<vmem>>, vector<1x16xf32>,
    %swap3A_689 = vector.shape_cast %swap3A_688 : vector<1x16xf32> to vector<16xf32>
    %swap3A_690 = vector.shape_cast %broadcast_in_dim3A_1 : vector<16xf32> to vector<1x16xf32>
    tpu.vector_store %arg9[%swap3A_686, %swap3A_687], %swap3A_690 {strides = array<i32>} : memref<16x128xf32, #tpu.memory_space<vmem>>, vector<1x16xf32>,
    %swap3A_691 = arith.constant 14 : i32
    %swap3A_692 = arith.index_cast %swap3A_691 : i32 to index
    %swap3A_693 = arith.constant 48 : index
    %swap3A_694 = tpu.vector_load %arg9[%swap3A_692, %swap3A_693] {strides = array<i32>} : memref<16x128xf32, #tpu.memory_space<vmem>>, vector<1x16xf32>,
    %swap3A_695 = vector.shape_cast %swap3A_694 : vector<1x16xf32> to vector<16xf32>
    %swap3A_696 = vector.shape_cast %broadcast_in_dim3A_1 : vector<16xf32> to vector<1x16xf32>
    tpu.vector_store %arg9[%swap3A_692, %swap3A_693], %swap3A_696 {strides = array<i32>} : memref<16x128xf32, #tpu.memory_space<vmem>>, vector<1x16xf32>,
    %swap3A_697 = arith.constant 14 : i32
    %swap3A_698 = arith.index_cast %swap3A_697 : i32 to index
    %swap3A_699 = arith.constant 64 : index
    %swap3A_700 = tpu.vector_load %arg9[%swap3A_698, %swap3A_699] {strides = array<i32>} : memref<16x128xf32, #tpu.memory_space<vmem>>, vector<1x16xf32>,
    %swap3A_701 = vector.shape_cast %swap3A_700 : vector<1x16xf32> to vector<16xf32>
    %swap3A_702 = vector.shape_cast %broadcast_in_dim3A_1 : vector<16xf32> to vector<1x16xf32>
    tpu.vector_store %arg9[%swap3A_698, %swap3A_699], %swap3A_702 {strides = array<i32>} : memref<16x128xf32, #tpu.memory_space<vmem>>, vector<1x16xf32>,
    %swap3A_703 = arith.constant 14 : i32
    %swap3A_704 = arith.index_cast %swap3A_703 : i32 to index
    %swap3A_705 = arith.constant 80 : index
    %swap3A_706 = tpu.vector_load %arg9[%swap3A_704, %swap3A_705] {strides = array<i32>} : memref<16x128xf32, #tpu.memory_space<vmem>>, vector<1x16xf32>,
    %swap3A_707 = vector.shape_cast %swap3A_706 : vector<1x16xf32> to vector<16xf32>
    %swap3A_708 = vector.shape_cast %broadcast_in_dim3A_1 : vector<16xf32> to vector<1x16xf32>
    tpu.vector_store %arg9[%swap3A_704, %swap3A_705], %swap3A_708 {strides = array<i32>} : memref<16x128xf32, #tpu.memory_space<vmem>>, vector<1x16xf32>,
    %swap3A_709 = arith.constant 14 : i32
    %swap3A_710 = arith.index_cast %swap3A_709 : i32 to index
    %swap3A_711 = arith.constant 96 : index
    %swap3A_712 = tpu.vector_load %arg9[%swap3A_710, %swap3A_711] {strides = array<i32>} : memref<16x128xf32, #tpu.memory_space<vmem>>, vector<1x16xf32>,
    %swap3A_713 = vector.shape_cast %swap3A_712 : vector<1x16xf32> to vector<16xf32>
    %swap3A_714 = vector.shape_cast %broadcast_in_dim3A_1 : vector<16xf32> to vector<1x16xf32>
    tpu.vector_store %arg9[%swap3A_710, %swap3A_711], %swap3A_714 {strides = array<i32>} : memref<16x128xf32, #tpu.memory_space<vmem>>, vector<1x16xf32>,
    %swap3A_715 = arith.constant 14 : i32
    %swap3A_716 = arith.index_cast %swap3A_715 : i32 to index
    %swap3A_717 = arith.constant 112 : index
    %swap3A_718 = tpu.vector_load %arg9[%swap3A_716, %swap3A_717] {strides = array<i32>} : memref<16x128xf32, #tpu.memory_space<vmem>>, vector<1x16xf32>,
    %swap3A_719 = vector.shape_cast %swap3A_718 : vector<1x16xf32> to vector<16xf32>
    %swap3A_720 = vector.shape_cast %broadcast_in_dim3A_1 : vector<16xf32> to vector<1x16xf32>
    tpu.vector_store %arg9[%swap3A_716, %swap3A_717], %swap3A_720 {strides = array<i32>} : memref<16x128xf32, #tpu.memory_space<vmem>>, vector<1x16xf32>,
    %swap3A_721 = arith.constant 15 : i32
    %swap3A_722 = arith.index_cast %swap3A_721 : i32 to index
    %swap3A_723 = arith.constant 0 : index
    %swap3A_724 = tpu.vector_load %arg9[%swap3A_722, %swap3A_723] {strides = array<i32>} : memref<16x128xf32, #tpu.memory_space<vmem>>, vector<1x16xf32>,
    %swap3A_725 = vector.shape_cast %swap3A_724 : vector<1x16xf32> to vector<16xf32>
    %swap3A_726 = vector.shape_cast %broadcast_in_dim3A_1 : vector<16xf32> to vector<1x16xf32>
    tpu.vector_store %arg9[%swap3A_722, %swap3A_723], %swap3A_726 {strides = array<i32>} : memref<16x128xf32, #tpu.memory_space<vmem>>, vector<1x16xf32>,
    %swap3A_727 = arith.constant 15 : i32
    %swap3A_728 = arith.index_cast %swap3A_727 : i32 to index
    %swap3A_729 = arith.constant 16 : index
    %swap3A_730 = tpu.vector_load %arg9[%swap3A_728, %swap3A_729] {strides = array<i32>} : memref<16x128xf32, #tpu.memory_space<vmem>>, vector<1x16xf32>,
    %swap3A_731 = vector.shape_cast %swap3A_730 : vector<1x16xf32> to vector<16xf32>
    %swap3A_732 = vector.shape_cast %broadcast_in_dim3A_1 : vector<16xf32> to vector<1x16xf32>
    tpu.vector_store %arg9[%swap3A_728, %swap3A_729], %swap3A_732 {strides = array<i32>} : memref<16x128xf32, #tpu.memory_space<vmem>>, vector<1x16xf32>,
    %swap3A_733 = arith.constant 15 : i32
    %swap3A_734 = arith.index_cast %swap3A_733 : i32 to index
    %swap3A_735 = arith.constant 32 : index
    %swap3A_736 = tpu.vector_load %arg9[%swap3A_734, %swap3A_735] {strides = array<i32>} : memref<16x128xf32, #tpu.memory_space<vmem>>, vector<1x16xf32>,
    %swap3A_737 = vector.shape_cast %swap3A_736 : vector<1x16xf32> to vector<16xf32>
    %swap3A_738 = vector.shape_cast %broadcast_in_dim3A_1 : vector<16xf32> to vector<1x16xf32>
    tpu.vector_store %arg9[%swap3A_734, %swap3A_735], %swap3A_738 {strides = array<i32>} : memref<16x128xf32, #tpu.memory_space<vmem>>, vector<1x16xf32>,
    %swap3A_739 = arith.constant 15 : i32
    %swap3A_740 = arith.index_cast %swap3A_739 : i32 to index
    %swap3A_741 = arith.constant 48 : index
    %swap3A_742 = tpu.vector_load %arg9[%swap3A_740, %swap3A_741] {strides = array<i32>} : memref<16x128xf32, #tpu.memory_space<vmem>>, vector<1x16xf32>,
    %swap3A_743 = vector.shape_cast %swap3A_742 : vector<1x16xf32> to vector<16xf32>
    %swap3A_744 = vector.shape_cast %broadcast_in_dim3A_1 : vector<16xf32> to vector<1x16xf32>
    tpu.vector_store %arg9[%swap3A_740, %swap3A_741], %swap3A_744 {strides = array<i32>} : memref<16x128xf32, #tpu.memory_space<vmem>>, vector<1x16xf32>,
    %swap3A_745 = arith.constant 15 : i32
    %swap3A_746 = arith.index_cast %swap3A_745 : i32 to index
    %swap3A_747 = arith.constant 64 : index
    %swap3A_748 = tpu.vector_load %arg9[%swap3A_746, %swap3A_747] {strides = array<i32>} : memref<16x128xf32, #tpu.memory_space<vmem>>, vector<1x16xf32>,
    %swap3A_749 = vector.shape_cast %swap3A_748 : vector<1x16xf32> to vector<16xf32>
    %swap3A_750 = vector.shape_cast %broadcast_in_dim3A_1 : vector<16xf32> to vector<1x16xf32>
    tpu.vector_store %arg9[%swap3A_746, %swap3A_747], %swap3A_750 {strides = array<i32>} : memref<16x128xf32, #tpu.memory_space<vmem>>, vector<1x16xf32>,
    %swap3A_751 = arith.constant 15 : i32
    %swap3A_752 = arith.index_cast %swap3A_751 : i32 to index
    %swap3A_753 = arith.constant 80 : index
    %swap3A_754 = tpu.vector_load %arg9[%swap3A_752, %swap3A_753] {strides = array<i32>} : memref<16x128xf32, #tpu.memory_space<vmem>>, vector<1x16xf32>,
    %swap3A_755 = vector.shape_cast %swap3A_754 : vector<1x16xf32> to vector<16xf32>
    %swap3A_756 = vector.shape_cast %broadcast_in_dim3A_1 : vector<16xf32> to vector<1x16xf32>
    tpu.vector_store %arg9[%swap3A_752, %swap3A_753], %swap3A_756 {strides = array<i32>} : memref<16x128xf32, #tpu.memory_space<vmem>>, vector<1x16xf32>,
    %swap3A_757 = arith.constant 15 : i32
    %swap3A_758 = arith.index_cast %swap3A_757 : i32 to index
    %swap3A_759 = arith.constant 96 : index
    %swap3A_760 = tpu.vector_load %arg9[%swap3A_758, %swap3A_759] {strides = array<i32>} : memref<16x128xf32, #tpu.memory_space<vmem>>, vector<1x16xf32>,
    %swap3A_761 = vector.shape_cast %swap3A_760 : vector<1x16xf32> to vector<16xf32>
    %swap3A_762 = vector.shape_cast %broadcast_in_dim3A_1 : vector<16xf32> to vector<1x16xf32>
    tpu.vector_store %arg9[%swap3A_758, %swap3A_759], %swap3A_762 {strides = array<i32>} : memref<16x128xf32, #tpu.memory_space<vmem>>, vector<1x16xf32>,
    %swap3A_763 = arith.constant 15 : i32
    %swap3A_764 = arith.index_cast %swap3A_763 : i32 to index
    %swap3A_765 = arith.constant 112 : index
    %swap3A_766 = tpu.vector_load %arg9[%swap3A_764, %swap3A_765] {strides = array<i32>} : memref<16x128xf32, #tpu.memory_space<vmem>>, vector<1x16xf32>,
    %swap3A_767 = vector.shape_cast %swap3A_766 : vector<1x16xf32> to vector<16xf32>
    %swap3A_768 = vector.shape_cast %broadcast_in_dim3A_1 : vector<16xf32> to vector<1x16xf32>
    tpu.vector_store %arg9[%swap3A_764, %swap3A_765], %swap3A_768 {strides = array<i32>} : memref<16x128xf32, #tpu.memory_space<vmem>>, vector<1x16xf32>,
    %scan3A = arith.constant 0 : i32
    %scan3A_769 = arith.constant 0 : i32
    %scan3A_770 = arith.constant 39 : i32
    %scan3A_771 = arith.addi %scan3A_769, %scan3A_770 : i32
    %scan3A_772 = arith.constant 1 : i32
    scf.for %scan3A_884 = %scan3A_769 to %scan3A_771 step %scan3A_772  : i32 {
      %mul3A_885 = arith.constant 624 : i32
      %mul3A_886 = arith.muli %arg1, %mul3A_885 : i32
      %mul3A_887 = arith.constant 16 : i32
      %mul3A_888 = arith.muli %scan3A_884, %mul3A_887 : i32
      %add3A_889 = arith.addi %mul3A_886, %mul3A_888 : i32
      %dma_start3A_890 = arith.constant 0 : i32
      %dma_start3A_891 = tpu.memref_slice %arg10[%add3A_889, %dma_start3A_890] : memref<10000x128xf32, #tpu.memory_space<vmem_shared>> -> memref<16x128xf32, #tpu.memory_space<vmem_shared>>
      %dma_start3A_892 = arith.constant 0 : i32
      %dma_start3A_893 = tpu.memref_slice %arg10[%add3A_889, %dma_start3A_892] : memref<10000x128xf32, #tpu.memory_space<vmem_shared>> -> memref<16x128xf32, #tpu.memory_space<vmem_shared>>
      tpu.enqueue_dma source(%arg9 : memref<16x128xf32, #tpu.memory_space<vmem>>) target(%dma_start3A_893 : memref<16x128xf32, #tpu.memory_space<vmem_shared>>) target_semaphore(%arg13 : memref<!tpu.dma_semaphore, #tpu.memory_space<semaphore_mem>>)
    }
    %scan3A_773 = arith.constant 39 : i32
    %eq3A = arith.constant 0 : i32
    %eq3A_774 = arith.cmpi eq, %arg1, %eq3A : i32
    %convert_element_type3A = arith.extui %eq3A_774 : i1 to i32
    %cond3A = arith.constant 0 : i32
    %cond3A_775 = arith.cmpi ne, %convert_element_type3A, %cond3A : i32
    scf.if %cond3A_775 {
      %dma_start3A_884 = arith.constant 0 : i32
      %dma_start3A_885 = arith.constant 0 : i32
      %dma_start3A_886 = tpu.memref_slice %arg9[%dma_start3A_884, %dma_start3A_885] : memref<16x128xf32, #tpu.memory_space<vmem>> -> memref<16x128xf32, #tpu.memory_space<vmem>>
      %dma_start3A_887 = arith.constant 9984 : i32
      %dma_start3A_888 = arith.constant 0 : i32
      %dma_start3A_889 = tpu.memref_slice %arg10[%dma_start3A_887, %dma_start3A_888] : memref<10000x128xf32, #tpu.memory_space<vmem_shared>> -> memref<16x128xf32, #tpu.memory_space<vmem_shared>>
      %dma_start3A_890 = arith.constant 9984 : i32
      %dma_start3A_891 = arith.constant 0 : i32
      %dma_start3A_892 = tpu.memref_slice %arg10[%dma_start3A_890, %dma_start3A_891] : memref<10000x128xf32, #tpu.memory_space<vmem_shared>> -> memref<16x128xf32, #tpu.memory_space<vmem_shared>>
      %dma_start3A_893 = arith.constant 0 : i32
      %dma_start3A_894 = arith.constant 0 : i32
      %dma_start3A_895 = tpu.memref_slice %arg9[%dma_start3A_893, %dma_start3A_894] : memref<16x128xf32, #tpu.memory_space<vmem>> -> memref<16x128xf32, #tpu.memory_space<vmem>>
      tpu.enqueue_dma source(%dma_start3A_895 : memref<16x128xf32, #tpu.memory_space<vmem>>) target(%dma_start3A_892 : memref<16x128xf32, #tpu.memory_space<vmem_shared>>) target_semaphore(%arg13 : memref<!tpu.dma_semaphore, #tpu.memory_space<semaphore_mem>>)
    } else {
    }
    %mul3A_776 = arith.constant 10000 : i32
    %mul3A_777 = arith.muli %add3A, %mul3A_776 : i32
    "tpu.region"() ({
      %run_scoped3A = tpu.sem_alloc : memref<!tpu.dma_semaphore, #tpu.memory_space<semaphore_mem>>
      %dma_start3A_884 = arith.constant 0 : i32
      %dma_start3A_885 = tpu.memref_slice %arg6[%dma_start3A_884] : memref<2000xi32, #tpu.memory_space<vmem>> -> memref<1000xi32, #tpu.memory_space<vmem>>
      %dma_start3A_886 = tpu.memref_slice %arg3[%mul3A_777] : memref<320000xi32, #tpu.memory_space<hbm>> -> memref<1000xi32, #tpu.memory_space<hbm>>
      %dma_start3A_887 = arith.constant 0 : i32
      %dma_start3A_888 = tpu.memref_slice %arg6[%dma_start3A_887] : memref<2000xi32, #tpu.memory_space<vmem>> -> memref<1000xi32, #tpu.memory_space<vmem>>
      %dma_start3A_889 = tpu.memref_slice %arg3[%mul3A_777] : memref<320000xi32, #tpu.memory_space<hbm>> -> memref<1000xi32, #tpu.memory_space<hbm>>
      tpu.enqueue_dma source(%dma_start3A_889 : memref<1000xi32, #tpu.memory_space<hbm>>) target(%dma_start3A_888 : memref<1000xi32, #tpu.memory_space<vmem>>) target_semaphore(%run_scoped3A : memref<!tpu.dma_semaphore, #tpu.memory_space<semaphore_mem>>)
      %dma_wait3A = arith.constant 0 : i32
      %dma_wait3A_890 = tpu.memref_slice %arg6[%dma_wait3A] : memref<2000xi32, #tpu.memory_space<vmem>> -> memref<1000xi32, #tpu.memory_space<vmem>>
      %dma_wait3A_891 = tpu.memref_slice %arg3[%mul3A_777] : memref<320000xi32, #tpu.memory_space<hbm>> -> memref<1000xi32, #tpu.memory_space<hbm>>
      %dma_wait3A_892 = arith.constant 0 : i32
      %dma_wait3A_893 = tpu.memref_slice %arg6[%dma_wait3A_892] : memref<2000xi32, #tpu.memory_space<vmem>> -> memref<1000xi32, #tpu.memory_space<vmem>>
      %dma_wait3A_894 = tpu.memref_slice %arg3[%mul3A_777] : memref<320000xi32, #tpu.memory_space<hbm>> -> memref<1000xi32, #tpu.memory_space<hbm>>
      tpu.wait_dma2 semaphore(%run_scoped3A : memref<!tpu.dma_semaphore, #tpu.memory_space<semaphore_mem>>) src(%dma_wait3A_894 : memref<1000xi32, #tpu.memory_space<hbm>>) dst(%dma_wait3A_893 : memref<1000xi32, #tpu.memory_space<vmem>>)
      tpu.yield
    }) : () -> ()
    %mul3A_778 = arith.constant 10000 : i32
    %mul3A_779 = arith.muli %add3A, %mul3A_778 : i32
    "tpu.region"() ({
      %run_scoped3A = tpu.sem_alloc : memref<!tpu.dma_semaphore, #tpu.memory_space<semaphore_mem>>
      %dma_start3A_884 = arith.constant 0 : i32
      %dma_start3A_885 = tpu.memref_slice %arg7[%dma_start3A_884] : memref<2000xi32, #tpu.memory_space<vmem>> -> memref<1000xi32, #tpu.memory_space<vmem>>
      %dma_start3A_886 = tpu.memref_slice %arg4[%mul3A_779] : memref<320000xi32, #tpu.memory_space<hbm>> -> memref<1000xi32, #tpu.memory_space<hbm>>
      %dma_start3A_887 = arith.constant 0 : i32
      %dma_start3A_888 = tpu.memref_slice %arg7[%dma_start3A_887] : memref<2000xi32, #tpu.memory_space<vmem>> -> memref<1000xi32, #tpu.memory_space<vmem>>
      %dma_start3A_889 = tpu.memref_slice %arg4[%mul3A_779] : memref<320000xi32, #tpu.memory_space<hbm>> -> memref<1000xi32, #tpu.memory_space<hbm>>
      tpu.enqueue_dma source(%dma_start3A_889 : memref<1000xi32, #tpu.memory_space<hbm>>) target(%dma_start3A_888 : memref<1000xi32, #tpu.memory_space<vmem>>) target_semaphore(%run_scoped3A : memref<!tpu.dma_semaphore, #tpu.memory_space<semaphore_mem>>)
      %dma_wait3A = arith.constant 0 : i32
      %dma_wait3A_890 = tpu.memref_slice %arg7[%dma_wait3A] : memref<2000xi32, #tpu.memory_space<vmem>> -> memref<1000xi32, #tpu.memory_space<vmem>>
      %dma_wait3A_891 = tpu.memref_slice %arg4[%mul3A_779] : memref<320000xi32, #tpu.memory_space<hbm>> -> memref<1000xi32, #tpu.memory_space<hbm>>
      %dma_wait3A_892 = arith.constant 0 : i32
      %dma_wait3A_893 = tpu.memref_slice %arg7[%dma_wait3A_892] : memref<2000xi32, #tpu.memory_space<vmem>> -> memref<1000xi32, #tpu.memory_space<vmem>>
      %dma_wait3A_894 = tpu.memref_slice %arg4[%mul3A_779] : memref<320000xi32, #tpu.memory_space<hbm>> -> memref<1000xi32, #tpu.memory_space<hbm>>
      tpu.wait_dma2 semaphore(%run_scoped3A : memref<!tpu.dma_semaphore, #tpu.memory_space<semaphore_mem>>) src(%dma_wait3A_894 : memref<1000xi32, #tpu.memory_space<hbm>>) dst(%dma_wait3A_893 : memref<1000xi32, #tpu.memory_space<vmem>>)
      tpu.yield
    }) : () -> ()
    %dma_start3A = arith.constant 0 : i32
    %dma_start3A_780 = arith.constant 0 : i32
    %dma_start3A_781 = arith.constant 0 : i32
    %dma_start3A_782 = arith.constant 0 : i32
    %dma_start3A_783 = tpu.memref_slice %arg8[%dma_start3A, %dma_start3A_781, %dma_start3A_782] : memref<6x40x128xf32, #tpu.memory_space<vmem>> -> memref<1x40x128xf32, #tpu.memory_space<vmem>>
    %dma_start3A_784 = tpu.memref_squeeze %dma_start3A_783 : memref<1x40x128xf32, #tpu.memory_space<vmem>> -> memref<40x128xf32, #tpu.memory_space<vmem>>
    %dma_start3A_785 = arith.constant 0 : i32
    %dma_start3A_786 = tpu.memref_slice %arg6[%dma_start3A_785] : memref<2000xi32, #tpu.memory_space<vmem>> -> memref<40xi32, #tpu.memory_space<vmem>>
    %dma_start3A_787 = arith.constant 0 : i32
    %dma_start3A_788 = arith.constant 0 : i32
    %dma_start3A_789 = tpu.memref_slice %arg2[%dma_start3A_787, %dma_start3A_788] : memref<10000x128xf32, #tpu.memory_space<hbm>> -> memref<10000x128xf32, #tpu.memory_space<hbm>>
    %dma_start3A_790 = tpu.memref_slice %arg11[%dma_start3A_780] : memref<6x!tpu.dma_semaphore, #tpu.memory_space<semaphore_mem>> -> memref<1x!tpu.dma_semaphore, #tpu.memory_space<semaphore_mem>>
    %dma_start3A_791 = tpu.memref_squeeze %dma_start3A_790 : memref<1x!tpu.dma_semaphore, #tpu.memory_space<semaphore_mem>> -> memref<!tpu.dma_semaphore, #tpu.memory_space<semaphore_mem>>
    tpu.enqueue_indirect_dma source(%dma_start3A_789 : memref<10000x128xf32, #tpu.memory_space<hbm>>) target(%dma_start3A_784 : memref<40x128xf32, #tpu.memory_space<vmem>>) offsets(%dma_start3A_786 : memref<40xi32, #tpu.memory_space<vmem>>) semaphore(%dma_start3A_791 : memref<!tpu.dma_semaphore, #tpu.memory_space<semaphore_mem>>)
    %dma_start3A_792 = arith.constant 1 : i32
    %dma_start3A_793 = arith.constant 1 : i32
    %dma_start3A_794 = arith.constant 0 : i32
    %dma_start3A_795 = arith.constant 0 : i32
    %dma_start3A_796 = tpu.memref_slice %arg8[%dma_start3A_792, %dma_start3A_794, %dma_start3A_795] : memref<6x40x128xf32, #tpu.memory_space<vmem>> -> memref<1x40x128xf32, #tpu.memory_space<vmem>>
    %dma_start3A_797 = tpu.memref_squeeze %dma_start3A_796 : memref<1x40x128xf32, #tpu.memory_space<vmem>> -> memref<40x128xf32, #tpu.memory_space<vmem>>
    %dma_start3A_798 = arith.constant 40 : i32
    %dma_start3A_799 = tpu.memref_slice %arg6[%dma_start3A_798] : memref<2000xi32, #tpu.memory_space<vmem>> -> memref<40xi32, #tpu.memory_space<vmem>>
    %dma_start3A_800 = arith.constant 0 : i32
    %dma_start3A_801 = arith.constant 0 : i32
    %dma_start3A_802 = tpu.memref_slice %arg2[%dma_start3A_800, %dma_start3A_801] : memref<10000x128xf32, #tpu.memory_space<hbm>> -> memref<10000x128xf32, #tpu.memory_space<hbm>>
    %dma_start3A_803 = tpu.memref_slice %arg11[%dma_start3A_793] : memref<6x!tpu.dma_semaphore, #tpu.memory_space<semaphore_mem>> -> memref<1x!tpu.dma_semaphore, #tpu.memory_space<semaphore_mem>>
    %dma_start3A_804 = tpu.memref_squeeze %dma_start3A_803 : memref<1x!tpu.dma_semaphore, #tpu.memory_space<semaphore_mem>> -> memref<!tpu.dma_semaphore, #tpu.memory_space<semaphore_mem>>
    tpu.enqueue_indirect_dma source(%dma_start3A_802 : memref<10000x128xf32, #tpu.memory_space<hbm>>) target(%dma_start3A_797 : memref<40x128xf32, #tpu.memory_space<vmem>>) offsets(%dma_start3A_799 : memref<40xi32, #tpu.memory_space<vmem>>) semaphore(%dma_start3A_804 : memref<!tpu.dma_semaphore, #tpu.memory_space<semaphore_mem>>)
    %dma_start3A_805 = arith.constant 2 : i32
    %dma_start3A_806 = arith.constant 2 : i32
    %dma_start3A_807 = arith.constant 0 : i32
    %dma_start3A_808 = arith.constant 0 : i32
    %dma_start3A_809 = tpu.memref_slice %arg8[%dma_start3A_805, %dma_start3A_807, %dma_start3A_808] : memref<6x40x128xf32, #tpu.memory_space<vmem>> -> memref<1x40x128xf32, #tpu.memory_space<vmem>>
    %dma_start3A_810 = tpu.memref_squeeze %dma_start3A_809 : memref<1x40x128xf32, #tpu.memory_space<vmem>> -> memref<40x128xf32, #tpu.memory_space<vmem>>
    %dma_start3A_811 = arith.constant 80 : i32
    %dma_start3A_812 = tpu.memref_slice %arg6[%dma_start3A_811] : memref<2000xi32, #tpu.memory_space<vmem>> -> memref<40xi32, #tpu.memory_space<vmem>>
    %dma_start3A_813 = arith.constant 0 : i32
    %dma_start3A_814 = arith.constant 0 : i32
    %dma_start3A_815 = tpu.memref_slice %arg2[%dma_start3A_813, %dma_start3A_814] : memref<10000x128xf32, #tpu.memory_space<hbm>> -> memref<10000x128xf32, #tpu.memory_space<hbm>>
    %dma_start3A_816 = tpu.memref_slice %arg11[%dma_start3A_806] : memref<6x!tpu.dma_semaphore, #tpu.memory_space<semaphore_mem>> -> memref<1x!tpu.dma_semaphore, #tpu.memory_space<semaphore_mem>>
    %dma_start3A_817 = tpu.memref_squeeze %dma_start3A_816 : memref<1x!tpu.dma_semaphore, #tpu.memory_space<semaphore_mem>> -> memref<!tpu.dma_semaphore, #tpu.memory_space<semaphore_mem>>
    tpu.enqueue_indirect_dma source(%dma_start3A_815 : memref<10000x128xf32, #tpu.memory_space<hbm>>) target(%dma_start3A_810 : memref<40x128xf32, #tpu.memory_space<vmem>>) offsets(%dma_start3A_812 : memref<40xi32, #tpu.memory_space<vmem>>) semaphore(%dma_start3A_817 : memref<!tpu.dma_semaphore, #tpu.memory_space<semaphore_mem>>)
    %dma_start3A_818 = arith.constant 3 : i32
    %dma_start3A_819 = arith.constant 3 : i32
    %dma_start3A_820 = arith.constant 0 : i32
    %dma_start3A_821 = arith.constant 0 : i32
    %dma_start3A_822 = tpu.memref_slice %arg8[%dma_start3A_818, %dma_start3A_820, %dma_start3A_821] : memref<6x40x128xf32, #tpu.memory_space<vmem>> -> memref<1x40x128xf32, #tpu.memory_space<vmem>>
    %dma_start3A_823 = tpu.memref_squeeze %dma_start3A_822 : memref<1x40x128xf32, #tpu.memory_space<vmem>> -> memref<40x128xf32, #tpu.memory_space<vmem>>
    %dma_start3A_824 = arith.constant 120 : i32
    %dma_start3A_825 = tpu.memref_slice %arg6[%dma_start3A_824] : memref<2000xi32, #tpu.memory_space<vmem>> -> memref<40xi32, #tpu.memory_space<vmem>>
    %dma_start3A_826 = arith.constant 0 : i32
    %dma_start3A_827 = arith.constant 0 : i32
    %dma_start3A_828 = tpu.memref_slice %arg2[%dma_start3A_826, %dma_start3A_827] : memref<10000x128xf32, #tpu.memory_space<hbm>> -> memref<10000x128xf32, #tpu.memory_space<hbm>>
    %dma_start3A_829 = tpu.memref_slice %arg11[%dma_start3A_819] : memref<6x!tpu.dma_semaphore, #tpu.memory_space<semaphore_mem>> -> memref<1x!tpu.dma_semaphore, #tpu.memory_space<semaphore_mem>>
    %dma_start3A_830 = tpu.memref_squeeze %dma_start3A_829 : memref<1x!tpu.dma_semaphore, #tpu.memory_space<semaphore_mem>> -> memref<!tpu.dma_semaphore, #tpu.memory_space<semaphore_mem>>
    tpu.enqueue_indirect_dma source(%dma_start3A_828 : memref<10000x128xf32, #tpu.memory_space<hbm>>) target(%dma_start3A_823 : memref<40x128xf32, #tpu.memory_space<vmem>>) offsets(%dma_start3A_825 : memref<40xi32, #tpu.memory_space<vmem>>) semaphore(%dma_start3A_830 : memref<!tpu.dma_semaphore, #tpu.memory_space<semaphore_mem>>)
    %dma_start3A_831 = arith.constant 4 : i32
    %dma_start3A_832 = arith.constant 4 : i32
    %dma_start3A_833 = arith.constant 0 : i32
    %dma_start3A_834 = arith.constant 0 : i32
    %dma_start3A_835 = tpu.memref_slice %arg8[%dma_start3A_831, %dma_start3A_833, %dma_start3A_834] : memref<6x40x128xf32, #tpu.memory_space<vmem>> -> memref<1x40x128xf32, #tpu.memory_space<vmem>>
    %dma_start3A_836 = tpu.memref_squeeze %dma_start3A_835 : memref<1x40x128xf32, #tpu.memory_space<vmem>> -> memref<40x128xf32, #tpu.memory_space<vmem>>
    %dma_start3A_837 = arith.constant 160 : i32
    %dma_start3A_838 = tpu.memref_slice %arg6[%dma_start3A_837] : memref<2000xi32, #tpu.memory_space<vmem>> -> memref<40xi32, #tpu.memory_space<vmem>>
    %dma_start3A_839 = arith.constant 0 : i32
    %dma_start3A_840 = arith.constant 0 : i32
    %dma_start3A_841 = tpu.memref_slice %arg2[%dma_start3A_839, %dma_start3A_840] : memref<10000x128xf32, #tpu.memory_space<hbm>> -> memref<10000x128xf32, #tpu.memory_space<hbm>>
    %dma_start3A_842 = tpu.memref_slice %arg11[%dma_start3A_832] : memref<6x!tpu.dma_semaphore, #tpu.memory_space<semaphore_mem>> -> memref<1x!tpu.dma_semaphore, #tpu.memory_space<semaphore_mem>>
    %dma_start3A_843 = tpu.memref_squeeze %dma_start3A_842 : memref<1x!tpu.dma_semaphore, #tpu.memory_space<semaphore_mem>> -> memref<!tpu.dma_semaphore, #tpu.memory_space<semaphore_mem>>
    tpu.enqueue_indirect_dma source(%dma_start3A_841 : memref<10000x128xf32, #tpu.memory_space<hbm>>) target(%dma_start3A_836 : memref<40x128xf32, #tpu.memory_space<vmem>>) offsets(%dma_start3A_838 : memref<40xi32, #tpu.memory_space<vmem>>) semaphore(%dma_start3A_843 : memref<!tpu.dma_semaphore, #tpu.memory_space<semaphore_mem>>)
    %dma_start3A_844 = arith.constant 5 : i32
    %dma_start3A_845 = arith.constant 5 : i32
    %dma_start3A_846 = arith.constant 0 : i32
    %dma_start3A_847 = arith.constant 0 : i32
    %dma_start3A_848 = tpu.memref_slice %arg8[%dma_start3A_844, %dma_start3A_846, %dma_start3A_847] : memref<6x40x128xf32, #tpu.memory_space<vmem>> -> memref<1x40x128xf32, #tpu.memory_space<vmem>>
    %dma_start3A_849 = tpu.memref_squeeze %dma_start3A_848 : memref<1x40x128xf32, #tpu.memory_space<vmem>> -> memref<40x128xf32, #tpu.memory_space<vmem>>
    %dma_start3A_850 = arith.constant 200 : i32
    %dma_start3A_851 = tpu.memref_slice %arg6[%dma_start3A_850] : memref<2000xi32, #tpu.memory_space<vmem>> -> memref<40xi32, #tpu.memory_space<vmem>>
    %dma_start3A_852 = arith.constant 0 : i32
    %dma_start3A_853 = arith.constant 0 : i32
    %dma_start3A_854 = tpu.memref_slice %arg2[%dma_start3A_852, %dma_start3A_853] : memref<10000x128xf32, #tpu.memory_space<hbm>> -> memref<10000x128xf32, #tpu.memory_space<hbm>>
    %dma_start3A_855 = tpu.memref_slice %arg11[%dma_start3A_845] : memref<6x!tpu.dma_semaphore, #tpu.memory_space<semaphore_mem>> -> memref<1x!tpu.dma_semaphore, #tpu.memory_space<semaphore_mem>>
    %dma_start3A_856 = tpu.memref_squeeze %dma_start3A_855 : memref<1x!tpu.dma_semaphore, #tpu.memory_space<semaphore_mem>> -> memref<!tpu.dma_semaphore, #tpu.memory_space<semaphore_mem>>
    tpu.enqueue_indirect_dma source(%dma_start3A_854 : memref<10000x128xf32, #tpu.memory_space<hbm>>) target(%dma_start3A_849 : memref<40x128xf32, #tpu.memory_space<vmem>>) offsets(%dma_start3A_851 : memref<40xi32, #tpu.memory_space<vmem>>) semaphore(%dma_start3A_856 : memref<!tpu.dma_semaphore, #tpu.memory_space<semaphore_mem>>)
    %scan3A_857 = arith.constant 0 : i32
    %scan3A_858 = arith.constant 0 : i32
    %scan3A_859 = arith.constant 39 : i32
    %scan3A_860 = arith.addi %scan3A_858, %scan3A_859 : i32
    %scan3A_861 = arith.constant 1 : i32
    scf.for %scan3A_884 = %scan3A_858 to %scan3A_860 step %scan3A_861  : i32 {
      %mul3A_885 = arith.constant 624 : i32
      %mul3A_886 = arith.muli %arg1, %mul3A_885 : i32
      %mul3A_887 = arith.constant 16 : i32
      %mul3A_888 = arith.muli %scan3A_884, %mul3A_887 : i32
      %add3A_889 = arith.addi %mul3A_886, %mul3A_888 : i32
      %dma_wait3A = arith.constant 0 : i32
      %dma_wait3A_890 = tpu.memref_slice %arg10[%add3A_889, %dma_wait3A] : memref<10000x128xf32, #tpu.memory_space<vmem_shared>> -> memref<16x128xf32, #tpu.memory_space<vmem_shared>>
      %dma_wait3A_891 = arith.constant 0 : i32
      %dma_wait3A_892 = tpu.memref_slice %arg10[%add3A_889, %dma_wait3A_891] : memref<10000x128xf32, #tpu.memory_space<vmem_shared>> -> memref<16x128xf32, #tpu.memory_space<vmem_shared>>
      tpu.wait_dma2 semaphore(%arg13 : memref<!tpu.dma_semaphore, #tpu.memory_space<semaphore_mem>>) src(%arg9 : memref<16x128xf32, #tpu.memory_space<vmem>>) dst(%dma_wait3A_892 : memref<16x128xf32, #tpu.memory_space<vmem_shared>>)
    }
    %scan3A_862 = arith.constant 39 : i32
    %eq3A_863 = arith.constant 0 : i32
    %eq3A_864 = arith.cmpi eq, %arg1, %eq3A_863 : i32
    %convert_element_type3A_865 = arith.extui %eq3A_864 : i1 to i32
    %cond3A_866 = arith.constant 0 : i32
    %cond3A_867 = arith.cmpi ne, %convert_element_type3A_865, %cond3A_866 : i32
    scf.if %cond3A_867 {
      %dma_wait3A = arith.constant 0 : i32
      %dma_wait3A_884 = arith.constant 0 : i32
      %dma_wait3A_885 = tpu.memref_slice %arg9[%dma_wait3A, %dma_wait3A_884] : memref<16x128xf32, #tpu.memory_space<vmem>> -> memref<16x128xf32, #tpu.memory_space<vmem>>
      %dma_wait3A_886 = arith.constant 9984 : i32
      %dma_wait3A_887 = arith.constant 0 : i32
      %dma_wait3A_888 = tpu.memref_slice %arg10[%dma_wait3A_886, %dma_wait3A_887] : memref<10000x128xf32, #tpu.memory_space<vmem_shared>> -> memref<16x128xf32, #tpu.memory_space<vmem_shared>>
      %dma_wait3A_889 = arith.constant 9984 : i32
      %dma_wait3A_890 = arith.constant 0 : i32
      %dma_wait3A_891 = tpu.memref_slice %arg10[%dma_wait3A_889, %dma_wait3A_890] : memref<10000x128xf32, #tpu.memory_space<vmem_shared>> -> memref<16x128xf32, #tpu.memory_space<vmem_shared>>
      %dma_wait3A_892 = arith.constant 0 : i32
      %dma_wait3A_893 = arith.constant 0 : i32
      %dma_wait3A_894 = tpu.memref_slice %arg9[%dma_wait3A_892, %dma_wait3A_893] : memref<16x128xf32, #tpu.memory_space<vmem>> -> memref<16x128xf32, #tpu.memory_space<vmem>>
      tpu.wait_dma2 semaphore(%arg13 : memref<!tpu.dma_semaphore, #tpu.memory_space<semaphore_mem>>) src(%dma_wait3A_894 : memref<16x128xf32, #tpu.memory_space<vmem>>) dst(%dma_wait3A_891 : memref<16x128xf32, #tpu.memory_space<vmem_shared>>)
    } else {
    }
    %barrier3A = arith.constant 0 : index
    tpu.barrier barrier_id(%barrier3A)
    %scan3A_868 = arith.constant 0 : i32
    %scan3A_869 = arith.constant 0 : i32
    %scan3A_870 = arith.constant 10 : i32
    %scan3A_871 = arith.addi %scan3A_869, %scan3A_870 : i32
    %scan3A_872 = arith.constant 1 : i32
    scf.for %scan3A_884 = %scan3A_869 to %scan3A_871 step %scan3A_872  : i32 {
      %jit3A = arith.constant 2 : i32
      %eq3A_885 = arith.constant 0 : i32
      %eq3A_886 = arith.cmpi eq, %jit3A, %eq3A_885 : i32
      %jit3A_887 = arith.constant 1 : i32
      %select_n3A = arith.select %eq3A_886, %jit3A_887, %jit3A : i32
      %rem3A = arith.remsi %scan3A_884, %select_n3A : i32
      %ne3A = arith.constant 0 : i32
      %ne3A_888 = arith.cmpi ne, %rem3A, %ne3A : i32
      %lt3A = arith.constant 0 : i32
      %lt3A_889 = arith.cmpi slt, %rem3A, %lt3A : i32
      %lt3A_890 = arith.constant 0 : i32
      %lt3A_891 = arith.cmpi slt, %select_n3A, %lt3A_890 : i32
      %ne3A_892 = arith.xori %lt3A_889, %lt3A_891 : i1
      %and3A = arith.andi %ne3A_892, %ne3A_888 : i1
      %add3A_893 = arith.addi %rem3A, %select_n3A : i32
      %select_n3A_894 = arith.select %and3A, %add3A_893, %rem3A : i32
      %mul3A_895 = arith.constant 25 : i32
      %mul3A_896 = arith.muli %select_n3A_894, %mul3A_895 : i32
      %mul3A_897 = arith.constant 40 : i32
      %mul3A_898 = arith.muli %mul3A_896, %mul3A_897 : i32
      %add3A_899 = arith.constant 1 : i32
      %add3A_900 = arith.addi %scan3A_884, %add3A_899 : i32
      %jit3A_901 = arith.constant 2 : i32
      %eq3A_902 = arith.constant 0 : i32
      %eq3A_903 = arith.cmpi eq, %jit3A_901, %eq3A_902 : i32
      %jit3A_904 = arith.constant 1 : i32
      %select_n3A_905 = arith.select %eq3A_903, %jit3A_904, %jit3A_901 : i32
      %rem3A_906 = arith.remsi %add3A_900, %select_n3A_905 : i32
      %ne3A_907 = arith.constant 0 : i32
      %ne3A_908 = arith.cmpi ne, %rem3A_906, %ne3A_907 : i32
      %lt3A_909 = arith.constant 0 : i32
      %lt3A_910 = arith.cmpi slt, %rem3A_906, %lt3A_909 : i32
      %lt3A_911 = arith.constant 0 : i32
      %lt3A_912 = arith.cmpi slt, %select_n3A_905, %lt3A_911 : i32
      %ne3A_913 = arith.xori %lt3A_910, %lt3A_912 : i1
      %and3A_914 = arith.andi %ne3A_913, %ne3A_908 : i1
      %add3A_915 = arith.addi %rem3A_906, %select_n3A_905 : i32
      %select_n3A_916 = arith.select %and3A_914, %add3A_915, %rem3A_906 : i32
      %mul3A_917 = arith.constant 25 : i32
      %mul3A_918 = arith.muli %select_n3A_916, %mul3A_917 : i32
      %mul3A_919 = arith.constant 40 : i32
      %mul3A_920 = arith.muli %mul3A_918, %mul3A_919 : i32
      %mul3A_921 = arith.constant 10000 : i32
      %mul3A_922 = arith.muli %add3A, %mul3A_921 : i32
      %add3A_923 = arith.constant 1 : i32
      %add3A_924 = arith.addi %scan3A_884, %add3A_923 : i32
      %mul3A_925 = arith.constant 25 : i32
      %mul3A_926 = arith.muli %add3A_924, %mul3A_925 : i32
      %mul3A_927 = arith.constant 40 : i32
      %mul3A_928 = arith.muli %mul3A_926, %mul3A_927 : i32
      %add3A_929 = arith.addi %mul3A_922, %mul3A_928 : i32
      %add3A_930 = arith.constant 1 : i32
      %add3A_931 = arith.addi %scan3A_884, %add3A_930 : i32
      %lt3A_932 = arith.constant 10 : i32
      %lt3A_933 = arith.cmpi slt, %add3A_931, %lt3A_932 : i32
      %convert_element_type3A_934 = arith.extui %lt3A_933 : i1 to i32
      %cond3A_935 = arith.constant 0 : i32
      %cond3A_936 = arith.cmpi ne, %convert_element_type3A_934, %cond3A_935 : i32
      scf.if %cond3A_936 {
        %dma_start3A_950 = tpu.memref_slice %arg6[%mul3A_920] : memref<2000xi32, #tpu.memory_space<vmem>> -> memref<1000xi32, #tpu.memory_space<vmem>>
        %dma_start3A_951 = tpu.memref_slice %arg3[%add3A_929] : memref<320000xi32, #tpu.memory_space<hbm>> -> memref<1000xi32, #tpu.memory_space<hbm>>
        %dma_start3A_952 = tpu.memref_slice %arg6[%mul3A_920] : memref<2000xi32, #tpu.memory_space<vmem>> -> memref<1000xi32, #tpu.memory_space<vmem>>
        %dma_start3A_953 = tpu.memref_slice %arg3[%add3A_929] : memref<320000xi32, #tpu.memory_space<hbm>> -> memref<1000xi32, #tpu.memory_space<hbm>>
        tpu.enqueue_dma source(%dma_start3A_953 : memref<1000xi32, #tpu.memory_space<hbm>>) target(%dma_start3A_952 : memref<1000xi32, #tpu.memory_space<vmem>>) target_semaphore(%arg14 : memref<!tpu.dma_semaphore, #tpu.memory_space<semaphore_mem>>)
        %dma_start3A_954 = tpu.memref_slice %arg7[%mul3A_920] : memref<2000xi32, #tpu.memory_space<vmem>> -> memref<1000xi32, #tpu.memory_space<vmem>>
        %dma_start3A_955 = tpu.memref_slice %arg4[%add3A_929] : memref<320000xi32, #tpu.memory_space<hbm>> -> memref<1000xi32, #tpu.memory_space<hbm>>
        %dma_start3A_956 = tpu.memref_slice %arg7[%mul3A_920] : memref<2000xi32, #tpu.memory_space<vmem>> -> memref<1000xi32, #tpu.memory_space<vmem>>
        %dma_start3A_957 = tpu.memref_slice %arg4[%add3A_929] : memref<320000xi32, #tpu.memory_space<hbm>> -> memref<1000xi32, #tpu.memory_space<hbm>>
        tpu.enqueue_dma source(%dma_start3A_957 : memref<1000xi32, #tpu.memory_space<hbm>>) target(%dma_start3A_956 : memref<1000xi32, #tpu.memory_space<vmem>>) target_semaphore(%arg14 : memref<!tpu.dma_semaphore, #tpu.memory_space<semaphore_mem>>)
      } else {
      }
      %scan3A_937 = arith.constant 0 : i32
      %scan3A_938 = arith.constant 0 : i32
      %scan3A_939 = arith.constant 5 : i32
      %scan3A_940 = arith.addi %scan3A_938, %scan3A_939 : i32
      %scan3A_941 = arith.constant 1 : i32
      scf.for %scan3A_950 = %scan3A_938 to %scan3A_940 step %scan3A_941  : i32 {
        %mul3A_951 = arith.constant 6 : i32
        %mul3A_952 = arith.muli %scan3A_950, %mul3A_951 : i32
        %add3A_953 = arith.constant 0 : i32
        %add3A_954 = arith.addi %mul3A_952, %add3A_953 : i32
        %lt3A_955 = arith.constant 25 : i32
        %lt3A_956 = arith.cmpi slt, %add3A_954, %lt3A_955 : i32
        %convert_element_type3A_957 = arith.extui %lt3A_956 : i1 to i32
        %cond3A_958 = arith.constant 0 : i32
        %cond3A_959 = arith.cmpi ne, %convert_element_type3A_957, %cond3A_958 : i32
        scf.if %cond3A_959 {
          %mul3A_1101 = arith.constant 40 : i32
          %mul3A_1102 = arith.muli %add3A_954, %mul3A_1101 : i32
          %add3A_1103 = arith.addi %mul3A_898, %mul3A_1102 : i32
          %dma_wait3A = arith.constant 0 : i32
          %dma_wait3A_1104 = arith.constant 0 : i32
          %dma_wait3A_1105 = arith.constant 0 : i32
          %dma_wait3A_1106 = arith.constant 0 : i32
          %dma_wait3A_1107 = tpu.memref_slice %arg8[%dma_wait3A, %dma_wait3A_1105, %dma_wait3A_1106] : memref<6x40x128xf32, #tpu.memory_space<vmem>> -> memref<1x40x128xf32, #tpu.memory_space<vmem>>
          %dma_wait3A_1108 = tpu.memref_squeeze %dma_wait3A_1107 : memref<1x40x128xf32, #tpu.memory_space<vmem>> -> memref<40x128xf32, #tpu.memory_space<vmem>>
          %dma_wait3A_1109 = tpu.memref_slice %arg6[%add3A_1103] : memref<2000xi32, #tpu.memory_space<vmem>> -> memref<40xi32, #tpu.memory_space<vmem>>
          %dma_wait3A_1110 = arith.constant 0 : i32
          %dma_wait3A_1111 = arith.constant 0 : i32
          %dma_wait3A_1112 = tpu.memref_slice %arg2[%dma_wait3A_1110, %dma_wait3A_1111] : memref<10000x128xf32, #tpu.memory_space<hbm>> -> memref<10000x128xf32, #tpu.memory_space<hbm>>
          %dma_wait3A_1113 = tpu.memref_slice %arg11[%dma_wait3A_1104] : memref<6x!tpu.dma_semaphore, #tpu.memory_space<semaphore_mem>> -> memref<1x!tpu.dma_semaphore, #tpu.memory_space<semaphore_mem>>
          %dma_wait3A_1114 = tpu.memref_squeeze %dma_wait3A_1113 : memref<1x!tpu.dma_semaphore, #tpu.memory_space<semaphore_mem>> -> memref<!tpu.dma_semaphore, #tpu.memory_space<semaphore_mem>>
          tpu.wait_indirect_dma semaphore(%dma_wait3A_1114 : memref<!tpu.dma_semaphore, #tpu.memory_space<semaphore_mem>>) src(%dma_wait3A_1112 : memref<10000x128xf32, #tpu.memory_space<hbm>>) dst(%dma_wait3A_1108 : memref<40x128xf32, #tpu.memory_space<vmem>>)
          %mul3A_1115 = arith.constant 40 : i32
          %mul3A_1116 = arith.muli %add3A_954, %mul3A_1115 : i32
          %add3A_1117 = arith.addi %mul3A_898, %mul3A_1116 : i32
          %dma_start3A_1118 = arith.constant 0 : i32
          %dma_start3A_1119 = arith.constant 0 : i32
          %dma_start3A_1120 = arith.constant 0 : i32
          %dma_start3A_1121 = arith.constant 0 : i32
          %dma_start3A_1122 = tpu.memref_slice %arg8[%dma_start3A_1118, %dma_start3A_1120, %dma_start3A_1121] : memref<6x40x128xf32, #tpu.memory_space<vmem>> -> memref<1x40x128xf32, #tpu.memory_space<vmem>>
          %dma_start3A_1123 = tpu.memref_squeeze %dma_start3A_1122 : memref<1x40x128xf32, #tpu.memory_space<vmem>> -> memref<40x128xf32, #tpu.memory_space<vmem>>
          %dma_start3A_1124 = tpu.memref_slice %arg7[%add3A_1117] : memref<2000xi32, #tpu.memory_space<vmem>> -> memref<40xi32, #tpu.memory_space<vmem>>
          %dma_start3A_1125 = arith.constant 0 : i32
          %dma_start3A_1126 = arith.constant 0 : i32
          %dma_start3A_1127 = tpu.memref_slice %arg10[%dma_start3A_1125, %dma_start3A_1126] : memref<10000x128xf32, #tpu.memory_space<vmem_shared>> -> memref<10000x128xf32, #tpu.memory_space<vmem_shared>>
          %dma_start3A_1128 = tpu.memref_slice %arg12[%dma_start3A_1119] : memref<6x!tpu.dma_semaphore, #tpu.memory_space<semaphore_mem>> -> memref<1x!tpu.dma_semaphore, #tpu.memory_space<semaphore_mem>>
          %dma_start3A_1129 = tpu.memref_squeeze %dma_start3A_1128 : memref<1x!tpu.dma_semaphore, #tpu.memory_space<semaphore_mem>> -> memref<!tpu.dma_semaphore, #tpu.memory_space<semaphore_mem>>
          tpu.enqueue_indirect_dma source(%dma_start3A_1123 : memref<40x128xf32, #tpu.memory_space<vmem>>) target(%dma_start3A_1127 : memref<10000x128xf32, #tpu.memory_space<vmem_shared>>) offsets(%dma_start3A_1124 : memref<40xi32, #tpu.memory_space<vmem>>) semaphore(%dma_start3A_1129 : memref<!tpu.dma_semaphore, #tpu.memory_space<semaphore_mem>>) {add = true}
        } else {
        }
        %mul3A_960 = arith.constant 6 : i32
        %mul3A_961 = arith.muli %scan3A_950, %mul3A_960 : i32
        %add3A_962 = arith.constant 1 : i32
        %add3A_963 = arith.addi %mul3A_961, %add3A_962 : i32
        %lt3A_964 = arith.constant 25 : i32
        %lt3A_965 = arith.cmpi slt, %add3A_963, %lt3A_964 : i32
        %convert_element_type3A_966 = arith.extui %lt3A_965 : i1 to i32
        %cond3A_967 = arith.constant 0 : i32
        %cond3A_968 = arith.cmpi ne, %convert_element_type3A_966, %cond3A_967 : i32
        scf.if %cond3A_968 {
          %mul3A_1101 = arith.constant 40 : i32
          %mul3A_1102 = arith.muli %add3A_963, %mul3A_1101 : i32
          %add3A_1103 = arith.addi %mul3A_898, %mul3A_1102 : i32
          %dma_wait3A = arith.constant 1 : i32
          %dma_wait3A_1104 = arith.constant 1 : i32
          %dma_wait3A_1105 = arith.constant 0 : i32
          %dma_wait3A_1106 = arith.constant 0 : i32
          %dma_wait3A_1107 = tpu.memref_slice %arg8[%dma_wait3A, %dma_wait3A_1105, %dma_wait3A_1106] : memref<6x40x128xf32, #tpu.memory_space<vmem>> -> memref<1x40x128xf32, #tpu.memory_space<vmem>>
          %dma_wait3A_1108 = tpu.memref_squeeze %dma_wait3A_1107 : memref<1x40x128xf32, #tpu.memory_space<vmem>> -> memref<40x128xf32, #tpu.memory_space<vmem>>
          %dma_wait3A_1109 = tpu.memref_slice %arg6[%add3A_1103] : memref<2000xi32, #tpu.memory_space<vmem>> -> memref<40xi32, #tpu.memory_space<vmem>>
          %dma_wait3A_1110 = arith.constant 0 : i32
          %dma_wait3A_1111 = arith.constant 0 : i32
          %dma_wait3A_1112 = tpu.memref_slice %arg2[%dma_wait3A_1110, %dma_wait3A_1111] : memref<10000x128xf32, #tpu.memory_space<hbm>> -> memref<10000x128xf32, #tpu.memory_space<hbm>>
          %dma_wait3A_1113 = tpu.memref_slice %arg11[%dma_wait3A_1104] : memref<6x!tpu.dma_semaphore, #tpu.memory_space<semaphore_mem>> -> memref<1x!tpu.dma_semaphore, #tpu.memory_space<semaphore_mem>>
          %dma_wait3A_1114 = tpu.memref_squeeze %dma_wait3A_1113 : memref<1x!tpu.dma_semaphore, #tpu.memory_space<semaphore_mem>> -> memref<!tpu.dma_semaphore, #tpu.memory_space<semaphore_mem>>
          tpu.wait_indirect_dma semaphore(%dma_wait3A_1114 : memref<!tpu.dma_semaphore, #tpu.memory_space<semaphore_mem>>) src(%dma_wait3A_1112 : memref<10000x128xf32, #tpu.memory_space<hbm>>) dst(%dma_wait3A_1108 : memref<40x128xf32, #tpu.memory_space<vmem>>)
          %mul3A_1115 = arith.constant 40 : i32
          %mul3A_1116 = arith.muli %add3A_963, %mul3A_1115 : i32
          %add3A_1117 = arith.addi %mul3A_898, %mul3A_1116 : i32
          %dma_start3A_1118 = arith.constant 1 : i32
          %dma_start3A_1119 = arith.constant 1 : i32
          %dma_start3A_1120 = arith.constant 0 : i32
          %dma_start3A_1121 = arith.constant 0 : i32
          %dma_start3A_1122 = tpu.memref_slice %arg8[%dma_start3A_1118, %dma_start3A_1120, %dma_start3A_1121] : memref<6x40x128xf32, #tpu.memory_space<vmem>> -> memref<1x40x128xf32, #tpu.memory_space<vmem>>
          %dma_start3A_1123 = tpu.memref_squeeze %dma_start3A_1122 : memref<1x40x128xf32, #tpu.memory_space<vmem>> -> memref<40x128xf32, #tpu.memory_space<vmem>>
          %dma_start3A_1124 = tpu.memref_slice %arg7[%add3A_1117] : memref<2000xi32, #tpu.memory_space<vmem>> -> memref<40xi32, #tpu.memory_space<vmem>>
          %dma_start3A_1125 = arith.constant 0 : i32
          %dma_start3A_1126 = arith.constant 0 : i32
          %dma_start3A_1127 = tpu.memref_slice %arg10[%dma_start3A_1125, %dma_start3A_1126] : memref<10000x128xf32, #tpu.memory_space<vmem_shared>> -> memref<10000x128xf32, #tpu.memory_space<vmem_shared>>
          %dma_start3A_1128 = tpu.memref_slice %arg12[%dma_start3A_1119] : memref<6x!tpu.dma_semaphore, #tpu.memory_space<semaphore_mem>> -> memref<1x!tpu.dma_semaphore, #tpu.memory_space<semaphore_mem>>
          %dma_start3A_1129 = tpu.memref_squeeze %dma_start3A_1128 : memref<1x!tpu.dma_semaphore, #tpu.memory_space<semaphore_mem>> -> memref<!tpu.dma_semaphore, #tpu.memory_space<semaphore_mem>>
          tpu.enqueue_indirect_dma source(%dma_start3A_1123 : memref<40x128xf32, #tpu.memory_space<vmem>>) target(%dma_start3A_1127 : memref<10000x128xf32, #tpu.memory_space<vmem_shared>>) offsets(%dma_start3A_1124 : memref<40xi32, #tpu.memory_space<vmem>>) semaphore(%dma_start3A_1129 : memref<!tpu.dma_semaphore, #tpu.memory_space<semaphore_mem>>) {add = true}
        } else {
        }
        %mul3A_969 = arith.constant 6 : i32
        %mul3A_970 = arith.muli %scan3A_950, %mul3A_969 : i32
        %add3A_971 = arith.constant 2 : i32
        %add3A_972 = arith.addi %mul3A_970, %add3A_971 : i32
        %lt3A_973 = arith.constant 25 : i32
        %lt3A_974 = arith.cmpi slt, %add3A_972, %lt3A_973 : i32
        %convert_element_type3A_975 = arith.extui %lt3A_974 : i1 to i32
        %cond3A_976 = arith.constant 0 : i32
        %cond3A_977 = arith.cmpi ne, %convert_element_type3A_975, %cond3A_976 : i32
        scf.if %cond3A_977 {
          %mul3A_1101 = arith.constant 40 : i32
          %mul3A_1102 = arith.muli %add3A_972, %mul3A_1101 : i32
          %add3A_1103 = arith.addi %mul3A_898, %mul3A_1102 : i32
          %dma_wait3A = arith.constant 2 : i32
          %dma_wait3A_1104 = arith.constant 2 : i32
          %dma_wait3A_1105 = arith.constant 0 : i32
          %dma_wait3A_1106 = arith.constant 0 : i32
          %dma_wait3A_1107 = tpu.memref_slice %arg8[%dma_wait3A, %dma_wait3A_1105, %dma_wait3A_1106] : memref<6x40x128xf32, #tpu.memory_space<vmem>> -> memref<1x40x128xf32, #tpu.memory_space<vmem>>
          %dma_wait3A_1108 = tpu.memref_squeeze %dma_wait3A_1107 : memref<1x40x128xf32, #tpu.memory_space<vmem>> -> memref<40x128xf32, #tpu.memory_space<vmem>>
          %dma_wait3A_1109 = tpu.memref_slice %arg6[%add3A_1103] : memref<2000xi32, #tpu.memory_space<vmem>> -> memref<40xi32, #tpu.memory_space<vmem>>
          %dma_wait3A_1110 = arith.constant 0 : i32
          %dma_wait3A_1111 = arith.constant 0 : i32
          %dma_wait3A_1112 = tpu.memref_slice %arg2[%dma_wait3A_1110, %dma_wait3A_1111] : memref<10000x128xf32, #tpu.memory_space<hbm>> -> memref<10000x128xf32, #tpu.memory_space<hbm>>
          %dma_wait3A_1113 = tpu.memref_slice %arg11[%dma_wait3A_1104] : memref<6x!tpu.dma_semaphore, #tpu.memory_space<semaphore_mem>> -> memref<1x!tpu.dma_semaphore, #tpu.memory_space<semaphore_mem>>
          %dma_wait3A_1114 = tpu.memref_squeeze %dma_wait3A_1113 : memref<1x!tpu.dma_semaphore, #tpu.memory_space<semaphore_mem>> -> memref<!tpu.dma_semaphore, #tpu.memory_space<semaphore_mem>>
          tpu.wait_indirect_dma semaphore(%dma_wait3A_1114 : memref<!tpu.dma_semaphore, #tpu.memory_space<semaphore_mem>>) src(%dma_wait3A_1112 : memref<10000x128xf32, #tpu.memory_space<hbm>>) dst(%dma_wait3A_1108 : memref<40x128xf32, #tpu.memory_space<vmem>>)
          %mul3A_1115 = arith.constant 40 : i32
          %mul3A_1116 = arith.muli %add3A_972, %mul3A_1115 : i32
          %add3A_1117 = arith.addi %mul3A_898, %mul3A_1116 : i32
          %dma_start3A_1118 = arith.constant 2 : i32
          %dma_start3A_1119 = arith.constant 2 : i32
          %dma_start3A_1120 = arith.constant 0 : i32
          %dma_start3A_1121 = arith.constant 0 : i32
          %dma_start3A_1122 = tpu.memref_slice %arg8[%dma_start3A_1118, %dma_start3A_1120, %dma_start3A_1121] : memref<6x40x128xf32, #tpu.memory_space<vmem>> -> memref<1x40x128xf32, #tpu.memory_space<vmem>>
          %dma_start3A_1123 = tpu.memref_squeeze %dma_start3A_1122 : memref<1x40x128xf32, #tpu.memory_space<vmem>> -> memref<40x128xf32, #tpu.memory_space<vmem>>
          %dma_start3A_1124 = tpu.memref_slice %arg7[%add3A_1117] : memref<2000xi32, #tpu.memory_space<vmem>> -> memref<40xi32, #tpu.memory_space<vmem>>
          %dma_start3A_1125 = arith.constant 0 : i32
          %dma_start3A_1126 = arith.constant 0 : i32
          %dma_start3A_1127 = tpu.memref_slice %arg10[%dma_start3A_1125, %dma_start3A_1126] : memref<10000x128xf32, #tpu.memory_space<vmem_shared>> -> memref<10000x128xf32, #tpu.memory_space<vmem_shared>>
          %dma_start3A_1128 = tpu.memref_slice %arg12[%dma_start3A_1119] : memref<6x!tpu.dma_semaphore, #tpu.memory_space<semaphore_mem>> -> memref<1x!tpu.dma_semaphore, #tpu.memory_space<semaphore_mem>>
          %dma_start3A_1129 = tpu.memref_squeeze %dma_start3A_1128 : memref<1x!tpu.dma_semaphore, #tpu.memory_space<semaphore_mem>> -> memref<!tpu.dma_semaphore, #tpu.memory_space<semaphore_mem>>
          tpu.enqueue_indirect_dma source(%dma_start3A_1123 : memref<40x128xf32, #tpu.memory_space<vmem>>) target(%dma_start3A_1127 : memref<10000x128xf32, #tpu.memory_space<vmem_shared>>) offsets(%dma_start3A_1124 : memref<40xi32, #tpu.memory_space<vmem>>) semaphore(%dma_start3A_1129 : memref<!tpu.dma_semaphore, #tpu.memory_space<semaphore_mem>>) {add = true}
        } else {
        }
        %mul3A_978 = arith.constant 6 : i32
        %mul3A_979 = arith.muli %scan3A_950, %mul3A_978 : i32
        %add3A_980 = arith.constant 3 : i32
        %add3A_981 = arith.addi %mul3A_979, %add3A_980 : i32
        %lt3A_982 = arith.constant 25 : i32
        %lt3A_983 = arith.cmpi slt, %add3A_981, %lt3A_982 : i32
        %convert_element_type3A_984 = arith.extui %lt3A_983 : i1 to i32
        %cond3A_985 = arith.constant 0 : i32
        %cond3A_986 = arith.cmpi ne, %convert_element_type3A_984, %cond3A_985 : i32
        scf.if %cond3A_986 {
          %mul3A_1101 = arith.constant 40 : i32
          %mul3A_1102 = arith.muli %add3A_981, %mul3A_1101 : i32
          %add3A_1103 = arith.addi %mul3A_898, %mul3A_1102 : i32
          %dma_wait3A = arith.constant 3 : i32
          %dma_wait3A_1104 = arith.constant 3 : i32
          %dma_wait3A_1105 = arith.constant 0 : i32
          %dma_wait3A_1106 = arith.constant 0 : i32
          %dma_wait3A_1107 = tpu.memref_slice %arg8[%dma_wait3A, %dma_wait3A_1105, %dma_wait3A_1106] : memref<6x40x128xf32, #tpu.memory_space<vmem>> -> memref<1x40x128xf32, #tpu.memory_space<vmem>>
          %dma_wait3A_1108 = tpu.memref_squeeze %dma_wait3A_1107 : memref<1x40x128xf32, #tpu.memory_space<vmem>> -> memref<40x128xf32, #tpu.memory_space<vmem>>
          %dma_wait3A_1109 = tpu.memref_slice %arg6[%add3A_1103] : memref<2000xi32, #tpu.memory_space<vmem>> -> memref<40xi32, #tpu.memory_space<vmem>>
          %dma_wait3A_1110 = arith.constant 0 : i32
          %dma_wait3A_1111 = arith.constant 0 : i32
          %dma_wait3A_1112 = tpu.memref_slice %arg2[%dma_wait3A_1110, %dma_wait3A_1111] : memref<10000x128xf32, #tpu.memory_space<hbm>> -> memref<10000x128xf32, #tpu.memory_space<hbm>>
          %dma_wait3A_1113 = tpu.memref_slice %arg11[%dma_wait3A_1104] : memref<6x!tpu.dma_semaphore, #tpu.memory_space<semaphore_mem>> -> memref<1x!tpu.dma_semaphore, #tpu.memory_space<semaphore_mem>>
          %dma_wait3A_1114 = tpu.memref_squeeze %dma_wait3A_1113 : memref<1x!tpu.dma_semaphore, #tpu.memory_space<semaphore_mem>> -> memref<!tpu.dma_semaphore, #tpu.memory_space<semaphore_mem>>
          tpu.wait_indirect_dma semaphore(%dma_wait3A_1114 : memref<!tpu.dma_semaphore, #tpu.memory_space<semaphore_mem>>) src(%dma_wait3A_1112 : memref<10000x128xf32, #tpu.memory_space<hbm>>) dst(%dma_wait3A_1108 : memref<40x128xf32, #tpu.memory_space<vmem>>)
          %mul3A_1115 = arith.constant 40 : i32
          %mul3A_1116 = arith.muli %add3A_981, %mul3A_1115 : i32
          %add3A_1117 = arith.addi %mul3A_898, %mul3A_1116 : i32
          %dma_start3A_1118 = arith.constant 3 : i32
          %dma_start3A_1119 = arith.constant 3 : i32
          %dma_start3A_1120 = arith.constant 0 : i32
          %dma_start3A_1121 = arith.constant 0 : i32
          %dma_start3A_1122 = tpu.memref_slice %arg8[%dma_start3A_1118, %dma_start3A_1120, %dma_start3A_1121] : memref<6x40x128xf32, #tpu.memory_space<vmem>> -> memref<1x40x128xf32, #tpu.memory_space<vmem>>
          %dma_start3A_1123 = tpu.memref_squeeze %dma_start3A_1122 : memref<1x40x128xf32, #tpu.memory_space<vmem>> -> memref<40x128xf32, #tpu.memory_space<vmem>>
          %dma_start3A_1124 = tpu.memref_slice %arg7[%add3A_1117] : memref<2000xi32, #tpu.memory_space<vmem>> -> memref<40xi32, #tpu.memory_space<vmem>>
          %dma_start3A_1125 = arith.constant 0 : i32
          %dma_start3A_1126 = arith.constant 0 : i32
          %dma_start3A_1127 = tpu.memref_slice %arg10[%dma_start3A_1125, %dma_start3A_1126] : memref<10000x128xf32, #tpu.memory_space<vmem_shared>> -> memref<10000x128xf32, #tpu.memory_space<vmem_shared>>
          %dma_start3A_1128 = tpu.memref_slice %arg12[%dma_start3A_1119] : memref<6x!tpu.dma_semaphore, #tpu.memory_space<semaphore_mem>> -> memref<1x!tpu.dma_semaphore, #tpu.memory_space<semaphore_mem>>
          %dma_start3A_1129 = tpu.memref_squeeze %dma_start3A_1128 : memref<1x!tpu.dma_semaphore, #tpu.memory_space<semaphore_mem>> -> memref<!tpu.dma_semaphore, #tpu.memory_space<semaphore_mem>>
          tpu.enqueue_indirect_dma source(%dma_start3A_1123 : memref<40x128xf32, #tpu.memory_space<vmem>>) target(%dma_start3A_1127 : memref<10000x128xf32, #tpu.memory_space<vmem_shared>>) offsets(%dma_start3A_1124 : memref<40xi32, #tpu.memory_space<vmem>>) semaphore(%dma_start3A_1129 : memref<!tpu.dma_semaphore, #tpu.memory_space<semaphore_mem>>) {add = true}
        } else {
        }
        %mul3A_987 = arith.constant 6 : i32
        %mul3A_988 = arith.muli %scan3A_950, %mul3A_987 : i32
        %add3A_989 = arith.constant 4 : i32
        %add3A_990 = arith.addi %mul3A_988, %add3A_989 : i32
        %lt3A_991 = arith.constant 25 : i32
        %lt3A_992 = arith.cmpi slt, %add3A_990, %lt3A_991 : i32
        %convert_element_type3A_993 = arith.extui %lt3A_992 : i1 to i32
        %cond3A_994 = arith.constant 0 : i32
        %cond3A_995 = arith.cmpi ne, %convert_element_type3A_993, %cond3A_994 : i32
        scf.if %cond3A_995 {
          %mul3A_1101 = arith.constant 40 : i32
          %mul3A_1102 = arith.muli %add3A_990, %mul3A_1101 : i32
          %add3A_1103 = arith.addi %mul3A_898, %mul3A_1102 : i32
          %dma_wait3A = arith.constant 4 : i32
          %dma_wait3A_1104 = arith.constant 4 : i32
          %dma_wait3A_1105 = arith.constant 0 : i32
          %dma_wait3A_1106 = arith.constant 0 : i32
          %dma_wait3A_1107 = tpu.memref_slice %arg8[%dma_wait3A, %dma_wait3A_1105, %dma_wait3A_1106] : memref<6x40x128xf32, #tpu.memory_space<vmem>> -> memref<1x40x128xf32, #tpu.memory_space<vmem>>
          %dma_wait3A_1108 = tpu.memref_squeeze %dma_wait3A_1107 : memref<1x40x128xf32, #tpu.memory_space<vmem>> -> memref<40x128xf32, #tpu.memory_space<vmem>>
          %dma_wait3A_1109 = tpu.memref_slice %arg6[%add3A_1103] : memref<2000xi32, #tpu.memory_space<vmem>> -> memref<40xi32, #tpu.memory_space<vmem>>
          %dma_wait3A_1110 = arith.constant 0 : i32
          %dma_wait3A_1111 = arith.constant 0 : i32
          %dma_wait3A_1112 = tpu.memref_slice %arg2[%dma_wait3A_1110, %dma_wait3A_1111] : memref<10000x128xf32, #tpu.memory_space<hbm>> -> memref<10000x128xf32, #tpu.memory_space<hbm>>
          %dma_wait3A_1113 = tpu.memref_slice %arg11[%dma_wait3A_1104] : memref<6x!tpu.dma_semaphore, #tpu.memory_space<semaphore_mem>> -> memref<1x!tpu.dma_semaphore, #tpu.memory_space<semaphore_mem>>
          %dma_wait3A_1114 = tpu.memref_squeeze %dma_wait3A_1113 : memref<1x!tpu.dma_semaphore, #tpu.memory_space<semaphore_mem>> -> memref<!tpu.dma_semaphore, #tpu.memory_space<semaphore_mem>>
          tpu.wait_indirect_dma semaphore(%dma_wait3A_1114 : memref<!tpu.dma_semaphore, #tpu.memory_space<semaphore_mem>>) src(%dma_wait3A_1112 : memref<10000x128xf32, #tpu.memory_space<hbm>>) dst(%dma_wait3A_1108 : memref<40x128xf32, #tpu.memory_space<vmem>>)
          %mul3A_1115 = arith.constant 40 : i32
          %mul3A_1116 = arith.muli %add3A_990, %mul3A_1115 : i32
          %add3A_1117 = arith.addi %mul3A_898, %mul3A_1116 : i32
          %dma_start3A_1118 = arith.constant 4 : i32
          %dma_start3A_1119 = arith.constant 4 : i32
          %dma_start3A_1120 = arith.constant 0 : i32
          %dma_start3A_1121 = arith.constant 0 : i32
          %dma_start3A_1122 = tpu.memref_slice %arg8[%dma_start3A_1118, %dma_start3A_1120, %dma_start3A_1121] : memref<6x40x128xf32, #tpu.memory_space<vmem>> -> memref<1x40x128xf32, #tpu.memory_space<vmem>>
          %dma_start3A_1123 = tpu.memref_squeeze %dma_start3A_1122 : memref<1x40x128xf32, #tpu.memory_space<vmem>> -> memref<40x128xf32, #tpu.memory_space<vmem>>
          %dma_start3A_1124 = tpu.memref_slice %arg7[%add3A_1117] : memref<2000xi32, #tpu.memory_space<vmem>> -> memref<40xi32, #tpu.memory_space<vmem>>
          %dma_start3A_1125 = arith.constant 0 : i32
          %dma_start3A_1126 = arith.constant 0 : i32
          %dma_start3A_1127 = tpu.memref_slice %arg10[%dma_start3A_1125, %dma_start3A_1126] : memref<10000x128xf32, #tpu.memory_space<vmem_shared>> -> memref<10000x128xf32, #tpu.memory_space<vmem_shared>>
          %dma_start3A_1128 = tpu.memref_slice %arg12[%dma_start3A_1119] : memref<6x!tpu.dma_semaphore, #tpu.memory_space<semaphore_mem>> -> memref<1x!tpu.dma_semaphore, #tpu.memory_space<semaphore_mem>>
          %dma_start3A_1129 = tpu.memref_squeeze %dma_start3A_1128 : memref<1x!tpu.dma_semaphore, #tpu.memory_space<semaphore_mem>> -> memref<!tpu.dma_semaphore, #tpu.memory_space<semaphore_mem>>
          tpu.enqueue_indirect_dma source(%dma_start3A_1123 : memref<40x128xf32, #tpu.memory_space<vmem>>) target(%dma_start3A_1127 : memref<10000x128xf32, #tpu.memory_space<vmem_shared>>) offsets(%dma_start3A_1124 : memref<40xi32, #tpu.memory_space<vmem>>) semaphore(%dma_start3A_1129 : memref<!tpu.dma_semaphore, #tpu.memory_space<semaphore_mem>>) {add = true}
        } else {
        }
        %mul3A_996 = arith.constant 6 : i32
        %mul3A_997 = arith.muli %scan3A_950, %mul3A_996 : i32
        %add3A_998 = arith.constant 5 : i32
        %add3A_999 = arith.addi %mul3A_997, %add3A_998 : i32
        %lt3A_1000 = arith.constant 25 : i32
        %lt3A_1001 = arith.cmpi slt, %add3A_999, %lt3A_1000 : i32
        %convert_element_type3A_1002 = arith.extui %lt3A_1001 : i1 to i32
        %cond3A_1003 = arith.constant 0 : i32
        %cond3A_1004 = arith.cmpi ne, %convert_element_type3A_1002, %cond3A_1003 : i32
        scf.if %cond3A_1004 {
          %mul3A_1101 = arith.constant 40 : i32
          %mul3A_1102 = arith.muli %add3A_999, %mul3A_1101 : i32
          %add3A_1103 = arith.addi %mul3A_898, %mul3A_1102 : i32
          %dma_wait3A = arith.constant 5 : i32
          %dma_wait3A_1104 = arith.constant 5 : i32
          %dma_wait3A_1105 = arith.constant 0 : i32
          %dma_wait3A_1106 = arith.constant 0 : i32
          %dma_wait3A_1107 = tpu.memref_slice %arg8[%dma_wait3A, %dma_wait3A_1105, %dma_wait3A_1106] : memref<6x40x128xf32, #tpu.memory_space<vmem>> -> memref<1x40x128xf32, #tpu.memory_space<vmem>>
          %dma_wait3A_1108 = tpu.memref_squeeze %dma_wait3A_1107 : memref<1x40x128xf32, #tpu.memory_space<vmem>> -> memref<40x128xf32, #tpu.memory_space<vmem>>
          %dma_wait3A_1109 = tpu.memref_slice %arg6[%add3A_1103] : memref<2000xi32, #tpu.memory_space<vmem>> -> memref<40xi32, #tpu.memory_space<vmem>>
          %dma_wait3A_1110 = arith.constant 0 : i32
          %dma_wait3A_1111 = arith.constant 0 : i32
          %dma_wait3A_1112 = tpu.memref_slice %arg2[%dma_wait3A_1110, %dma_wait3A_1111] : memref<10000x128xf32, #tpu.memory_space<hbm>> -> memref<10000x128xf32, #tpu.memory_space<hbm>>
          %dma_wait3A_1113 = tpu.memref_slice %arg11[%dma_wait3A_1104] : memref<6x!tpu.dma_semaphore, #tpu.memory_space<semaphore_mem>> -> memref<1x!tpu.dma_semaphore, #tpu.memory_space<semaphore_mem>>
          %dma_wait3A_1114 = tpu.memref_squeeze %dma_wait3A_1113 : memref<1x!tpu.dma_semaphore, #tpu.memory_space<semaphore_mem>> -> memref<!tpu.dma_semaphore, #tpu.memory_space<semaphore_mem>>
          tpu.wait_indirect_dma semaphore(%dma_wait3A_1114 : memref<!tpu.dma_semaphore, #tpu.memory_space<semaphore_mem>>) src(%dma_wait3A_1112 : memref<10000x128xf32, #tpu.memory_space<hbm>>) dst(%dma_wait3A_1108 : memref<40x128xf32, #tpu.memory_space<vmem>>)
          %mul3A_1115 = arith.constant 40 : i32
          %mul3A_1116 = arith.muli %add3A_999, %mul3A_1115 : i32
          %add3A_1117 = arith.addi %mul3A_898, %mul3A_1116 : i32
          %dma_start3A_1118 = arith.constant 5 : i32
          %dma_start3A_1119 = arith.constant 5 : i32
          %dma_start3A_1120 = arith.constant 0 : i32
          %dma_start3A_1121 = arith.constant 0 : i32
          %dma_start3A_1122 = tpu.memref_slice %arg8[%dma_start3A_1118, %dma_start3A_1120, %dma_start3A_1121] : memref<6x40x128xf32, #tpu.memory_space<vmem>> -> memref<1x40x128xf32, #tpu.memory_space<vmem>>
          %dma_start3A_1123 = tpu.memref_squeeze %dma_start3A_1122 : memref<1x40x128xf32, #tpu.memory_space<vmem>> -> memref<40x128xf32, #tpu.memory_space<vmem>>
          %dma_start3A_1124 = tpu.memref_slice %arg7[%add3A_1117] : memref<2000xi32, #tpu.memory_space<vmem>> -> memref<40xi32, #tpu.memory_space<vmem>>
          %dma_start3A_1125 = arith.constant 0 : i32
          %dma_start3A_1126 = arith.constant 0 : i32
          %dma_start3A_1127 = tpu.memref_slice %arg10[%dma_start3A_1125, %dma_start3A_1126] : memref<10000x128xf32, #tpu.memory_space<vmem_shared>> -> memref<10000x128xf32, #tpu.memory_space<vmem_shared>>
          %dma_start3A_1128 = tpu.memref_slice %arg12[%dma_start3A_1119] : memref<6x!tpu.dma_semaphore, #tpu.memory_space<semaphore_mem>> -> memref<1x!tpu.dma_semaphore, #tpu.memory_space<semaphore_mem>>
          %dma_start3A_1129 = tpu.memref_squeeze %dma_start3A_1128 : memref<1x!tpu.dma_semaphore, #tpu.memory_space<semaphore_mem>> -> memref<!tpu.dma_semaphore, #tpu.memory_space<semaphore_mem>>
          tpu.enqueue_indirect_dma source(%dma_start3A_1123 : memref<40x128xf32, #tpu.memory_space<vmem>>) target(%dma_start3A_1127 : memref<10000x128xf32, #tpu.memory_space<vmem_shared>>) offsets(%dma_start3A_1124 : memref<40xi32, #tpu.memory_space<vmem>>) semaphore(%dma_start3A_1129 : memref<!tpu.dma_semaphore, #tpu.memory_space<semaphore_mem>>) {add = true}
        } else {
        }
        %mul3A_1005 = arith.constant 6 : i32
        %mul3A_1006 = arith.muli %scan3A_950, %mul3A_1005 : i32
        %add3A_1007 = arith.constant 0 : i32
        %add3A_1008 = arith.addi %mul3A_1006, %add3A_1007 : i32
        %lt3A_1009 = arith.constant 25 : i32
        %lt3A_1010 = arith.cmpi slt, %add3A_1008, %lt3A_1009 : i32
        %convert_element_type3A_1011 = arith.extui %lt3A_1010 : i1 to i32
        %cond3A_1012 = arith.constant 0 : i32
        %cond3A_1013 = arith.cmpi ne, %convert_element_type3A_1011, %cond3A_1012 : i32
        scf.if %cond3A_1013 {
          %mul3A_1101 = arith.constant 40 : i32
          %mul3A_1102 = arith.muli %add3A_1008, %mul3A_1101 : i32
          %add3A_1103 = arith.addi %mul3A_898, %mul3A_1102 : i32
          %dma_wait3A = arith.constant 0 : i32
          %dma_wait3A_1104 = arith.constant 0 : i32
          %dma_wait3A_1105 = arith.constant 0 : i32
          %dma_wait3A_1106 = arith.constant 0 : i32
          %dma_wait3A_1107 = tpu.memref_slice %arg8[%dma_wait3A, %dma_wait3A_1105, %dma_wait3A_1106] : memref<6x40x128xf32, #tpu.memory_space<vmem>> -> memref<1x40x128xf32, #tpu.memory_space<vmem>>
          %dma_wait3A_1108 = tpu.memref_squeeze %dma_wait3A_1107 : memref<1x40x128xf32, #tpu.memory_space<vmem>> -> memref<40x128xf32, #tpu.memory_space<vmem>>
          %dma_wait3A_1109 = tpu.memref_slice %arg7[%add3A_1103] : memref<2000xi32, #tpu.memory_space<vmem>> -> memref<40xi32, #tpu.memory_space<vmem>>
          %dma_wait3A_1110 = arith.constant 0 : i32
          %dma_wait3A_1111 = arith.constant 0 : i32
          %dma_wait3A_1112 = tpu.memref_slice %arg10[%dma_wait3A_1110, %dma_wait3A_1111] : memref<10000x128xf32, #tpu.memory_space<vmem_shared>> -> memref<10000x128xf32, #tpu.memory_space<vmem_shared>>
          %dma_wait3A_1113 = tpu.memref_slice %arg12[%dma_wait3A_1104] : memref<6x!tpu.dma_semaphore, #tpu.memory_space<semaphore_mem>> -> memref<1x!tpu.dma_semaphore, #tpu.memory_space<semaphore_mem>>
          %dma_wait3A_1114 = tpu.memref_squeeze %dma_wait3A_1113 : memref<1x!tpu.dma_semaphore, #tpu.memory_space<semaphore_mem>> -> memref<!tpu.dma_semaphore, #tpu.memory_space<semaphore_mem>>
          tpu.wait_indirect_dma semaphore(%dma_wait3A_1114 : memref<!tpu.dma_semaphore, #tpu.memory_space<semaphore_mem>>) src(%dma_wait3A_1108 : memref<40x128xf32, #tpu.memory_space<vmem>>) dst(%dma_wait3A_1112 : memref<10000x128xf32, #tpu.memory_space<vmem_shared>>)
        } else {
        }
        %add3A_1014 = arith.constant 6 : i32
        %add3A_1015 = arith.addi %add3A_1008, %add3A_1014 : i32
        %lt3A_1016 = arith.constant 25 : i32
        %lt3A_1017 = arith.cmpi slt, %add3A_1015, %lt3A_1016 : i32
        %convert_element_type3A_1018 = arith.extui %lt3A_1017 : i1 to i32
        %cond3A_1019 = arith.constant 0 : i32
        %cond3A_1020 = arith.cmpi ne, %convert_element_type3A_1018, %cond3A_1019 : i32
        scf.if %cond3A_1020 {
          %add3A_1101 = arith.constant 6 : i32
          %add3A_1102 = arith.addi %add3A_1008, %add3A_1101 : i32
          %mul3A_1103 = arith.constant 40 : i32
          %mul3A_1104 = arith.muli %add3A_1102, %mul3A_1103 : i32
          %add3A_1105 = arith.addi %mul3A_898, %mul3A_1104 : i32
          %dma_start3A_1106 = arith.constant 0 : i32
          %dma_start3A_1107 = arith.constant 0 : i32
          %dma_start3A_1108 = arith.constant 0 : i32
          %dma_start3A_1109 = arith.constant 0 : i32
          %dma_start3A_1110 = tpu.memref_slice %arg8[%dma_start3A_1106, %dma_start3A_1108, %dma_start3A_1109] : memref<6x40x128xf32, #tpu.memory_space<vmem>> -> memref<1x40x128xf32, #tpu.memory_space<vmem>>
          %dma_start3A_1111 = tpu.memref_squeeze %dma_start3A_1110 : memref<1x40x128xf32, #tpu.memory_space<vmem>> -> memref<40x128xf32, #tpu.memory_space<vmem>>
          %dma_start3A_1112 = tpu.memref_slice %arg6[%add3A_1105] : memref<2000xi32, #tpu.memory_space<vmem>> -> memref<40xi32, #tpu.memory_space<vmem>>
          %dma_start3A_1113 = arith.constant 0 : i32
          %dma_start3A_1114 = arith.constant 0 : i32
          %dma_start3A_1115 = tpu.memref_slice %arg2[%dma_start3A_1113, %dma_start3A_1114] : memref<10000x128xf32, #tpu.memory_space<hbm>> -> memref<10000x128xf32, #tpu.memory_space<hbm>>
          %dma_start3A_1116 = tpu.memref_slice %arg11[%dma_start3A_1107] : memref<6x!tpu.dma_semaphore, #tpu.memory_space<semaphore_mem>> -> memref<1x!tpu.dma_semaphore, #tpu.memory_space<semaphore_mem>>
          %dma_start3A_1117 = tpu.memref_squeeze %dma_start3A_1116 : memref<1x!tpu.dma_semaphore, #tpu.memory_space<semaphore_mem>> -> memref<!tpu.dma_semaphore, #tpu.memory_space<semaphore_mem>>
          tpu.enqueue_indirect_dma source(%dma_start3A_1115 : memref<10000x128xf32, #tpu.memory_space<hbm>>) target(%dma_start3A_1111 : memref<40x128xf32, #tpu.memory_space<vmem>>) offsets(%dma_start3A_1112 : memref<40xi32, #tpu.memory_space<vmem>>) semaphore(%dma_start3A_1117 : memref<!tpu.dma_semaphore, #tpu.memory_space<semaphore_mem>>)
        } else {
        }
        %mul3A_1021 = arith.constant 6 : i32
        %mul3A_1022 = arith.muli %scan3A_950, %mul3A_1021 : i32
        %add3A_1023 = arith.constant 1 : i32
        %add3A_1024 = arith.addi %mul3A_1022, %add3A_1023 : i32
        %lt3A_1025 = arith.constant 25 : i32
        %lt3A_1026 = arith.cmpi slt, %add3A_1024, %lt3A_1025 : i32
        %convert_element_type3A_1027 = arith.extui %lt3A_1026 : i1 to i32
        %cond3A_1028 = arith.constant 0 : i32
        %cond3A_1029 = arith.cmpi ne, %convert_element_type3A_1027, %cond3A_1028 : i32
        scf.if %cond3A_1029 {
          %mul3A_1101 = arith.constant 40 : i32
          %mul3A_1102 = arith.muli %add3A_1024, %mul3A_1101 : i32
          %add3A_1103 = arith.addi %mul3A_898, %mul3A_1102 : i32
          %dma_wait3A = arith.constant 1 : i32
          %dma_wait3A_1104 = arith.constant 1 : i32
          %dma_wait3A_1105 = arith.constant 0 : i32
          %dma_wait3A_1106 = arith.constant 0 : i32
          %dma_wait3A_1107 = tpu.memref_slice %arg8[%dma_wait3A, %dma_wait3A_1105, %dma_wait3A_1106] : memref<6x40x128xf32, #tpu.memory_space<vmem>> -> memref<1x40x128xf32, #tpu.memory_space<vmem>>
          %dma_wait3A_1108 = tpu.memref_squeeze %dma_wait3A_1107 : memref<1x40x128xf32, #tpu.memory_space<vmem>> -> memref<40x128xf32, #tpu.memory_space<vmem>>
          %dma_wait3A_1109 = tpu.memref_slice %arg7[%add3A_1103] : memref<2000xi32, #tpu.memory_space<vmem>> -> memref<40xi32, #tpu.memory_space<vmem>>
          %dma_wait3A_1110 = arith.constant 0 : i32
          %dma_wait3A_1111 = arith.constant 0 : i32
          %dma_wait3A_1112 = tpu.memref_slice %arg10[%dma_wait3A_1110, %dma_wait3A_1111] : memref<10000x128xf32, #tpu.memory_space<vmem_shared>> -> memref<10000x128xf32, #tpu.memory_space<vmem_shared>>
          %dma_wait3A_1113 = tpu.memref_slice %arg12[%dma_wait3A_1104] : memref<6x!tpu.dma_semaphore, #tpu.memory_space<semaphore_mem>> -> memref<1x!tpu.dma_semaphore, #tpu.memory_space<semaphore_mem>>
          %dma_wait3A_1114 = tpu.memref_squeeze %dma_wait3A_1113 : memref<1x!tpu.dma_semaphore, #tpu.memory_space<semaphore_mem>> -> memref<!tpu.dma_semaphore, #tpu.memory_space<semaphore_mem>>
          tpu.wait_indirect_dma semaphore(%dma_wait3A_1114 : memref<!tpu.dma_semaphore, #tpu.memory_space<semaphore_mem>>) src(%dma_wait3A_1108 : memref<40x128xf32, #tpu.memory_space<vmem>>) dst(%dma_wait3A_1112 : memref<10000x128xf32, #tpu.memory_space<vmem_shared>>)
        } else {
        }
        %add3A_1030 = arith.constant 6 : i32
        %add3A_1031 = arith.addi %add3A_1024, %add3A_1030 : i32
        %lt3A_1032 = arith.constant 25 : i32
        %lt3A_1033 = arith.cmpi slt, %add3A_1031, %lt3A_1032 : i32
        %convert_element_type3A_1034 = arith.extui %lt3A_1033 : i1 to i32
        %cond3A_1035 = arith.constant 0 : i32
        %cond3A_1036 = arith.cmpi ne, %convert_element_type3A_1034, %cond3A_1035 : i32
        scf.if %cond3A_1036 {
          %add3A_1101 = arith.constant 6 : i32
          %add3A_1102 = arith.addi %add3A_1024, %add3A_1101 : i32
          %mul3A_1103 = arith.constant 40 : i32
          %mul3A_1104 = arith.muli %add3A_1102, %mul3A_1103 : i32
          %add3A_1105 = arith.addi %mul3A_898, %mul3A_1104 : i32
          %dma_start3A_1106 = arith.constant 1 : i32
          %dma_start3A_1107 = arith.constant 1 : i32
          %dma_start3A_1108 = arith.constant 0 : i32
          %dma_start3A_1109 = arith.constant 0 : i32
          %dma_start3A_1110 = tpu.memref_slice %arg8[%dma_start3A_1106, %dma_start3A_1108, %dma_start3A_1109] : memref<6x40x128xf32, #tpu.memory_space<vmem>> -> memref<1x40x128xf32, #tpu.memory_space<vmem>>
          %dma_start3A_1111 = tpu.memref_squeeze %dma_start3A_1110 : memref<1x40x128xf32, #tpu.memory_space<vmem>> -> memref<40x128xf32, #tpu.memory_space<vmem>>
          %dma_start3A_1112 = tpu.memref_slice %arg6[%add3A_1105] : memref<2000xi32, #tpu.memory_space<vmem>> -> memref<40xi32, #tpu.memory_space<vmem>>
          %dma_start3A_1113 = arith.constant 0 : i32
          %dma_start3A_1114 = arith.constant 0 : i32
          %dma_start3A_1115 = tpu.memref_slice %arg2[%dma_start3A_1113, %dma_start3A_1114] : memref<10000x128xf32, #tpu.memory_space<hbm>> -> memref<10000x128xf32, #tpu.memory_space<hbm>>
          %dma_start3A_1116 = tpu.memref_slice %arg11[%dma_start3A_1107] : memref<6x!tpu.dma_semaphore, #tpu.memory_space<semaphore_mem>> -> memref<1x!tpu.dma_semaphore, #tpu.memory_space<semaphore_mem>>
          %dma_start3A_1117 = tpu.memref_squeeze %dma_start3A_1116 : memref<1x!tpu.dma_semaphore, #tpu.memory_space<semaphore_mem>> -> memref<!tpu.dma_semaphore, #tpu.memory_space<semaphore_mem>>
          tpu.enqueue_indirect_dma source(%dma_start3A_1115 : memref<10000x128xf32, #tpu.memory_space<hbm>>) target(%dma_start3A_1111 : memref<40x128xf32, #tpu.memory_space<vmem>>) offsets(%dma_start3A_1112 : memref<40xi32, #tpu.memory_space<vmem>>) semaphore(%dma_start3A_1117 : memref<!tpu.dma_semaphore, #tpu.memory_space<semaphore_mem>>)
        } else {
        }
        %mul3A_1037 = arith.constant 6 : i32
        %mul3A_1038 = arith.muli %scan3A_950, %mul3A_1037 : i32
        %add3A_1039 = arith.constant 2 : i32
        %add3A_1040 = arith.addi %mul3A_1038, %add3A_1039 : i32
        %lt3A_1041 = arith.constant 25 : i32
        %lt3A_1042 = arith.cmpi slt, %add3A_1040, %lt3A_1041 : i32
        %convert_element_type3A_1043 = arith.extui %lt3A_1042 : i1 to i32
        %cond3A_1044 = arith.constant 0 : i32
        %cond3A_1045 = arith.cmpi ne, %convert_element_type3A_1043, %cond3A_1044 : i32
        scf.if %cond3A_1045 {
          %mul3A_1101 = arith.constant 40 : i32
          %mul3A_1102 = arith.muli %add3A_1040, %mul3A_1101 : i32
          %add3A_1103 = arith.addi %mul3A_898, %mul3A_1102 : i32
          %dma_wait3A = arith.constant 2 : i32
          %dma_wait3A_1104 = arith.constant 2 : i32
          %dma_wait3A_1105 = arith.constant 0 : i32
          %dma_wait3A_1106 = arith.constant 0 : i32
          %dma_wait3A_1107 = tpu.memref_slice %arg8[%dma_wait3A, %dma_wait3A_1105, %dma_wait3A_1106] : memref<6x40x128xf32, #tpu.memory_space<vmem>> -> memref<1x40x128xf32, #tpu.memory_space<vmem>>
          %dma_wait3A_1108 = tpu.memref_squeeze %dma_wait3A_1107 : memref<1x40x128xf32, #tpu.memory_space<vmem>> -> memref<40x128xf32, #tpu.memory_space<vmem>>
          %dma_wait3A_1109 = tpu.memref_slice %arg7[%add3A_1103] : memref<2000xi32, #tpu.memory_space<vmem>> -> memref<40xi32, #tpu.memory_space<vmem>>
          %dma_wait3A_1110 = arith.constant 0 : i32
          %dma_wait3A_1111 = arith.constant 0 : i32
          %dma_wait3A_1112 = tpu.memref_slice %arg10[%dma_wait3A_1110, %dma_wait3A_1111] : memref<10000x128xf32, #tpu.memory_space<vmem_shared>> -> memref<10000x128xf32, #tpu.memory_space<vmem_shared>>
          %dma_wait3A_1113 = tpu.memref_slice %arg12[%dma_wait3A_1104] : memref<6x!tpu.dma_semaphore, #tpu.memory_space<semaphore_mem>> -> memref<1x!tpu.dma_semaphore, #tpu.memory_space<semaphore_mem>>
          %dma_wait3A_1114 = tpu.memref_squeeze %dma_wait3A_1113 : memref<1x!tpu.dma_semaphore, #tpu.memory_space<semaphore_mem>> -> memref<!tpu.dma_semaphore, #tpu.memory_space<semaphore_mem>>
          tpu.wait_indirect_dma semaphore(%dma_wait3A_1114 : memref<!tpu.dma_semaphore, #tpu.memory_space<semaphore_mem>>) src(%dma_wait3A_1108 : memref<40x128xf32, #tpu.memory_space<vmem>>) dst(%dma_wait3A_1112 : memref<10000x128xf32, #tpu.memory_space<vmem_shared>>)
        } else {
        }
        %add3A_1046 = arith.constant 6 : i32
        %add3A_1047 = arith.addi %add3A_1040, %add3A_1046 : i32
        %lt3A_1048 = arith.constant 25 : i32
        %lt3A_1049 = arith.cmpi slt, %add3A_1047, %lt3A_1048 : i32
        %convert_element_type3A_1050 = arith.extui %lt3A_1049 : i1 to i32
        %cond3A_1051 = arith.constant 0 : i32
        %cond3A_1052 = arith.cmpi ne, %convert_element_type3A_1050, %cond3A_1051 : i32
        scf.if %cond3A_1052 {
          %add3A_1101 = arith.constant 6 : i32
          %add3A_1102 = arith.addi %add3A_1040, %add3A_1101 : i32
          %mul3A_1103 = arith.constant 40 : i32
          %mul3A_1104 = arith.muli %add3A_1102, %mul3A_1103 : i32
          %add3A_1105 = arith.addi %mul3A_898, %mul3A_1104 : i32
          %dma_start3A_1106 = arith.constant 2 : i32
          %dma_start3A_1107 = arith.constant 2 : i32
          %dma_start3A_1108 = arith.constant 0 : i32
          %dma_start3A_1109 = arith.constant 0 : i32
          %dma_start3A_1110 = tpu.memref_slice %arg8[%dma_start3A_1106, %dma_start3A_1108, %dma_start3A_1109] : memref<6x40x128xf32, #tpu.memory_space<vmem>> -> memref<1x40x128xf32, #tpu.memory_space<vmem>>
          %dma_start3A_1111 = tpu.memref_squeeze %dma_start3A_1110 : memref<1x40x128xf32, #tpu.memory_space<vmem>> -> memref<40x128xf32, #tpu.memory_space<vmem>>
          %dma_start3A_1112 = tpu.memref_slice %arg6[%add3A_1105] : memref<2000xi32, #tpu.memory_space<vmem>> -> memref<40xi32, #tpu.memory_space<vmem>>
          %dma_start3A_1113 = arith.constant 0 : i32
          %dma_start3A_1114 = arith.constant 0 : i32
          %dma_start3A_1115 = tpu.memref_slice %arg2[%dma_start3A_1113, %dma_start3A_1114] : memref<10000x128xf32, #tpu.memory_space<hbm>> -> memref<10000x128xf32, #tpu.memory_space<hbm>>
          %dma_start3A_1116 = tpu.memref_slice %arg11[%dma_start3A_1107] : memref<6x!tpu.dma_semaphore, #tpu.memory_space<semaphore_mem>> -> memref<1x!tpu.dma_semaphore, #tpu.memory_space<semaphore_mem>>
          %dma_start3A_1117 = tpu.memref_squeeze %dma_start3A_1116 : memref<1x!tpu.dma_semaphore, #tpu.memory_space<semaphore_mem>> -> memref<!tpu.dma_semaphore, #tpu.memory_space<semaphore_mem>>
          tpu.enqueue_indirect_dma source(%dma_start3A_1115 : memref<10000x128xf32, #tpu.memory_space<hbm>>) target(%dma_start3A_1111 : memref<40x128xf32, #tpu.memory_space<vmem>>) offsets(%dma_start3A_1112 : memref<40xi32, #tpu.memory_space<vmem>>) semaphore(%dma_start3A_1117 : memref<!tpu.dma_semaphore, #tpu.memory_space<semaphore_mem>>)
        } else {
        }
        %mul3A_1053 = arith.constant 6 : i32
        %mul3A_1054 = arith.muli %scan3A_950, %mul3A_1053 : i32
        %add3A_1055 = arith.constant 3 : i32
        %add3A_1056 = arith.addi %mul3A_1054, %add3A_1055 : i32
        %lt3A_1057 = arith.constant 25 : i32
        %lt3A_1058 = arith.cmpi slt, %add3A_1056, %lt3A_1057 : i32
        %convert_element_type3A_1059 = arith.extui %lt3A_1058 : i1 to i32
        %cond3A_1060 = arith.constant 0 : i32
        %cond3A_1061 = arith.cmpi ne, %convert_element_type3A_1059, %cond3A_1060 : i32
        scf.if %cond3A_1061 {
          %mul3A_1101 = arith.constant 40 : i32
          %mul3A_1102 = arith.muli %add3A_1056, %mul3A_1101 : i32
          %add3A_1103 = arith.addi %mul3A_898, %mul3A_1102 : i32
          %dma_wait3A = arith.constant 3 : i32
          %dma_wait3A_1104 = arith.constant 3 : i32
          %dma_wait3A_1105 = arith.constant 0 : i32
          %dma_wait3A_1106 = arith.constant 0 : i32
          %dma_wait3A_1107 = tpu.memref_slice %arg8[%dma_wait3A, %dma_wait3A_1105, %dma_wait3A_1106] : memref<6x40x128xf32, #tpu.memory_space<vmem>> -> memref<1x40x128xf32, #tpu.memory_space<vmem>>
          %dma_wait3A_1108 = tpu.memref_squeeze %dma_wait3A_1107 : memref<1x40x128xf32, #tpu.memory_space<vmem>> -> memref<40x128xf32, #tpu.memory_space<vmem>>
          %dma_wait3A_1109 = tpu.memref_slice %arg7[%add3A_1103] : memref<2000xi32, #tpu.memory_space<vmem>> -> memref<40xi32, #tpu.memory_space<vmem>>
          %dma_wait3A_1110 = arith.constant 0 : i32
          %dma_wait3A_1111 = arith.constant 0 : i32
          %dma_wait3A_1112 = tpu.memref_slice %arg10[%dma_wait3A_1110, %dma_wait3A_1111] : memref<10000x128xf32, #tpu.memory_space<vmem_shared>> -> memref<10000x128xf32, #tpu.memory_space<vmem_shared>>
          %dma_wait3A_1113 = tpu.memref_slice %arg12[%dma_wait3A_1104] : memref<6x!tpu.dma_semaphore, #tpu.memory_space<semaphore_mem>> -> memref<1x!tpu.dma_semaphore, #tpu.memory_space<semaphore_mem>>
          %dma_wait3A_1114 = tpu.memref_squeeze %dma_wait3A_1113 : memref<1x!tpu.dma_semaphore, #tpu.memory_space<semaphore_mem>> -> memref<!tpu.dma_semaphore, #tpu.memory_space<semaphore_mem>>
          tpu.wait_indirect_dma semaphore(%dma_wait3A_1114 : memref<!tpu.dma_semaphore, #tpu.memory_space<semaphore_mem>>) src(%dma_wait3A_1108 : memref<40x128xf32, #tpu.memory_space<vmem>>) dst(%dma_wait3A_1112 : memref<10000x128xf32, #tpu.memory_space<vmem_shared>>)
        } else {
        }
        %add3A_1062 = arith.constant 6 : i32
        %add3A_1063 = arith.addi %add3A_1056, %add3A_1062 : i32
        %lt3A_1064 = arith.constant 25 : i32
        %lt3A_1065 = arith.cmpi slt, %add3A_1063, %lt3A_1064 : i32
        %convert_element_type3A_1066 = arith.extui %lt3A_1065 : i1 to i32
        %cond3A_1067 = arith.constant 0 : i32
        %cond3A_1068 = arith.cmpi ne, %convert_element_type3A_1066, %cond3A_1067 : i32
        scf.if %cond3A_1068 {
          %add3A_1101 = arith.constant 6 : i32
          %add3A_1102 = arith.addi %add3A_1056, %add3A_1101 : i32
          %mul3A_1103 = arith.constant 40 : i32
          %mul3A_1104 = arith.muli %add3A_1102, %mul3A_1103 : i32
          %add3A_1105 = arith.addi %mul3A_898, %mul3A_1104 : i32
          %dma_start3A_1106 = arith.constant 3 : i32
          %dma_start3A_1107 = arith.constant 3 : i32
          %dma_start3A_1108 = arith.constant 0 : i32
          %dma_start3A_1109 = arith.constant 0 : i32
          %dma_start3A_1110 = tpu.memref_slice %arg8[%dma_start3A_1106, %dma_start3A_1108, %dma_start3A_1109] : memref<6x40x128xf32, #tpu.memory_space<vmem>> -> memref<1x40x128xf32, #tpu.memory_space<vmem>>
          %dma_start3A_1111 = tpu.memref_squeeze %dma_start3A_1110 : memref<1x40x128xf32, #tpu.memory_space<vmem>> -> memref<40x128xf32, #tpu.memory_space<vmem>>
          %dma_start3A_1112 = tpu.memref_slice %arg6[%add3A_1105] : memref<2000xi32, #tpu.memory_space<vmem>> -> memref<40xi32, #tpu.memory_space<vmem>>
          %dma_start3A_1113 = arith.constant 0 : i32
          %dma_start3A_1114 = arith.constant 0 : i32
          %dma_start3A_1115 = tpu.memref_slice %arg2[%dma_start3A_1113, %dma_start3A_1114] : memref<10000x128xf32, #tpu.memory_space<hbm>> -> memref<10000x128xf32, #tpu.memory_space<hbm>>
          %dma_start3A_1116 = tpu.memref_slice %arg11[%dma_start3A_1107] : memref<6x!tpu.dma_semaphore, #tpu.memory_space<semaphore_mem>> -> memref<1x!tpu.dma_semaphore, #tpu.memory_space<semaphore_mem>>
          %dma_start3A_1117 = tpu.memref_squeeze %dma_start3A_1116 : memref<1x!tpu.dma_semaphore, #tpu.memory_space<semaphore_mem>> -> memref<!tpu.dma_semaphore, #tpu.memory_space<semaphore_mem>>
          tpu.enqueue_indirect_dma source(%dma_start3A_1115 : memref<10000x128xf32, #tpu.memory_space<hbm>>) target(%dma_start3A_1111 : memref<40x128xf32, #tpu.memory_space<vmem>>) offsets(%dma_start3A_1112 : memref<40xi32, #tpu.memory_space<vmem>>) semaphore(%dma_start3A_1117 : memref<!tpu.dma_semaphore, #tpu.memory_space<semaphore_mem>>)
        } else {
        }
        %mul3A_1069 = arith.constant 6 : i32
        %mul3A_1070 = arith.muli %scan3A_950, %mul3A_1069 : i32
        %add3A_1071 = arith.constant 4 : i32
        %add3A_1072 = arith.addi %mul3A_1070, %add3A_1071 : i32
        %lt3A_1073 = arith.constant 25 : i32
        %lt3A_1074 = arith.cmpi slt, %add3A_1072, %lt3A_1073 : i32
        %convert_element_type3A_1075 = arith.extui %lt3A_1074 : i1 to i32
        %cond3A_1076 = arith.constant 0 : i32
        %cond3A_1077 = arith.cmpi ne, %convert_element_type3A_1075, %cond3A_1076 : i32
        scf.if %cond3A_1077 {
          %mul3A_1101 = arith.constant 40 : i32
          %mul3A_1102 = arith.muli %add3A_1072, %mul3A_1101 : i32
          %add3A_1103 = arith.addi %mul3A_898, %mul3A_1102 : i32
          %dma_wait3A = arith.constant 4 : i32
          %dma_wait3A_1104 = arith.constant 4 : i32
          %dma_wait3A_1105 = arith.constant 0 : i32
          %dma_wait3A_1106 = arith.constant 0 : i32
          %dma_wait3A_1107 = tpu.memref_slice %arg8[%dma_wait3A, %dma_wait3A_1105, %dma_wait3A_1106] : memref<6x40x128xf32, #tpu.memory_space<vmem>> -> memref<1x40x128xf32, #tpu.memory_space<vmem>>
          %dma_wait3A_1108 = tpu.memref_squeeze %dma_wait3A_1107 : memref<1x40x128xf32, #tpu.memory_space<vmem>> -> memref<40x128xf32, #tpu.memory_space<vmem>>
          %dma_wait3A_1109 = tpu.memref_slice %arg7[%add3A_1103] : memref<2000xi32, #tpu.memory_space<vmem>> -> memref<40xi32, #tpu.memory_space<vmem>>
          %dma_wait3A_1110 = arith.constant 0 : i32
          %dma_wait3A_1111 = arith.constant 0 : i32
          %dma_wait3A_1112 = tpu.memref_slice %arg10[%dma_wait3A_1110, %dma_wait3A_1111] : memref<10000x128xf32, #tpu.memory_space<vmem_shared>> -> memref<10000x128xf32, #tpu.memory_space<vmem_shared>>
          %dma_wait3A_1113 = tpu.memref_slice %arg12[%dma_wait3A_1104] : memref<6x!tpu.dma_semaphore, #tpu.memory_space<semaphore_mem>> -> memref<1x!tpu.dma_semaphore, #tpu.memory_space<semaphore_mem>>
          %dma_wait3A_1114 = tpu.memref_squeeze %dma_wait3A_1113 : memref<1x!tpu.dma_semaphore, #tpu.memory_space<semaphore_mem>> -> memref<!tpu.dma_semaphore, #tpu.memory_space<semaphore_mem>>
          tpu.wait_indirect_dma semaphore(%dma_wait3A_1114 : memref<!tpu.dma_semaphore, #tpu.memory_space<semaphore_mem>>) src(%dma_wait3A_1108 : memref<40x128xf32, #tpu.memory_space<vmem>>) dst(%dma_wait3A_1112 : memref<10000x128xf32, #tpu.memory_space<vmem_shared>>)
        } else {
        }
        %add3A_1078 = arith.constant 6 : i32
        %add3A_1079 = arith.addi %add3A_1072, %add3A_1078 : i32
        %lt3A_1080 = arith.constant 25 : i32
        %lt3A_1081 = arith.cmpi slt, %add3A_1079, %lt3A_1080 : i32
        %convert_element_type3A_1082 = arith.extui %lt3A_1081 : i1 to i32
        %cond3A_1083 = arith.constant 0 : i32
        %cond3A_1084 = arith.cmpi ne, %convert_element_type3A_1082, %cond3A_1083 : i32
        scf.if %cond3A_1084 {
          %add3A_1101 = arith.constant 6 : i32
          %add3A_1102 = arith.addi %add3A_1072, %add3A_1101 : i32
          %mul3A_1103 = arith.constant 40 : i32
          %mul3A_1104 = arith.muli %add3A_1102, %mul3A_1103 : i32
          %add3A_1105 = arith.addi %mul3A_898, %mul3A_1104 : i32
          %dma_start3A_1106 = arith.constant 4 : i32
          %dma_start3A_1107 = arith.constant 4 : i32
          %dma_start3A_1108 = arith.constant 0 : i32
          %dma_start3A_1109 = arith.constant 0 : i32
          %dma_start3A_1110 = tpu.memref_slice %arg8[%dma_start3A_1106, %dma_start3A_1108, %dma_start3A_1109] : memref<6x40x128xf32, #tpu.memory_space<vmem>> -> memref<1x40x128xf32, #tpu.memory_space<vmem>>
          %dma_start3A_1111 = tpu.memref_squeeze %dma_start3A_1110 : memref<1x40x128xf32, #tpu.memory_space<vmem>> -> memref<40x128xf32, #tpu.memory_space<vmem>>
          %dma_start3A_1112 = tpu.memref_slice %arg6[%add3A_1105] : memref<2000xi32, #tpu.memory_space<vmem>> -> memref<40xi32, #tpu.memory_space<vmem>>
          %dma_start3A_1113 = arith.constant 0 : i32
          %dma_start3A_1114 = arith.constant 0 : i32
          %dma_start3A_1115 = tpu.memref_slice %arg2[%dma_start3A_1113, %dma_start3A_1114] : memref<10000x128xf32, #tpu.memory_space<hbm>> -> memref<10000x128xf32, #tpu.memory_space<hbm>>
          %dma_start3A_1116 = tpu.memref_slice %arg11[%dma_start3A_1107] : memref<6x!tpu.dma_semaphore, #tpu.memory_space<semaphore_mem>> -> memref<1x!tpu.dma_semaphore, #tpu.memory_space<semaphore_mem>>
          %dma_start3A_1117 = tpu.memref_squeeze %dma_start3A_1116 : memref<1x!tpu.dma_semaphore, #tpu.memory_space<semaphore_mem>> -> memref<!tpu.dma_semaphore, #tpu.memory_space<semaphore_mem>>
          tpu.enqueue_indirect_dma source(%dma_start3A_1115 : memref<10000x128xf32, #tpu.memory_space<hbm>>) target(%dma_start3A_1111 : memref<40x128xf32, #tpu.memory_space<vmem>>) offsets(%dma_start3A_1112 : memref<40xi32, #tpu.memory_space<vmem>>) semaphore(%dma_start3A_1117 : memref<!tpu.dma_semaphore, #tpu.memory_space<semaphore_mem>>)
        } else {
        }
        %mul3A_1085 = arith.constant 6 : i32
        %mul3A_1086 = arith.muli %scan3A_950, %mul3A_1085 : i32
        %add3A_1087 = arith.constant 5 : i32
        %add3A_1088 = arith.addi %mul3A_1086, %add3A_1087 : i32
        %lt3A_1089 = arith.constant 25 : i32
        %lt3A_1090 = arith.cmpi slt, %add3A_1088, %lt3A_1089 : i32
        %convert_element_type3A_1091 = arith.extui %lt3A_1090 : i1 to i32
        %cond3A_1092 = arith.constant 0 : i32
        %cond3A_1093 = arith.cmpi ne, %convert_element_type3A_1091, %cond3A_1092 : i32
        scf.if %cond3A_1093 {
          %mul3A_1101 = arith.constant 40 : i32
          %mul3A_1102 = arith.muli %add3A_1088, %mul3A_1101 : i32
          %add3A_1103 = arith.addi %mul3A_898, %mul3A_1102 : i32
          %dma_wait3A = arith.constant 5 : i32
          %dma_wait3A_1104 = arith.constant 5 : i32
          %dma_wait3A_1105 = arith.constant 0 : i32
          %dma_wait3A_1106 = arith.constant 0 : i32
          %dma_wait3A_1107 = tpu.memref_slice %arg8[%dma_wait3A, %dma_wait3A_1105, %dma_wait3A_1106] : memref<6x40x128xf32, #tpu.memory_space<vmem>> -> memref<1x40x128xf32, #tpu.memory_space<vmem>>
          %dma_wait3A_1108 = tpu.memref_squeeze %dma_wait3A_1107 : memref<1x40x128xf32, #tpu.memory_space<vmem>> -> memref<40x128xf32, #tpu.memory_space<vmem>>
          %dma_wait3A_1109 = tpu.memref_slice %arg7[%add3A_1103] : memref<2000xi32, #tpu.memory_space<vmem>> -> memref<40xi32, #tpu.memory_space<vmem>>
          %dma_wait3A_1110 = arith.constant 0 : i32
          %dma_wait3A_1111 = arith.constant 0 : i32
          %dma_wait3A_1112 = tpu.memref_slice %arg10[%dma_wait3A_1110, %dma_wait3A_1111] : memref<10000x128xf32, #tpu.memory_space<vmem_shared>> -> memref<10000x128xf32, #tpu.memory_space<vmem_shared>>
          %dma_wait3A_1113 = tpu.memref_slice %arg12[%dma_wait3A_1104] : memref<6x!tpu.dma_semaphore, #tpu.memory_space<semaphore_mem>> -> memref<1x!tpu.dma_semaphore, #tpu.memory_space<semaphore_mem>>
          %dma_wait3A_1114 = tpu.memref_squeeze %dma_wait3A_1113 : memref<1x!tpu.dma_semaphore, #tpu.memory_space<semaphore_mem>> -> memref<!tpu.dma_semaphore, #tpu.memory_space<semaphore_mem>>
          tpu.wait_indirect_dma semaphore(%dma_wait3A_1114 : memref<!tpu.dma_semaphore, #tpu.memory_space<semaphore_mem>>) src(%dma_wait3A_1108 : memref<40x128xf32, #tpu.memory_space<vmem>>) dst(%dma_wait3A_1112 : memref<10000x128xf32, #tpu.memory_space<vmem_shared>>)
        } else {
        }
        %add3A_1094 = arith.constant 6 : i32
        %add3A_1095 = arith.addi %add3A_1088, %add3A_1094 : i32
        %lt3A_1096 = arith.constant 25 : i32
        %lt3A_1097 = arith.cmpi slt, %add3A_1095, %lt3A_1096 : i32
        %convert_element_type3A_1098 = arith.extui %lt3A_1097 : i1 to i32
        %cond3A_1099 = arith.constant 0 : i32
        %cond3A_1100 = arith.cmpi ne, %convert_element_type3A_1098, %cond3A_1099 : i32
        scf.if %cond3A_1100 {
          %add3A_1101 = arith.constant 6 : i32
          %add3A_1102 = arith.addi %add3A_1088, %add3A_1101 : i32
          %mul3A_1103 = arith.constant 40 : i32
          %mul3A_1104 = arith.muli %add3A_1102, %mul3A_1103 : i32
          %add3A_1105 = arith.addi %mul3A_898, %mul3A_1104 : i32
          %dma_start3A_1106 = arith.constant 5 : i32
          %dma_start3A_1107 = arith.constant 5 : i32
          %dma_start3A_1108 = arith.constant 0 : i32
          %dma_start3A_1109 = arith.constant 0 : i32
          %dma_start3A_1110 = tpu.memref_slice %arg8[%dma_start3A_1106, %dma_start3A_1108, %dma_start3A_1109] : memref<6x40x128xf32, #tpu.memory_space<vmem>> -> memref<1x40x128xf32, #tpu.memory_space<vmem>>
          %dma_start3A_1111 = tpu.memref_squeeze %dma_start3A_1110 : memref<1x40x128xf32, #tpu.memory_space<vmem>> -> memref<40x128xf32, #tpu.memory_space<vmem>>
          %dma_start3A_1112 = tpu.memref_slice %arg6[%add3A_1105] : memref<2000xi32, #tpu.memory_space<vmem>> -> memref<40xi32, #tpu.memory_space<vmem>>
          %dma_start3A_1113 = arith.constant 0 : i32
          %dma_start3A_1114 = arith.constant 0 : i32
          %dma_start3A_1115 = tpu.memref_slice %arg2[%dma_start3A_1113, %dma_start3A_1114] : memref<10000x128xf32, #tpu.memory_space<hbm>> -> memref<10000x128xf32, #tpu.memory_space<hbm>>
          %dma_start3A_1116 = tpu.memref_slice %arg11[%dma_start3A_1107] : memref<6x!tpu.dma_semaphore, #tpu.memory_space<semaphore_mem>> -> memref<1x!tpu.dma_semaphore, #tpu.memory_space<semaphore_mem>>
          %dma_start3A_1117 = tpu.memref_squeeze %dma_start3A_1116 : memref<1x!tpu.dma_semaphore, #tpu.memory_space<semaphore_mem>> -> memref<!tpu.dma_semaphore, #tpu.memory_space<semaphore_mem>>
          tpu.enqueue_indirect_dma source(%dma_start3A_1115 : memref<10000x128xf32, #tpu.memory_space<hbm>>) target(%dma_start3A_1111 : memref<40x128xf32, #tpu.memory_space<vmem>>) offsets(%dma_start3A_1112 : memref<40xi32, #tpu.memory_space<vmem>>) semaphore(%dma_start3A_1117 : memref<!tpu.dma_semaphore, #tpu.memory_space<semaphore_mem>>)
        } else {
        }
      }
      %scan3A_942 = arith.constant 5 : i32
      %add3A_943 = arith.constant 1 : i32
      %add3A_944 = arith.addi %scan3A_884, %add3A_943 : i32
      %lt3A_945 = arith.constant 10 : i32
      %lt3A_946 = arith.cmpi slt, %add3A_944, %lt3A_945 : i32
      %convert_element_type3A_947 = arith.extui %lt3A_946 : i1 to i32
      %cond3A_948 = arith.constant 0 : i32
      %cond3A_949 = arith.cmpi ne, %convert_element_type3A_947, %cond3A_948 : i32
      scf.if %cond3A_949 {
        %dma_wait3A = tpu.memref_slice %arg6[%mul3A_920] : memref<2000xi32, #tpu.memory_space<vmem>> -> memref<1000xi32, #tpu.memory_space<vmem>>
        %dma_wait3A_950 = tpu.memref_slice %arg3[%add3A_929] : memref<320000xi32, #tpu.memory_space<hbm>> -> memref<1000xi32, #tpu.memory_space<hbm>>
        %dma_wait3A_951 = tpu.memref_slice %arg6[%mul3A_920] : memref<2000xi32, #tpu.memory_space<vmem>> -> memref<1000xi32, #tpu.memory_space<vmem>>
        %dma_wait3A_952 = tpu.memref_slice %arg3[%add3A_929] : memref<320000xi32, #tpu.memory_space<hbm>> -> memref<1000xi32, #tpu.memory_space<hbm>>
        tpu.wait_dma2 semaphore(%arg14 : memref<!tpu.dma_semaphore, #tpu.memory_space<semaphore_mem>>) src(%dma_wait3A_952 : memref<1000xi32, #tpu.memory_space<hbm>>) dst(%dma_wait3A_951 : memref<1000xi32, #tpu.memory_space<vmem>>)
        %dma_wait3A_953 = tpu.memref_slice %arg7[%mul3A_920] : memref<2000xi32, #tpu.memory_space<vmem>> -> memref<1000xi32, #tpu.memory_space<vmem>>
        %dma_wait3A_954 = tpu.memref_slice %arg4[%add3A_929] : memref<320000xi32, #tpu.memory_space<hbm>> -> memref<1000xi32, #tpu.memory_space<hbm>>
        %dma_wait3A_955 = tpu.memref_slice %arg7[%mul3A_920] : memref<2000xi32, #tpu.memory_space<vmem>> -> memref<1000xi32, #tpu.memory_space<vmem>>
        %dma_wait3A_956 = tpu.memref_slice %arg4[%add3A_929] : memref<320000xi32, #tpu.memory_space<hbm>> -> memref<1000xi32, #tpu.memory_space<hbm>>
        tpu.wait_dma2 semaphore(%arg14 : memref<!tpu.dma_semaphore, #tpu.memory_space<semaphore_mem>>) src(%dma_wait3A_956 : memref<1000xi32, #tpu.memory_space<hbm>>) dst(%dma_wait3A_955 : memref<1000xi32, #tpu.memory_space<vmem>>)
        %add3A_957 = arith.constant 0 : i32
        %add3A_958 = arith.addi %mul3A_920, %add3A_957 : i32
        %dma_start3A_959 = arith.constant 0 : i32
        %dma_start3A_960 = arith.constant 0 : i32
        %dma_start3A_961 = arith.constant 0 : i32
        %dma_start3A_962 = arith.constant 0 : i32
        %dma_start3A_963 = tpu.memref_slice %arg8[%dma_start3A_959, %dma_start3A_961, %dma_start3A_962] : memref<6x40x128xf32, #tpu.memory_space<vmem>> -> memref<1x40x128xf32, #tpu.memory_space<vmem>>
        %dma_start3A_964 = tpu.memref_squeeze %dma_start3A_963 : memref<1x40x128xf32, #tpu.memory_space<vmem>> -> memref<40x128xf32, #tpu.memory_space<vmem>>
        %dma_start3A_965 = tpu.memref_slice %arg6[%add3A_958] : memref<2000xi32, #tpu.memory_space<vmem>> -> memref<40xi32, #tpu.memory_space<vmem>>
        %dma_start3A_966 = arith.constant 0 : i32
        %dma_start3A_967 = arith.constant 0 : i32
        %dma_start3A_968 = tpu.memref_slice %arg2[%dma_start3A_966, %dma_start3A_967] : memref<10000x128xf32, #tpu.memory_space<hbm>> -> memref<10000x128xf32, #tpu.memory_space<hbm>>
        %dma_start3A_969 = tpu.memref_slice %arg11[%dma_start3A_960] : memref<6x!tpu.dma_semaphore, #tpu.memory_space<semaphore_mem>> -> memref<1x!tpu.dma_semaphore, #tpu.memory_space<semaphore_mem>>
        %dma_start3A_970 = tpu.memref_squeeze %dma_start3A_969 : memref<1x!tpu.dma_semaphore, #tpu.memory_space<semaphore_mem>> -> memref<!tpu.dma_semaphore, #tpu.memory_space<semaphore_mem>>
        tpu.enqueue_indirect_dma source(%dma_start3A_968 : memref<10000x128xf32, #tpu.memory_space<hbm>>) target(%dma_start3A_964 : memref<40x128xf32, #tpu.memory_space<vmem>>) offsets(%dma_start3A_965 : memref<40xi32, #tpu.memory_space<vmem>>) semaphore(%dma_start3A_970 : memref<!tpu.dma_semaphore, #tpu.memory_space<semaphore_mem>>)
        %add3A_971 = arith.constant 40 : i32
        %add3A_972 = arith.addi %mul3A_920, %add3A_971 : i32
        %dma_start3A_973 = arith.constant 1 : i32
        %dma_start3A_974 = arith.constant 1 : i32
        %dma_start3A_975 = arith.constant 0 : i32
        %dma_start3A_976 = arith.constant 0 : i32
        %dma_start3A_977 = tpu.memref_slice %arg8[%dma_start3A_973, %dma_start3A_975, %dma_start3A_976] : memref<6x40x128xf32, #tpu.memory_space<vmem>> -> memref<1x40x128xf32, #tpu.memory_space<vmem>>
        %dma_start3A_978 = tpu.memref_squeeze %dma_start3A_977 : memref<1x40x128xf32, #tpu.memory_space<vmem>> -> memref<40x128xf32, #tpu.memory_space<vmem>>
        %dma_start3A_979 = tpu.memref_slice %arg6[%add3A_972] : memref<2000xi32, #tpu.memory_space<vmem>> -> memref<40xi32, #tpu.memory_space<vmem>>
        %dma_start3A_980 = arith.constant 0 : i32
        %dma_start3A_981 = arith.constant 0 : i32
        %dma_start3A_982 = tpu.memref_slice %arg2[%dma_start3A_980, %dma_start3A_981] : memref<10000x128xf32, #tpu.memory_space<hbm>> -> memref<10000x128xf32, #tpu.memory_space<hbm>>
        %dma_start3A_983 = tpu.memref_slice %arg11[%dma_start3A_974] : memref<6x!tpu.dma_semaphore, #tpu.memory_space<semaphore_mem>> -> memref<1x!tpu.dma_semaphore, #tpu.memory_space<semaphore_mem>>
        %dma_start3A_984 = tpu.memref_squeeze %dma_start3A_983 : memref<1x!tpu.dma_semaphore, #tpu.memory_space<semaphore_mem>> -> memref<!tpu.dma_semaphore, #tpu.memory_space<semaphore_mem>>
        tpu.enqueue_indirect_dma source(%dma_start3A_982 : memref<10000x128xf32, #tpu.memory_space<hbm>>) target(%dma_start3A_978 : memref<40x128xf32, #tpu.memory_space<vmem>>) offsets(%dma_start3A_979 : memref<40xi32, #tpu.memory_space<vmem>>) semaphore(%dma_start3A_984 : memref<!tpu.dma_semaphore, #tpu.memory_space<semaphore_mem>>)
        %add3A_985 = arith.constant 80 : i32
        %add3A_986 = arith.addi %mul3A_920, %add3A_985 : i32
        %dma_start3A_987 = arith.constant 2 : i32
        %dma_start3A_988 = arith.constant 2 : i32
        %dma_start3A_989 = arith.constant 0 : i32
        %dma_start3A_990 = arith.constant 0 : i32
        %dma_start3A_991 = tpu.memref_slice %arg8[%dma_start3A_987, %dma_start3A_989, %dma_start3A_990] : memref<6x40x128xf32, #tpu.memory_space<vmem>> -> memref<1x40x128xf32, #tpu.memory_space<vmem>>
        %dma_start3A_992 = tpu.memref_squeeze %dma_start3A_991 : memref<1x40x128xf32, #tpu.memory_space<vmem>> -> memref<40x128xf32, #tpu.memory_space<vmem>>
        %dma_start3A_993 = tpu.memref_slice %arg6[%add3A_986] : memref<2000xi32, #tpu.memory_space<vmem>> -> memref<40xi32, #tpu.memory_space<vmem>>
        %dma_start3A_994 = arith.constant 0 : i32
        %dma_start3A_995 = arith.constant 0 : i32
        %dma_start3A_996 = tpu.memref_slice %arg2[%dma_start3A_994, %dma_start3A_995] : memref<10000x128xf32, #tpu.memory_space<hbm>> -> memref<10000x128xf32, #tpu.memory_space<hbm>>
        %dma_start3A_997 = tpu.memref_slice %arg11[%dma_start3A_988] : memref<6x!tpu.dma_semaphore, #tpu.memory_space<semaphore_mem>> -> memref<1x!tpu.dma_semaphore, #tpu.memory_space<semaphore_mem>>
        %dma_start3A_998 = tpu.memref_squeeze %dma_start3A_997 : memref<1x!tpu.dma_semaphore, #tpu.memory_space<semaphore_mem>> -> memref<!tpu.dma_semaphore, #tpu.memory_space<semaphore_mem>>
        tpu.enqueue_indirect_dma source(%dma_start3A_996 : memref<10000x128xf32, #tpu.memory_space<hbm>>) target(%dma_start3A_992 : memref<40x128xf32, #tpu.memory_space<vmem>>) offsets(%dma_start3A_993 : memref<40xi32, #tpu.memory_space<vmem>>) semaphore(%dma_start3A_998 : memref<!tpu.dma_semaphore, #tpu.memory_space<semaphore_mem>>)
        %add3A_999 = arith.constant 120 : i32
        %add3A_1000 = arith.addi %mul3A_920, %add3A_999 : i32
        %dma_start3A_1001 = arith.constant 3 : i32
        %dma_start3A_1002 = arith.constant 3 : i32
        %dma_start3A_1003 = arith.constant 0 : i32
        %dma_start3A_1004 = arith.constant 0 : i32
        %dma_start3A_1005 = tpu.memref_slice %arg8[%dma_start3A_1001, %dma_start3A_1003, %dma_start3A_1004] : memref<6x40x128xf32, #tpu.memory_space<vmem>> -> memref<1x40x128xf32, #tpu.memory_space<vmem>>
        %dma_start3A_1006 = tpu.memref_squeeze %dma_start3A_1005 : memref<1x40x128xf32, #tpu.memory_space<vmem>> -> memref<40x128xf32, #tpu.memory_space<vmem>>
        %dma_start3A_1007 = tpu.memref_slice %arg6[%add3A_1000] : memref<2000xi32, #tpu.memory_space<vmem>> -> memref<40xi32, #tpu.memory_space<vmem>>
        %dma_start3A_1008 = arith.constant 0 : i32
        %dma_start3A_1009 = arith.constant 0 : i32
        %dma_start3A_1010 = tpu.memref_slice %arg2[%dma_start3A_1008, %dma_start3A_1009] : memref<10000x128xf32, #tpu.memory_space<hbm>> -> memref<10000x128xf32, #tpu.memory_space<hbm>>
        %dma_start3A_1011 = tpu.memref_slice %arg11[%dma_start3A_1002] : memref<6x!tpu.dma_semaphore, #tpu.memory_space<semaphore_mem>> -> memref<1x!tpu.dma_semaphore, #tpu.memory_space<semaphore_mem>>
        %dma_start3A_1012 = tpu.memref_squeeze %dma_start3A_1011 : memref<1x!tpu.dma_semaphore, #tpu.memory_space<semaphore_mem>> -> memref<!tpu.dma_semaphore, #tpu.memory_space<semaphore_mem>>
        tpu.enqueue_indirect_dma source(%dma_start3A_1010 : memref<10000x128xf32, #tpu.memory_space<hbm>>) target(%dma_start3A_1006 : memref<40x128xf32, #tpu.memory_space<vmem>>) offsets(%dma_start3A_1007 : memref<40xi32, #tpu.memory_space<vmem>>) semaphore(%dma_start3A_1012 : memref<!tpu.dma_semaphore, #tpu.memory_space<semaphore_mem>>)
        %add3A_1013 = arith.constant 160 : i32
        %add3A_1014 = arith.addi %mul3A_920, %add3A_1013 : i32
        %dma_start3A_1015 = arith.constant 4 : i32
        %dma_start3A_1016 = arith.constant 4 : i32
        %dma_start3A_1017 = arith.constant 0 : i32
        %dma_start3A_1018 = arith.constant 0 : i32
        %dma_start3A_1019 = tpu.memref_slice %arg8[%dma_start3A_1015, %dma_start3A_1017, %dma_start3A_1018] : memref<6x40x128xf32, #tpu.memory_space<vmem>> -> memref<1x40x128xf32, #tpu.memory_space<vmem>>
        %dma_start3A_1020 = tpu.memref_squeeze %dma_start3A_1019 : memref<1x40x128xf32, #tpu.memory_space<vmem>> -> memref<40x128xf32, #tpu.memory_space<vmem>>
        %dma_start3A_1021 = tpu.memref_slice %arg6[%add3A_1014] : memref<2000xi32, #tpu.memory_space<vmem>> -> memref<40xi32, #tpu.memory_space<vmem>>
        %dma_start3A_1022 = arith.constant 0 : i32
        %dma_start3A_1023 = arith.constant 0 : i32
        %dma_start3A_1024 = tpu.memref_slice %arg2[%dma_start3A_1022, %dma_start3A_1023] : memref<10000x128xf32, #tpu.memory_space<hbm>> -> memref<10000x128xf32, #tpu.memory_space<hbm>>
        %dma_start3A_1025 = tpu.memref_slice %arg11[%dma_start3A_1016] : memref<6x!tpu.dma_semaphore, #tpu.memory_space<semaphore_mem>> -> memref<1x!tpu.dma_semaphore, #tpu.memory_space<semaphore_mem>>
        %dma_start3A_1026 = tpu.memref_squeeze %dma_start3A_1025 : memref<1x!tpu.dma_semaphore, #tpu.memory_space<semaphore_mem>> -> memref<!tpu.dma_semaphore, #tpu.memory_space<semaphore_mem>>
        tpu.enqueue_indirect_dma source(%dma_start3A_1024 : memref<10000x128xf32, #tpu.memory_space<hbm>>) target(%dma_start3A_1020 : memref<40x128xf32, #tpu.memory_space<vmem>>) offsets(%dma_start3A_1021 : memref<40xi32, #tpu.memory_space<vmem>>) semaphore(%dma_start3A_1026 : memref<!tpu.dma_semaphore, #tpu.memory_space<semaphore_mem>>)
        %add3A_1027 = arith.constant 200 : i32
        %add3A_1028 = arith.addi %mul3A_920, %add3A_1027 : i32
        %dma_start3A_1029 = arith.constant 5 : i32
        %dma_start3A_1030 = arith.constant 5 : i32
        %dma_start3A_1031 = arith.constant 0 : i32
        %dma_start3A_1032 = arith.constant 0 : i32
        %dma_start3A_1033 = tpu.memref_slice %arg8[%dma_start3A_1029, %dma_start3A_1031, %dma_start3A_1032] : memref<6x40x128xf32, #tpu.memory_space<vmem>> -> memref<1x40x128xf32, #tpu.memory_space<vmem>>
        %dma_start3A_1034 = tpu.memref_squeeze %dma_start3A_1033 : memref<1x40x128xf32, #tpu.memory_space<vmem>> -> memref<40x128xf32, #tpu.memory_space<vmem>>
        %dma_start3A_1035 = tpu.memref_slice %arg6[%add3A_1028] : memref<2000xi32, #tpu.memory_space<vmem>> -> memref<40xi32, #tpu.memory_space<vmem>>
        %dma_start3A_1036 = arith.constant 0 : i32
        %dma_start3A_1037 = arith.constant 0 : i32
        %dma_start3A_1038 = tpu.memref_slice %arg2[%dma_start3A_1036, %dma_start3A_1037] : memref<10000x128xf32, #tpu.memory_space<hbm>> -> memref<10000x128xf32, #tpu.memory_space<hbm>>
        %dma_start3A_1039 = tpu.memref_slice %arg11[%dma_start3A_1030] : memref<6x!tpu.dma_semaphore, #tpu.memory_space<semaphore_mem>> -> memref<1x!tpu.dma_semaphore, #tpu.memory_space<semaphore_mem>>
        %dma_start3A_1040 = tpu.memref_squeeze %dma_start3A_1039 : memref<1x!tpu.dma_semaphore, #tpu.memory_space<semaphore_mem>> -> memref<!tpu.dma_semaphore, #tpu.memory_space<semaphore_mem>>
        tpu.enqueue_indirect_dma source(%dma_start3A_1038 : memref<10000x128xf32, #tpu.memory_space<hbm>>) target(%dma_start3A_1034 : memref<40x128xf32, #tpu.memory_space<vmem>>) offsets(%dma_start3A_1035 : memref<40xi32, #tpu.memory_space<vmem>>) semaphore(%dma_start3A_1040 : memref<!tpu.dma_semaphore, #tpu.memory_space<semaphore_mem>>)
      } else {
      }
    }
    %scan3A_873 = arith.constant 10 : i32
    %barrier3A_874 = arith.constant 0 : index
    tpu.barrier barrier_id(%barrier3A_874)
    %mul3A_875 = arith.constant 624 : i32
    %mul3A_876 = arith.muli %arg1, %mul3A_875 : i32
    %mul3A_877 = arith.constant 624 : i32
    %mul3A_878 = arith.muli %arg1, %mul3A_877 : i32
    "tpu.region"() ({
      %run_scoped3A = tpu.sem_alloc : memref<!tpu.dma_semaphore, #tpu.memory_space<semaphore_mem>>
      %dma_start3A_884 = arith.constant 0 : i32
      %dma_start3A_885 = tpu.memref_slice %arg5[%arg0, %mul3A_878, %dma_start3A_884] : memref<2x10000x128xf32, #tpu.memory_space<hbm>> -> memref<1x624x128xf32, #tpu.memory_space<hbm>>
      %dma_start3A_886 = tpu.memref_squeeze %dma_start3A_885 : memref<1x624x128xf32, #tpu.memory_space<hbm>> -> memref<624x128xf32, #tpu.memory_space<hbm>>
      %dma_start3A_887 = arith.constant 0 : i32
      %dma_start3A_888 = tpu.memref_slice %arg10[%mul3A_876, %dma_start3A_887] : memref<10000x128xf32, #tpu.memory_space<vmem_shared>> -> memref<624x128xf32, #tpu.memory_space<vmem_shared>>
      tpu.enqueue_dma source(%dma_start3A_888 : memref<624x128xf32, #tpu.memory_space<vmem_shared>>) target(%dma_start3A_886 : memref<624x128xf32, #tpu.memory_space<hbm>>) target_semaphore(%run_scoped3A : memref<!tpu.dma_semaphore, #tpu.memory_space<semaphore_mem>>)
      %dma_wait3A = arith.constant 0 : i32
      %dma_wait3A_889 = tpu.memref_slice %arg5[%arg0, %mul3A_878, %dma_wait3A] : memref<2x10000x128xf32, #tpu.memory_space<hbm>> -> memref<1x624x128xf32, #tpu.memory_space<hbm>>
      %dma_wait3A_890 = tpu.memref_squeeze %dma_wait3A_889 : memref<1x624x128xf32, #tpu.memory_space<hbm>> -> memref<624x128xf32, #tpu.memory_space<hbm>>
      %dma_wait3A_891 = arith.constant 0 : i32
      %dma_wait3A_892 = tpu.memref_slice %arg10[%mul3A_876, %dma_wait3A_891] : memref<10000x128xf32, #tpu.memory_space<vmem_shared>> -> memref<624x128xf32, #tpu.memory_space<vmem_shared>>
      tpu.wait_dma2 semaphore(%run_scoped3A : memref<!tpu.dma_semaphore, #tpu.memory_space<semaphore_mem>>) src(%dma_wait3A_892 : memref<624x128xf32, #tpu.memory_space<vmem_shared>>) dst(%dma_wait3A_890 : memref<624x128xf32, #tpu.memory_space<hbm>>)
      tpu.yield
    }) : () -> ()
    %eq3A_879 = arith.constant 0 : i32
    %eq3A_880 = arith.cmpi eq, %arg1, %eq3A_879 : i32
    %convert_element_type3A_881 = arith.extui %eq3A_880 : i1 to i32
    %cond3A_882 = arith.constant 0 : i32
    %cond3A_883 = arith.cmpi ne, %convert_element_type3A_881, %cond3A_882 : i32
    scf.if %cond3A_883 {
      "tpu.region"() ({
        %run_scoped3A = tpu.sem_alloc : memref<!tpu.dma_semaphore, #tpu.memory_space<semaphore_mem>>
        %dma_start3A_884 = arith.constant 9984 : i32
        %dma_start3A_885 = arith.constant 0 : i32
        %dma_start3A_886 = tpu.memref_slice %arg5[%arg0, %dma_start3A_884, %dma_start3A_885] : memref<2x10000x128xf32, #tpu.memory_space<hbm>> -> memref<1x16x128xf32, #tpu.memory_space<hbm>>
        %dma_start3A_887 = tpu.memref_squeeze %dma_start3A_886 : memref<1x16x128xf32, #tpu.memory_space<hbm>> -> memref<16x128xf32, #tpu.memory_space<hbm>>
        %dma_start3A_888 = arith.constant 9984 : i32
        %dma_start3A_889 = arith.constant 0 : i32
        %dma_start3A_890 = tpu.memref_slice %arg10[%dma_start3A_888, %dma_start3A_889] : memref<10000x128xf32, #tpu.memory_space<vmem_shared>> -> memref<16x128xf32, #tpu.memory_space<vmem_shared>>
        tpu.enqueue_dma source(%dma_start3A_890 : memref<16x128xf32, #tpu.memory_space<vmem_shared>>) target(%dma_start3A_887 : memref<16x128xf32, #tpu.memory_space<hbm>>) target_semaphore(%run_scoped3A : memref<!tpu.dma_semaphore, #tpu.memory_space<semaphore_mem>>)
        %dma_wait3A = arith.constant 9984 : i32
        %dma_wait3A_891 = arith.constant 0 : i32
        %dma_wait3A_892 = tpu.memref_slice %arg5[%arg0, %dma_wait3A, %dma_wait3A_891] : memref<2x10000x128xf32, #tpu.memory_space<hbm>> -> memref<1x16x128xf32, #tpu.memory_space<hbm>>
        %dma_wait3A_893 = tpu.memref_squeeze %dma_wait3A_892 : memref<1x16x128xf32, #tpu.memory_space<hbm>> -> memref<16x128xf32, #tpu.memory_space<hbm>>
        %dma_wait3A_894 = arith.constant 9984 : i32
        %dma_wait3A_895 = arith.constant 0 : i32
        %dma_wait3A_896 = tpu.memref_slice %arg10[%dma_wait3A_894, %dma_wait3A_895] : memref<10000x128xf32, #tpu.memory_space<vmem_shared>> -> memref<16x128xf32, #tpu.memory_space<vmem_shared>>
        tpu.wait_dma2 semaphore(%run_scoped3A : memref<!tpu.dma_semaphore, #tpu.memory_space<semaphore_mem>>) src(%dma_wait3A_896 : memref<16x128xf32, #tpu.memory_space<vmem_shared>>) dst(%dma_wait3A_893 : memref<16x128xf32, #tpu.memory_space<hbm>>)
        tpu.yield
      }) : () -> ()
    } else {
    }
    return
  }
}

#map = affine_map<(d0, d1) -> (0, 0)>
#map1 = affine_map<(d0, d1) -> (0)>
#map2 = affine_map<(d0, d1) -> (0, 0, 0)>
module attributes {stable_mosaic.version = 14 : i64} {
  func.func @_sc_agg(%arg0: i32, %arg1: i32, %arg2: memref<10000x128xf32, #tpu.memory_space<hbm>>, %arg3: memref<320000xi32, #tpu.memory_space<hbm>>, %arg4: memref<320000xi32, #tpu.memory_space<hbm>>, %arg5: memref<2x10000x128xf32, #tpu.memory_space<hbm>>, %arg6: memref<2000xi32, #tpu.memory_space<vmem>>, %arg7: memref<2000xi32, #tpu.memory_space<vmem>>, %arg8: memref<6x40x128xf32, #tpu.memory_space<vmem>>, %arg9: memref<16x128xf32, #tpu.memory_space<vmem>>, %arg10: memref<10000x128xf32, #tpu.memory_space<vmem_shared>>, %arg11: memref<6x!tpu.dma_semaphore, #tpu.memory_space<semaphore_mem>>, %arg12: memref<6x!tpu.dma_semaphore, #tpu.memory_space<semaphore_mem>>, %arg13: memref<!tpu.dma_semaphore, #tpu.memory_space<semaphore_mem>>, %arg14: memref<!tpu.dma_semaphore, #tpu.memory_space<semaphore_mem>>) attributes {dimension_semantics = [#tpu.dimension_semantics<core_parallel>, #tpu.dimension_semantics<subcore_parallel>], iteration_bounds = array<i64: 2, 16>, scalar_prefetch = 0 : i64, scratch_operands = 9 : i64, tpu.core_type = #tpu.core_type<sc_vector_subcore>, window_params = [{transform_indices = #map}, {transform_indices = #map1}, {transform_indices = #map1}, {transform_indices = #map2}]} {
    %mul3A = arith.constant 2 : i32
    %mul3A_0 = arith.muli %arg1, %mul3A : i32
    %add3A = arith.addi %mul3A_0, %arg0 : i32
    %broadcast_in_dim3A = arith.constant 0.000000e+00 : f32
    %broadcast_in_dim3A_1 = vector.broadcast %broadcast_in_dim3A : f32 to vector<16xf32>
    %swap3A = arith.constant 0 : i32
    %swap3A_2 = arith.index_cast %swap3A : i32 to index
    %swap3A_3 = arith.constant 0 : index
    %swap3A_4 = tpu.vector_load %arg9[%swap3A_2, %swap3A_3] {strides = array<i32>} : memref<16x128xf32, #tpu.memory_space<vmem>>, vector<1x16xf32>,
    %swap3A_5 = vector.shape_cast %swap3A_4 : vector<1x16xf32> to vector<16xf32>
    %swap3A_6 = vector.shape_cast %broadcast_in_dim3A_1 : vector<16xf32> to vector<1x16xf32>
    tpu.vector_store %arg9[%swap3A_2, %swap3A_3], %swap3A_6 {strides = array<i32>} : memref<16x128xf32, #tpu.memory_space<vmem>>, vector<1x16xf32>,
    %swap3A_7 = arith.constant 0 : i32
    %swap3A_8 = arith.index_cast %swap3A_7 : i32 to index
    %swap3A_9 = arith.constant 16 : index
    %swap3A_10 = tpu.vector_load %arg9[%swap3A_8, %swap3A_9] {strides = array<i32>} : memref<16x128xf32, #tpu.memory_space<vmem>>, vector<1x16xf32>,
    %swap3A_11 = vector.shape_cast %swap3A_10 : vector<1x16xf32> to vector<16xf32>
    %swap3A_12 = vector.shape_cast %broadcast_in_dim3A_1 : vector<16xf32> to vector<1x16xf32>
    tpu.vector_store %arg9[%swap3A_8, %swap3A_9], %swap3A_12 {strides = array<i32>} : memref<16x128xf32, #tpu.memory_space<vmem>>, vector<1x16xf32>,
    %swap3A_13 = arith.constant 0 : i32
    %swap3A_14 = arith.index_cast %swap3A_13 : i32 to index
    %swap3A_15 = arith.constant 32 : index
    %swap3A_16 = tpu.vector_load %arg9[%swap3A_14, %swap3A_15] {strides = array<i32>} : memref<16x128xf32, #tpu.memory_space<vmem>>, vector<1x16xf32>,
    %swap3A_17 = vector.shape_cast %swap3A_16 : vector<1x16xf32> to vector<16xf32>
    %swap3A_18 = vector.shape_cast %broadcast_in_dim3A_1 : vector<16xf32> to vector<1x16xf32>
    tpu.vector_store %arg9[%swap3A_14, %swap3A_15], %swap3A_18 {strides = array<i32>} : memref<16x128xf32, #tpu.memory_space<vmem>>, vector<1x16xf32>,
    %swap3A_19 = arith.constant 0 : i32
    %swap3A_20 = arith.index_cast %swap3A_19 : i32 to index
    %swap3A_21 = arith.constant 48 : index
    %swap3A_22 = tpu.vector_load %arg9[%swap3A_20, %swap3A_21] {strides = array<i32>} : memref<16x128xf32, #tpu.memory_space<vmem>>, vector<1x16xf32>,
    %swap3A_23 = vector.shape_cast %swap3A_22 : vector<1x16xf32> to vector<16xf32>
    %swap3A_24 = vector.shape_cast %broadcast_in_dim3A_1 : vector<16xf32> to vector<1x16xf32>
    tpu.vector_store %arg9[%swap3A_20, %swap3A_21], %swap3A_24 {strides = array<i32>} : memref<16x128xf32, #tpu.memory_space<vmem>>, vector<1x16xf32>,
    %swap3A_25 = arith.constant 0 : i32
    %swap3A_26 = arith.index_cast %swap3A_25 : i32 to index
    %swap3A_27 = arith.constant 64 : index
    %swap3A_28 = tpu.vector_load %arg9[%swap3A_26, %swap3A_27] {strides = array<i32>} : memref<16x128xf32, #tpu.memory_space<vmem>>, vector<1x16xf32>,
    %swap3A_29 = vector.shape_cast %swap3A_28 : vector<1x16xf32> to vector<16xf32>
    %swap3A_30 = vector.shape_cast %broadcast_in_dim3A_1 : vector<16xf32> to vector<1x16xf32>
    tpu.vector_store %arg9[%swap3A_26, %swap3A_27], %swap3A_30 {strides = array<i32>} : memref<16x128xf32, #tpu.memory_space<vmem>>, vector<1x16xf32>,
    %swap3A_31 = arith.constant 0 : i32
    %swap3A_32 = arith.index_cast %swap3A_31 : i32 to index
    %swap3A_33 = arith.constant 80 : index
    %swap3A_34 = tpu.vector_load %arg9[%swap3A_32, %swap3A_33] {strides = array<i32>} : memref<16x128xf32, #tpu.memory_space<vmem>>, vector<1x16xf32>,
    %swap3A_35 = vector.shape_cast %swap3A_34 : vector<1x16xf32> to vector<16xf32>
    %swap3A_36 = vector.shape_cast %broadcast_in_dim3A_1 : vector<16xf32> to vector<1x16xf32>
    tpu.vector_store %arg9[%swap3A_32, %swap3A_33], %swap3A_36 {strides = array<i32>} : memref<16x128xf32, #tpu.memory_space<vmem>>, vector<1x16xf32>,
    %swap3A_37 = arith.constant 0 : i32
    %swap3A_38 = arith.index_cast %swap3A_37 : i32 to index
    %swap3A_39 = arith.constant 96 : index
    %swap3A_40 = tpu.vector_load %arg9[%swap3A_38, %swap3A_39] {strides = array<i32>} : memref<16x128xf32, #tpu.memory_space<vmem>>, vector<1x16xf32>,
    %swap3A_41 = vector.shape_cast %swap3A_40 : vector<1x16xf32> to vector<16xf32>
    %swap3A_42 = vector.shape_cast %broadcast_in_dim3A_1 : vector<16xf32> to vector<1x16xf32>
    tpu.vector_store %arg9[%swap3A_38, %swap3A_39], %swap3A_42 {strides = array<i32>} : memref<16x128xf32, #tpu.memory_space<vmem>>, vector<1x16xf32>,
    %swap3A_43 = arith.constant 0 : i32
    %swap3A_44 = arith.index_cast %swap3A_43 : i32 to index
    %swap3A_45 = arith.constant 112 : index
    %swap3A_46 = tpu.vector_load %arg9[%swap3A_44, %swap3A_45] {strides = array<i32>} : memref<16x128xf32, #tpu.memory_space<vmem>>, vector<1x16xf32>,
    %swap3A_47 = vector.shape_cast %swap3A_46 : vector<1x16xf32> to vector<16xf32>
    %swap3A_48 = vector.shape_cast %broadcast_in_dim3A_1 : vector<16xf32> to vector<1x16xf32>
    tpu.vector_store %arg9[%swap3A_44, %swap3A_45], %swap3A_48 {strides = array<i32>} : memref<16x128xf32, #tpu.memory_space<vmem>>, vector<1x16xf32>,
    %swap3A_49 = arith.constant 1 : i32
    %swap3A_50 = arith.index_cast %swap3A_49 : i32 to index
    %swap3A_51 = arith.constant 0 : index
    %swap3A_52 = tpu.vector_load %arg9[%swap3A_50, %swap3A_51] {strides = array<i32>} : memref<16x128xf32, #tpu.memory_space<vmem>>, vector<1x16xf32>,
    %swap3A_53 = vector.shape_cast %swap3A_52 : vector<1x16xf32> to vector<16xf32>
    %swap3A_54 = vector.shape_cast %broadcast_in_dim3A_1 : vector<16xf32> to vector<1x16xf32>
    tpu.vector_store %arg9[%swap3A_50, %swap3A_51], %swap3A_54 {strides = array<i32>} : memref<16x128xf32, #tpu.memory_space<vmem>>, vector<1x16xf32>,
    %swap3A_55 = arith.constant 1 : i32
    %swap3A_56 = arith.index_cast %swap3A_55 : i32 to index
    %swap3A_57 = arith.constant 16 : index
    %swap3A_58 = tpu.vector_load %arg9[%swap3A_56, %swap3A_57] {strides = array<i32>} : memref<16x128xf32, #tpu.memory_space<vmem>>, vector<1x16xf32>,
    %swap3A_59 = vector.shape_cast %swap3A_58 : vector<1x16xf32> to vector<16xf32>
    %swap3A_60 = vector.shape_cast %broadcast_in_dim3A_1 : vector<16xf32> to vector<1x16xf32>
    tpu.vector_store %arg9[%swap3A_56, %swap3A_57], %swap3A_60 {strides = array<i32>} : memref<16x128xf32, #tpu.memory_space<vmem>>, vector<1x16xf32>,
    %swap3A_61 = arith.constant 1 : i32
    %swap3A_62 = arith.index_cast %swap3A_61 : i32 to index
    %swap3A_63 = arith.constant 32 : index
    %swap3A_64 = tpu.vector_load %arg9[%swap3A_62, %swap3A_63] {strides = array<i32>} : memref<16x128xf32, #tpu.memory_space<vmem>>, vector<1x16xf32>,
    %swap3A_65 = vector.shape_cast %swap3A_64 : vector<1x16xf32> to vector<16xf32>
    %swap3A_66 = vector.shape_cast %broadcast_in_dim3A_1 : vector<16xf32> to vector<1x16xf32>
    tpu.vector_store %arg9[%swap3A_62, %swap3A_63], %swap3A_66 {strides = array<i32>} : memref<16x128xf32, #tpu.memory_space<vmem>>, vector<1x16xf32>,
    %swap3A_67 = arith.constant 1 : i32
    %swap3A_68 = arith.index_cast %swap3A_67 : i32 to index
    %swap3A_69 = arith.constant 48 : index
    %swap3A_70 = tpu.vector_load %arg9[%swap3A_68, %swap3A_69] {strides = array<i32>} : memref<16x128xf32, #tpu.memory_space<vmem>>, vector<1x16xf32>,
    %swap3A_71 = vector.shape_cast %swap3A_70 : vector<1x16xf32> to vector<16xf32>
    %swap3A_72 = vector.shape_cast %broadcast_in_dim3A_1 : vector<16xf32> to vector<1x16xf32>
    tpu.vector_store %arg9[%swap3A_68, %swap3A_69], %swap3A_72 {strides = array<i32>} : memref<16x128xf32, #tpu.memory_space<vmem>>, vector<1x16xf32>,
    %swap3A_73 = arith.constant 1 : i32
    %swap3A_74 = arith.index_cast %swap3A_73 : i32 to index
    %swap3A_75 = arith.constant 64 : index
    %swap3A_76 = tpu.vector_load %arg9[%swap3A_74, %swap3A_75] {strides = array<i32>} : memref<16x128xf32, #tpu.memory_space<vmem>>, vector<1x16xf32>,
    %swap3A_77 = vector.shape_cast %swap3A_76 : vector<1x16xf32> to vector<16xf32>
    %swap3A_78 = vector.shape_cast %broadcast_in_dim3A_1 : vector<16xf32> to vector<1x16xf32>
    tpu.vector_store %arg9[%swap3A_74, %swap3A_75], %swap3A_78 {strides = array<i32>} : memref<16x128xf32, #tpu.memory_space<vmem>>, vector<1x16xf32>,
    %swap3A_79 = arith.constant 1 : i32
    %swap3A_80 = arith.index_cast %swap3A_79 : i32 to index
    %swap3A_81 = arith.constant 80 : index
    %swap3A_82 = tpu.vector_load %arg9[%swap3A_80, %swap3A_81] {strides = array<i32>} : memref<16x128xf32, #tpu.memory_space<vmem>>, vector<1x16xf32>,
    %swap3A_83 = vector.shape_cast %swap3A_82 : vector<1x16xf32> to vector<16xf32>
    %swap3A_84 = vector.shape_cast %broadcast_in_dim3A_1 : vector<16xf32> to vector<1x16xf32>
    tpu.vector_store %arg9[%swap3A_80, %swap3A_81], %swap3A_84 {strides = array<i32>} : memref<16x128xf32, #tpu.memory_space<vmem>>, vector<1x16xf32>,
    %swap3A_85 = arith.constant 1 : i32
    %swap3A_86 = arith.index_cast %swap3A_85 : i32 to index
    %swap3A_87 = arith.constant 96 : index
    %swap3A_88 = tpu.vector_load %arg9[%swap3A_86, %swap3A_87] {strides = array<i32>} : memref<16x128xf32, #tpu.memory_space<vmem>>, vector<1x16xf32>,
    %swap3A_89 = vector.shape_cast %swap3A_88 : vector<1x16xf32> to vector<16xf32>
    %swap3A_90 = vector.shape_cast %broadcast_in_dim3A_1 : vector<16xf32> to vector<1x16xf32>
    tpu.vector_store %arg9[%swap3A_86, %swap3A_87], %swap3A_90 {strides = array<i32>} : memref<16x128xf32, #tpu.memory_space<vmem>>, vector<1x16xf32>,
    %swap3A_91 = arith.constant 1 : i32
    %swap3A_92 = arith.index_cast %swap3A_91 : i32 to index
    %swap3A_93 = arith.constant 112 : index
    %swap3A_94 = tpu.vector_load %arg9[%swap3A_92, %swap3A_93] {strides = array<i32>} : memref<16x128xf32, #tpu.memory_space<vmem>>, vector<1x16xf32>,
    %swap3A_95 = vector.shape_cast %swap3A_94 : vector<1x16xf32> to vector<16xf32>
    %swap3A_96 = vector.shape_cast %broadcast_in_dim3A_1 : vector<16xf32> to vector<1x16xf32>
    tpu.vector_store %arg9[%swap3A_92, %swap3A_93], %swap3A_96 {strides = array<i32>} : memref<16x128xf32, #tpu.memory_space<vmem>>, vector<1x16xf32>,
    %swap3A_97 = arith.constant 2 : i32
    %swap3A_98 = arith.index_cast %swap3A_97 : i32 to index
    %swap3A_99 = arith.constant 0 : index
    %swap3A_100 = tpu.vector_load %arg9[%swap3A_98, %swap3A_99] {strides = array<i32>} : memref<16x128xf32, #tpu.memory_space<vmem>>, vector<1x16xf32>,
    %swap3A_101 = vector.shape_cast %swap3A_100 : vector<1x16xf32> to vector<16xf32>
    %swap3A_102 = vector.shape_cast %broadcast_in_dim3A_1 : vector<16xf32> to vector<1x16xf32>
    tpu.vector_store %arg9[%swap3A_98, %swap3A_99], %swap3A_102 {strides = array<i32>} : memref<16x128xf32, #tpu.memory_space<vmem>>, vector<1x16xf32>,
    %swap3A_103 = arith.constant 2 : i32
    %swap3A_104 = arith.index_cast %swap3A_103 : i32 to index
    %swap3A_105 = arith.constant 16 : index
    %swap3A_106 = tpu.vector_load %arg9[%swap3A_104, %swap3A_105] {strides = array<i32>} : memref<16x128xf32, #tpu.memory_space<vmem>>, vector<1x16xf32>,
    %swap3A_107 = vector.shape_cast %swap3A_106 : vector<1x16xf32> to vector<16xf32>
    %swap3A_108 = vector.shape_cast %broadcast_in_dim3A_1 : vector<16xf32> to vector<1x16xf32>
    tpu.vector_store %arg9[%swap3A_104, %swap3A_105], %swap3A_108 {strides = array<i32>} : memref<16x128xf32, #tpu.memory_space<vmem>>, vector<1x16xf32>,
    %swap3A_109 = arith.constant 2 : i32
    %swap3A_110 = arith.index_cast %swap3A_109 : i32 to index
    %swap3A_111 = arith.constant 32 : index
    %swap3A_112 = tpu.vector_load %arg9[%swap3A_110, %swap3A_111] {strides = array<i32>} : memref<16x128xf32, #tpu.memory_space<vmem>>, vector<1x16xf32>,
    %swap3A_113 = vector.shape_cast %swap3A_112 : vector<1x16xf32> to vector<16xf32>
    %swap3A_114 = vector.shape_cast %broadcast_in_dim3A_1 : vector<16xf32> to vector<1x16xf32>
    tpu.vector_store %arg9[%swap3A_110, %swap3A_111], %swap3A_114 {strides = array<i32>} : memref<16x128xf32, #tpu.memory_space<vmem>>, vector<1x16xf32>,
    %swap3A_115 = arith.constant 2 : i32
    %swap3A_116 = arith.index_cast %swap3A_115 : i32 to index
    %swap3A_117 = arith.constant 48 : index
    %swap3A_118 = tpu.vector_load %arg9[%swap3A_116, %swap3A_117] {strides = array<i32>} : memref<16x128xf32, #tpu.memory_space<vmem>>, vector<1x16xf32>,
    %swap3A_119 = vector.shape_cast %swap3A_118 : vector<1x16xf32> to vector<16xf32>
    %swap3A_120 = vector.shape_cast %broadcast_in_dim3A_1 : vector<16xf32> to vector<1x16xf32>
    tpu.vector_store %arg9[%swap3A_116, %swap3A_117], %swap3A_120 {strides = array<i32>} : memref<16x128xf32, #tpu.memory_space<vmem>>, vector<1x16xf32>,
    %swap3A_121 = arith.constant 2 : i32
    %swap3A_122 = arith.index_cast %swap3A_121 : i32 to index
    %swap3A_123 = arith.constant 64 : index
    %swap3A_124 = tpu.vector_load %arg9[%swap3A_122, %swap3A_123] {strides = array<i32>} : memref<16x128xf32, #tpu.memory_space<vmem>>, vector<1x16xf32>,
    %swap3A_125 = vector.shape_cast %swap3A_124 : vector<1x16xf32> to vector<16xf32>
    %swap3A_126 = vector.shape_cast %broadcast_in_dim3A_1 : vector<16xf32> to vector<1x16xf32>
    tpu.vector_store %arg9[%swap3A_122, %swap3A_123], %swap3A_126 {strides = array<i32>} : memref<16x128xf32, #tpu.memory_space<vmem>>, vector<1x16xf32>,
    %swap3A_127 = arith.constant 2 : i32
    %swap3A_128 = arith.index_cast %swap3A_127 : i32 to index
    %swap3A_129 = arith.constant 80 : index
    %swap3A_130 = tpu.vector_load %arg9[%swap3A_128, %swap3A_129] {strides = array<i32>} : memref<16x128xf32, #tpu.memory_space<vmem>>, vector<1x16xf32>,
    %swap3A_131 = vector.shape_cast %swap3A_130 : vector<1x16xf32> to vector<16xf32>
    %swap3A_132 = vector.shape_cast %broadcast_in_dim3A_1 : vector<16xf32> to vector<1x16xf32>
    tpu.vector_store %arg9[%swap3A_128, %swap3A_129], %swap3A_132 {strides = array<i32>} : memref<16x128xf32, #tpu.memory_space<vmem>>, vector<1x16xf32>,
    %swap3A_133 = arith.constant 2 : i32
    %swap3A_134 = arith.index_cast %swap3A_133 : i32 to index
    %swap3A_135 = arith.constant 96 : index
    %swap3A_136 = tpu.vector_load %arg9[%swap3A_134, %swap3A_135] {strides = array<i32>} : memref<16x128xf32, #tpu.memory_space<vmem>>, vector<1x16xf32>,
    %swap3A_137 = vector.shape_cast %swap3A_136 : vector<1x16xf32> to vector<16xf32>
    %swap3A_138 = vector.shape_cast %broadcast_in_dim3A_1 : vector<16xf32> to vector<1x16xf32>
    tpu.vector_store %arg9[%swap3A_134, %swap3A_135], %swap3A_138 {strides = array<i32>} : memref<16x128xf32, #tpu.memory_space<vmem>>, vector<1x16xf32>,
    %swap3A_139 = arith.constant 2 : i32
    %swap3A_140 = arith.index_cast %swap3A_139 : i32 to index
    %swap3A_141 = arith.constant 112 : index
    %swap3A_142 = tpu.vector_load %arg9[%swap3A_140, %swap3A_141] {strides = array<i32>} : memref<16x128xf32, #tpu.memory_space<vmem>>, vector<1x16xf32>,
    %swap3A_143 = vector.shape_cast %swap3A_142 : vector<1x16xf32> to vector<16xf32>
    %swap3A_144 = vector.shape_cast %broadcast_in_dim3A_1 : vector<16xf32> to vector<1x16xf32>
    tpu.vector_store %arg9[%swap3A_140, %swap3A_141], %swap3A_144 {strides = array<i32>} : memref<16x128xf32, #tpu.memory_space<vmem>>, vector<1x16xf32>,
    %swap3A_145 = arith.constant 3 : i32
    %swap3A_146 = arith.index_cast %swap3A_145 : i32 to index
    %swap3A_147 = arith.constant 0 : index
    %swap3A_148 = tpu.vector_load %arg9[%swap3A_146, %swap3A_147] {strides = array<i32>} : memref<16x128xf32, #tpu.memory_space<vmem>>, vector<1x16xf32>,
    %swap3A_149 = vector.shape_cast %swap3A_148 : vector<1x16xf32> to vector<16xf32>
    %swap3A_150 = vector.shape_cast %broadcast_in_dim3A_1 : vector<16xf32> to vector<1x16xf32>
    tpu.vector_store %arg9[%swap3A_146, %swap3A_147], %swap3A_150 {strides = array<i32>} : memref<16x128xf32, #tpu.memory_space<vmem>>, vector<1x16xf32>,
    %swap3A_151 = arith.constant 3 : i32
    %swap3A_152 = arith.index_cast %swap3A_151 : i32 to index
    %swap3A_153 = arith.constant 16 : index
    %swap3A_154 = tpu.vector_load %arg9[%swap3A_152, %swap3A_153] {strides = array<i32>} : memref<16x128xf32, #tpu.memory_space<vmem>>, vector<1x16xf32>,
    %swap3A_155 = vector.shape_cast %swap3A_154 : vector<1x16xf32> to vector<16xf32>
    %swap3A_156 = vector.shape_cast %broadcast_in_dim3A_1 : vector<16xf32> to vector<1x16xf32>
    tpu.vector_store %arg9[%swap3A_152, %swap3A_153], %swap3A_156 {strides = array<i32>} : memref<16x128xf32, #tpu.memory_space<vmem>>, vector<1x16xf32>,
    %swap3A_157 = arith.constant 3 : i32
    %swap3A_158 = arith.index_cast %swap3A_157 : i32 to index
    %swap3A_159 = arith.constant 32 : index
    %swap3A_160 = tpu.vector_load %arg9[%swap3A_158, %swap3A_159] {strides = array<i32>} : memref<16x128xf32, #tpu.memory_space<vmem>>, vector<1x16xf32>,
    %swap3A_161 = vector.shape_cast %swap3A_160 : vector<1x16xf32> to vector<16xf32>
    %swap3A_162 = vector.shape_cast %broadcast_in_dim3A_1 : vector<16xf32> to vector<1x16xf32>
    tpu.vector_store %arg9[%swap3A_158, %swap3A_159], %swap3A_162 {strides = array<i32>} : memref<16x128xf32, #tpu.memory_space<vmem>>, vector<1x16xf32>,
    %swap3A_163 = arith.constant 3 : i32
    %swap3A_164 = arith.index_cast %swap3A_163 : i32 to index
    %swap3A_165 = arith.constant 48 : index
    %swap3A_166 = tpu.vector_load %arg9[%swap3A_164, %swap3A_165] {strides = array<i32>} : memref<16x128xf32, #tpu.memory_space<vmem>>, vector<1x16xf32>,
    %swap3A_167 = vector.shape_cast %swap3A_166 : vector<1x16xf32> to vector<16xf32>
    %swap3A_168 = vector.shape_cast %broadcast_in_dim3A_1 : vector<16xf32> to vector<1x16xf32>
    tpu.vector_store %arg9[%swap3A_164, %swap3A_165], %swap3A_168 {strides = array<i32>} : memref<16x128xf32, #tpu.memory_space<vmem>>, vector<1x16xf32>,
    %swap3A_169 = arith.constant 3 : i32
    %swap3A_170 = arith.index_cast %swap3A_169 : i32 to index
    %swap3A_171 = arith.constant 64 : index
    %swap3A_172 = tpu.vector_load %arg9[%swap3A_170, %swap3A_171] {strides = array<i32>} : memref<16x128xf32, #tpu.memory_space<vmem>>, vector<1x16xf32>,
    %swap3A_173 = vector.shape_cast %swap3A_172 : vector<1x16xf32> to vector<16xf32>
    %swap3A_174 = vector.shape_cast %broadcast_in_dim3A_1 : vector<16xf32> to vector<1x16xf32>
    tpu.vector_store %arg9[%swap3A_170, %swap3A_171], %swap3A_174 {strides = array<i32>} : memref<16x128xf32, #tpu.memory_space<vmem>>, vector<1x16xf32>,
    %swap3A_175 = arith.constant 3 : i32
    %swap3A_176 = arith.index_cast %swap3A_175 : i32 to index
    %swap3A_177 = arith.constant 80 : index
    %swap3A_178 = tpu.vector_load %arg9[%swap3A_176, %swap3A_177] {strides = array<i32>} : memref<16x128xf32, #tpu.memory_space<vmem>>, vector<1x16xf32>,
    %swap3A_179 = vector.shape_cast %swap3A_178 : vector<1x16xf32> to vector<16xf32>
    %swap3A_180 = vector.shape_cast %broadcast_in_dim3A_1 : vector<16xf32> to vector<1x16xf32>
    tpu.vector_store %arg9[%swap3A_176, %swap3A_177], %swap3A_180 {strides = array<i32>} : memref<16x128xf32, #tpu.memory_space<vmem>>, vector<1x16xf32>,
    %swap3A_181 = arith.constant 3 : i32
    %swap3A_182 = arith.index_cast %swap3A_181 : i32 to index
    %swap3A_183 = arith.constant 96 : index
    %swap3A_184 = tpu.vector_load %arg9[%swap3A_182, %swap3A_183] {strides = array<i32>} : memref<16x128xf32, #tpu.memory_space<vmem>>, vector<1x16xf32>,
    %swap3A_185 = vector.shape_cast %swap3A_184 : vector<1x16xf32> to vector<16xf32>
    %swap3A_186 = vector.shape_cast %broadcast_in_dim3A_1 : vector<16xf32> to vector<1x16xf32>
    tpu.vector_store %arg9[%swap3A_182, %swap3A_183], %swap3A_186 {strides = array<i32>} : memref<16x128xf32, #tpu.memory_space<vmem>>, vector<1x16xf32>,
    %swap3A_187 = arith.constant 3 : i32
    %swap3A_188 = arith.index_cast %swap3A_187 : i32 to index
    %swap3A_189 = arith.constant 112 : index
    %swap3A_190 = tpu.vector_load %arg9[%swap3A_188, %swap3A_189] {strides = array<i32>} : memref<16x128xf32, #tpu.memory_space<vmem>>, vector<1x16xf32>,
    %swap3A_191 = vector.shape_cast %swap3A_190 : vector<1x16xf32> to vector<16xf32>
    %swap3A_192 = vector.shape_cast %broadcast_in_dim3A_1 : vector<16xf32> to vector<1x16xf32>
    tpu.vector_store %arg9[%swap3A_188, %swap3A_189], %swap3A_192 {strides = array<i32>} : memref<16x128xf32, #tpu.memory_space<vmem>>, vector<1x16xf32>,
    %swap3A_193 = arith.constant 4 : i32
    %swap3A_194 = arith.index_cast %swap3A_193 : i32 to index
    %swap3A_195 = arith.constant 0 : index
    %swap3A_196 = tpu.vector_load %arg9[%swap3A_194, %swap3A_195] {strides = array<i32>} : memref<16x128xf32, #tpu.memory_space<vmem>>, vector<1x16xf32>,
    %swap3A_197 = vector.shape_cast %swap3A_196 : vector<1x16xf32> to vector<16xf32>
    %swap3A_198 = vector.shape_cast %broadcast_in_dim3A_1 : vector<16xf32> to vector<1x16xf32>
    tpu.vector_store %arg9[%swap3A_194, %swap3A_195], %swap3A_198 {strides = array<i32>} : memref<16x128xf32, #tpu.memory_space<vmem>>, vector<1x16xf32>,
    %swap3A_199 = arith.constant 4 : i32
    %swap3A_200 = arith.index_cast %swap3A_199 : i32 to index
    %swap3A_201 = arith.constant 16 : index
    %swap3A_202 = tpu.vector_load %arg9[%swap3A_200, %swap3A_201] {strides = array<i32>} : memref<16x128xf32, #tpu.memory_space<vmem>>, vector<1x16xf32>,
    %swap3A_203 = vector.shape_cast %swap3A_202 : vector<1x16xf32> to vector<16xf32>
    %swap3A_204 = vector.shape_cast %broadcast_in_dim3A_1 : vector<16xf32> to vector<1x16xf32>
    tpu.vector_store %arg9[%swap3A_200, %swap3A_201], %swap3A_204 {strides = array<i32>} : memref<16x128xf32, #tpu.memory_space<vmem>>, vector<1x16xf32>,
    %swap3A_205 = arith.constant 4 : i32
    %swap3A_206 = arith.index_cast %swap3A_205 : i32 to index
    %swap3A_207 = arith.constant 32 : index
    %swap3A_208 = tpu.vector_load %arg9[%swap3A_206, %swap3A_207] {strides = array<i32>} : memref<16x128xf32, #tpu.memory_space<vmem>>, vector<1x16xf32>,
    %swap3A_209 = vector.shape_cast %swap3A_208 : vector<1x16xf32> to vector<16xf32>
    %swap3A_210 = vector.shape_cast %broadcast_in_dim3A_1 : vector<16xf32> to vector<1x16xf32>
    tpu.vector_store %arg9[%swap3A_206, %swap3A_207], %swap3A_210 {strides = array<i32>} : memref<16x128xf32, #tpu.memory_space<vmem>>, vector<1x16xf32>,
    %swap3A_211 = arith.constant 4 : i32
    %swap3A_212 = arith.index_cast %swap3A_211 : i32 to index
    %swap3A_213 = arith.constant 48 : index
    %swap3A_214 = tpu.vector_load %arg9[%swap3A_212, %swap3A_213] {strides = array<i32>} : memref<16x128xf32, #tpu.memory_space<vmem>>, vector<1x16xf32>,
    %swap3A_215 = vector.shape_cast %swap3A_214 : vector<1x16xf32> to vector<16xf32>
    %swap3A_216 = vector.shape_cast %broadcast_in_dim3A_1 : vector<16xf32> to vector<1x16xf32>
    tpu.vector_store %arg9[%swap3A_212, %swap3A_213], %swap3A_216 {strides = array<i32>} : memref<16x128xf32, #tpu.memory_space<vmem>>, vector<1x16xf32>,
    %swap3A_217 = arith.constant 4 : i32
    %swap3A_218 = arith.index_cast %swap3A_217 : i32 to index
    %swap3A_219 = arith.constant 64 : index
    %swap3A_220 = tpu.vector_load %arg9[%swap3A_218, %swap3A_219] {strides = array<i32>} : memref<16x128xf32, #tpu.memory_space<vmem>>, vector<1x16xf32>,
    %swap3A_221 = vector.shape_cast %swap3A_220 : vector<1x16xf32> to vector<16xf32>
    %swap3A_222 = vector.shape_cast %broadcast_in_dim3A_1 : vector<16xf32> to vector<1x16xf32>
    tpu.vector_store %arg9[%swap3A_218, %swap3A_219], %swap3A_222 {strides = array<i32>} : memref<16x128xf32, #tpu.memory_space<vmem>>, vector<1x16xf32>,
    %swap3A_223 = arith.constant 4 : i32
    %swap3A_224 = arith.index_cast %swap3A_223 : i32 to index
    %swap3A_225 = arith.constant 80 : index
    %swap3A_226 = tpu.vector_load %arg9[%swap3A_224, %swap3A_225] {strides = array<i32>} : memref<16x128xf32, #tpu.memory_space<vmem>>, vector<1x16xf32>,
    %swap3A_227 = vector.shape_cast %swap3A_226 : vector<1x16xf32> to vector<16xf32>
    %swap3A_228 = vector.shape_cast %broadcast_in_dim3A_1 : vector<16xf32> to vector<1x16xf32>
    tpu.vector_store %arg9[%swap3A_224, %swap3A_225], %swap3A_228 {strides = array<i32>} : memref<16x128xf32, #tpu.memory_space<vmem>>, vector<1x16xf32>,
    %swap3A_229 = arith.constant 4 : i32
    %swap3A_230 = arith.index_cast %swap3A_229 : i32 to index
    %swap3A_231 = arith.constant 96 : index
    %swap3A_232 = tpu.vector_load %arg9[%swap3A_230, %swap3A_231] {strides = array<i32>} : memref<16x128xf32, #tpu.memory_space<vmem>>, vector<1x16xf32>,
    %swap3A_233 = vector.shape_cast %swap3A_232 : vector<1x16xf32> to vector<16xf32>
    %swap3A_234 = vector.shape_cast %broadcast_in_dim3A_1 : vector<16xf32> to vector<1x16xf32>
    tpu.vector_store %arg9[%swap3A_230, %swap3A_231], %swap3A_234 {strides = array<i32>} : memref<16x128xf32, #tpu.memory_space<vmem>>, vector<1x16xf32>,
    %swap3A_235 = arith.constant 4 : i32
    %swap3A_236 = arith.index_cast %swap3A_235 : i32 to index
    %swap3A_237 = arith.constant 112 : index
    %swap3A_238 = tpu.vector_load %arg9[%swap3A_236, %swap3A_237] {strides = array<i32>} : memref<16x128xf32, #tpu.memory_space<vmem>>, vector<1x16xf32>,
    %swap3A_239 = vector.shape_cast %swap3A_238 : vector<1x16xf32> to vector<16xf32>
    %swap3A_240 = vector.shape_cast %broadcast_in_dim3A_1 : vector<16xf32> to vector<1x16xf32>
    tpu.vector_store %arg9[%swap3A_236, %swap3A_237], %swap3A_240 {strides = array<i32>} : memref<16x128xf32, #tpu.memory_space<vmem>>, vector<1x16xf32>,
    %swap3A_241 = arith.constant 5 : i32
    %swap3A_242 = arith.index_cast %swap3A_241 : i32 to index
    %swap3A_243 = arith.constant 0 : index
    %swap3A_244 = tpu.vector_load %arg9[%swap3A_242, %swap3A_243] {strides = array<i32>} : memref<16x128xf32, #tpu.memory_space<vmem>>, vector<1x16xf32>,
    %swap3A_245 = vector.shape_cast %swap3A_244 : vector<1x16xf32> to vector<16xf32>
    %swap3A_246 = vector.shape_cast %broadcast_in_dim3A_1 : vector<16xf32> to vector<1x16xf32>
    tpu.vector_store %arg9[%swap3A_242, %swap3A_243], %swap3A_246 {strides = array<i32>} : memref<16x128xf32, #tpu.memory_space<vmem>>, vector<1x16xf32>,
    %swap3A_247 = arith.constant 5 : i32
    %swap3A_248 = arith.index_cast %swap3A_247 : i32 to index
    %swap3A_249 = arith.constant 16 : index
    %swap3A_250 = tpu.vector_load %arg9[%swap3A_248, %swap3A_249] {strides = array<i32>} : memref<16x128xf32, #tpu.memory_space<vmem>>, vector<1x16xf32>,
    %swap3A_251 = vector.shape_cast %swap3A_250 : vector<1x16xf32> to vector<16xf32>
    %swap3A_252 = vector.shape_cast %broadcast_in_dim3A_1 : vector<16xf32> to vector<1x16xf32>
    tpu.vector_store %arg9[%swap3A_248, %swap3A_249], %swap3A_252 {strides = array<i32>} : memref<16x128xf32, #tpu.memory_space<vmem>>, vector<1x16xf32>,
    %swap3A_253 = arith.constant 5 : i32
    %swap3A_254 = arith.index_cast %swap3A_253 : i32 to index
    %swap3A_255 = arith.constant 32 : index
    %swap3A_256 = tpu.vector_load %arg9[%swap3A_254, %swap3A_255] {strides = array<i32>} : memref<16x128xf32, #tpu.memory_space<vmem>>, vector<1x16xf32>,
    %swap3A_257 = vector.shape_cast %swap3A_256 : vector<1x16xf32> to vector<16xf32>
    %swap3A_258 = vector.shape_cast %broadcast_in_dim3A_1 : vector<16xf32> to vector<1x16xf32>
    tpu.vector_store %arg9[%swap3A_254, %swap3A_255], %swap3A_258 {strides = array<i32>} : memref<16x128xf32, #tpu.memory_space<vmem>>, vector<1x16xf32>,
    %swap3A_259 = arith.constant 5 : i32
    %swap3A_260 = arith.index_cast %swap3A_259 : i32 to index
    %swap3A_261 = arith.constant 48 : index
    %swap3A_262 = tpu.vector_load %arg9[%swap3A_260, %swap3A_261] {strides = array<i32>} : memref<16x128xf32, #tpu.memory_space<vmem>>, vector<1x16xf32>,
    %swap3A_263 = vector.shape_cast %swap3A_262 : vector<1x16xf32> to vector<16xf32>
    %swap3A_264 = vector.shape_cast %broadcast_in_dim3A_1 : vector<16xf32> to vector<1x16xf32>
    tpu.vector_store %arg9[%swap3A_260, %swap3A_261], %swap3A_264 {strides = array<i32>} : memref<16x128xf32, #tpu.memory_space<vmem>>, vector<1x16xf32>,
    %swap3A_265 = arith.constant 5 : i32
    %swap3A_266 = arith.index_cast %swap3A_265 : i32 to index
    %swap3A_267 = arith.constant 64 : index
    %swap3A_268 = tpu.vector_load %arg9[%swap3A_266, %swap3A_267] {strides = array<i32>} : memref<16x128xf32, #tpu.memory_space<vmem>>, vector<1x16xf32>,
    %swap3A_269 = vector.shape_cast %swap3A_268 : vector<1x16xf32> to vector<16xf32>
    %swap3A_270 = vector.shape_cast %broadcast_in_dim3A_1 : vector<16xf32> to vector<1x16xf32>
    tpu.vector_store %arg9[%swap3A_266, %swap3A_267], %swap3A_270 {strides = array<i32>} : memref<16x128xf32, #tpu.memory_space<vmem>>, vector<1x16xf32>,
    %swap3A_271 = arith.constant 5 : i32
    %swap3A_272 = arith.index_cast %swap3A_271 : i32 to index
    %swap3A_273 = arith.constant 80 : index
    %swap3A_274 = tpu.vector_load %arg9[%swap3A_272, %swap3A_273] {strides = array<i32>} : memref<16x128xf32, #tpu.memory_space<vmem>>, vector<1x16xf32>,
    %swap3A_275 = vector.shape_cast %swap3A_274 : vector<1x16xf32> to vector<16xf32>
    %swap3A_276 = vector.shape_cast %broadcast_in_dim3A_1 : vector<16xf32> to vector<1x16xf32>
    tpu.vector_store %arg9[%swap3A_272, %swap3A_273], %swap3A_276 {strides = array<i32>} : memref<16x128xf32, #tpu.memory_space<vmem>>, vector<1x16xf32>,
    %swap3A_277 = arith.constant 5 : i32
    %swap3A_278 = arith.index_cast %swap3A_277 : i32 to index
    %swap3A_279 = arith.constant 96 : index
    %swap3A_280 = tpu.vector_load %arg9[%swap3A_278, %swap3A_279] {strides = array<i32>} : memref<16x128xf32, #tpu.memory_space<vmem>>, vector<1x16xf32>,
    %swap3A_281 = vector.shape_cast %swap3A_280 : vector<1x16xf32> to vector<16xf32>
    %swap3A_282 = vector.shape_cast %broadcast_in_dim3A_1 : vector<16xf32> to vector<1x16xf32>
    tpu.vector_store %arg9[%swap3A_278, %swap3A_279], %swap3A_282 {strides = array<i32>} : memref<16x128xf32, #tpu.memory_space<vmem>>, vector<1x16xf32>,
    %swap3A_283 = arith.constant 5 : i32
    %swap3A_284 = arith.index_cast %swap3A_283 : i32 to index
    %swap3A_285 = arith.constant 112 : index
    %swap3A_286 = tpu.vector_load %arg9[%swap3A_284, %swap3A_285] {strides = array<i32>} : memref<16x128xf32, #tpu.memory_space<vmem>>, vector<1x16xf32>,
    %swap3A_287 = vector.shape_cast %swap3A_286 : vector<1x16xf32> to vector<16xf32>
    %swap3A_288 = vector.shape_cast %broadcast_in_dim3A_1 : vector<16xf32> to vector<1x16xf32>
    tpu.vector_store %arg9[%swap3A_284, %swap3A_285], %swap3A_288 {strides = array<i32>} : memref<16x128xf32, #tpu.memory_space<vmem>>, vector<1x16xf32>,
    %swap3A_289 = arith.constant 6 : i32
    %swap3A_290 = arith.index_cast %swap3A_289 : i32 to index
    %swap3A_291 = arith.constant 0 : index
    %swap3A_292 = tpu.vector_load %arg9[%swap3A_290, %swap3A_291] {strides = array<i32>} : memref<16x128xf32, #tpu.memory_space<vmem>>, vector<1x16xf32>,
    %swap3A_293 = vector.shape_cast %swap3A_292 : vector<1x16xf32> to vector<16xf32>
    %swap3A_294 = vector.shape_cast %broadcast_in_dim3A_1 : vector<16xf32> to vector<1x16xf32>
    tpu.vector_store %arg9[%swap3A_290, %swap3A_291], %swap3A_294 {strides = array<i32>} : memref<16x128xf32, #tpu.memory_space<vmem>>, vector<1x16xf32>,
    %swap3A_295 = arith.constant 6 : i32
    %swap3A_296 = arith.index_cast %swap3A_295 : i32 to index
    %swap3A_297 = arith.constant 16 : index
    %swap3A_298 = tpu.vector_load %arg9[%swap3A_296, %swap3A_297] {strides = array<i32>} : memref<16x128xf32, #tpu.memory_space<vmem>>, vector<1x16xf32>,
    %swap3A_299 = vector.shape_cast %swap3A_298 : vector<1x16xf32> to vector<16xf32>
    %swap3A_300 = vector.shape_cast %broadcast_in_dim3A_1 : vector<16xf32> to vector<1x16xf32>
    tpu.vector_store %arg9[%swap3A_296, %swap3A_297], %swap3A_300 {strides = array<i32>} : memref<16x128xf32, #tpu.memory_space<vmem>>, vector<1x16xf32>,
    %swap3A_301 = arith.constant 6 : i32
    %swap3A_302 = arith.index_cast %swap3A_301 : i32 to index
    %swap3A_303 = arith.constant 32 : index
    %swap3A_304 = tpu.vector_load %arg9[%swap3A_302, %swap3A_303] {strides = array<i32>} : memref<16x128xf32, #tpu.memory_space<vmem>>, vector<1x16xf32>,
    %swap3A_305 = vector.shape_cast %swap3A_304 : vector<1x16xf32> to vector<16xf32>
    %swap3A_306 = vector.shape_cast %broadcast_in_dim3A_1 : vector<16xf32> to vector<1x16xf32>
    tpu.vector_store %arg9[%swap3A_302, %swap3A_303], %swap3A_306 {strides = array<i32>} : memref<16x128xf32, #tpu.memory_space<vmem>>, vector<1x16xf32>,
    %swap3A_307 = arith.constant 6 : i32
    %swap3A_308 = arith.index_cast %swap3A_307 : i32 to index
    %swap3A_309 = arith.constant 48 : index
    %swap3A_310 = tpu.vector_load %arg9[%swap3A_308, %swap3A_309] {strides = array<i32>} : memref<16x128xf32, #tpu.memory_space<vmem>>, vector<1x16xf32>,
    %swap3A_311 = vector.shape_cast %swap3A_310 : vector<1x16xf32> to vector<16xf32>
    %swap3A_312 = vector.shape_cast %broadcast_in_dim3A_1 : vector<16xf32> to vector<1x16xf32>
    tpu.vector_store %arg9[%swap3A_308, %swap3A_309], %swap3A_312 {strides = array<i32>} : memref<16x128xf32, #tpu.memory_space<vmem>>, vector<1x16xf32>,
    %swap3A_313 = arith.constant 6 : i32
    %swap3A_314 = arith.index_cast %swap3A_313 : i32 to index
    %swap3A_315 = arith.constant 64 : index
    %swap3A_316 = tpu.vector_load %arg9[%swap3A_314, %swap3A_315] {strides = array<i32>} : memref<16x128xf32, #tpu.memory_space<vmem>>, vector<1x16xf32>,
    %swap3A_317 = vector.shape_cast %swap3A_316 : vector<1x16xf32> to vector<16xf32>
    %swap3A_318 = vector.shape_cast %broadcast_in_dim3A_1 : vector<16xf32> to vector<1x16xf32>
    tpu.vector_store %arg9[%swap3A_314, %swap3A_315], %swap3A_318 {strides = array<i32>} : memref<16x128xf32, #tpu.memory_space<vmem>>, vector<1x16xf32>,
    %swap3A_319 = arith.constant 6 : i32
    %swap3A_320 = arith.index_cast %swap3A_319 : i32 to index
    %swap3A_321 = arith.constant 80 : index
    %swap3A_322 = tpu.vector_load %arg9[%swap3A_320, %swap3A_321] {strides = array<i32>} : memref<16x128xf32, #tpu.memory_space<vmem>>, vector<1x16xf32>,
    %swap3A_323 = vector.shape_cast %swap3A_322 : vector<1x16xf32> to vector<16xf32>
    %swap3A_324 = vector.shape_cast %broadcast_in_dim3A_1 : vector<16xf32> to vector<1x16xf32>
    tpu.vector_store %arg9[%swap3A_320, %swap3A_321], %swap3A_324 {strides = array<i32>} : memref<16x128xf32, #tpu.memory_space<vmem>>, vector<1x16xf32>,
    %swap3A_325 = arith.constant 6 : i32
    %swap3A_326 = arith.index_cast %swap3A_325 : i32 to index
    %swap3A_327 = arith.constant 96 : index
    %swap3A_328 = tpu.vector_load %arg9[%swap3A_326, %swap3A_327] {strides = array<i32>} : memref<16x128xf32, #tpu.memory_space<vmem>>, vector<1x16xf32>,
    %swap3A_329 = vector.shape_cast %swap3A_328 : vector<1x16xf32> to vector<16xf32>
    %swap3A_330 = vector.shape_cast %broadcast_in_dim3A_1 : vector<16xf32> to vector<1x16xf32>
    tpu.vector_store %arg9[%swap3A_326, %swap3A_327], %swap3A_330 {strides = array<i32>} : memref<16x128xf32, #tpu.memory_space<vmem>>, vector<1x16xf32>,
    %swap3A_331 = arith.constant 6 : i32
    %swap3A_332 = arith.index_cast %swap3A_331 : i32 to index
    %swap3A_333 = arith.constant 112 : index
    %swap3A_334 = tpu.vector_load %arg9[%swap3A_332, %swap3A_333] {strides = array<i32>} : memref<16x128xf32, #tpu.memory_space<vmem>>, vector<1x16xf32>,
    %swap3A_335 = vector.shape_cast %swap3A_334 : vector<1x16xf32> to vector<16xf32>
    %swap3A_336 = vector.shape_cast %broadcast_in_dim3A_1 : vector<16xf32> to vector<1x16xf32>
    tpu.vector_store %arg9[%swap3A_332, %swap3A_333], %swap3A_336 {strides = array<i32>} : memref<16x128xf32, #tpu.memory_space<vmem>>, vector<1x16xf32>,
    %swap3A_337 = arith.constant 7 : i32
    %swap3A_338 = arith.index_cast %swap3A_337 : i32 to index
    %swap3A_339 = arith.constant 0 : index
    %swap3A_340 = tpu.vector_load %arg9[%swap3A_338, %swap3A_339] {strides = array<i32>} : memref<16x128xf32, #tpu.memory_space<vmem>>, vector<1x16xf32>,
    %swap3A_341 = vector.shape_cast %swap3A_340 : vector<1x16xf32> to vector<16xf32>
    %swap3A_342 = vector.shape_cast %broadcast_in_dim3A_1 : vector<16xf32> to vector<1x16xf32>
    tpu.vector_store %arg9[%swap3A_338, %swap3A_339], %swap3A_342 {strides = array<i32>} : memref<16x128xf32, #tpu.memory_space<vmem>>, vector<1x16xf32>,
    %swap3A_343 = arith.constant 7 : i32
    %swap3A_344 = arith.index_cast %swap3A_343 : i32 to index
    %swap3A_345 = arith.constant 16 : index
    %swap3A_346 = tpu.vector_load %arg9[%swap3A_344, %swap3A_345] {strides = array<i32>} : memref<16x128xf32, #tpu.memory_space<vmem>>, vector<1x16xf32>,
    %swap3A_347 = vector.shape_cast %swap3A_346 : vector<1x16xf32> to vector<16xf32>
    %swap3A_348 = vector.shape_cast %broadcast_in_dim3A_1 : vector<16xf32> to vector<1x16xf32>
    tpu.vector_store %arg9[%swap3A_344, %swap3A_345], %swap3A_348 {strides = array<i32>} : memref<16x128xf32, #tpu.memory_space<vmem>>, vector<1x16xf32>,
    %swap3A_349 = arith.constant 7 : i32
    %swap3A_350 = arith.index_cast %swap3A_349 : i32 to index
    %swap3A_351 = arith.constant 32 : index
    %swap3A_352 = tpu.vector_load %arg9[%swap3A_350, %swap3A_351] {strides = array<i32>} : memref<16x128xf32, #tpu.memory_space<vmem>>, vector<1x16xf32>,
    %swap3A_353 = vector.shape_cast %swap3A_352 : vector<1x16xf32> to vector<16xf32>
    %swap3A_354 = vector.shape_cast %broadcast_in_dim3A_1 : vector<16xf32> to vector<1x16xf32>
    tpu.vector_store %arg9[%swap3A_350, %swap3A_351], %swap3A_354 {strides = array<i32>} : memref<16x128xf32, #tpu.memory_space<vmem>>, vector<1x16xf32>,
    %swap3A_355 = arith.constant 7 : i32
    %swap3A_356 = arith.index_cast %swap3A_355 : i32 to index
    %swap3A_357 = arith.constant 48 : index
    %swap3A_358 = tpu.vector_load %arg9[%swap3A_356, %swap3A_357] {strides = array<i32>} : memref<16x128xf32, #tpu.memory_space<vmem>>, vector<1x16xf32>,
    %swap3A_359 = vector.shape_cast %swap3A_358 : vector<1x16xf32> to vector<16xf32>
    %swap3A_360 = vector.shape_cast %broadcast_in_dim3A_1 : vector<16xf32> to vector<1x16xf32>
    tpu.vector_store %arg9[%swap3A_356, %swap3A_357], %swap3A_360 {strides = array<i32>} : memref<16x128xf32, #tpu.memory_space<vmem>>, vector<1x16xf32>,
    %swap3A_361 = arith.constant 7 : i32
    %swap3A_362 = arith.index_cast %swap3A_361 : i32 to index
    %swap3A_363 = arith.constant 64 : index
    %swap3A_364 = tpu.vector_load %arg9[%swap3A_362, %swap3A_363] {strides = array<i32>} : memref<16x128xf32, #tpu.memory_space<vmem>>, vector<1x16xf32>,
    %swap3A_365 = vector.shape_cast %swap3A_364 : vector<1x16xf32> to vector<16xf32>
    %swap3A_366 = vector.shape_cast %broadcast_in_dim3A_1 : vector<16xf32> to vector<1x16xf32>
    tpu.vector_store %arg9[%swap3A_362, %swap3A_363], %swap3A_366 {strides = array<i32>} : memref<16x128xf32, #tpu.memory_space<vmem>>, vector<1x16xf32>,
    %swap3A_367 = arith.constant 7 : i32
    %swap3A_368 = arith.index_cast %swap3A_367 : i32 to index
    %swap3A_369 = arith.constant 80 : index
    %swap3A_370 = tpu.vector_load %arg9[%swap3A_368, %swap3A_369] {strides = array<i32>} : memref<16x128xf32, #tpu.memory_space<vmem>>, vector<1x16xf32>,
    %swap3A_371 = vector.shape_cast %swap3A_370 : vector<1x16xf32> to vector<16xf32>
    %swap3A_372 = vector.shape_cast %broadcast_in_dim3A_1 : vector<16xf32> to vector<1x16xf32>
    tpu.vector_store %arg9[%swap3A_368, %swap3A_369], %swap3A_372 {strides = array<i32>} : memref<16x128xf32, #tpu.memory_space<vmem>>, vector<1x16xf32>,
    %swap3A_373 = arith.constant 7 : i32
    %swap3A_374 = arith.index_cast %swap3A_373 : i32 to index
    %swap3A_375 = arith.constant 96 : index
    %swap3A_376 = tpu.vector_load %arg9[%swap3A_374, %swap3A_375] {strides = array<i32>} : memref<16x128xf32, #tpu.memory_space<vmem>>, vector<1x16xf32>,
    %swap3A_377 = vector.shape_cast %swap3A_376 : vector<1x16xf32> to vector<16xf32>
    %swap3A_378 = vector.shape_cast %broadcast_in_dim3A_1 : vector<16xf32> to vector<1x16xf32>
    tpu.vector_store %arg9[%swap3A_374, %swap3A_375], %swap3A_378 {strides = array<i32>} : memref<16x128xf32, #tpu.memory_space<vmem>>, vector<1x16xf32>,
    %swap3A_379 = arith.constant 7 : i32
    %swap3A_380 = arith.index_cast %swap3A_379 : i32 to index
    %swap3A_381 = arith.constant 112 : index
    %swap3A_382 = tpu.vector_load %arg9[%swap3A_380, %swap3A_381] {strides = array<i32>} : memref<16x128xf32, #tpu.memory_space<vmem>>, vector<1x16xf32>,
    %swap3A_383 = vector.shape_cast %swap3A_382 : vector<1x16xf32> to vector<16xf32>
    %swap3A_384 = vector.shape_cast %broadcast_in_dim3A_1 : vector<16xf32> to vector<1x16xf32>
    tpu.vector_store %arg9[%swap3A_380, %swap3A_381], %swap3A_384 {strides = array<i32>} : memref<16x128xf32, #tpu.memory_space<vmem>>, vector<1x16xf32>,
    %swap3A_385 = arith.constant 8 : i32
    %swap3A_386 = arith.index_cast %swap3A_385 : i32 to index
    %swap3A_387 = arith.constant 0 : index
    %swap3A_388 = tpu.vector_load %arg9[%swap3A_386, %swap3A_387] {strides = array<i32>} : memref<16x128xf32, #tpu.memory_space<vmem>>, vector<1x16xf32>,
    %swap3A_389 = vector.shape_cast %swap3A_388 : vector<1x16xf32> to vector<16xf32>
    %swap3A_390 = vector.shape_cast %broadcast_in_dim3A_1 : vector<16xf32> to vector<1x16xf32>
    tpu.vector_store %arg9[%swap3A_386, %swap3A_387], %swap3A_390 {strides = array<i32>} : memref<16x128xf32, #tpu.memory_space<vmem>>, vector<1x16xf32>,
    %swap3A_391 = arith.constant 8 : i32
    %swap3A_392 = arith.index_cast %swap3A_391 : i32 to index
    %swap3A_393 = arith.constant 16 : index
    %swap3A_394 = tpu.vector_load %arg9[%swap3A_392, %swap3A_393] {strides = array<i32>} : memref<16x128xf32, #tpu.memory_space<vmem>>, vector<1x16xf32>,
    %swap3A_395 = vector.shape_cast %swap3A_394 : vector<1x16xf32> to vector<16xf32>
    %swap3A_396 = vector.shape_cast %broadcast_in_dim3A_1 : vector<16xf32> to vector<1x16xf32>
    tpu.vector_store %arg9[%swap3A_392, %swap3A_393], %swap3A_396 {strides = array<i32>} : memref<16x128xf32, #tpu.memory_space<vmem>>, vector<1x16xf32>,
    %swap3A_397 = arith.constant 8 : i32
    %swap3A_398 = arith.index_cast %swap3A_397 : i32 to index
    %swap3A_399 = arith.constant 32 : index
    %swap3A_400 = tpu.vector_load %arg9[%swap3A_398, %swap3A_399] {strides = array<i32>} : memref<16x128xf32, #tpu.memory_space<vmem>>, vector<1x16xf32>,
    %swap3A_401 = vector.shape_cast %swap3A_400 : vector<1x16xf32> to vector<16xf32>
    %swap3A_402 = vector.shape_cast %broadcast_in_dim3A_1 : vector<16xf32> to vector<1x16xf32>
    tpu.vector_store %arg9[%swap3A_398, %swap3A_399], %swap3A_402 {strides = array<i32>} : memref<16x128xf32, #tpu.memory_space<vmem>>, vector<1x16xf32>,
    %swap3A_403 = arith.constant 8 : i32
    %swap3A_404 = arith.index_cast %swap3A_403 : i32 to index
    %swap3A_405 = arith.constant 48 : index
    %swap3A_406 = tpu.vector_load %arg9[%swap3A_404, %swap3A_405] {strides = array<i32>} : memref<16x128xf32, #tpu.memory_space<vmem>>, vector<1x16xf32>,
    %swap3A_407 = vector.shape_cast %swap3A_406 : vector<1x16xf32> to vector<16xf32>
    %swap3A_408 = vector.shape_cast %broadcast_in_dim3A_1 : vector<16xf32> to vector<1x16xf32>
    tpu.vector_store %arg9[%swap3A_404, %swap3A_405], %swap3A_408 {strides = array<i32>} : memref<16x128xf32, #tpu.memory_space<vmem>>, vector<1x16xf32>,
    %swap3A_409 = arith.constant 8 : i32
    %swap3A_410 = arith.index_cast %swap3A_409 : i32 to index
    %swap3A_411 = arith.constant 64 : index
    %swap3A_412 = tpu.vector_load %arg9[%swap3A_410, %swap3A_411] {strides = array<i32>} : memref<16x128xf32, #tpu.memory_space<vmem>>, vector<1x16xf32>,
    %swap3A_413 = vector.shape_cast %swap3A_412 : vector<1x16xf32> to vector<16xf32>
    %swap3A_414 = vector.shape_cast %broadcast_in_dim3A_1 : vector<16xf32> to vector<1x16xf32>
    tpu.vector_store %arg9[%swap3A_410, %swap3A_411], %swap3A_414 {strides = array<i32>} : memref<16x128xf32, #tpu.memory_space<vmem>>, vector<1x16xf32>,
    %swap3A_415 = arith.constant 8 : i32
    %swap3A_416 = arith.index_cast %swap3A_415 : i32 to index
    %swap3A_417 = arith.constant 80 : index
    %swap3A_418 = tpu.vector_load %arg9[%swap3A_416, %swap3A_417] {strides = array<i32>} : memref<16x128xf32, #tpu.memory_space<vmem>>, vector<1x16xf32>,
    %swap3A_419 = vector.shape_cast %swap3A_418 : vector<1x16xf32> to vector<16xf32>
    %swap3A_420 = vector.shape_cast %broadcast_in_dim3A_1 : vector<16xf32> to vector<1x16xf32>
    tpu.vector_store %arg9[%swap3A_416, %swap3A_417], %swap3A_420 {strides = array<i32>} : memref<16x128xf32, #tpu.memory_space<vmem>>, vector<1x16xf32>,
    %swap3A_421 = arith.constant 8 : i32
    %swap3A_422 = arith.index_cast %swap3A_421 : i32 to index
    %swap3A_423 = arith.constant 96 : index
    %swap3A_424 = tpu.vector_load %arg9[%swap3A_422, %swap3A_423] {strides = array<i32>} : memref<16x128xf32, #tpu.memory_space<vmem>>, vector<1x16xf32>,
    %swap3A_425 = vector.shape_cast %swap3A_424 : vector<1x16xf32> to vector<16xf32>
    %swap3A_426 = vector.shape_cast %broadcast_in_dim3A_1 : vector<16xf32> to vector<1x16xf32>
    tpu.vector_store %arg9[%swap3A_422, %swap3A_423], %swap3A_426 {strides = array<i32>} : memref<16x128xf32, #tpu.memory_space<vmem>>, vector<1x16xf32>,
    %swap3A_427 = arith.constant 8 : i32
    %swap3A_428 = arith.index_cast %swap3A_427 : i32 to index
    %swap3A_429 = arith.constant 112 : index
    %swap3A_430 = tpu.vector_load %arg9[%swap3A_428, %swap3A_429] {strides = array<i32>} : memref<16x128xf32, #tpu.memory_space<vmem>>, vector<1x16xf32>,
    %swap3A_431 = vector.shape_cast %swap3A_430 : vector<1x16xf32> to vector<16xf32>
    %swap3A_432 = vector.shape_cast %broadcast_in_dim3A_1 : vector<16xf32> to vector<1x16xf32>
    tpu.vector_store %arg9[%swap3A_428, %swap3A_429], %swap3A_432 {strides = array<i32>} : memref<16x128xf32, #tpu.memory_space<vmem>>, vector<1x16xf32>,
    %swap3A_433 = arith.constant 9 : i32
    %swap3A_434 = arith.index_cast %swap3A_433 : i32 to index
    %swap3A_435 = arith.constant 0 : index
    %swap3A_436 = tpu.vector_load %arg9[%swap3A_434, %swap3A_435] {strides = array<i32>} : memref<16x128xf32, #tpu.memory_space<vmem>>, vector<1x16xf32>,
    %swap3A_437 = vector.shape_cast %swap3A_436 : vector<1x16xf32> to vector<16xf32>
    %swap3A_438 = vector.shape_cast %broadcast_in_dim3A_1 : vector<16xf32> to vector<1x16xf32>
    tpu.vector_store %arg9[%swap3A_434, %swap3A_435], %swap3A_438 {strides = array<i32>} : memref<16x128xf32, #tpu.memory_space<vmem>>, vector<1x16xf32>,
    %swap3A_439 = arith.constant 9 : i32
    %swap3A_440 = arith.index_cast %swap3A_439 : i32 to index
    %swap3A_441 = arith.constant 16 : index
    %swap3A_442 = tpu.vector_load %arg9[%swap3A_440, %swap3A_441] {strides = array<i32>} : memref<16x128xf32, #tpu.memory_space<vmem>>, vector<1x16xf32>,
    %swap3A_443 = vector.shape_cast %swap3A_442 : vector<1x16xf32> to vector<16xf32>
    %swap3A_444 = vector.shape_cast %broadcast_in_dim3A_1 : vector<16xf32> to vector<1x16xf32>
    tpu.vector_store %arg9[%swap3A_440, %swap3A_441], %swap3A_444 {strides = array<i32>} : memref<16x128xf32, #tpu.memory_space<vmem>>, vector<1x16xf32>,
    %swap3A_445 = arith.constant 9 : i32
    %swap3A_446 = arith.index_cast %swap3A_445 : i32 to index
    %swap3A_447 = arith.constant 32 : index
    %swap3A_448 = tpu.vector_load %arg9[%swap3A_446, %swap3A_447] {strides = array<i32>} : memref<16x128xf32, #tpu.memory_space<vmem>>, vector<1x16xf32>,
    %swap3A_449 = vector.shape_cast %swap3A_448 : vector<1x16xf32> to vector<16xf32>
    %swap3A_450 = vector.shape_cast %broadcast_in_dim3A_1 : vector<16xf32> to vector<1x16xf32>
    tpu.vector_store %arg9[%swap3A_446, %swap3A_447], %swap3A_450 {strides = array<i32>} : memref<16x128xf32, #tpu.memory_space<vmem>>, vector<1x16xf32>,
    %swap3A_451 = arith.constant 9 : i32
    %swap3A_452 = arith.index_cast %swap3A_451 : i32 to index
    %swap3A_453 = arith.constant 48 : index
    %swap3A_454 = tpu.vector_load %arg9[%swap3A_452, %swap3A_453] {strides = array<i32>} : memref<16x128xf32, #tpu.memory_space<vmem>>, vector<1x16xf32>,
    %swap3A_455 = vector.shape_cast %swap3A_454 : vector<1x16xf32> to vector<16xf32>
    %swap3A_456 = vector.shape_cast %broadcast_in_dim3A_1 : vector<16xf32> to vector<1x16xf32>
    tpu.vector_store %arg9[%swap3A_452, %swap3A_453], %swap3A_456 {strides = array<i32>} : memref<16x128xf32, #tpu.memory_space<vmem>>, vector<1x16xf32>,
    %swap3A_457 = arith.constant 9 : i32
    %swap3A_458 = arith.index_cast %swap3A_457 : i32 to index
    %swap3A_459 = arith.constant 64 : index
    %swap3A_460 = tpu.vector_load %arg9[%swap3A_458, %swap3A_459] {strides = array<i32>} : memref<16x128xf32, #tpu.memory_space<vmem>>, vector<1x16xf32>,
    %swap3A_461 = vector.shape_cast %swap3A_460 : vector<1x16xf32> to vector<16xf32>
    %swap3A_462 = vector.shape_cast %broadcast_in_dim3A_1 : vector<16xf32> to vector<1x16xf32>
    tpu.vector_store %arg9[%swap3A_458, %swap3A_459], %swap3A_462 {strides = array<i32>} : memref<16x128xf32, #tpu.memory_space<vmem>>, vector<1x16xf32>,
    %swap3A_463 = arith.constant 9 : i32
    %swap3A_464 = arith.index_cast %swap3A_463 : i32 to index
    %swap3A_465 = arith.constant 80 : index
    %swap3A_466 = tpu.vector_load %arg9[%swap3A_464, %swap3A_465] {strides = array<i32>} : memref<16x128xf32, #tpu.memory_space<vmem>>, vector<1x16xf32>,
    %swap3A_467 = vector.shape_cast %swap3A_466 : vector<1x16xf32> to vector<16xf32>
    %swap3A_468 = vector.shape_cast %broadcast_in_dim3A_1 : vector<16xf32> to vector<1x16xf32>
    tpu.vector_store %arg9[%swap3A_464, %swap3A_465], %swap3A_468 {strides = array<i32>} : memref<16x128xf32, #tpu.memory_space<vmem>>, vector<1x16xf32>,
    %swap3A_469 = arith.constant 9 : i32
    %swap3A_470 = arith.index_cast %swap3A_469 : i32 to index
    %swap3A_471 = arith.constant 96 : index
    %swap3A_472 = tpu.vector_load %arg9[%swap3A_470, %swap3A_471] {strides = array<i32>} : memref<16x128xf32, #tpu.memory_space<vmem>>, vector<1x16xf32>,
    %swap3A_473 = vector.shape_cast %swap3A_472 : vector<1x16xf32> to vector<16xf32>
    %swap3A_474 = vector.shape_cast %broadcast_in_dim3A_1 : vector<16xf32> to vector<1x16xf32>
    tpu.vector_store %arg9[%swap3A_470, %swap3A_471], %swap3A_474 {strides = array<i32>} : memref<16x128xf32, #tpu.memory_space<vmem>>, vector<1x16xf32>,
    %swap3A_475 = arith.constant 9 : i32
    %swap3A_476 = arith.index_cast %swap3A_475 : i32 to index
    %swap3A_477 = arith.constant 112 : index
    %swap3A_478 = tpu.vector_load %arg9[%swap3A_476, %swap3A_477] {strides = array<i32>} : memref<16x128xf32, #tpu.memory_space<vmem>>, vector<1x16xf32>,
    %swap3A_479 = vector.shape_cast %swap3A_478 : vector<1x16xf32> to vector<16xf32>
    %swap3A_480 = vector.shape_cast %broadcast_in_dim3A_1 : vector<16xf32> to vector<1x16xf32>
    tpu.vector_store %arg9[%swap3A_476, %swap3A_477], %swap3A_480 {strides = array<i32>} : memref<16x128xf32, #tpu.memory_space<vmem>>, vector<1x16xf32>,
    %swap3A_481 = arith.constant 10 : i32
    %swap3A_482 = arith.index_cast %swap3A_481 : i32 to index
    %swap3A_483 = arith.constant 0 : index
    %swap3A_484 = tpu.vector_load %arg9[%swap3A_482, %swap3A_483] {strides = array<i32>} : memref<16x128xf32, #tpu.memory_space<vmem>>, vector<1x16xf32>,
    %swap3A_485 = vector.shape_cast %swap3A_484 : vector<1x16xf32> to vector<16xf32>
    %swap3A_486 = vector.shape_cast %broadcast_in_dim3A_1 : vector<16xf32> to vector<1x16xf32>
    tpu.vector_store %arg9[%swap3A_482, %swap3A_483], %swap3A_486 {strides = array<i32>} : memref<16x128xf32, #tpu.memory_space<vmem>>, vector<1x16xf32>,
    %swap3A_487 = arith.constant 10 : i32
    %swap3A_488 = arith.index_cast %swap3A_487 : i32 to index
    %swap3A_489 = arith.constant 16 : index
    %swap3A_490 = tpu.vector_load %arg9[%swap3A_488, %swap3A_489] {strides = array<i32>} : memref<16x128xf32, #tpu.memory_space<vmem>>, vector<1x16xf32>,
    %swap3A_491 = vector.shape_cast %swap3A_490 : vector<1x16xf32> to vector<16xf32>
    %swap3A_492 = vector.shape_cast %broadcast_in_dim3A_1 : vector<16xf32> to vector<1x16xf32>
    tpu.vector_store %arg9[%swap3A_488, %swap3A_489], %swap3A_492 {strides = array<i32>} : memref<16x128xf32, #tpu.memory_space<vmem>>, vector<1x16xf32>,
    %swap3A_493 = arith.constant 10 : i32
    %swap3A_494 = arith.index_cast %swap3A_493 : i32 to index
    %swap3A_495 = arith.constant 32 : index
    %swap3A_496 = tpu.vector_load %arg9[%swap3A_494, %swap3A_495] {strides = array<i32>} : memref<16x128xf32, #tpu.memory_space<vmem>>, vector<1x16xf32>,
    %swap3A_497 = vector.shape_cast %swap3A_496 : vector<1x16xf32> to vector<16xf32>
    %swap3A_498 = vector.shape_cast %broadcast_in_dim3A_1 : vector<16xf32> to vector<1x16xf32>
    tpu.vector_store %arg9[%swap3A_494, %swap3A_495], %swap3A_498 {strides = array<i32>} : memref<16x128xf32, #tpu.memory_space<vmem>>, vector<1x16xf32>,
    %swap3A_499 = arith.constant 10 : i32
    %swap3A_500 = arith.index_cast %swap3A_499 : i32 to index
    %swap3A_501 = arith.constant 48 : index
    %swap3A_502 = tpu.vector_load %arg9[%swap3A_500, %swap3A_501] {strides = array<i32>} : memref<16x128xf32, #tpu.memory_space<vmem>>, vector<1x16xf32>,
    %swap3A_503 = vector.shape_cast %swap3A_502 : vector<1x16xf32> to vector<16xf32>
    %swap3A_504 = vector.shape_cast %broadcast_in_dim3A_1 : vector<16xf32> to vector<1x16xf32>
    tpu.vector_store %arg9[%swap3A_500, %swap3A_501], %swap3A_504 {strides = array<i32>} : memref<16x128xf32, #tpu.memory_space<vmem>>, vector<1x16xf32>,
    %swap3A_505 = arith.constant 10 : i32
    %swap3A_506 = arith.index_cast %swap3A_505 : i32 to index
    %swap3A_507 = arith.constant 64 : index
    %swap3A_508 = tpu.vector_load %arg9[%swap3A_506, %swap3A_507] {strides = array<i32>} : memref<16x128xf32, #tpu.memory_space<vmem>>, vector<1x16xf32>,
    %swap3A_509 = vector.shape_cast %swap3A_508 : vector<1x16xf32> to vector<16xf32>
    %swap3A_510 = vector.shape_cast %broadcast_in_dim3A_1 : vector<16xf32> to vector<1x16xf32>
    tpu.vector_store %arg9[%swap3A_506, %swap3A_507], %swap3A_510 {strides = array<i32>} : memref<16x128xf32, #tpu.memory_space<vmem>>, vector<1x16xf32>,
    %swap3A_511 = arith.constant 10 : i32
    %swap3A_512 = arith.index_cast %swap3A_511 : i32 to index
    %swap3A_513 = arith.constant 80 : index
    %swap3A_514 = tpu.vector_load %arg9[%swap3A_512, %swap3A_513] {strides = array<i32>} : memref<16x128xf32, #tpu.memory_space<vmem>>, vector<1x16xf32>,
    %swap3A_515 = vector.shape_cast %swap3A_514 : vector<1x16xf32> to vector<16xf32>
    %swap3A_516 = vector.shape_cast %broadcast_in_dim3A_1 : vector<16xf32> to vector<1x16xf32>
    tpu.vector_store %arg9[%swap3A_512, %swap3A_513], %swap3A_516 {strides = array<i32>} : memref<16x128xf32, #tpu.memory_space<vmem>>, vector<1x16xf32>,
    %swap3A_517 = arith.constant 10 : i32
    %swap3A_518 = arith.index_cast %swap3A_517 : i32 to index
    %swap3A_519 = arith.constant 96 : index
    %swap3A_520 = tpu.vector_load %arg9[%swap3A_518, %swap3A_519] {strides = array<i32>} : memref<16x128xf32, #tpu.memory_space<vmem>>, vector<1x16xf32>,
    %swap3A_521 = vector.shape_cast %swap3A_520 : vector<1x16xf32> to vector<16xf32>
    %swap3A_522 = vector.shape_cast %broadcast_in_dim3A_1 : vector<16xf32> to vector<1x16xf32>
    tpu.vector_store %arg9[%swap3A_518, %swap3A_519], %swap3A_522 {strides = array<i32>} : memref<16x128xf32, #tpu.memory_space<vmem>>, vector<1x16xf32>,
    %swap3A_523 = arith.constant 10 : i32
    %swap3A_524 = arith.index_cast %swap3A_523 : i32 to index
    %swap3A_525 = arith.constant 112 : index
    %swap3A_526 = tpu.vector_load %arg9[%swap3A_524, %swap3A_525] {strides = array<i32>} : memref<16x128xf32, #tpu.memory_space<vmem>>, vector<1x16xf32>,
    %swap3A_527 = vector.shape_cast %swap3A_526 : vector<1x16xf32> to vector<16xf32>
    %swap3A_528 = vector.shape_cast %broadcast_in_dim3A_1 : vector<16xf32> to vector<1x16xf32>
    tpu.vector_store %arg9[%swap3A_524, %swap3A_525], %swap3A_528 {strides = array<i32>} : memref<16x128xf32, #tpu.memory_space<vmem>>, vector<1x16xf32>,
    %swap3A_529 = arith.constant 11 : i32
    %swap3A_530 = arith.index_cast %swap3A_529 : i32 to index
    %swap3A_531 = arith.constant 0 : index
    %swap3A_532 = tpu.vector_load %arg9[%swap3A_530, %swap3A_531] {strides = array<i32>} : memref<16x128xf32, #tpu.memory_space<vmem>>, vector<1x16xf32>,
    %swap3A_533 = vector.shape_cast %swap3A_532 : vector<1x16xf32> to vector<16xf32>
    %swap3A_534 = vector.shape_cast %broadcast_in_dim3A_1 : vector<16xf32> to vector<1x16xf32>
    tpu.vector_store %arg9[%swap3A_530, %swap3A_531], %swap3A_534 {strides = array<i32>} : memref<16x128xf32, #tpu.memory_space<vmem>>, vector<1x16xf32>,
    %swap3A_535 = arith.constant 11 : i32
    %swap3A_536 = arith.index_cast %swap3A_535 : i32 to index
    %swap3A_537 = arith.constant 16 : index
    %swap3A_538 = tpu.vector_load %arg9[%swap3A_536, %swap3A_537] {strides = array<i32>} : memref<16x128xf32, #tpu.memory_space<vmem>>, vector<1x16xf32>,
    %swap3A_539 = vector.shape_cast %swap3A_538 : vector<1x16xf32> to vector<16xf32>
    %swap3A_540 = vector.shape_cast %broadcast_in_dim3A_1 : vector<16xf32> to vector<1x16xf32>
    tpu.vector_store %arg9[%swap3A_536, %swap3A_537], %swap3A_540 {strides = array<i32>} : memref<16x128xf32, #tpu.memory_space<vmem>>, vector<1x16xf32>,
    %swap3A_541 = arith.constant 11 : i32
    %swap3A_542 = arith.index_cast %swap3A_541 : i32 to index
    %swap3A_543 = arith.constant 32 : index
    %swap3A_544 = tpu.vector_load %arg9[%swap3A_542, %swap3A_543] {strides = array<i32>} : memref<16x128xf32, #tpu.memory_space<vmem>>, vector<1x16xf32>,
    %swap3A_545 = vector.shape_cast %swap3A_544 : vector<1x16xf32> to vector<16xf32>
    %swap3A_546 = vector.shape_cast %broadcast_in_dim3A_1 : vector<16xf32> to vector<1x16xf32>
    tpu.vector_store %arg9[%swap3A_542, %swap3A_543], %swap3A_546 {strides = array<i32>} : memref<16x128xf32, #tpu.memory_space<vmem>>, vector<1x16xf32>,
    %swap3A_547 = arith.constant 11 : i32
    %swap3A_548 = arith.index_cast %swap3A_547 : i32 to index
    %swap3A_549 = arith.constant 48 : index
    %swap3A_550 = tpu.vector_load %arg9[%swap3A_548, %swap3A_549] {strides = array<i32>} : memref<16x128xf32, #tpu.memory_space<vmem>>, vector<1x16xf32>,
    %swap3A_551 = vector.shape_cast %swap3A_550 : vector<1x16xf32> to vector<16xf32>
    %swap3A_552 = vector.shape_cast %broadcast_in_dim3A_1 : vector<16xf32> to vector<1x16xf32>
    tpu.vector_store %arg9[%swap3A_548, %swap3A_549], %swap3A_552 {strides = array<i32>} : memref<16x128xf32, #tpu.memory_space<vmem>>, vector<1x16xf32>,
    %swap3A_553 = arith.constant 11 : i32
    %swap3A_554 = arith.index_cast %swap3A_553 : i32 to index
    %swap3A_555 = arith.constant 64 : index
    %swap3A_556 = tpu.vector_load %arg9[%swap3A_554, %swap3A_555] {strides = array<i32>} : memref<16x128xf32, #tpu.memory_space<vmem>>, vector<1x16xf32>,
    %swap3A_557 = vector.shape_cast %swap3A_556 : vector<1x16xf32> to vector<16xf32>
    %swap3A_558 = vector.shape_cast %broadcast_in_dim3A_1 : vector<16xf32> to vector<1x16xf32>
    tpu.vector_store %arg9[%swap3A_554, %swap3A_555], %swap3A_558 {strides = array<i32>} : memref<16x128xf32, #tpu.memory_space<vmem>>, vector<1x16xf32>,
    %swap3A_559 = arith.constant 11 : i32
    %swap3A_560 = arith.index_cast %swap3A_559 : i32 to index
    %swap3A_561 = arith.constant 80 : index
    %swap3A_562 = tpu.vector_load %arg9[%swap3A_560, %swap3A_561] {strides = array<i32>} : memref<16x128xf32, #tpu.memory_space<vmem>>, vector<1x16xf32>,
    %swap3A_563 = vector.shape_cast %swap3A_562 : vector<1x16xf32> to vector<16xf32>
    %swap3A_564 = vector.shape_cast %broadcast_in_dim3A_1 : vector<16xf32> to vector<1x16xf32>
    tpu.vector_store %arg9[%swap3A_560, %swap3A_561], %swap3A_564 {strides = array<i32>} : memref<16x128xf32, #tpu.memory_space<vmem>>, vector<1x16xf32>,
    %swap3A_565 = arith.constant 11 : i32
    %swap3A_566 = arith.index_cast %swap3A_565 : i32 to index
    %swap3A_567 = arith.constant 96 : index
    %swap3A_568 = tpu.vector_load %arg9[%swap3A_566, %swap3A_567] {strides = array<i32>} : memref<16x128xf32, #tpu.memory_space<vmem>>, vector<1x16xf32>,
    %swap3A_569 = vector.shape_cast %swap3A_568 : vector<1x16xf32> to vector<16xf32>
    %swap3A_570 = vector.shape_cast %broadcast_in_dim3A_1 : vector<16xf32> to vector<1x16xf32>
    tpu.vector_store %arg9[%swap3A_566, %swap3A_567], %swap3A_570 {strides = array<i32>} : memref<16x128xf32, #tpu.memory_space<vmem>>, vector<1x16xf32>,
    %swap3A_571 = arith.constant 11 : i32
    %swap3A_572 = arith.index_cast %swap3A_571 : i32 to index
    %swap3A_573 = arith.constant 112 : index
    %swap3A_574 = tpu.vector_load %arg9[%swap3A_572, %swap3A_573] {strides = array<i32>} : memref<16x128xf32, #tpu.memory_space<vmem>>, vector<1x16xf32>,
    %swap3A_575 = vector.shape_cast %swap3A_574 : vector<1x16xf32> to vector<16xf32>
    %swap3A_576 = vector.shape_cast %broadcast_in_dim3A_1 : vector<16xf32> to vector<1x16xf32>
    tpu.vector_store %arg9[%swap3A_572, %swap3A_573], %swap3A_576 {strides = array<i32>} : memref<16x128xf32, #tpu.memory_space<vmem>>, vector<1x16xf32>,
    %swap3A_577 = arith.constant 12 : i32
    %swap3A_578 = arith.index_cast %swap3A_577 : i32 to index
    %swap3A_579 = arith.constant 0 : index
    %swap3A_580 = tpu.vector_load %arg9[%swap3A_578, %swap3A_579] {strides = array<i32>} : memref<16x128xf32, #tpu.memory_space<vmem>>, vector<1x16xf32>,
    %swap3A_581 = vector.shape_cast %swap3A_580 : vector<1x16xf32> to vector<16xf32>
    %swap3A_582 = vector.shape_cast %broadcast_in_dim3A_1 : vector<16xf32> to vector<1x16xf32>
    tpu.vector_store %arg9[%swap3A_578, %swap3A_579], %swap3A_582 {strides = array<i32>} : memref<16x128xf32, #tpu.memory_space<vmem>>, vector<1x16xf32>,
    %swap3A_583 = arith.constant 12 : i32
    %swap3A_584 = arith.index_cast %swap3A_583 : i32 to index
    %swap3A_585 = arith.constant 16 : index
    %swap3A_586 = tpu.vector_load %arg9[%swap3A_584, %swap3A_585] {strides = array<i32>} : memref<16x128xf32, #tpu.memory_space<vmem>>, vector<1x16xf32>,
    %swap3A_587 = vector.shape_cast %swap3A_586 : vector<1x16xf32> to vector<16xf32>
    %swap3A_588 = vector.shape_cast %broadcast_in_dim3A_1 : vector<16xf32> to vector<1x16xf32>
    tpu.vector_store %arg9[%swap3A_584, %swap3A_585], %swap3A_588 {strides = array<i32>} : memref<16x128xf32, #tpu.memory_space<vmem>>, vector<1x16xf32>,
    %swap3A_589 = arith.constant 12 : i32
    %swap3A_590 = arith.index_cast %swap3A_589 : i32 to index
    %swap3A_591 = arith.constant 32 : index
    %swap3A_592 = tpu.vector_load %arg9[%swap3A_590, %swap3A_591] {strides = array<i32>} : memref<16x128xf32, #tpu.memory_space<vmem>>, vector<1x16xf32>,
    %swap3A_593 = vector.shape_cast %swap3A_592 : vector<1x16xf32> to vector<16xf32>
    %swap3A_594 = vector.shape_cast %broadcast_in_dim3A_1 : vector<16xf32> to vector<1x16xf32>
    tpu.vector_store %arg9[%swap3A_590, %swap3A_591], %swap3A_594 {strides = array<i32>} : memref<16x128xf32, #tpu.memory_space<vmem>>, vector<1x16xf32>,
    %swap3A_595 = arith.constant 12 : i32
    %swap3A_596 = arith.index_cast %swap3A_595 : i32 to index
    %swap3A_597 = arith.constant 48 : index
    %swap3A_598 = tpu.vector_load %arg9[%swap3A_596, %swap3A_597] {strides = array<i32>} : memref<16x128xf32, #tpu.memory_space<vmem>>, vector<1x16xf32>,
    %swap3A_599 = vector.shape_cast %swap3A_598 : vector<1x16xf32> to vector<16xf32>
    %swap3A_600 = vector.shape_cast %broadcast_in_dim3A_1 : vector<16xf32> to vector<1x16xf32>
    tpu.vector_store %arg9[%swap3A_596, %swap3A_597], %swap3A_600 {strides = array<i32>} : memref<16x128xf32, #tpu.memory_space<vmem>>, vector<1x16xf32>,
    %swap3A_601 = arith.constant 12 : i32
    %swap3A_602 = arith.index_cast %swap3A_601 : i32 to index
    %swap3A_603 = arith.constant 64 : index
    %swap3A_604 = tpu.vector_load %arg9[%swap3A_602, %swap3A_603] {strides = array<i32>} : memref<16x128xf32, #tpu.memory_space<vmem>>, vector<1x16xf32>,
    %swap3A_605 = vector.shape_cast %swap3A_604 : vector<1x16xf32> to vector<16xf32>
    %swap3A_606 = vector.shape_cast %broadcast_in_dim3A_1 : vector<16xf32> to vector<1x16xf32>
    tpu.vector_store %arg9[%swap3A_602, %swap3A_603], %swap3A_606 {strides = array<i32>} : memref<16x128xf32, #tpu.memory_space<vmem>>, vector<1x16xf32>,
    %swap3A_607 = arith.constant 12 : i32
    %swap3A_608 = arith.index_cast %swap3A_607 : i32 to index
    %swap3A_609 = arith.constant 80 : index
    %swap3A_610 = tpu.vector_load %arg9[%swap3A_608, %swap3A_609] {strides = array<i32>} : memref<16x128xf32, #tpu.memory_space<vmem>>, vector<1x16xf32>,
    %swap3A_611 = vector.shape_cast %swap3A_610 : vector<1x16xf32> to vector<16xf32>
    %swap3A_612 = vector.shape_cast %broadcast_in_dim3A_1 : vector<16xf32> to vector<1x16xf32>
    tpu.vector_store %arg9[%swap3A_608, %swap3A_609], %swap3A_612 {strides = array<i32>} : memref<16x128xf32, #tpu.memory_space<vmem>>, vector<1x16xf32>,
    %swap3A_613 = arith.constant 12 : i32
    %swap3A_614 = arith.index_cast %swap3A_613 : i32 to index
    %swap3A_615 = arith.constant 96 : index
    %swap3A_616 = tpu.vector_load %arg9[%swap3A_614, %swap3A_615] {strides = array<i32>} : memref<16x128xf32, #tpu.memory_space<vmem>>, vector<1x16xf32>,
    %swap3A_617 = vector.shape_cast %swap3A_616 : vector<1x16xf32> to vector<16xf32>
    %swap3A_618 = vector.shape_cast %broadcast_in_dim3A_1 : vector<16xf32> to vector<1x16xf32>
    tpu.vector_store %arg9[%swap3A_614, %swap3A_615], %swap3A_618 {strides = array<i32>} : memref<16x128xf32, #tpu.memory_space<vmem>>, vector<1x16xf32>,
    %swap3A_619 = arith.constant 12 : i32
    %swap3A_620 = arith.index_cast %swap3A_619 : i32 to index
    %swap3A_621 = arith.constant 112 : index
    %swap3A_622 = tpu.vector_load %arg9[%swap3A_620, %swap3A_621] {strides = array<i32>} : memref<16x128xf32, #tpu.memory_space<vmem>>, vector<1x16xf32>,
    %swap3A_623 = vector.shape_cast %swap3A_622 : vector<1x16xf32> to vector<16xf32>
    %swap3A_624 = vector.shape_cast %broadcast_in_dim3A_1 : vector<16xf32> to vector<1x16xf32>
    tpu.vector_store %arg9[%swap3A_620, %swap3A_621], %swap3A_624 {strides = array<i32>} : memref<16x128xf32, #tpu.memory_space<vmem>>, vector<1x16xf32>,
    %swap3A_625 = arith.constant 13 : i32
    %swap3A_626 = arith.index_cast %swap3A_625 : i32 to index
    %swap3A_627 = arith.constant 0 : index
    %swap3A_628 = tpu.vector_load %arg9[%swap3A_626, %swap3A_627] {strides = array<i32>} : memref<16x128xf32, #tpu.memory_space<vmem>>, vector<1x16xf32>,
    %swap3A_629 = vector.shape_cast %swap3A_628 : vector<1x16xf32> to vector<16xf32>
    %swap3A_630 = vector.shape_cast %broadcast_in_dim3A_1 : vector<16xf32> to vector<1x16xf32>
    tpu.vector_store %arg9[%swap3A_626, %swap3A_627], %swap3A_630 {strides = array<i32>} : memref<16x128xf32, #tpu.memory_space<vmem>>, vector<1x16xf32>,
    %swap3A_631 = arith.constant 13 : i32
    %swap3A_632 = arith.index_cast %swap3A_631 : i32 to index
    %swap3A_633 = arith.constant 16 : index
    %swap3A_634 = tpu.vector_load %arg9[%swap3A_632, %swap3A_633] {strides = array<i32>} : memref<16x128xf32, #tpu.memory_space<vmem>>, vector<1x16xf32>,
    %swap3A_635 = vector.shape_cast %swap3A_634 : vector<1x16xf32> to vector<16xf32>
    %swap3A_636 = vector.shape_cast %broadcast_in_dim3A_1 : vector<16xf32> to vector<1x16xf32>
    tpu.vector_store %arg9[%swap3A_632, %swap3A_633], %swap3A_636 {strides = array<i32>} : memref<16x128xf32, #tpu.memory_space<vmem>>, vector<1x16xf32>,
    %swap3A_637 = arith.constant 13 : i32
    %swap3A_638 = arith.index_cast %swap3A_637 : i32 to index
    %swap3A_639 = arith.constant 32 : index
    %swap3A_640 = tpu.vector_load %arg9[%swap3A_638, %swap3A_639] {strides = array<i32>} : memref<16x128xf32, #tpu.memory_space<vmem>>, vector<1x16xf32>,
    %swap3A_641 = vector.shape_cast %swap3A_640 : vector<1x16xf32> to vector<16xf32>
    %swap3A_642 = vector.shape_cast %broadcast_in_dim3A_1 : vector<16xf32> to vector<1x16xf32>
    tpu.vector_store %arg9[%swap3A_638, %swap3A_639], %swap3A_642 {strides = array<i32>} : memref<16x128xf32, #tpu.memory_space<vmem>>, vector<1x16xf32>,
    %swap3A_643 = arith.constant 13 : i32
    %swap3A_644 = arith.index_cast %swap3A_643 : i32 to index
    %swap3A_645 = arith.constant 48 : index
    %swap3A_646 = tpu.vector_load %arg9[%swap3A_644, %swap3A_645] {strides = array<i32>} : memref<16x128xf32, #tpu.memory_space<vmem>>, vector<1x16xf32>,
    %swap3A_647 = vector.shape_cast %swap3A_646 : vector<1x16xf32> to vector<16xf32>
    %swap3A_648 = vector.shape_cast %broadcast_in_dim3A_1 : vector<16xf32> to vector<1x16xf32>
    tpu.vector_store %arg9[%swap3A_644, %swap3A_645], %swap3A_648 {strides = array<i32>} : memref<16x128xf32, #tpu.memory_space<vmem>>, vector<1x16xf32>,
    %swap3A_649 = arith.constant 13 : i32
    %swap3A_650 = arith.index_cast %swap3A_649 : i32 to index
    %swap3A_651 = arith.constant 64 : index
    %swap3A_652 = tpu.vector_load %arg9[%swap3A_650, %swap3A_651] {strides = array<i32>} : memref<16x128xf32, #tpu.memory_space<vmem>>, vector<1x16xf32>,
    %swap3A_653 = vector.shape_cast %swap3A_652 : vector<1x16xf32> to vector<16xf32>
    %swap3A_654 = vector.shape_cast %broadcast_in_dim3A_1 : vector<16xf32> to vector<1x16xf32>
    tpu.vector_store %arg9[%swap3A_650, %swap3A_651], %swap3A_654 {strides = array<i32>} : memref<16x128xf32, #tpu.memory_space<vmem>>, vector<1x16xf32>,
    %swap3A_655 = arith.constant 13 : i32
    %swap3A_656 = arith.index_cast %swap3A_655 : i32 to index
    %swap3A_657 = arith.constant 80 : index
    %swap3A_658 = tpu.vector_load %arg9[%swap3A_656, %swap3A_657] {strides = array<i32>} : memref<16x128xf32, #tpu.memory_space<vmem>>, vector<1x16xf32>,
    %swap3A_659 = vector.shape_cast %swap3A_658 : vector<1x16xf32> to vector<16xf32>
    %swap3A_660 = vector.shape_cast %broadcast_in_dim3A_1 : vector<16xf32> to vector<1x16xf32>
    tpu.vector_store %arg9[%swap3A_656, %swap3A_657], %swap3A_660 {strides = array<i32>} : memref<16x128xf32, #tpu.memory_space<vmem>>, vector<1x16xf32>,
    %swap3A_661 = arith.constant 13 : i32
    %swap3A_662 = arith.index_cast %swap3A_661 : i32 to index
    %swap3A_663 = arith.constant 96 : index
    %swap3A_664 = tpu.vector_load %arg9[%swap3A_662, %swap3A_663] {strides = array<i32>} : memref<16x128xf32, #tpu.memory_space<vmem>>, vector<1x16xf32>,
    %swap3A_665 = vector.shape_cast %swap3A_664 : vector<1x16xf32> to vector<16xf32>
    %swap3A_666 = vector.shape_cast %broadcast_in_dim3A_1 : vector<16xf32> to vector<1x16xf32>
    tpu.vector_store %arg9[%swap3A_662, %swap3A_663], %swap3A_666 {strides = array<i32>} : memref<16x128xf32, #tpu.memory_space<vmem>>, vector<1x16xf32>,
    %swap3A_667 = arith.constant 13 : i32
    %swap3A_668 = arith.index_cast %swap3A_667 : i32 to index
    %swap3A_669 = arith.constant 112 : index
    %swap3A_670 = tpu.vector_load %arg9[%swap3A_668, %swap3A_669] {strides = array<i32>} : memref<16x128xf32, #tpu.memory_space<vmem>>, vector<1x16xf32>,
    %swap3A_671 = vector.shape_cast %swap3A_670 : vector<1x16xf32> to vector<16xf32>
    %swap3A_672 = vector.shape_cast %broadcast_in_dim3A_1 : vector<16xf32> to vector<1x16xf32>
    tpu.vector_store %arg9[%swap3A_668, %swap3A_669], %swap3A_672 {strides = array<i32>} : memref<16x128xf32, #tpu.memory_space<vmem>>, vector<1x16xf32>,
    %swap3A_673 = arith.constant 14 : i32
    %swap3A_674 = arith.index_cast %swap3A_673 : i32 to index
    %swap3A_675 = arith.constant 0 : index
    %swap3A_676 = tpu.vector_load %arg9[%swap3A_674, %swap3A_675] {strides = array<i32>} : memref<16x128xf32, #tpu.memory_space<vmem>>, vector<1x16xf32>,
    %swap3A_677 = vector.shape_cast %swap3A_676 : vector<1x16xf32> to vector<16xf32>
    %swap3A_678 = vector.shape_cast %broadcast_in_dim3A_1 : vector<16xf32> to vector<1x16xf32>
    tpu.vector_store %arg9[%swap3A_674, %swap3A_675], %swap3A_678 {strides = array<i32>} : memref<16x128xf32, #tpu.memory_space<vmem>>, vector<1x16xf32>,
    %swap3A_679 = arith.constant 14 : i32
    %swap3A_680 = arith.index_cast %swap3A_679 : i32 to index
    %swap3A_681 = arith.constant 16 : index
    %swap3A_682 = tpu.vector_load %arg9[%swap3A_680, %swap3A_681] {strides = array<i32>} : memref<16x128xf32, #tpu.memory_space<vmem>>, vector<1x16xf32>,
    %swap3A_683 = vector.shape_cast %swap3A_682 : vector<1x16xf32> to vector<16xf32>
    %swap3A_684 = vector.shape_cast %broadcast_in_dim3A_1 : vector<16xf32> to vector<1x16xf32>
    tpu.vector_store %arg9[%swap3A_680, %swap3A_681], %swap3A_684 {strides = array<i32>} : memref<16x128xf32, #tpu.memory_space<vmem>>, vector<1x16xf32>,
    %swap3A_685 = arith.constant 14 : i32
    %swap3A_686 = arith.index_cast %swap3A_685 : i32 to index
    %swap3A_687 = arith.constant 32 : index
    %swap3A_688 = tpu.vector_load %arg9[%swap3A_686, %swap3A_687] {strides = array<i32>} : memref<16x128xf32, #tpu.memory_space<vmem>>, vector<1x16xf32>,
    %swap3A_689 = vector.shape_cast %swap3A_688 : vector<1x16xf32> to vector<16xf32>
    %swap3A_690 = vector.shape_cast %broadcast_in_dim3A_1 : vector<16xf32> to vector<1x16xf32>
    tpu.vector_store %arg9[%swap3A_686, %swap3A_687], %swap3A_690 {strides = array<i32>} : memref<16x128xf32, #tpu.memory_space<vmem>>, vector<1x16xf32>,
    %swap3A_691 = arith.constant 14 : i32
    %swap3A_692 = arith.index_cast %swap3A_691 : i32 to index
    %swap3A_693 = arith.constant 48 : index
    %swap3A_694 = tpu.vector_load %arg9[%swap3A_692, %swap3A_693] {strides = array<i32>} : memref<16x128xf32, #tpu.memory_space<vmem>>, vector<1x16xf32>,
    %swap3A_695 = vector.shape_cast %swap3A_694 : vector<1x16xf32> to vector<16xf32>
    %swap3A_696 = vector.shape_cast %broadcast_in_dim3A_1 : vector<16xf32> to vector<1x16xf32>
    tpu.vector_store %arg9[%swap3A_692, %swap3A_693], %swap3A_696 {strides = array<i32>} : memref<16x128xf32, #tpu.memory_space<vmem>>, vector<1x16xf32>,
    %swap3A_697 = arith.constant 14 : i32
    %swap3A_698 = arith.index_cast %swap3A_697 : i32 to index
    %swap3A_699 = arith.constant 64 : index
    %swap3A_700 = tpu.vector_load %arg9[%swap3A_698, %swap3A_699] {strides = array<i32>} : memref<16x128xf32, #tpu.memory_space<vmem>>, vector<1x16xf32>,
    %swap3A_701 = vector.shape_cast %swap3A_700 : vector<1x16xf32> to vector<16xf32>
    %swap3A_702 = vector.shape_cast %broadcast_in_dim3A_1 : vector<16xf32> to vector<1x16xf32>
    tpu.vector_store %arg9[%swap3A_698, %swap3A_699], %swap3A_702 {strides = array<i32>} : memref<16x128xf32, #tpu.memory_space<vmem>>, vector<1x16xf32>,
    %swap3A_703 = arith.constant 14 : i32
    %swap3A_704 = arith.index_cast %swap3A_703 : i32 to index
    %swap3A_705 = arith.constant 80 : index
    %swap3A_706 = tpu.vector_load %arg9[%swap3A_704, %swap3A_705] {strides = array<i32>} : memref<16x128xf32, #tpu.memory_space<vmem>>, vector<1x16xf32>,
    %swap3A_707 = vector.shape_cast %swap3A_706 : vector<1x16xf32> to vector<16xf32>
    %swap3A_708 = vector.shape_cast %broadcast_in_dim3A_1 : vector<16xf32> to vector<1x16xf32>
    tpu.vector_store %arg9[%swap3A_704, %swap3A_705], %swap3A_708 {strides = array<i32>} : memref<16x128xf32, #tpu.memory_space<vmem>>, vector<1x16xf32>,
    %swap3A_709 = arith.constant 14 : i32
    %swap3A_710 = arith.index_cast %swap3A_709 : i32 to index
    %swap3A_711 = arith.constant 96 : index
    %swap3A_712 = tpu.vector_load %arg9[%swap3A_710, %swap3A_711] {strides = array<i32>} : memref<16x128xf32, #tpu.memory_space<vmem>>, vector<1x16xf32>,
    %swap3A_713 = vector.shape_cast %swap3A_712 : vector<1x16xf32> to vector<16xf32>
    %swap3A_714 = vector.shape_cast %broadcast_in_dim3A_1 : vector<16xf32> to vector<1x16xf32>
    tpu.vector_store %arg9[%swap3A_710, %swap3A_711], %swap3A_714 {strides = array<i32>} : memref<16x128xf32, #tpu.memory_space<vmem>>, vector<1x16xf32>,
    %swap3A_715 = arith.constant 14 : i32
    %swap3A_716 = arith.index_cast %swap3A_715 : i32 to index
    %swap3A_717 = arith.constant 112 : index
    %swap3A_718 = tpu.vector_load %arg9[%swap3A_716, %swap3A_717] {strides = array<i32>} : memref<16x128xf32, #tpu.memory_space<vmem>>, vector<1x16xf32>,
    %swap3A_719 = vector.shape_cast %swap3A_718 : vector<1x16xf32> to vector<16xf32>
    %swap3A_720 = vector.shape_cast %broadcast_in_dim3A_1 : vector<16xf32> to vector<1x16xf32>
    tpu.vector_store %arg9[%swap3A_716, %swap3A_717], %swap3A_720 {strides = array<i32>} : memref<16x128xf32, #tpu.memory_space<vmem>>, vector<1x16xf32>,
    %swap3A_721 = arith.constant 15 : i32
    %swap3A_722 = arith.index_cast %swap3A_721 : i32 to index
    %swap3A_723 = arith.constant 0 : index
    %swap3A_724 = tpu.vector_load %arg9[%swap3A_722, %swap3A_723] {strides = array<i32>} : memref<16x128xf32, #tpu.memory_space<vmem>>, vector<1x16xf32>,
    %swap3A_725 = vector.shape_cast %swap3A_724 : vector<1x16xf32> to vector<16xf32>
    %swap3A_726 = vector.shape_cast %broadcast_in_dim3A_1 : vector<16xf32> to vector<1x16xf32>
    tpu.vector_store %arg9[%swap3A_722, %swap3A_723], %swap3A_726 {strides = array<i32>} : memref<16x128xf32, #tpu.memory_space<vmem>>, vector<1x16xf32>,
    %swap3A_727 = arith.constant 15 : i32
    %swap3A_728 = arith.index_cast %swap3A_727 : i32 to index
    %swap3A_729 = arith.constant 16 : index
    %swap3A_730 = tpu.vector_load %arg9[%swap3A_728, %swap3A_729] {strides = array<i32>} : memref<16x128xf32, #tpu.memory_space<vmem>>, vector<1x16xf32>,
    %swap3A_731 = vector.shape_cast %swap3A_730 : vector<1x16xf32> to vector<16xf32>
    %swap3A_732 = vector.shape_cast %broadcast_in_dim3A_1 : vector<16xf32> to vector<1x16xf32>
    tpu.vector_store %arg9[%swap3A_728, %swap3A_729], %swap3A_732 {strides = array<i32>} : memref<16x128xf32, #tpu.memory_space<vmem>>, vector<1x16xf32>,
    %swap3A_733 = arith.constant 15 : i32
    %swap3A_734 = arith.index_cast %swap3A_733 : i32 to index
    %swap3A_735 = arith.constant 32 : index
    %swap3A_736 = tpu.vector_load %arg9[%swap3A_734, %swap3A_735] {strides = array<i32>} : memref<16x128xf32, #tpu.memory_space<vmem>>, vector<1x16xf32>,
    %swap3A_737 = vector.shape_cast %swap3A_736 : vector<1x16xf32> to vector<16xf32>
    %swap3A_738 = vector.shape_cast %broadcast_in_dim3A_1 : vector<16xf32> to vector<1x16xf32>
    tpu.vector_store %arg9[%swap3A_734, %swap3A_735], %swap3A_738 {strides = array<i32>} : memref<16x128xf32, #tpu.memory_space<vmem>>, vector<1x16xf32>,
    %swap3A_739 = arith.constant 15 : i32
    %swap3A_740 = arith.index_cast %swap3A_739 : i32 to index
    %swap3A_741 = arith.constant 48 : index
    %swap3A_742 = tpu.vector_load %arg9[%swap3A_740, %swap3A_741] {strides = array<i32>} : memref<16x128xf32, #tpu.memory_space<vmem>>, vector<1x16xf32>,
    %swap3A_743 = vector.shape_cast %swap3A_742 : vector<1x16xf32> to vector<16xf32>
    %swap3A_744 = vector.shape_cast %broadcast_in_dim3A_1 : vector<16xf32> to vector<1x16xf32>
    tpu.vector_store %arg9[%swap3A_740, %swap3A_741], %swap3A_744 {strides = array<i32>} : memref<16x128xf32, #tpu.memory_space<vmem>>, vector<1x16xf32>,
    %swap3A_745 = arith.constant 15 : i32
    %swap3A_746 = arith.index_cast %swap3A_745 : i32 to index
    %swap3A_747 = arith.constant 64 : index
    %swap3A_748 = tpu.vector_load %arg9[%swap3A_746, %swap3A_747] {strides = array<i32>} : memref<16x128xf32, #tpu.memory_space<vmem>>, vector<1x16xf32>,
    %swap3A_749 = vector.shape_cast %swap3A_748 : vector<1x16xf32> to vector<16xf32>
    %swap3A_750 = vector.shape_cast %broadcast_in_dim3A_1 : vector<16xf32> to vector<1x16xf32>
    tpu.vector_store %arg9[%swap3A_746, %swap3A_747], %swap3A_750 {strides = array<i32>} : memref<16x128xf32, #tpu.memory_space<vmem>>, vector<1x16xf32>,
    %swap3A_751 = arith.constant 15 : i32
    %swap3A_752 = arith.index_cast %swap3A_751 : i32 to index
    %swap3A_753 = arith.constant 80 : index
    %swap3A_754 = tpu.vector_load %arg9[%swap3A_752, %swap3A_753] {strides = array<i32>} : memref<16x128xf32, #tpu.memory_space<vmem>>, vector<1x16xf32>,
    %swap3A_755 = vector.shape_cast %swap3A_754 : vector<1x16xf32> to vector<16xf32>
    %swap3A_756 = vector.shape_cast %broadcast_in_dim3A_1 : vector<16xf32> to vector<1x16xf32>
    tpu.vector_store %arg9[%swap3A_752, %swap3A_753], %swap3A_756 {strides = array<i32>} : memref<16x128xf32, #tpu.memory_space<vmem>>, vector<1x16xf32>,
    %swap3A_757 = arith.constant 15 : i32
    %swap3A_758 = arith.index_cast %swap3A_757 : i32 to index
    %swap3A_759 = arith.constant 96 : index
    %swap3A_760 = tpu.vector_load %arg9[%swap3A_758, %swap3A_759] {strides = array<i32>} : memref<16x128xf32, #tpu.memory_space<vmem>>, vector<1x16xf32>,
    %swap3A_761 = vector.shape_cast %swap3A_760 : vector<1x16xf32> to vector<16xf32>
    %swap3A_762 = vector.shape_cast %broadcast_in_dim3A_1 : vector<16xf32> to vector<1x16xf32>
    tpu.vector_store %arg9[%swap3A_758, %swap3A_759], %swap3A_762 {strides = array<i32>} : memref<16x128xf32, #tpu.memory_space<vmem>>, vector<1x16xf32>,
    %swap3A_763 = arith.constant 15 : i32
    %swap3A_764 = arith.index_cast %swap3A_763 : i32 to index
    %swap3A_765 = arith.constant 112 : index
    %swap3A_766 = tpu.vector_load %arg9[%swap3A_764, %swap3A_765] {strides = array<i32>} : memref<16x128xf32, #tpu.memory_space<vmem>>, vector<1x16xf32>,
    %swap3A_767 = vector.shape_cast %swap3A_766 : vector<1x16xf32> to vector<16xf32>
    %swap3A_768 = vector.shape_cast %broadcast_in_dim3A_1 : vector<16xf32> to vector<1x16xf32>
    tpu.vector_store %arg9[%swap3A_764, %swap3A_765], %swap3A_768 {strides = array<i32>} : memref<16x128xf32, #tpu.memory_space<vmem>>, vector<1x16xf32>,
    %scan3A = arith.constant 0 : i32
    %scan3A_769 = arith.constant 0 : i32
    %scan3A_770 = arith.constant 39 : i32
    %scan3A_771 = arith.addi %scan3A_769, %scan3A_770 : i32
    %scan3A_772 = arith.constant 1 : i32
    scf.for %scan3A_884 = %scan3A_769 to %scan3A_771 step %scan3A_772  : i32 {
      %mul3A_885 = arith.constant 624 : i32
      %mul3A_886 = arith.muli %arg1, %mul3A_885 : i32
      %mul3A_887 = arith.constant 16 : i32
      %mul3A_888 = arith.muli %scan3A_884, %mul3A_887 : i32
      %add3A_889 = arith.addi %mul3A_886, %mul3A_888 : i32
      %dma_start3A_890 = arith.constant 0 : i32
      %dma_start3A_891 = tpu.memref_slice %arg10[%add3A_889, %dma_start3A_890] : memref<10000x128xf32, #tpu.memory_space<vmem_shared>> -> memref<16x128xf32, #tpu.memory_space<vmem_shared>>
      %dma_start3A_892 = arith.constant 0 : i32
      %dma_start3A_893 = tpu.memref_slice %arg10[%add3A_889, %dma_start3A_892] : memref<10000x128xf32, #tpu.memory_space<vmem_shared>> -> memref<16x128xf32, #tpu.memory_space<vmem_shared>>
      tpu.enqueue_dma source(%arg9 : memref<16x128xf32, #tpu.memory_space<vmem>>) target(%dma_start3A_893 : memref<16x128xf32, #tpu.memory_space<vmem_shared>>) target_semaphore(%arg13 : memref<!tpu.dma_semaphore, #tpu.memory_space<semaphore_mem>>)
    }
    %scan3A_773 = arith.constant 39 : i32
    %eq3A = arith.constant 0 : i32
    %eq3A_774 = arith.cmpi eq, %arg1, %eq3A : i32
    %convert_element_type3A = arith.extui %eq3A_774 : i1 to i32
    %cond3A = arith.constant 0 : i32
    %cond3A_775 = arith.cmpi ne, %convert_element_type3A, %cond3A : i32
    scf.if %cond3A_775 {
      %dma_start3A_884 = arith.constant 0 : i32
      %dma_start3A_885 = arith.constant 0 : i32
      %dma_start3A_886 = tpu.memref_slice %arg9[%dma_start3A_884, %dma_start3A_885] : memref<16x128xf32, #tpu.memory_space<vmem>> -> memref<16x128xf32, #tpu.memory_space<vmem>>
      %dma_start3A_887 = arith.constant 9984 : i32
      %dma_start3A_888 = arith.constant 0 : i32
      %dma_start3A_889 = tpu.memref_slice %arg10[%dma_start3A_887, %dma_start3A_888] : memref<10000x128xf32, #tpu.memory_space<vmem_shared>> -> memref<16x128xf32, #tpu.memory_space<vmem_shared>>
      %dma_start3A_890 = arith.constant 9984 : i32
      %dma_start3A_891 = arith.constant 0 : i32
      %dma_start3A_892 = tpu.memref_slice %arg10[%dma_start3A_890, %dma_start3A_891] : memref<10000x128xf32, #tpu.memory_space<vmem_shared>> -> memref<16x128xf32, #tpu.memory_space<vmem_shared>>
      %dma_start3A_893 = arith.constant 0 : i32
      %dma_start3A_894 = arith.constant 0 : i32
      %dma_start3A_895 = tpu.memref_slice %arg9[%dma_start3A_893, %dma_start3A_894] : memref<16x128xf32, #tpu.memory_space<vmem>> -> memref<16x128xf32, #tpu.memory_space<vmem>>
      tpu.enqueue_dma source(%dma_start3A_895 : memref<16x128xf32, #tpu.memory_space<vmem>>) target(%dma_start3A_892 : memref<16x128xf32, #tpu.memory_space<vmem_shared>>) target_semaphore(%arg13 : memref<!tpu.dma_semaphore, #tpu.memory_space<semaphore_mem>>)
    } else {
    }
    %mul3A_776 = arith.constant 10000 : i32
    %mul3A_777 = arith.muli %add3A, %mul3A_776 : i32
    "tpu.region"() ({
      %run_scoped3A = tpu.sem_alloc : memref<!tpu.dma_semaphore, #tpu.memory_space<semaphore_mem>>
      %dma_start3A_884 = arith.constant 0 : i32
      %dma_start3A_885 = tpu.memref_slice %arg6[%dma_start3A_884] : memref<2000xi32, #tpu.memory_space<vmem>> -> memref<1000xi32, #tpu.memory_space<vmem>>
      %dma_start3A_886 = tpu.memref_slice %arg3[%mul3A_777] : memref<320000xi32, #tpu.memory_space<hbm>> -> memref<1000xi32, #tpu.memory_space<hbm>>
      %dma_start3A_887 = arith.constant 0 : i32
      %dma_start3A_888 = tpu.memref_slice %arg6[%dma_start3A_887] : memref<2000xi32, #tpu.memory_space<vmem>> -> memref<1000xi32, #tpu.memory_space<vmem>>
      %dma_start3A_889 = tpu.memref_slice %arg3[%mul3A_777] : memref<320000xi32, #tpu.memory_space<hbm>> -> memref<1000xi32, #tpu.memory_space<hbm>>
      tpu.enqueue_dma source(%dma_start3A_889 : memref<1000xi32, #tpu.memory_space<hbm>>) target(%dma_start3A_888 : memref<1000xi32, #tpu.memory_space<vmem>>) target_semaphore(%run_scoped3A : memref<!tpu.dma_semaphore, #tpu.memory_space<semaphore_mem>>)
      %dma_wait3A = arith.constant 0 : i32
      %dma_wait3A_890 = tpu.memref_slice %arg6[%dma_wait3A] : memref<2000xi32, #tpu.memory_space<vmem>> -> memref<1000xi32, #tpu.memory_space<vmem>>
      %dma_wait3A_891 = tpu.memref_slice %arg3[%mul3A_777] : memref<320000xi32, #tpu.memory_space<hbm>> -> memref<1000xi32, #tpu.memory_space<hbm>>
      %dma_wait3A_892 = arith.constant 0 : i32
      %dma_wait3A_893 = tpu.memref_slice %arg6[%dma_wait3A_892] : memref<2000xi32, #tpu.memory_space<vmem>> -> memref<1000xi32, #tpu.memory_space<vmem>>
      %dma_wait3A_894 = tpu.memref_slice %arg3[%mul3A_777] : memref<320000xi32, #tpu.memory_space<hbm>> -> memref<1000xi32, #tpu.memory_space<hbm>>
      tpu.wait_dma2 semaphore(%run_scoped3A : memref<!tpu.dma_semaphore, #tpu.memory_space<semaphore_mem>>) src(%dma_wait3A_894 : memref<1000xi32, #tpu.memory_space<hbm>>) dst(%dma_wait3A_893 : memref<1000xi32, #tpu.memory_space<vmem>>)
      tpu.yield
    }) : () -> ()
    %mul3A_778 = arith.constant 10000 : i32
    %mul3A_779 = arith.muli %add3A, %mul3A_778 : i32
    "tpu.region"() ({
      %run_scoped3A = tpu.sem_alloc : memref<!tpu.dma_semaphore, #tpu.memory_space<semaphore_mem>>
      %dma_start3A_884 = arith.constant 0 : i32
      %dma_start3A_885 = tpu.memref_slice %arg7[%dma_start3A_884] : memref<2000xi32, #tpu.memory_space<vmem>> -> memref<1000xi32, #tpu.memory_space<vmem>>
      %dma_start3A_886 = tpu.memref_slice %arg4[%mul3A_779] : memref<320000xi32, #tpu.memory_space<hbm>> -> memref<1000xi32, #tpu.memory_space<hbm>>
      %dma_start3A_887 = arith.constant 0 : i32
      %dma_start3A_888 = tpu.memref_slice %arg7[%dma_start3A_887] : memref<2000xi32, #tpu.memory_space<vmem>> -> memref<1000xi32, #tpu.memory_space<vmem>>
      %dma_start3A_889 = tpu.memref_slice %arg4[%mul3A_779] : memref<320000xi32, #tpu.memory_space<hbm>> -> memref<1000xi32, #tpu.memory_space<hbm>>
      tpu.enqueue_dma source(%dma_start3A_889 : memref<1000xi32, #tpu.memory_space<hbm>>) target(%dma_start3A_888 : memref<1000xi32, #tpu.memory_space<vmem>>) target_semaphore(%run_scoped3A : memref<!tpu.dma_semaphore, #tpu.memory_space<semaphore_mem>>)
      %dma_wait3A = arith.constant 0 : i32
      %dma_wait3A_890 = tpu.memref_slice %arg7[%dma_wait3A] : memref<2000xi32, #tpu.memory_space<vmem>> -> memref<1000xi32, #tpu.memory_space<vmem>>
      %dma_wait3A_891 = tpu.memref_slice %arg4[%mul3A_779] : memref<320000xi32, #tpu.memory_space<hbm>> -> memref<1000xi32, #tpu.memory_space<hbm>>
      %dma_wait3A_892 = arith.constant 0 : i32
      %dma_wait3A_893 = tpu.memref_slice %arg7[%dma_wait3A_892] : memref<2000xi32, #tpu.memory_space<vmem>> -> memref<1000xi32, #tpu.memory_space<vmem>>
      %dma_wait3A_894 = tpu.memref_slice %arg4[%mul3A_779] : memref<320000xi32, #tpu.memory_space<hbm>> -> memref<1000xi32, #tpu.memory_space<hbm>>
      tpu.wait_dma2 semaphore(%run_scoped3A : memref<!tpu.dma_semaphore, #tpu.memory_space<semaphore_mem>>) src(%dma_wait3A_894 : memref<1000xi32, #tpu.memory_space<hbm>>) dst(%dma_wait3A_893 : memref<1000xi32, #tpu.memory_space<vmem>>)
      tpu.yield
    }) : () -> ()
    %dma_start3A = arith.constant 0 : i32
    %dma_start3A_780 = arith.constant 0 : i32
    %dma_start3A_781 = arith.constant 0 : i32
    %dma_start3A_782 = arith.constant 0 : i32
    %dma_start3A_783 = tpu.memref_slice %arg8[%dma_start3A, %dma_start3A_781, %dma_start3A_782] : memref<6x40x128xf32, #tpu.memory_space<vmem>> -> memref<1x40x128xf32, #tpu.memory_space<vmem>>
    %dma_start3A_784 = tpu.memref_squeeze %dma_start3A_783 : memref<1x40x128xf32, #tpu.memory_space<vmem>> -> memref<40x128xf32, #tpu.memory_space<vmem>>
    %dma_start3A_785 = arith.constant 0 : i32
    %dma_start3A_786 = tpu.memref_slice %arg6[%dma_start3A_785] : memref<2000xi32, #tpu.memory_space<vmem>> -> memref<40xi32, #tpu.memory_space<vmem>>
    %dma_start3A_787 = arith.constant 0 : i32
    %dma_start3A_788 = arith.constant 0 : i32
    %dma_start3A_789 = tpu.memref_slice %arg2[%dma_start3A_787, %dma_start3A_788] : memref<10000x128xf32, #tpu.memory_space<hbm>> -> memref<10000x128xf32, #tpu.memory_space<hbm>>
    %dma_start3A_790 = tpu.memref_slice %arg11[%dma_start3A_780] : memref<6x!tpu.dma_semaphore, #tpu.memory_space<semaphore_mem>> -> memref<1x!tpu.dma_semaphore, #tpu.memory_space<semaphore_mem>>
    %dma_start3A_791 = tpu.memref_squeeze %dma_start3A_790 : memref<1x!tpu.dma_semaphore, #tpu.memory_space<semaphore_mem>> -> memref<!tpu.dma_semaphore, #tpu.memory_space<semaphore_mem>>
    tpu.enqueue_indirect_dma source(%dma_start3A_789 : memref<10000x128xf32, #tpu.memory_space<hbm>>) target(%dma_start3A_784 : memref<40x128xf32, #tpu.memory_space<vmem>>) offsets(%dma_start3A_786 : memref<40xi32, #tpu.memory_space<vmem>>) semaphore(%dma_start3A_791 : memref<!tpu.dma_semaphore, #tpu.memory_space<semaphore_mem>>)
    %dma_start3A_792 = arith.constant 1 : i32
    %dma_start3A_793 = arith.constant 1 : i32
    %dma_start3A_794 = arith.constant 0 : i32
    %dma_start3A_795 = arith.constant 0 : i32
    %dma_start3A_796 = tpu.memref_slice %arg8[%dma_start3A_792, %dma_start3A_794, %dma_start3A_795] : memref<6x40x128xf32, #tpu.memory_space<vmem>> -> memref<1x40x128xf32, #tpu.memory_space<vmem>>
    %dma_start3A_797 = tpu.memref_squeeze %dma_start3A_796 : memref<1x40x128xf32, #tpu.memory_space<vmem>> -> memref<40x128xf32, #tpu.memory_space<vmem>>
    %dma_start3A_798 = arith.constant 40 : i32
    %dma_start3A_799 = tpu.memref_slice %arg6[%dma_start3A_798] : memref<2000xi32, #tpu.memory_space<vmem>> -> memref<40xi32, #tpu.memory_space<vmem>>
    %dma_start3A_800 = arith.constant 0 : i32
    %dma_start3A_801 = arith.constant 0 : i32
    %dma_start3A_802 = tpu.memref_slice %arg2[%dma_start3A_800, %dma_start3A_801] : memref<10000x128xf32, #tpu.memory_space<hbm>> -> memref<10000x128xf32, #tpu.memory_space<hbm>>
    %dma_start3A_803 = tpu.memref_slice %arg11[%dma_start3A_793] : memref<6x!tpu.dma_semaphore, #tpu.memory_space<semaphore_mem>> -> memref<1x!tpu.dma_semaphore, #tpu.memory_space<semaphore_mem>>
    %dma_start3A_804 = tpu.memref_squeeze %dma_start3A_803 : memref<1x!tpu.dma_semaphore, #tpu.memory_space<semaphore_mem>> -> memref<!tpu.dma_semaphore, #tpu.memory_space<semaphore_mem>>
    tpu.enqueue_indirect_dma source(%dma_start3A_802 : memref<10000x128xf32, #tpu.memory_space<hbm>>) target(%dma_start3A_797 : memref<40x128xf32, #tpu.memory_space<vmem>>) offsets(%dma_start3A_799 : memref<40xi32, #tpu.memory_space<vmem>>) semaphore(%dma_start3A_804 : memref<!tpu.dma_semaphore, #tpu.memory_space<semaphore_mem>>)
    %dma_start3A_805 = arith.constant 2 : i32
    %dma_start3A_806 = arith.constant 2 : i32
    %dma_start3A_807 = arith.constant 0 : i32
    %dma_start3A_808 = arith.constant 0 : i32
    %dma_start3A_809 = tpu.memref_slice %arg8[%dma_start3A_805, %dma_start3A_807, %dma_start3A_808] : memref<6x40x128xf32, #tpu.memory_space<vmem>> -> memref<1x40x128xf32, #tpu.memory_space<vmem>>
    %dma_start3A_810 = tpu.memref_squeeze %dma_start3A_809 : memref<1x40x128xf32, #tpu.memory_space<vmem>> -> memref<40x128xf32, #tpu.memory_space<vmem>>
    %dma_start3A_811 = arith.constant 80 : i32
    %dma_start3A_812 = tpu.memref_slice %arg6[%dma_start3A_811] : memref<2000xi32, #tpu.memory_space<vmem>> -> memref<40xi32, #tpu.memory_space<vmem>>
    %dma_start3A_813 = arith.constant 0 : i32
    %dma_start3A_814 = arith.constant 0 : i32
    %dma_start3A_815 = tpu.memref_slice %arg2[%dma_start3A_813, %dma_start3A_814] : memref<10000x128xf32, #tpu.memory_space<hbm>> -> memref<10000x128xf32, #tpu.memory_space<hbm>>
    %dma_start3A_816 = tpu.memref_slice %arg11[%dma_start3A_806] : memref<6x!tpu.dma_semaphore, #tpu.memory_space<semaphore_mem>> -> memref<1x!tpu.dma_semaphore, #tpu.memory_space<semaphore_mem>>
    %dma_start3A_817 = tpu.memref_squeeze %dma_start3A_816 : memref<1x!tpu.dma_semaphore, #tpu.memory_space<semaphore_mem>> -> memref<!tpu.dma_semaphore, #tpu.memory_space<semaphore_mem>>
    tpu.enqueue_indirect_dma source(%dma_start3A_815 : memref<10000x128xf32, #tpu.memory_space<hbm>>) target(%dma_start3A_810 : memref<40x128xf32, #tpu.memory_space<vmem>>) offsets(%dma_start3A_812 : memref<40xi32, #tpu.memory_space<vmem>>) semaphore(%dma_start3A_817 : memref<!tpu.dma_semaphore, #tpu.memory_space<semaphore_mem>>)
    %dma_start3A_818 = arith.constant 3 : i32
    %dma_start3A_819 = arith.constant 3 : i32
    %dma_start3A_820 = arith.constant 0 : i32
    %dma_start3A_821 = arith.constant 0 : i32
    %dma_start3A_822 = tpu.memref_slice %arg8[%dma_start3A_818, %dma_start3A_820, %dma_start3A_821] : memref<6x40x128xf32, #tpu.memory_space<vmem>> -> memref<1x40x128xf32, #tpu.memory_space<vmem>>
    %dma_start3A_823 = tpu.memref_squeeze %dma_start3A_822 : memref<1x40x128xf32, #tpu.memory_space<vmem>> -> memref<40x128xf32, #tpu.memory_space<vmem>>
    %dma_start3A_824 = arith.constant 120 : i32
    %dma_start3A_825 = tpu.memref_slice %arg6[%dma_start3A_824] : memref<2000xi32, #tpu.memory_space<vmem>> -> memref<40xi32, #tpu.memory_space<vmem>>
    %dma_start3A_826 = arith.constant 0 : i32
    %dma_start3A_827 = arith.constant 0 : i32
    %dma_start3A_828 = tpu.memref_slice %arg2[%dma_start3A_826, %dma_start3A_827] : memref<10000x128xf32, #tpu.memory_space<hbm>> -> memref<10000x128xf32, #tpu.memory_space<hbm>>
    %dma_start3A_829 = tpu.memref_slice %arg11[%dma_start3A_819] : memref<6x!tpu.dma_semaphore, #tpu.memory_space<semaphore_mem>> -> memref<1x!tpu.dma_semaphore, #tpu.memory_space<semaphore_mem>>
    %dma_start3A_830 = tpu.memref_squeeze %dma_start3A_829 : memref<1x!tpu.dma_semaphore, #tpu.memory_space<semaphore_mem>> -> memref<!tpu.dma_semaphore, #tpu.memory_space<semaphore_mem>>
    tpu.enqueue_indirect_dma source(%dma_start3A_828 : memref<10000x128xf32, #tpu.memory_space<hbm>>) target(%dma_start3A_823 : memref<40x128xf32, #tpu.memory_space<vmem>>) offsets(%dma_start3A_825 : memref<40xi32, #tpu.memory_space<vmem>>) semaphore(%dma_start3A_830 : memref<!tpu.dma_semaphore, #tpu.memory_space<semaphore_mem>>)
    %dma_start3A_831 = arith.constant 4 : i32
    %dma_start3A_832 = arith.constant 4 : i32
    %dma_start3A_833 = arith.constant 0 : i32
    %dma_start3A_834 = arith.constant 0 : i32
    %dma_start3A_835 = tpu.memref_slice %arg8[%dma_start3A_831, %dma_start3A_833, %dma_start3A_834] : memref<6x40x128xf32, #tpu.memory_space<vmem>> -> memref<1x40x128xf32, #tpu.memory_space<vmem>>
    %dma_start3A_836 = tpu.memref_squeeze %dma_start3A_835 : memref<1x40x128xf32, #tpu.memory_space<vmem>> -> memref<40x128xf32, #tpu.memory_space<vmem>>
    %dma_start3A_837 = arith.constant 160 : i32
    %dma_start3A_838 = tpu.memref_slice %arg6[%dma_start3A_837] : memref<2000xi32, #tpu.memory_space<vmem>> -> memref<40xi32, #tpu.memory_space<vmem>>
    %dma_start3A_839 = arith.constant 0 : i32
    %dma_start3A_840 = arith.constant 0 : i32
    %dma_start3A_841 = tpu.memref_slice %arg2[%dma_start3A_839, %dma_start3A_840] : memref<10000x128xf32, #tpu.memory_space<hbm>> -> memref<10000x128xf32, #tpu.memory_space<hbm>>
    %dma_start3A_842 = tpu.memref_slice %arg11[%dma_start3A_832] : memref<6x!tpu.dma_semaphore, #tpu.memory_space<semaphore_mem>> -> memref<1x!tpu.dma_semaphore, #tpu.memory_space<semaphore_mem>>
    %dma_start3A_843 = tpu.memref_squeeze %dma_start3A_842 : memref<1x!tpu.dma_semaphore, #tpu.memory_space<semaphore_mem>> -> memref<!tpu.dma_semaphore, #tpu.memory_space<semaphore_mem>>
    tpu.enqueue_indirect_dma source(%dma_start3A_841 : memref<10000x128xf32, #tpu.memory_space<hbm>>) target(%dma_start3A_836 : memref<40x128xf32, #tpu.memory_space<vmem>>) offsets(%dma_start3A_838 : memref<40xi32, #tpu.memory_space<vmem>>) semaphore(%dma_start3A_843 : memref<!tpu.dma_semaphore, #tpu.memory_space<semaphore_mem>>)
    %dma_start3A_844 = arith.constant 5 : i32
    %dma_start3A_845 = arith.constant 5 : i32
    %dma_start3A_846 = arith.constant 0 : i32
    %dma_start3A_847 = arith.constant 0 : i32
    %dma_start3A_848 = tpu.memref_slice %arg8[%dma_start3A_844, %dma_start3A_846, %dma_start3A_847] : memref<6x40x128xf32, #tpu.memory_space<vmem>> -> memref<1x40x128xf32, #tpu.memory_space<vmem>>
    %dma_start3A_849 = tpu.memref_squeeze %dma_start3A_848 : memref<1x40x128xf32, #tpu.memory_space<vmem>> -> memref<40x128xf32, #tpu.memory_space<vmem>>
    %dma_start3A_850 = arith.constant 200 : i32
    %dma_start3A_851 = tpu.memref_slice %arg6[%dma_start3A_850] : memref<2000xi32, #tpu.memory_space<vmem>> -> memref<40xi32, #tpu.memory_space<vmem>>
    %dma_start3A_852 = arith.constant 0 : i32
    %dma_start3A_853 = arith.constant 0 : i32
    %dma_start3A_854 = tpu.memref_slice %arg2[%dma_start3A_852, %dma_start3A_853] : memref<10000x128xf32, #tpu.memory_space<hbm>> -> memref<10000x128xf32, #tpu.memory_space<hbm>>
    %dma_start3A_855 = tpu.memref_slice %arg11[%dma_start3A_845] : memref<6x!tpu.dma_semaphore, #tpu.memory_space<semaphore_mem>> -> memref<1x!tpu.dma_semaphore, #tpu.memory_space<semaphore_mem>>
    %dma_start3A_856 = tpu.memref_squeeze %dma_start3A_855 : memref<1x!tpu.dma_semaphore, #tpu.memory_space<semaphore_mem>> -> memref<!tpu.dma_semaphore, #tpu.memory_space<semaphore_mem>>
    tpu.enqueue_indirect_dma source(%dma_start3A_854 : memref<10000x128xf32, #tpu.memory_space<hbm>>) target(%dma_start3A_849 : memref<40x128xf32, #tpu.memory_space<vmem>>) offsets(%dma_start3A_851 : memref<40xi32, #tpu.memory_space<vmem>>) semaphore(%dma_start3A_856 : memref<!tpu.dma_semaphore, #tpu.memory_space<semaphore_mem>>)
    %scan3A_857 = arith.constant 0 : i32
    %scan3A_858 = arith.constant 0 : i32
    %scan3A_859 = arith.constant 39 : i32
    %scan3A_860 = arith.addi %scan3A_858, %scan3A_859 : i32
    %scan3A_861 = arith.constant 1 : i32
    scf.for %scan3A_884 = %scan3A_858 to %scan3A_860 step %scan3A_861  : i32 {
      %mul3A_885 = arith.constant 624 : i32
      %mul3A_886 = arith.muli %arg1, %mul3A_885 : i32
      %mul3A_887 = arith.constant 16 : i32
      %mul3A_888 = arith.muli %scan3A_884, %mul3A_887 : i32
      %add3A_889 = arith.addi %mul3A_886, %mul3A_888 : i32
      %dma_wait3A = arith.constant 0 : i32
      %dma_wait3A_890 = tpu.memref_slice %arg10[%add3A_889, %dma_wait3A] : memref<10000x128xf32, #tpu.memory_space<vmem_shared>> -> memref<16x128xf32, #tpu.memory_space<vmem_shared>>
      %dma_wait3A_891 = arith.constant 0 : i32
      %dma_wait3A_892 = tpu.memref_slice %arg10[%add3A_889, %dma_wait3A_891] : memref<10000x128xf32, #tpu.memory_space<vmem_shared>> -> memref<16x128xf32, #tpu.memory_space<vmem_shared>>
      tpu.wait_dma2 semaphore(%arg13 : memref<!tpu.dma_semaphore, #tpu.memory_space<semaphore_mem>>) src(%arg9 : memref<16x128xf32, #tpu.memory_space<vmem>>) dst(%dma_wait3A_892 : memref<16x128xf32, #tpu.memory_space<vmem_shared>>)
    }
    %scan3A_862 = arith.constant 39 : i32
    %eq3A_863 = arith.constant 0 : i32
    %eq3A_864 = arith.cmpi eq, %arg1, %eq3A_863 : i32
    %convert_element_type3A_865 = arith.extui %eq3A_864 : i1 to i32
    %cond3A_866 = arith.constant 0 : i32
    %cond3A_867 = arith.cmpi ne, %convert_element_type3A_865, %cond3A_866 : i32
    scf.if %cond3A_867 {
      %dma_wait3A = arith.constant 0 : i32
      %dma_wait3A_884 = arith.constant 0 : i32
      %dma_wait3A_885 = tpu.memref_slice %arg9[%dma_wait3A, %dma_wait3A_884] : memref<16x128xf32, #tpu.memory_space<vmem>> -> memref<16x128xf32, #tpu.memory_space<vmem>>
      %dma_wait3A_886 = arith.constant 9984 : i32
      %dma_wait3A_887 = arith.constant 0 : i32
      %dma_wait3A_888 = tpu.memref_slice %arg10[%dma_wait3A_886, %dma_wait3A_887] : memref<10000x128xf32, #tpu.memory_space<vmem_shared>> -> memref<16x128xf32, #tpu.memory_space<vmem_shared>>
      %dma_wait3A_889 = arith.constant 9984 : i32
      %dma_wait3A_890 = arith.constant 0 : i32
      %dma_wait3A_891 = tpu.memref_slice %arg10[%dma_wait3A_889, %dma_wait3A_890] : memref<10000x128xf32, #tpu.memory_space<vmem_shared>> -> memref<16x128xf32, #tpu.memory_space<vmem_shared>>
      %dma_wait3A_892 = arith.constant 0 : i32
      %dma_wait3A_893 = arith.constant 0 : i32
      %dma_wait3A_894 = tpu.memref_slice %arg9[%dma_wait3A_892, %dma_wait3A_893] : memref<16x128xf32, #tpu.memory_space<vmem>> -> memref<16x128xf32, #tpu.memory_space<vmem>>
      tpu.wait_dma2 semaphore(%arg13 : memref<!tpu.dma_semaphore, #tpu.memory_space<semaphore_mem>>) src(%dma_wait3A_894 : memref<16x128xf32, #tpu.memory_space<vmem>>) dst(%dma_wait3A_891 : memref<16x128xf32, #tpu.memory_space<vmem_shared>>)
    } else {
    }
    %barrier3A = arith.constant 0 : index
    tpu.barrier barrier_id(%barrier3A)
    %scan3A_868 = arith.constant 0 : i32
    %scan3A_869 = arith.constant 0 : i32
    %scan3A_870 = arith.constant 10 : i32
    %scan3A_871 = arith.addi %scan3A_869, %scan3A_870 : i32
    %scan3A_872 = arith.constant 1 : i32
    scf.for %scan3A_884 = %scan3A_869 to %scan3A_871 step %scan3A_872  : i32 {
      %jit3A = arith.constant 2 : i32
      %eq3A_885 = arith.constant 0 : i32
      %eq3A_886 = arith.cmpi eq, %jit3A, %eq3A_885 : i32
      %jit3A_887 = arith.constant 1 : i32
      %select_n3A = arith.select %eq3A_886, %jit3A_887, %jit3A : i32
      %rem3A = arith.remsi %scan3A_884, %select_n3A : i32
      %ne3A = arith.constant 0 : i32
      %ne3A_888 = arith.cmpi ne, %rem3A, %ne3A : i32
      %lt3A = arith.constant 0 : i32
      %lt3A_889 = arith.cmpi slt, %rem3A, %lt3A : i32
      %lt3A_890 = arith.constant 0 : i32
      %lt3A_891 = arith.cmpi slt, %select_n3A, %lt3A_890 : i32
      %ne3A_892 = arith.xori %lt3A_889, %lt3A_891 : i1
      %and3A = arith.andi %ne3A_892, %ne3A_888 : i1
      %add3A_893 = arith.addi %rem3A, %select_n3A : i32
      %select_n3A_894 = arith.select %and3A, %add3A_893, %rem3A : i32
      %mul3A_895 = arith.constant 25 : i32
      %mul3A_896 = arith.muli %select_n3A_894, %mul3A_895 : i32
      %mul3A_897 = arith.constant 40 : i32
      %mul3A_898 = arith.muli %mul3A_896, %mul3A_897 : i32
      %add3A_899 = arith.constant 1 : i32
      %add3A_900 = arith.addi %scan3A_884, %add3A_899 : i32
      %jit3A_901 = arith.constant 2 : i32
      %eq3A_902 = arith.constant 0 : i32
      %eq3A_903 = arith.cmpi eq, %jit3A_901, %eq3A_902 : i32
      %jit3A_904 = arith.constant 1 : i32
      %select_n3A_905 = arith.select %eq3A_903, %jit3A_904, %jit3A_901 : i32
      %rem3A_906 = arith.remsi %add3A_900, %select_n3A_905 : i32
      %ne3A_907 = arith.constant 0 : i32
      %ne3A_908 = arith.cmpi ne, %rem3A_906, %ne3A_907 : i32
      %lt3A_909 = arith.constant 0 : i32
      %lt3A_910 = arith.cmpi slt, %rem3A_906, %lt3A_909 : i32
      %lt3A_911 = arith.constant 0 : i32
      %lt3A_912 = arith.cmpi slt, %select_n3A_905, %lt3A_911 : i32
      %ne3A_913 = arith.xori %lt3A_910, %lt3A_912 : i1
      %and3A_914 = arith.andi %ne3A_913, %ne3A_908 : i1
      %add3A_915 = arith.addi %rem3A_906, %select_n3A_905 : i32
      %select_n3A_916 = arith.select %and3A_914, %add3A_915, %rem3A_906 : i32
      %mul3A_917 = arith.constant 25 : i32
      %mul3A_918 = arith.muli %select_n3A_916, %mul3A_917 : i32
      %mul3A_919 = arith.constant 40 : i32
      %mul3A_920 = arith.muli %mul3A_918, %mul3A_919 : i32
      %mul3A_921 = arith.constant 10000 : i32
      %mul3A_922 = arith.muli %add3A, %mul3A_921 : i32
      %add3A_923 = arith.constant 1 : i32
      %add3A_924 = arith.addi %scan3A_884, %add3A_923 : i32
      %mul3A_925 = arith.constant 25 : i32
      %mul3A_926 = arith.muli %add3A_924, %mul3A_925 : i32
      %mul3A_927 = arith.constant 40 : i32
      %mul3A_928 = arith.muli %mul3A_926, %mul3A_927 : i32
      %add3A_929 = arith.addi %mul3A_922, %mul3A_928 : i32
      %add3A_930 = arith.constant 1 : i32
      %add3A_931 = arith.addi %scan3A_884, %add3A_930 : i32
      %lt3A_932 = arith.constant 10 : i32
      %lt3A_933 = arith.cmpi slt, %add3A_931, %lt3A_932 : i32
      %convert_element_type3A_934 = arith.extui %lt3A_933 : i1 to i32
      %cond3A_935 = arith.constant 0 : i32
      %cond3A_936 = arith.cmpi ne, %convert_element_type3A_934, %cond3A_935 : i32
      scf.if %cond3A_936 {
        %dma_start3A_950 = tpu.memref_slice %arg6[%mul3A_920] : memref<2000xi32, #tpu.memory_space<vmem>> -> memref<1000xi32, #tpu.memory_space<vmem>>
        %dma_start3A_951 = tpu.memref_slice %arg3[%add3A_929] : memref<320000xi32, #tpu.memory_space<hbm>> -> memref<1000xi32, #tpu.memory_space<hbm>>
        %dma_start3A_952 = tpu.memref_slice %arg6[%mul3A_920] : memref<2000xi32, #tpu.memory_space<vmem>> -> memref<1000xi32, #tpu.memory_space<vmem>>
        %dma_start3A_953 = tpu.memref_slice %arg3[%add3A_929] : memref<320000xi32, #tpu.memory_space<hbm>> -> memref<1000xi32, #tpu.memory_space<hbm>>
        tpu.enqueue_dma source(%dma_start3A_953 : memref<1000xi32, #tpu.memory_space<hbm>>) target(%dma_start3A_952 : memref<1000xi32, #tpu.memory_space<vmem>>) target_semaphore(%arg14 : memref<!tpu.dma_semaphore, #tpu.memory_space<semaphore_mem>>)
        %dma_start3A_954 = tpu.memref_slice %arg7[%mul3A_920] : memref<2000xi32, #tpu.memory_space<vmem>> -> memref<1000xi32, #tpu.memory_space<vmem>>
        %dma_start3A_955 = tpu.memref_slice %arg4[%add3A_929] : memref<320000xi32, #tpu.memory_space<hbm>> -> memref<1000xi32, #tpu.memory_space<hbm>>
        %dma_start3A_956 = tpu.memref_slice %arg7[%mul3A_920] : memref<2000xi32, #tpu.memory_space<vmem>> -> memref<1000xi32, #tpu.memory_space<vmem>>
        %dma_start3A_957 = tpu.memref_slice %arg4[%add3A_929] : memref<320000xi32, #tpu.memory_space<hbm>> -> memref<1000xi32, #tpu.memory_space<hbm>>
        tpu.enqueue_dma source(%dma_start3A_957 : memref<1000xi32, #tpu.memory_space<hbm>>) target(%dma_start3A_956 : memref<1000xi32, #tpu.memory_space<vmem>>) target_semaphore(%arg14 : memref<!tpu.dma_semaphore, #tpu.memory_space<semaphore_mem>>)
      } else {
      }
      %scan3A_937 = arith.constant 0 : i32
      %scan3A_938 = arith.constant 0 : i32
      %scan3A_939 = arith.constant 5 : i32
      %scan3A_940 = arith.addi %scan3A_938, %scan3A_939 : i32
      %scan3A_941 = arith.constant 1 : i32
      scf.for %scan3A_950 = %scan3A_938 to %scan3A_940 step %scan3A_941  : i32 {
        %mul3A_951 = arith.constant 6 : i32
        %mul3A_952 = arith.muli %scan3A_950, %mul3A_951 : i32
        %add3A_953 = arith.constant 0 : i32
        %add3A_954 = arith.addi %mul3A_952, %add3A_953 : i32
        %lt3A_955 = arith.constant 25 : i32
        %lt3A_956 = arith.cmpi slt, %add3A_954, %lt3A_955 : i32
        %convert_element_type3A_957 = arith.extui %lt3A_956 : i1 to i32
        %cond3A_958 = arith.constant 0 : i32
        %cond3A_959 = arith.cmpi ne, %convert_element_type3A_957, %cond3A_958 : i32
        scf.if %cond3A_959 {
          %mul3A_1101 = arith.constant 40 : i32
          %mul3A_1102 = arith.muli %add3A_954, %mul3A_1101 : i32
          %add3A_1103 = arith.addi %mul3A_898, %mul3A_1102 : i32
          %dma_wait3A = arith.constant 0 : i32
          %dma_wait3A_1104 = arith.constant 0 : i32
          %dma_wait3A_1105 = arith.constant 0 : i32
          %dma_wait3A_1106 = arith.constant 0 : i32
          %dma_wait3A_1107 = tpu.memref_slice %arg8[%dma_wait3A, %dma_wait3A_1105, %dma_wait3A_1106] : memref<6x40x128xf32, #tpu.memory_space<vmem>> -> memref<1x40x128xf32, #tpu.memory_space<vmem>>
          %dma_wait3A_1108 = tpu.memref_squeeze %dma_wait3A_1107 : memref<1x40x128xf32, #tpu.memory_space<vmem>> -> memref<40x128xf32, #tpu.memory_space<vmem>>
          %dma_wait3A_1109 = tpu.memref_slice %arg6[%add3A_1103] : memref<2000xi32, #tpu.memory_space<vmem>> -> memref<40xi32, #tpu.memory_space<vmem>>
          %dma_wait3A_1110 = arith.constant 0 : i32
          %dma_wait3A_1111 = arith.constant 0 : i32
          %dma_wait3A_1112 = tpu.memref_slice %arg2[%dma_wait3A_1110, %dma_wait3A_1111] : memref<10000x128xf32, #tpu.memory_space<hbm>> -> memref<10000x128xf32, #tpu.memory_space<hbm>>
          %dma_wait3A_1113 = tpu.memref_slice %arg11[%dma_wait3A_1104] : memref<6x!tpu.dma_semaphore, #tpu.memory_space<semaphore_mem>> -> memref<1x!tpu.dma_semaphore, #tpu.memory_space<semaphore_mem>>
          %dma_wait3A_1114 = tpu.memref_squeeze %dma_wait3A_1113 : memref<1x!tpu.dma_semaphore, #tpu.memory_space<semaphore_mem>> -> memref<!tpu.dma_semaphore, #tpu.memory_space<semaphore_mem>>
          tpu.wait_indirect_dma semaphore(%dma_wait3A_1114 : memref<!tpu.dma_semaphore, #tpu.memory_space<semaphore_mem>>) src(%dma_wait3A_1112 : memref<10000x128xf32, #tpu.memory_space<hbm>>) dst(%dma_wait3A_1108 : memref<40x128xf32, #tpu.memory_space<vmem>>)
          %mul3A_1115 = arith.constant 40 : i32
          %mul3A_1116 = arith.muli %add3A_954, %mul3A_1115 : i32
          %add3A_1117 = arith.addi %mul3A_898, %mul3A_1116 : i32
          %dma_start3A_1118 = arith.constant 0 : i32
          %dma_start3A_1119 = arith.constant 0 : i32
          %dma_start3A_1120 = arith.constant 0 : i32
          %dma_start3A_1121 = arith.constant 0 : i32
          %dma_start3A_1122 = tpu.memref_slice %arg8[%dma_start3A_1118, %dma_start3A_1120, %dma_start3A_1121] : memref<6x40x128xf32, #tpu.memory_space<vmem>> -> memref<1x40x128xf32, #tpu.memory_space<vmem>>
          %dma_start3A_1123 = tpu.memref_squeeze %dma_start3A_1122 : memref<1x40x128xf32, #tpu.memory_space<vmem>> -> memref<40x128xf32, #tpu.memory_space<vmem>>
          %dma_start3A_1124 = tpu.memref_slice %arg7[%add3A_1117] : memref<2000xi32, #tpu.memory_space<vmem>> -> memref<40xi32, #tpu.memory_space<vmem>>
          %dma_start3A_1125 = arith.constant 0 : i32
          %dma_start3A_1126 = arith.constant 0 : i32
          %dma_start3A_1127 = tpu.memref_slice %arg10[%dma_start3A_1125, %dma_start3A_1126] : memref<10000x128xf32, #tpu.memory_space<vmem_shared>> -> memref<10000x128xf32, #tpu.memory_space<vmem_shared>>
          %dma_start3A_1128 = tpu.memref_slice %arg12[%dma_start3A_1119] : memref<6x!tpu.dma_semaphore, #tpu.memory_space<semaphore_mem>> -> memref<1x!tpu.dma_semaphore, #tpu.memory_space<semaphore_mem>>
          %dma_start3A_1129 = tpu.memref_squeeze %dma_start3A_1128 : memref<1x!tpu.dma_semaphore, #tpu.memory_space<semaphore_mem>> -> memref<!tpu.dma_semaphore, #tpu.memory_space<semaphore_mem>>
          tpu.enqueue_indirect_dma source(%dma_start3A_1123 : memref<40x128xf32, #tpu.memory_space<vmem>>) target(%dma_start3A_1127 : memref<10000x128xf32, #tpu.memory_space<vmem_shared>>) offsets(%dma_start3A_1124 : memref<40xi32, #tpu.memory_space<vmem>>) semaphore(%dma_start3A_1129 : memref<!tpu.dma_semaphore, #tpu.memory_space<semaphore_mem>>) {add = true}
        } else {
        }
        %mul3A_960 = arith.constant 6 : i32
        %mul3A_961 = arith.muli %scan3A_950, %mul3A_960 : i32
        %add3A_962 = arith.constant 1 : i32
        %add3A_963 = arith.addi %mul3A_961, %add3A_962 : i32
        %lt3A_964 = arith.constant 25 : i32
        %lt3A_965 = arith.cmpi slt, %add3A_963, %lt3A_964 : i32
        %convert_element_type3A_966 = arith.extui %lt3A_965 : i1 to i32
        %cond3A_967 = arith.constant 0 : i32
        %cond3A_968 = arith.cmpi ne, %convert_element_type3A_966, %cond3A_967 : i32
        scf.if %cond3A_968 {
          %mul3A_1101 = arith.constant 40 : i32
          %mul3A_1102 = arith.muli %add3A_963, %mul3A_1101 : i32
          %add3A_1103 = arith.addi %mul3A_898, %mul3A_1102 : i32
          %dma_wait3A = arith.constant 1 : i32
          %dma_wait3A_1104 = arith.constant 1 : i32
          %dma_wait3A_1105 = arith.constant 0 : i32
          %dma_wait3A_1106 = arith.constant 0 : i32
          %dma_wait3A_1107 = tpu.memref_slice %arg8[%dma_wait3A, %dma_wait3A_1105, %dma_wait3A_1106] : memref<6x40x128xf32, #tpu.memory_space<vmem>> -> memref<1x40x128xf32, #tpu.memory_space<vmem>>
          %dma_wait3A_1108 = tpu.memref_squeeze %dma_wait3A_1107 : memref<1x40x128xf32, #tpu.memory_space<vmem>> -> memref<40x128xf32, #tpu.memory_space<vmem>>
          %dma_wait3A_1109 = tpu.memref_slice %arg6[%add3A_1103] : memref<2000xi32, #tpu.memory_space<vmem>> -> memref<40xi32, #tpu.memory_space<vmem>>
          %dma_wait3A_1110 = arith.constant 0 : i32
          %dma_wait3A_1111 = arith.constant 0 : i32
          %dma_wait3A_1112 = tpu.memref_slice %arg2[%dma_wait3A_1110, %dma_wait3A_1111] : memref<10000x128xf32, #tpu.memory_space<hbm>> -> memref<10000x128xf32, #tpu.memory_space<hbm>>
          %dma_wait3A_1113 = tpu.memref_slice %arg11[%dma_wait3A_1104] : memref<6x!tpu.dma_semaphore, #tpu.memory_space<semaphore_mem>> -> memref<1x!tpu.dma_semaphore, #tpu.memory_space<semaphore_mem>>
          %dma_wait3A_1114 = tpu.memref_squeeze %dma_wait3A_1113 : memref<1x!tpu.dma_semaphore, #tpu.memory_space<semaphore_mem>> -> memref<!tpu.dma_semaphore, #tpu.memory_space<semaphore_mem>>
          tpu.wait_indirect_dma semaphore(%dma_wait3A_1114 : memref<!tpu.dma_semaphore, #tpu.memory_space<semaphore_mem>>) src(%dma_wait3A_1112 : memref<10000x128xf32, #tpu.memory_space<hbm>>) dst(%dma_wait3A_1108 : memref<40x128xf32, #tpu.memory_space<vmem>>)
          %mul3A_1115 = arith.constant 40 : i32
          %mul3A_1116 = arith.muli %add3A_963, %mul3A_1115 : i32
          %add3A_1117 = arith.addi %mul3A_898, %mul3A_1116 : i32
          %dma_start3A_1118 = arith.constant 1 : i32
          %dma_start3A_1119 = arith.constant 1 : i32
          %dma_start3A_1120 = arith.constant 0 : i32
          %dma_start3A_1121 = arith.constant 0 : i32
          %dma_start3A_1122 = tpu.memref_slice %arg8[%dma_start3A_1118, %dma_start3A_1120, %dma_start3A_1121] : memref<6x40x128xf32, #tpu.memory_space<vmem>> -> memref<1x40x128xf32, #tpu.memory_space<vmem>>
          %dma_start3A_1123 = tpu.memref_squeeze %dma_start3A_1122 : memref<1x40x128xf32, #tpu.memory_space<vmem>> -> memref<40x128xf32, #tpu.memory_space<vmem>>
          %dma_start3A_1124 = tpu.memref_slice %arg7[%add3A_1117] : memref<2000xi32, #tpu.memory_space<vmem>> -> memref<40xi32, #tpu.memory_space<vmem>>
          %dma_start3A_1125 = arith.constant 0 : i32
          %dma_start3A_1126 = arith.constant 0 : i32
          %dma_start3A_1127 = tpu.memref_slice %arg10[%dma_start3A_1125, %dma_start3A_1126] : memref<10000x128xf32, #tpu.memory_space<vmem_shared>> -> memref<10000x128xf32, #tpu.memory_space<vmem_shared>>
          %dma_start3A_1128 = tpu.memref_slice %arg12[%dma_start3A_1119] : memref<6x!tpu.dma_semaphore, #tpu.memory_space<semaphore_mem>> -> memref<1x!tpu.dma_semaphore, #tpu.memory_space<semaphore_mem>>
          %dma_start3A_1129 = tpu.memref_squeeze %dma_start3A_1128 : memref<1x!tpu.dma_semaphore, #tpu.memory_space<semaphore_mem>> -> memref<!tpu.dma_semaphore, #tpu.memory_space<semaphore_mem>>
          tpu.enqueue_indirect_dma source(%dma_start3A_1123 : memref<40x128xf32, #tpu.memory_space<vmem>>) target(%dma_start3A_1127 : memref<10000x128xf32, #tpu.memory_space<vmem_shared>>) offsets(%dma_start3A_1124 : memref<40xi32, #tpu.memory_space<vmem>>) semaphore(%dma_start3A_1129 : memref<!tpu.dma_semaphore, #tpu.memory_space<semaphore_mem>>) {add = true}
        } else {
        }
        %mul3A_969 = arith.constant 6 : i32
        %mul3A_970 = arith.muli %scan3A_950, %mul3A_969 : i32
        %add3A_971 = arith.constant 2 : i32
        %add3A_972 = arith.addi %mul3A_970, %add3A_971 : i32
        %lt3A_973 = arith.constant 25 : i32
        %lt3A_974 = arith.cmpi slt, %add3A_972, %lt3A_973 : i32
        %convert_element_type3A_975 = arith.extui %lt3A_974 : i1 to i32
        %cond3A_976 = arith.constant 0 : i32
        %cond3A_977 = arith.cmpi ne, %convert_element_type3A_975, %cond3A_976 : i32
        scf.if %cond3A_977 {
          %mul3A_1101 = arith.constant 40 : i32
          %mul3A_1102 = arith.muli %add3A_972, %mul3A_1101 : i32
          %add3A_1103 = arith.addi %mul3A_898, %mul3A_1102 : i32
          %dma_wait3A = arith.constant 2 : i32
          %dma_wait3A_1104 = arith.constant 2 : i32
          %dma_wait3A_1105 = arith.constant 0 : i32
          %dma_wait3A_1106 = arith.constant 0 : i32
          %dma_wait3A_1107 = tpu.memref_slice %arg8[%dma_wait3A, %dma_wait3A_1105, %dma_wait3A_1106] : memref<6x40x128xf32, #tpu.memory_space<vmem>> -> memref<1x40x128xf32, #tpu.memory_space<vmem>>
          %dma_wait3A_1108 = tpu.memref_squeeze %dma_wait3A_1107 : memref<1x40x128xf32, #tpu.memory_space<vmem>> -> memref<40x128xf32, #tpu.memory_space<vmem>>
          %dma_wait3A_1109 = tpu.memref_slice %arg6[%add3A_1103] : memref<2000xi32, #tpu.memory_space<vmem>> -> memref<40xi32, #tpu.memory_space<vmem>>
          %dma_wait3A_1110 = arith.constant 0 : i32
          %dma_wait3A_1111 = arith.constant 0 : i32
          %dma_wait3A_1112 = tpu.memref_slice %arg2[%dma_wait3A_1110, %dma_wait3A_1111] : memref<10000x128xf32, #tpu.memory_space<hbm>> -> memref<10000x128xf32, #tpu.memory_space<hbm>>
          %dma_wait3A_1113 = tpu.memref_slice %arg11[%dma_wait3A_1104] : memref<6x!tpu.dma_semaphore, #tpu.memory_space<semaphore_mem>> -> memref<1x!tpu.dma_semaphore, #tpu.memory_space<semaphore_mem>>
          %dma_wait3A_1114 = tpu.memref_squeeze %dma_wait3A_1113 : memref<1x!tpu.dma_semaphore, #tpu.memory_space<semaphore_mem>> -> memref<!tpu.dma_semaphore, #tpu.memory_space<semaphore_mem>>
          tpu.wait_indirect_dma semaphore(%dma_wait3A_1114 : memref<!tpu.dma_semaphore, #tpu.memory_space<semaphore_mem>>) src(%dma_wait3A_1112 : memref<10000x128xf32, #tpu.memory_space<hbm>>) dst(%dma_wait3A_1108 : memref<40x128xf32, #tpu.memory_space<vmem>>)
          %mul3A_1115 = arith.constant 40 : i32
          %mul3A_1116 = arith.muli %add3A_972, %mul3A_1115 : i32
          %add3A_1117 = arith.addi %mul3A_898, %mul3A_1116 : i32
          %dma_start3A_1118 = arith.constant 2 : i32
          %dma_start3A_1119 = arith.constant 2 : i32
          %dma_start3A_1120 = arith.constant 0 : i32
          %dma_start3A_1121 = arith.constant 0 : i32
          %dma_start3A_1122 = tpu.memref_slice %arg8[%dma_start3A_1118, %dma_start3A_1120, %dma_start3A_1121] : memref<6x40x128xf32, #tpu.memory_space<vmem>> -> memref<1x40x128xf32, #tpu.memory_space<vmem>>
          %dma_start3A_1123 = tpu.memref_squeeze %dma_start3A_1122 : memref<1x40x128xf32, #tpu.memory_space<vmem>> -> memref<40x128xf32, #tpu.memory_space<vmem>>
          %dma_start3A_1124 = tpu.memref_slice %arg7[%add3A_1117] : memref<2000xi32, #tpu.memory_space<vmem>> -> memref<40xi32, #tpu.memory_space<vmem>>
          %dma_start3A_1125 = arith.constant 0 : i32
          %dma_start3A_1126 = arith.constant 0 : i32
          %dma_start3A_1127 = tpu.memref_slice %arg10[%dma_start3A_1125, %dma_start3A_1126] : memref<10000x128xf32, #tpu.memory_space<vmem_shared>> -> memref<10000x128xf32, #tpu.memory_space<vmem_shared>>
          %dma_start3A_1128 = tpu.memref_slice %arg12[%dma_start3A_1119] : memref<6x!tpu.dma_semaphore, #tpu.memory_space<semaphore_mem>> -> memref<1x!tpu.dma_semaphore, #tpu.memory_space<semaphore_mem>>
          %dma_start3A_1129 = tpu.memref_squeeze %dma_start3A_1128 : memref<1x!tpu.dma_semaphore, #tpu.memory_space<semaphore_mem>> -> memref<!tpu.dma_semaphore, #tpu.memory_space<semaphore_mem>>
          tpu.enqueue_indirect_dma source(%dma_start3A_1123 : memref<40x128xf32, #tpu.memory_space<vmem>>) target(%dma_start3A_1127 : memref<10000x128xf32, #tpu.memory_space<vmem_shared>>) offsets(%dma_start3A_1124 : memref<40xi32, #tpu.memory_space<vmem>>) semaphore(%dma_start3A_1129 : memref<!tpu.dma_semaphore, #tpu.memory_space<semaphore_mem>>) {add = true}
        } else {
        }
        %mul3A_978 = arith.constant 6 : i32
        %mul3A_979 = arith.muli %scan3A_950, %mul3A_978 : i32
        %add3A_980 = arith.constant 3 : i32
        %add3A_981 = arith.addi %mul3A_979, %add3A_980 : i32
        %lt3A_982 = arith.constant 25 : i32
        %lt3A_983 = arith.cmpi slt, %add3A_981, %lt3A_982 : i32
        %convert_element_type3A_984 = arith.extui %lt3A_983 : i1 to i32
        %cond3A_985 = arith.constant 0 : i32
        %cond3A_986 = arith.cmpi ne, %convert_element_type3A_984, %cond3A_985 : i32
        scf.if %cond3A_986 {
          %mul3A_1101 = arith.constant 40 : i32
          %mul3A_1102 = arith.muli %add3A_981, %mul3A_1101 : i32
          %add3A_1103 = arith.addi %mul3A_898, %mul3A_1102 : i32
          %dma_wait3A = arith.constant 3 : i32
          %dma_wait3A_1104 = arith.constant 3 : i32
          %dma_wait3A_1105 = arith.constant 0 : i32
          %dma_wait3A_1106 = arith.constant 0 : i32
          %dma_wait3A_1107 = tpu.memref_slice %arg8[%dma_wait3A, %dma_wait3A_1105, %dma_wait3A_1106] : memref<6x40x128xf32, #tpu.memory_space<vmem>> -> memref<1x40x128xf32, #tpu.memory_space<vmem>>
          %dma_wait3A_1108 = tpu.memref_squeeze %dma_wait3A_1107 : memref<1x40x128xf32, #tpu.memory_space<vmem>> -> memref<40x128xf32, #tpu.memory_space<vmem>>
          %dma_wait3A_1109 = tpu.memref_slice %arg6[%add3A_1103] : memref<2000xi32, #tpu.memory_space<vmem>> -> memref<40xi32, #tpu.memory_space<vmem>>
          %dma_wait3A_1110 = arith.constant 0 : i32
          %dma_wait3A_1111 = arith.constant 0 : i32
          %dma_wait3A_1112 = tpu.memref_slice %arg2[%dma_wait3A_1110, %dma_wait3A_1111] : memref<10000x128xf32, #tpu.memory_space<hbm>> -> memref<10000x128xf32, #tpu.memory_space<hbm>>
          %dma_wait3A_1113 = tpu.memref_slice %arg11[%dma_wait3A_1104] : memref<6x!tpu.dma_semaphore, #tpu.memory_space<semaphore_mem>> -> memref<1x!tpu.dma_semaphore, #tpu.memory_space<semaphore_mem>>
          %dma_wait3A_1114 = tpu.memref_squeeze %dma_wait3A_1113 : memref<1x!tpu.dma_semaphore, #tpu.memory_space<semaphore_mem>> -> memref<!tpu.dma_semaphore, #tpu.memory_space<semaphore_mem>>
          tpu.wait_indirect_dma semaphore(%dma_wait3A_1114 : memref<!tpu.dma_semaphore, #tpu.memory_space<semaphore_mem>>) src(%dma_wait3A_1112 : memref<10000x128xf32, #tpu.memory_space<hbm>>) dst(%dma_wait3A_1108 : memref<40x128xf32, #tpu.memory_space<vmem>>)
          %mul3A_1115 = arith.constant 40 : i32
          %mul3A_1116 = arith.muli %add3A_981, %mul3A_1115 : i32
          %add3A_1117 = arith.addi %mul3A_898, %mul3A_1116 : i32
          %dma_start3A_1118 = arith.constant 3 : i32
          %dma_start3A_1119 = arith.constant 3 : i32
          %dma_start3A_1120 = arith.constant 0 : i32
          %dma_start3A_1121 = arith.constant 0 : i32
          %dma_start3A_1122 = tpu.memref_slice %arg8[%dma_start3A_1118, %dma_start3A_1120, %dma_start3A_1121] : memref<6x40x128xf32, #tpu.memory_space<vmem>> -> memref<1x40x128xf32, #tpu.memory_space<vmem>>
          %dma_start3A_1123 = tpu.memref_squeeze %dma_start3A_1122 : memref<1x40x128xf32, #tpu.memory_space<vmem>> -> memref<40x128xf32, #tpu.memory_space<vmem>>
          %dma_start3A_1124 = tpu.memref_slice %arg7[%add3A_1117] : memref<2000xi32, #tpu.memory_space<vmem>> -> memref<40xi32, #tpu.memory_space<vmem>>
          %dma_start3A_1125 = arith.constant 0 : i32
          %dma_start3A_1126 = arith.constant 0 : i32
          %dma_start3A_1127 = tpu.memref_slice %arg10[%dma_start3A_1125, %dma_start3A_1126] : memref<10000x128xf32, #tpu.memory_space<vmem_shared>> -> memref<10000x128xf32, #tpu.memory_space<vmem_shared>>
          %dma_start3A_1128 = tpu.memref_slice %arg12[%dma_start3A_1119] : memref<6x!tpu.dma_semaphore, #tpu.memory_space<semaphore_mem>> -> memref<1x!tpu.dma_semaphore, #tpu.memory_space<semaphore_mem>>
          %dma_start3A_1129 = tpu.memref_squeeze %dma_start3A_1128 : memref<1x!tpu.dma_semaphore, #tpu.memory_space<semaphore_mem>> -> memref<!tpu.dma_semaphore, #tpu.memory_space<semaphore_mem>>
          tpu.enqueue_indirect_dma source(%dma_start3A_1123 : memref<40x128xf32, #tpu.memory_space<vmem>>) target(%dma_start3A_1127 : memref<10000x128xf32, #tpu.memory_space<vmem_shared>>) offsets(%dma_start3A_1124 : memref<40xi32, #tpu.memory_space<vmem>>) semaphore(%dma_start3A_1129 : memref<!tpu.dma_semaphore, #tpu.memory_space<semaphore_mem>>) {add = true}
        } else {
        }
        %mul3A_987 = arith.constant 6 : i32
        %mul3A_988 = arith.muli %scan3A_950, %mul3A_987 : i32
        %add3A_989 = arith.constant 4 : i32
        %add3A_990 = arith.addi %mul3A_988, %add3A_989 : i32
        %lt3A_991 = arith.constant 25 : i32
        %lt3A_992 = arith.cmpi slt, %add3A_990, %lt3A_991 : i32
        %convert_element_type3A_993 = arith.extui %lt3A_992 : i1 to i32
        %cond3A_994 = arith.constant 0 : i32
        %cond3A_995 = arith.cmpi ne, %convert_element_type3A_993, %cond3A_994 : i32
        scf.if %cond3A_995 {
          %mul3A_1101 = arith.constant 40 : i32
          %mul3A_1102 = arith.muli %add3A_990, %mul3A_1101 : i32
          %add3A_1103 = arith.addi %mul3A_898, %mul3A_1102 : i32
          %dma_wait3A = arith.constant 4 : i32
          %dma_wait3A_1104 = arith.constant 4 : i32
          %dma_wait3A_1105 = arith.constant 0 : i32
          %dma_wait3A_1106 = arith.constant 0 : i32
          %dma_wait3A_1107 = tpu.memref_slice %arg8[%dma_wait3A, %dma_wait3A_1105, %dma_wait3A_1106] : memref<6x40x128xf32, #tpu.memory_space<vmem>> -> memref<1x40x128xf32, #tpu.memory_space<vmem>>
          %dma_wait3A_1108 = tpu.memref_squeeze %dma_wait3A_1107 : memref<1x40x128xf32, #tpu.memory_space<vmem>> -> memref<40x128xf32, #tpu.memory_space<vmem>>
          %dma_wait3A_1109 = tpu.memref_slice %arg6[%add3A_1103] : memref<2000xi32, #tpu.memory_space<vmem>> -> memref<40xi32, #tpu.memory_space<vmem>>
          %dma_wait3A_1110 = arith.constant 0 : i32
          %dma_wait3A_1111 = arith.constant 0 : i32
          %dma_wait3A_1112 = tpu.memref_slice %arg2[%dma_wait3A_1110, %dma_wait3A_1111] : memref<10000x128xf32, #tpu.memory_space<hbm>> -> memref<10000x128xf32, #tpu.memory_space<hbm>>
          %dma_wait3A_1113 = tpu.memref_slice %arg11[%dma_wait3A_1104] : memref<6x!tpu.dma_semaphore, #tpu.memory_space<semaphore_mem>> -> memref<1x!tpu.dma_semaphore, #tpu.memory_space<semaphore_mem>>
          %dma_wait3A_1114 = tpu.memref_squeeze %dma_wait3A_1113 : memref<1x!tpu.dma_semaphore, #tpu.memory_space<semaphore_mem>> -> memref<!tpu.dma_semaphore, #tpu.memory_space<semaphore_mem>>
          tpu.wait_indirect_dma semaphore(%dma_wait3A_1114 : memref<!tpu.dma_semaphore, #tpu.memory_space<semaphore_mem>>) src(%dma_wait3A_1112 : memref<10000x128xf32, #tpu.memory_space<hbm>>) dst(%dma_wait3A_1108 : memref<40x128xf32, #tpu.memory_space<vmem>>)
          %mul3A_1115 = arith.constant 40 : i32
          %mul3A_1116 = arith.muli %add3A_990, %mul3A_1115 : i32
          %add3A_1117 = arith.addi %mul3A_898, %mul3A_1116 : i32
          %dma_start3A_1118 = arith.constant 4 : i32
          %dma_start3A_1119 = arith.constant 4 : i32
          %dma_start3A_1120 = arith.constant 0 : i32
          %dma_start3A_1121 = arith.constant 0 : i32
          %dma_start3A_1122 = tpu.memref_slice %arg8[%dma_start3A_1118, %dma_start3A_1120, %dma_start3A_1121] : memref<6x40x128xf32, #tpu.memory_space<vmem>> -> memref<1x40x128xf32, #tpu.memory_space<vmem>>
          %dma_start3A_1123 = tpu.memref_squeeze %dma_start3A_1122 : memref<1x40x128xf32, #tpu.memory_space<vmem>> -> memref<40x128xf32, #tpu.memory_space<vmem>>
          %dma_start3A_1124 = tpu.memref_slice %arg7[%add3A_1117] : memref<2000xi32, #tpu.memory_space<vmem>> -> memref<40xi32, #tpu.memory_space<vmem>>
          %dma_start3A_1125 = arith.constant 0 : i32
          %dma_start3A_1126 = arith.constant 0 : i32
          %dma_start3A_1127 = tpu.memref_slice %arg10[%dma_start3A_1125, %dma_start3A_1126] : memref<10000x128xf32, #tpu.memory_space<vmem_shared>> -> memref<10000x128xf32, #tpu.memory_space<vmem_shared>>
          %dma_start3A_1128 = tpu.memref_slice %arg12[%dma_start3A_1119] : memref<6x!tpu.dma_semaphore, #tpu.memory_space<semaphore_mem>> -> memref<1x!tpu.dma_semaphore, #tpu.memory_space<semaphore_mem>>
          %dma_start3A_1129 = tpu.memref_squeeze %dma_start3A_1128 : memref<1x!tpu.dma_semaphore, #tpu.memory_space<semaphore_mem>> -> memref<!tpu.dma_semaphore, #tpu.memory_space<semaphore_mem>>
          tpu.enqueue_indirect_dma source(%dma_start3A_1123 : memref<40x128xf32, #tpu.memory_space<vmem>>) target(%dma_start3A_1127 : memref<10000x128xf32, #tpu.memory_space<vmem_shared>>) offsets(%dma_start3A_1124 : memref<40xi32, #tpu.memory_space<vmem>>) semaphore(%dma_start3A_1129 : memref<!tpu.dma_semaphore, #tpu.memory_space<semaphore_mem>>) {add = true}
        } else {
        }
        %mul3A_996 = arith.constant 6 : i32
        %mul3A_997 = arith.muli %scan3A_950, %mul3A_996 : i32
        %add3A_998 = arith.constant 5 : i32
        %add3A_999 = arith.addi %mul3A_997, %add3A_998 : i32
        %lt3A_1000 = arith.constant 25 : i32
        %lt3A_1001 = arith.cmpi slt, %add3A_999, %lt3A_1000 : i32
        %convert_element_type3A_1002 = arith.extui %lt3A_1001 : i1 to i32
        %cond3A_1003 = arith.constant 0 : i32
        %cond3A_1004 = arith.cmpi ne, %convert_element_type3A_1002, %cond3A_1003 : i32
        scf.if %cond3A_1004 {
          %mul3A_1101 = arith.constant 40 : i32
          %mul3A_1102 = arith.muli %add3A_999, %mul3A_1101 : i32
          %add3A_1103 = arith.addi %mul3A_898, %mul3A_1102 : i32
          %dma_wait3A = arith.constant 5 : i32
          %dma_wait3A_1104 = arith.constant 5 : i32
          %dma_wait3A_1105 = arith.constant 0 : i32
          %dma_wait3A_1106 = arith.constant 0 : i32
          %dma_wait3A_1107 = tpu.memref_slice %arg8[%dma_wait3A, %dma_wait3A_1105, %dma_wait3A_1106] : memref<6x40x128xf32, #tpu.memory_space<vmem>> -> memref<1x40x128xf32, #tpu.memory_space<vmem>>
          %dma_wait3A_1108 = tpu.memref_squeeze %dma_wait3A_1107 : memref<1x40x128xf32, #tpu.memory_space<vmem>> -> memref<40x128xf32, #tpu.memory_space<vmem>>
          %dma_wait3A_1109 = tpu.memref_slice %arg6[%add3A_1103] : memref<2000xi32, #tpu.memory_space<vmem>> -> memref<40xi32, #tpu.memory_space<vmem>>
          %dma_wait3A_1110 = arith.constant 0 : i32
          %dma_wait3A_1111 = arith.constant 0 : i32
          %dma_wait3A_1112 = tpu.memref_slice %arg2[%dma_wait3A_1110, %dma_wait3A_1111] : memref<10000x128xf32, #tpu.memory_space<hbm>> -> memref<10000x128xf32, #tpu.memory_space<hbm>>
          %dma_wait3A_1113 = tpu.memref_slice %arg11[%dma_wait3A_1104] : memref<6x!tpu.dma_semaphore, #tpu.memory_space<semaphore_mem>> -> memref<1x!tpu.dma_semaphore, #tpu.memory_space<semaphore_mem>>
          %dma_wait3A_1114 = tpu.memref_squeeze %dma_wait3A_1113 : memref<1x!tpu.dma_semaphore, #tpu.memory_space<semaphore_mem>> -> memref<!tpu.dma_semaphore, #tpu.memory_space<semaphore_mem>>
          tpu.wait_indirect_dma semaphore(%dma_wait3A_1114 : memref<!tpu.dma_semaphore, #tpu.memory_space<semaphore_mem>>) src(%dma_wait3A_1112 : memref<10000x128xf32, #tpu.memory_space<hbm>>) dst(%dma_wait3A_1108 : memref<40x128xf32, #tpu.memory_space<vmem>>)
          %mul3A_1115 = arith.constant 40 : i32
          %mul3A_1116 = arith.muli %add3A_999, %mul3A_1115 : i32
          %add3A_1117 = arith.addi %mul3A_898, %mul3A_1116 : i32
          %dma_start3A_1118 = arith.constant 5 : i32
          %dma_start3A_1119 = arith.constant 5 : i32
          %dma_start3A_1120 = arith.constant 0 : i32
          %dma_start3A_1121 = arith.constant 0 : i32
          %dma_start3A_1122 = tpu.memref_slice %arg8[%dma_start3A_1118, %dma_start3A_1120, %dma_start3A_1121] : memref<6x40x128xf32, #tpu.memory_space<vmem>> -> memref<1x40x128xf32, #tpu.memory_space<vmem>>
          %dma_start3A_1123 = tpu.memref_squeeze %dma_start3A_1122 : memref<1x40x128xf32, #tpu.memory_space<vmem>> -> memref<40x128xf32, #tpu.memory_space<vmem>>
          %dma_start3A_1124 = tpu.memref_slice %arg7[%add3A_1117] : memref<2000xi32, #tpu.memory_space<vmem>> -> memref<40xi32, #tpu.memory_space<vmem>>
          %dma_start3A_1125 = arith.constant 0 : i32
          %dma_start3A_1126 = arith.constant 0 : i32
          %dma_start3A_1127 = tpu.memref_slice %arg10[%dma_start3A_1125, %dma_start3A_1126] : memref<10000x128xf32, #tpu.memory_space<vmem_shared>> -> memref<10000x128xf32, #tpu.memory_space<vmem_shared>>
          %dma_start3A_1128 = tpu.memref_slice %arg12[%dma_start3A_1119] : memref<6x!tpu.dma_semaphore, #tpu.memory_space<semaphore_mem>> -> memref<1x!tpu.dma_semaphore, #tpu.memory_space<semaphore_mem>>
          %dma_start3A_1129 = tpu.memref_squeeze %dma_start3A_1128 : memref<1x!tpu.dma_semaphore, #tpu.memory_space<semaphore_mem>> -> memref<!tpu.dma_semaphore, #tpu.memory_space<semaphore_mem>>
          tpu.enqueue_indirect_dma source(%dma_start3A_1123 : memref<40x128xf32, #tpu.memory_space<vmem>>) target(%dma_start3A_1127 : memref<10000x128xf32, #tpu.memory_space<vmem_shared>>) offsets(%dma_start3A_1124 : memref<40xi32, #tpu.memory_space<vmem>>) semaphore(%dma_start3A_1129 : memref<!tpu.dma_semaphore, #tpu.memory_space<semaphore_mem>>) {add = true}
        } else {
        }
        %mul3A_1005 = arith.constant 6 : i32
        %mul3A_1006 = arith.muli %scan3A_950, %mul3A_1005 : i32
        %add3A_1007 = arith.constant 0 : i32
        %add3A_1008 = arith.addi %mul3A_1006, %add3A_1007 : i32
        %lt3A_1009 = arith.constant 25 : i32
        %lt3A_1010 = arith.cmpi slt, %add3A_1008, %lt3A_1009 : i32
        %convert_element_type3A_1011 = arith.extui %lt3A_1010 : i1 to i32
        %cond3A_1012 = arith.constant 0 : i32
        %cond3A_1013 = arith.cmpi ne, %convert_element_type3A_1011, %cond3A_1012 : i32
        scf.if %cond3A_1013 {
          %mul3A_1101 = arith.constant 40 : i32
          %mul3A_1102 = arith.muli %add3A_1008, %mul3A_1101 : i32
          %add3A_1103 = arith.addi %mul3A_898, %mul3A_1102 : i32
          %dma_wait3A = arith.constant 0 : i32
          %dma_wait3A_1104 = arith.constant 0 : i32
          %dma_wait3A_1105 = arith.constant 0 : i32
          %dma_wait3A_1106 = arith.constant 0 : i32
          %dma_wait3A_1107 = tpu.memref_slice %arg8[%dma_wait3A, %dma_wait3A_1105, %dma_wait3A_1106] : memref<6x40x128xf32, #tpu.memory_space<vmem>> -> memref<1x40x128xf32, #tpu.memory_space<vmem>>
          %dma_wait3A_1108 = tpu.memref_squeeze %dma_wait3A_1107 : memref<1x40x128xf32, #tpu.memory_space<vmem>> -> memref<40x128xf32, #tpu.memory_space<vmem>>
          %dma_wait3A_1109 = tpu.memref_slice %arg7[%add3A_1103] : memref<2000xi32, #tpu.memory_space<vmem>> -> memref<40xi32, #tpu.memory_space<vmem>>
          %dma_wait3A_1110 = arith.constant 0 : i32
          %dma_wait3A_1111 = arith.constant 0 : i32
          %dma_wait3A_1112 = tpu.memref_slice %arg10[%dma_wait3A_1110, %dma_wait3A_1111] : memref<10000x128xf32, #tpu.memory_space<vmem_shared>> -> memref<10000x128xf32, #tpu.memory_space<vmem_shared>>
          %dma_wait3A_1113 = tpu.memref_slice %arg12[%dma_wait3A_1104] : memref<6x!tpu.dma_semaphore, #tpu.memory_space<semaphore_mem>> -> memref<1x!tpu.dma_semaphore, #tpu.memory_space<semaphore_mem>>
          %dma_wait3A_1114 = tpu.memref_squeeze %dma_wait3A_1113 : memref<1x!tpu.dma_semaphore, #tpu.memory_space<semaphore_mem>> -> memref<!tpu.dma_semaphore, #tpu.memory_space<semaphore_mem>>
          tpu.wait_indirect_dma semaphore(%dma_wait3A_1114 : memref<!tpu.dma_semaphore, #tpu.memory_space<semaphore_mem>>) src(%dma_wait3A_1108 : memref<40x128xf32, #tpu.memory_space<vmem>>) dst(%dma_wait3A_1112 : memref<10000x128xf32, #tpu.memory_space<vmem_shared>>)
        } else {
        }
        %add3A_1014 = arith.constant 6 : i32
        %add3A_1015 = arith.addi %add3A_1008, %add3A_1014 : i32
        %lt3A_1016 = arith.constant 25 : i32
        %lt3A_1017 = arith.cmpi slt, %add3A_1015, %lt3A_1016 : i32
        %convert_element_type3A_1018 = arith.extui %lt3A_1017 : i1 to i32
        %cond3A_1019 = arith.constant 0 : i32
        %cond3A_1020 = arith.cmpi ne, %convert_element_type3A_1018, %cond3A_1019 : i32
        scf.if %cond3A_1020 {
          %add3A_1101 = arith.constant 6 : i32
          %add3A_1102 = arith.addi %add3A_1008, %add3A_1101 : i32
          %mul3A_1103 = arith.constant 40 : i32
          %mul3A_1104 = arith.muli %add3A_1102, %mul3A_1103 : i32
          %add3A_1105 = arith.addi %mul3A_898, %mul3A_1104 : i32
          %dma_start3A_1106 = arith.constant 0 : i32
          %dma_start3A_1107 = arith.constant 0 : i32
          %dma_start3A_1108 = arith.constant 0 : i32
          %dma_start3A_1109 = arith.constant 0 : i32
          %dma_start3A_1110 = tpu.memref_slice %arg8[%dma_start3A_1106, %dma_start3A_1108, %dma_start3A_1109] : memref<6x40x128xf32, #tpu.memory_space<vmem>> -> memref<1x40x128xf32, #tpu.memory_space<vmem>>
          %dma_start3A_1111 = tpu.memref_squeeze %dma_start3A_1110 : memref<1x40x128xf32, #tpu.memory_space<vmem>> -> memref<40x128xf32, #tpu.memory_space<vmem>>
          %dma_start3A_1112 = tpu.memref_slice %arg6[%add3A_1105] : memref<2000xi32, #tpu.memory_space<vmem>> -> memref<40xi32, #tpu.memory_space<vmem>>
          %dma_start3A_1113 = arith.constant 0 : i32
          %dma_start3A_1114 = arith.constant 0 : i32
          %dma_start3A_1115 = tpu.memref_slice %arg2[%dma_start3A_1113, %dma_start3A_1114] : memref<10000x128xf32, #tpu.memory_space<hbm>> -> memref<10000x128xf32, #tpu.memory_space<hbm>>
          %dma_start3A_1116 = tpu.memref_slice %arg11[%dma_start3A_1107] : memref<6x!tpu.dma_semaphore, #tpu.memory_space<semaphore_mem>> -> memref<1x!tpu.dma_semaphore, #tpu.memory_space<semaphore_mem>>
          %dma_start3A_1117 = tpu.memref_squeeze %dma_start3A_1116 : memref<1x!tpu.dma_semaphore, #tpu.memory_space<semaphore_mem>> -> memref<!tpu.dma_semaphore, #tpu.memory_space<semaphore_mem>>
          tpu.enqueue_indirect_dma source(%dma_start3A_1115 : memref<10000x128xf32, #tpu.memory_space<hbm>>) target(%dma_start3A_1111 : memref<40x128xf32, #tpu.memory_space<vmem>>) offsets(%dma_start3A_1112 : memref<40xi32, #tpu.memory_space<vmem>>) semaphore(%dma_start3A_1117 : memref<!tpu.dma_semaphore, #tpu.memory_space<semaphore_mem>>)
        } else {
        }
        %mul3A_1021 = arith.constant 6 : i32
        %mul3A_1022 = arith.muli %scan3A_950, %mul3A_1021 : i32
        %add3A_1023 = arith.constant 1 : i32
        %add3A_1024 = arith.addi %mul3A_1022, %add3A_1023 : i32
        %lt3A_1025 = arith.constant 25 : i32
        %lt3A_1026 = arith.cmpi slt, %add3A_1024, %lt3A_1025 : i32
        %convert_element_type3A_1027 = arith.extui %lt3A_1026 : i1 to i32
        %cond3A_1028 = arith.constant 0 : i32
        %cond3A_1029 = arith.cmpi ne, %convert_element_type3A_1027, %cond3A_1028 : i32
        scf.if %cond3A_1029 {
          %mul3A_1101 = arith.constant 40 : i32
          %mul3A_1102 = arith.muli %add3A_1024, %mul3A_1101 : i32
          %add3A_1103 = arith.addi %mul3A_898, %mul3A_1102 : i32
          %dma_wait3A = arith.constant 1 : i32
          %dma_wait3A_1104 = arith.constant 1 : i32
          %dma_wait3A_1105 = arith.constant 0 : i32
          %dma_wait3A_1106 = arith.constant 0 : i32
          %dma_wait3A_1107 = tpu.memref_slice %arg8[%dma_wait3A, %dma_wait3A_1105, %dma_wait3A_1106] : memref<6x40x128xf32, #tpu.memory_space<vmem>> -> memref<1x40x128xf32, #tpu.memory_space<vmem>>
          %dma_wait3A_1108 = tpu.memref_squeeze %dma_wait3A_1107 : memref<1x40x128xf32, #tpu.memory_space<vmem>> -> memref<40x128xf32, #tpu.memory_space<vmem>>
          %dma_wait3A_1109 = tpu.memref_slice %arg7[%add3A_1103] : memref<2000xi32, #tpu.memory_space<vmem>> -> memref<40xi32, #tpu.memory_space<vmem>>
          %dma_wait3A_1110 = arith.constant 0 : i32
          %dma_wait3A_1111 = arith.constant 0 : i32
          %dma_wait3A_1112 = tpu.memref_slice %arg10[%dma_wait3A_1110, %dma_wait3A_1111] : memref<10000x128xf32, #tpu.memory_space<vmem_shared>> -> memref<10000x128xf32, #tpu.memory_space<vmem_shared>>
          %dma_wait3A_1113 = tpu.memref_slice %arg12[%dma_wait3A_1104] : memref<6x!tpu.dma_semaphore, #tpu.memory_space<semaphore_mem>> -> memref<1x!tpu.dma_semaphore, #tpu.memory_space<semaphore_mem>>
          %dma_wait3A_1114 = tpu.memref_squeeze %dma_wait3A_1113 : memref<1x!tpu.dma_semaphore, #tpu.memory_space<semaphore_mem>> -> memref<!tpu.dma_semaphore, #tpu.memory_space<semaphore_mem>>
          tpu.wait_indirect_dma semaphore(%dma_wait3A_1114 : memref<!tpu.dma_semaphore, #tpu.memory_space<semaphore_mem>>) src(%dma_wait3A_1108 : memref<40x128xf32, #tpu.memory_space<vmem>>) dst(%dma_wait3A_1112 : memref<10000x128xf32, #tpu.memory_space<vmem_shared>>)
        } else {
        }
        %add3A_1030 = arith.constant 6 : i32
        %add3A_1031 = arith.addi %add3A_1024, %add3A_1030 : i32
        %lt3A_1032 = arith.constant 25 : i32
        %lt3A_1033 = arith.cmpi slt, %add3A_1031, %lt3A_1032 : i32
        %convert_element_type3A_1034 = arith.extui %lt3A_1033 : i1 to i32
        %cond3A_1035 = arith.constant 0 : i32
        %cond3A_1036 = arith.cmpi ne, %convert_element_type3A_1034, %cond3A_1035 : i32
        scf.if %cond3A_1036 {
          %add3A_1101 = arith.constant 6 : i32
          %add3A_1102 = arith.addi %add3A_1024, %add3A_1101 : i32
          %mul3A_1103 = arith.constant 40 : i32
          %mul3A_1104 = arith.muli %add3A_1102, %mul3A_1103 : i32
          %add3A_1105 = arith.addi %mul3A_898, %mul3A_1104 : i32
          %dma_start3A_1106 = arith.constant 1 : i32
          %dma_start3A_1107 = arith.constant 1 : i32
          %dma_start3A_1108 = arith.constant 0 : i32
          %dma_start3A_1109 = arith.constant 0 : i32
          %dma_start3A_1110 = tpu.memref_slice %arg8[%dma_start3A_1106, %dma_start3A_1108, %dma_start3A_1109] : memref<6x40x128xf32, #tpu.memory_space<vmem>> -> memref<1x40x128xf32, #tpu.memory_space<vmem>>
          %dma_start3A_1111 = tpu.memref_squeeze %dma_start3A_1110 : memref<1x40x128xf32, #tpu.memory_space<vmem>> -> memref<40x128xf32, #tpu.memory_space<vmem>>
          %dma_start3A_1112 = tpu.memref_slice %arg6[%add3A_1105] : memref<2000xi32, #tpu.memory_space<vmem>> -> memref<40xi32, #tpu.memory_space<vmem>>
          %dma_start3A_1113 = arith.constant 0 : i32
          %dma_start3A_1114 = arith.constant 0 : i32
          %dma_start3A_1115 = tpu.memref_slice %arg2[%dma_start3A_1113, %dma_start3A_1114] : memref<10000x128xf32, #tpu.memory_space<hbm>> -> memref<10000x128xf32, #tpu.memory_space<hbm>>
          %dma_start3A_1116 = tpu.memref_slice %arg11[%dma_start3A_1107] : memref<6x!tpu.dma_semaphore, #tpu.memory_space<semaphore_mem>> -> memref<1x!tpu.dma_semaphore, #tpu.memory_space<semaphore_mem>>
          %dma_start3A_1117 = tpu.memref_squeeze %dma_start3A_1116 : memref<1x!tpu.dma_semaphore, #tpu.memory_space<semaphore_mem>> -> memref<!tpu.dma_semaphore, #tpu.memory_space<semaphore_mem>>
          tpu.enqueue_indirect_dma source(%dma_start3A_1115 : memref<10000x128xf32, #tpu.memory_space<hbm>>) target(%dma_start3A_1111 : memref<40x128xf32, #tpu.memory_space<vmem>>) offsets(%dma_start3A_1112 : memref<40xi32, #tpu.memory_space<vmem>>) semaphore(%dma_start3A_1117 : memref<!tpu.dma_semaphore, #tpu.memory_space<semaphore_mem>>)
        } else {
        }
        %mul3A_1037 = arith.constant 6 : i32
        %mul3A_1038 = arith.muli %scan3A_950, %mul3A_1037 : i32
        %add3A_1039 = arith.constant 2 : i32
        %add3A_1040 = arith.addi %mul3A_1038, %add3A_1039 : i32
        %lt3A_1041 = arith.constant 25 : i32
        %lt3A_1042 = arith.cmpi slt, %add3A_1040, %lt3A_1041 : i32
        %convert_element_type3A_1043 = arith.extui %lt3A_1042 : i1 to i32
        %cond3A_1044 = arith.constant 0 : i32
        %cond3A_1045 = arith.cmpi ne, %convert_element_type3A_1043, %cond3A_1044 : i32
        scf.if %cond3A_1045 {
          %mul3A_1101 = arith.constant 40 : i32
          %mul3A_1102 = arith.muli %add3A_1040, %mul3A_1101 : i32
          %add3A_1103 = arith.addi %mul3A_898, %mul3A_1102 : i32
          %dma_wait3A = arith.constant 2 : i32
          %dma_wait3A_1104 = arith.constant 2 : i32
          %dma_wait3A_1105 = arith.constant 0 : i32
          %dma_wait3A_1106 = arith.constant 0 : i32
          %dma_wait3A_1107 = tpu.memref_slice %arg8[%dma_wait3A, %dma_wait3A_1105, %dma_wait3A_1106] : memref<6x40x128xf32, #tpu.memory_space<vmem>> -> memref<1x40x128xf32, #tpu.memory_space<vmem>>
          %dma_wait3A_1108 = tpu.memref_squeeze %dma_wait3A_1107 : memref<1x40x128xf32, #tpu.memory_space<vmem>> -> memref<40x128xf32, #tpu.memory_space<vmem>>
          %dma_wait3A_1109 = tpu.memref_slice %arg7[%add3A_1103] : memref<2000xi32, #tpu.memory_space<vmem>> -> memref<40xi32, #tpu.memory_space<vmem>>
          %dma_wait3A_1110 = arith.constant 0 : i32
          %dma_wait3A_1111 = arith.constant 0 : i32
          %dma_wait3A_1112 = tpu.memref_slice %arg10[%dma_wait3A_1110, %dma_wait3A_1111] : memref<10000x128xf32, #tpu.memory_space<vmem_shared>> -> memref<10000x128xf32, #tpu.memory_space<vmem_shared>>
          %dma_wait3A_1113 = tpu.memref_slice %arg12[%dma_wait3A_1104] : memref<6x!tpu.dma_semaphore, #tpu.memory_space<semaphore_mem>> -> memref<1x!tpu.dma_semaphore, #tpu.memory_space<semaphore_mem>>
          %dma_wait3A_1114 = tpu.memref_squeeze %dma_wait3A_1113 : memref<1x!tpu.dma_semaphore, #tpu.memory_space<semaphore_mem>> -> memref<!tpu.dma_semaphore, #tpu.memory_space<semaphore_mem>>
          tpu.wait_indirect_dma semaphore(%dma_wait3A_1114 : memref<!tpu.dma_semaphore, #tpu.memory_space<semaphore_mem>>) src(%dma_wait3A_1108 : memref<40x128xf32, #tpu.memory_space<vmem>>) dst(%dma_wait3A_1112 : memref<10000x128xf32, #tpu.memory_space<vmem_shared>>)
        } else {
        }
        %add3A_1046 = arith.constant 6 : i32
        %add3A_1047 = arith.addi %add3A_1040, %add3A_1046 : i32
        %lt3A_1048 = arith.constant 25 : i32
        %lt3A_1049 = arith.cmpi slt, %add3A_1047, %lt3A_1048 : i32
        %convert_element_type3A_1050 = arith.extui %lt3A_1049 : i1 to i32
        %cond3A_1051 = arith.constant 0 : i32
        %cond3A_1052 = arith.cmpi ne, %convert_element_type3A_1050, %cond3A_1051 : i32
        scf.if %cond3A_1052 {
          %add3A_1101 = arith.constant 6 : i32
          %add3A_1102 = arith.addi %add3A_1040, %add3A_1101 : i32
          %mul3A_1103 = arith.constant 40 : i32
          %mul3A_1104 = arith.muli %add3A_1102, %mul3A_1103 : i32
          %add3A_1105 = arith.addi %mul3A_898, %mul3A_1104 : i32
          %dma_start3A_1106 = arith.constant 2 : i32
          %dma_start3A_1107 = arith.constant 2 : i32
          %dma_start3A_1108 = arith.constant 0 : i32
          %dma_start3A_1109 = arith.constant 0 : i32
          %dma_start3A_1110 = tpu.memref_slice %arg8[%dma_start3A_1106, %dma_start3A_1108, %dma_start3A_1109] : memref<6x40x128xf32, #tpu.memory_space<vmem>> -> memref<1x40x128xf32, #tpu.memory_space<vmem>>
          %dma_start3A_1111 = tpu.memref_squeeze %dma_start3A_1110 : memref<1x40x128xf32, #tpu.memory_space<vmem>> -> memref<40x128xf32, #tpu.memory_space<vmem>>
          %dma_start3A_1112 = tpu.memref_slice %arg6[%add3A_1105] : memref<2000xi32, #tpu.memory_space<vmem>> -> memref<40xi32, #tpu.memory_space<vmem>>
          %dma_start3A_1113 = arith.constant 0 : i32
          %dma_start3A_1114 = arith.constant 0 : i32
          %dma_start3A_1115 = tpu.memref_slice %arg2[%dma_start3A_1113, %dma_start3A_1114] : memref<10000x128xf32, #tpu.memory_space<hbm>> -> memref<10000x128xf32, #tpu.memory_space<hbm>>
          %dma_start3A_1116 = tpu.memref_slice %arg11[%dma_start3A_1107] : memref<6x!tpu.dma_semaphore, #tpu.memory_space<semaphore_mem>> -> memref<1x!tpu.dma_semaphore, #tpu.memory_space<semaphore_mem>>
          %dma_start3A_1117 = tpu.memref_squeeze %dma_start3A_1116 : memref<1x!tpu.dma_semaphore, #tpu.memory_space<semaphore_mem>> -> memref<!tpu.dma_semaphore, #tpu.memory_space<semaphore_mem>>
          tpu.enqueue_indirect_dma source(%dma_start3A_1115 : memref<10000x128xf32, #tpu.memory_space<hbm>>) target(%dma_start3A_1111 : memref<40x128xf32, #tpu.memory_space<vmem>>) offsets(%dma_start3A_1112 : memref<40xi32, #tpu.memory_space<vmem>>) semaphore(%dma_start3A_1117 : memref<!tpu.dma_semaphore, #tpu.memory_space<semaphore_mem>>)
        } else {
        }
        %mul3A_1053 = arith.constant 6 : i32
        %mul3A_1054 = arith.muli %scan3A_950, %mul3A_1053 : i32
        %add3A_1055 = arith.constant 3 : i32
        %add3A_1056 = arith.addi %mul3A_1054, %add3A_1055 : i32
        %lt3A_1057 = arith.constant 25 : i32
        %lt3A_1058 = arith.cmpi slt, %add3A_1056, %lt3A_1057 : i32
        %convert_element_type3A_1059 = arith.extui %lt3A_1058 : i1 to i32
        %cond3A_1060 = arith.constant 0 : i32
        %cond3A_1061 = arith.cmpi ne, %convert_element_type3A_1059, %cond3A_1060 : i32
        scf.if %cond3A_1061 {
          %mul3A_1101 = arith.constant 40 : i32
          %mul3A_1102 = arith.muli %add3A_1056, %mul3A_1101 : i32
          %add3A_1103 = arith.addi %mul3A_898, %mul3A_1102 : i32
          %dma_wait3A = arith.constant 3 : i32
          %dma_wait3A_1104 = arith.constant 3 : i32
          %dma_wait3A_1105 = arith.constant 0 : i32
          %dma_wait3A_1106 = arith.constant 0 : i32
          %dma_wait3A_1107 = tpu.memref_slice %arg8[%dma_wait3A, %dma_wait3A_1105, %dma_wait3A_1106] : memref<6x40x128xf32, #tpu.memory_space<vmem>> -> memref<1x40x128xf32, #tpu.memory_space<vmem>>
          %dma_wait3A_1108 = tpu.memref_squeeze %dma_wait3A_1107 : memref<1x40x128xf32, #tpu.memory_space<vmem>> -> memref<40x128xf32, #tpu.memory_space<vmem>>
          %dma_wait3A_1109 = tpu.memref_slice %arg7[%add3A_1103] : memref<2000xi32, #tpu.memory_space<vmem>> -> memref<40xi32, #tpu.memory_space<vmem>>
          %dma_wait3A_1110 = arith.constant 0 : i32
          %dma_wait3A_1111 = arith.constant 0 : i32
          %dma_wait3A_1112 = tpu.memref_slice %arg10[%dma_wait3A_1110, %dma_wait3A_1111] : memref<10000x128xf32, #tpu.memory_space<vmem_shared>> -> memref<10000x128xf32, #tpu.memory_space<vmem_shared>>
          %dma_wait3A_1113 = tpu.memref_slice %arg12[%dma_wait3A_1104] : memref<6x!tpu.dma_semaphore, #tpu.memory_space<semaphore_mem>> -> memref<1x!tpu.dma_semaphore, #tpu.memory_space<semaphore_mem>>
          %dma_wait3A_1114 = tpu.memref_squeeze %dma_wait3A_1113 : memref<1x!tpu.dma_semaphore, #tpu.memory_space<semaphore_mem>> -> memref<!tpu.dma_semaphore, #tpu.memory_space<semaphore_mem>>
          tpu.wait_indirect_dma semaphore(%dma_wait3A_1114 : memref<!tpu.dma_semaphore, #tpu.memory_space<semaphore_mem>>) src(%dma_wait3A_1108 : memref<40x128xf32, #tpu.memory_space<vmem>>) dst(%dma_wait3A_1112 : memref<10000x128xf32, #tpu.memory_space<vmem_shared>>)
        } else {
        }
        %add3A_1062 = arith.constant 6 : i32
        %add3A_1063 = arith.addi %add3A_1056, %add3A_1062 : i32
        %lt3A_1064 = arith.constant 25 : i32
        %lt3A_1065 = arith.cmpi slt, %add3A_1063, %lt3A_1064 : i32
        %convert_element_type3A_1066 = arith.extui %lt3A_1065 : i1 to i32
        %cond3A_1067 = arith.constant 0 : i32
        %cond3A_1068 = arith.cmpi ne, %convert_element_type3A_1066, %cond3A_1067 : i32
        scf.if %cond3A_1068 {
          %add3A_1101 = arith.constant 6 : i32
          %add3A_1102 = arith.addi %add3A_1056, %add3A_1101 : i32
          %mul3A_1103 = arith.constant 40 : i32
          %mul3A_1104 = arith.muli %add3A_1102, %mul3A_1103 : i32
          %add3A_1105 = arith.addi %mul3A_898, %mul3A_1104 : i32
          %dma_start3A_1106 = arith.constant 3 : i32
          %dma_start3A_1107 = arith.constant 3 : i32
          %dma_start3A_1108 = arith.constant 0 : i32
          %dma_start3A_1109 = arith.constant 0 : i32
          %dma_start3A_1110 = tpu.memref_slice %arg8[%dma_start3A_1106, %dma_start3A_1108, %dma_start3A_1109] : memref<6x40x128xf32, #tpu.memory_space<vmem>> -> memref<1x40x128xf32, #tpu.memory_space<vmem>>
          %dma_start3A_1111 = tpu.memref_squeeze %dma_start3A_1110 : memref<1x40x128xf32, #tpu.memory_space<vmem>> -> memref<40x128xf32, #tpu.memory_space<vmem>>
          %dma_start3A_1112 = tpu.memref_slice %arg6[%add3A_1105] : memref<2000xi32, #tpu.memory_space<vmem>> -> memref<40xi32, #tpu.memory_space<vmem>>
          %dma_start3A_1113 = arith.constant 0 : i32
          %dma_start3A_1114 = arith.constant 0 : i32
          %dma_start3A_1115 = tpu.memref_slice %arg2[%dma_start3A_1113, %dma_start3A_1114] : memref<10000x128xf32, #tpu.memory_space<hbm>> -> memref<10000x128xf32, #tpu.memory_space<hbm>>
          %dma_start3A_1116 = tpu.memref_slice %arg11[%dma_start3A_1107] : memref<6x!tpu.dma_semaphore, #tpu.memory_space<semaphore_mem>> -> memref<1x!tpu.dma_semaphore, #tpu.memory_space<semaphore_mem>>
          %dma_start3A_1117 = tpu.memref_squeeze %dma_start3A_1116 : memref<1x!tpu.dma_semaphore, #tpu.memory_space<semaphore_mem>> -> memref<!tpu.dma_semaphore, #tpu.memory_space<semaphore_mem>>
          tpu.enqueue_indirect_dma source(%dma_start3A_1115 : memref<10000x128xf32, #tpu.memory_space<hbm>>) target(%dma_start3A_1111 : memref<40x128xf32, #tpu.memory_space<vmem>>) offsets(%dma_start3A_1112 : memref<40xi32, #tpu.memory_space<vmem>>) semaphore(%dma_start3A_1117 : memref<!tpu.dma_semaphore, #tpu.memory_space<semaphore_mem>>)
        } else {
        }
        %mul3A_1069 = arith.constant 6 : i32
        %mul3A_1070 = arith.muli %scan3A_950, %mul3A_1069 : i32
        %add3A_1071 = arith.constant 4 : i32
        %add3A_1072 = arith.addi %mul3A_1070, %add3A_1071 : i32
        %lt3A_1073 = arith.constant 25 : i32
        %lt3A_1074 = arith.cmpi slt, %add3A_1072, %lt3A_1073 : i32
        %convert_element_type3A_1075 = arith.extui %lt3A_1074 : i1 to i32
        %cond3A_1076 = arith.constant 0 : i32
        %cond3A_1077 = arith.cmpi ne, %convert_element_type3A_1075, %cond3A_1076 : i32
        scf.if %cond3A_1077 {
          %mul3A_1101 = arith.constant 40 : i32
          %mul3A_1102 = arith.muli %add3A_1072, %mul3A_1101 : i32
          %add3A_1103 = arith.addi %mul3A_898, %mul3A_1102 : i32
          %dma_wait3A = arith.constant 4 : i32
          %dma_wait3A_1104 = arith.constant 4 : i32
          %dma_wait3A_1105 = arith.constant 0 : i32
          %dma_wait3A_1106 = arith.constant 0 : i32
          %dma_wait3A_1107 = tpu.memref_slice %arg8[%dma_wait3A, %dma_wait3A_1105, %dma_wait3A_1106] : memref<6x40x128xf32, #tpu.memory_space<vmem>> -> memref<1x40x128xf32, #tpu.memory_space<vmem>>
          %dma_wait3A_1108 = tpu.memref_squeeze %dma_wait3A_1107 : memref<1x40x128xf32, #tpu.memory_space<vmem>> -> memref<40x128xf32, #tpu.memory_space<vmem>>
          %dma_wait3A_1109 = tpu.memref_slice %arg7[%add3A_1103] : memref<2000xi32, #tpu.memory_space<vmem>> -> memref<40xi32, #tpu.memory_space<vmem>>
          %dma_wait3A_1110 = arith.constant 0 : i32
          %dma_wait3A_1111 = arith.constant 0 : i32
          %dma_wait3A_1112 = tpu.memref_slice %arg10[%dma_wait3A_1110, %dma_wait3A_1111] : memref<10000x128xf32, #tpu.memory_space<vmem_shared>> -> memref<10000x128xf32, #tpu.memory_space<vmem_shared>>
          %dma_wait3A_1113 = tpu.memref_slice %arg12[%dma_wait3A_1104] : memref<6x!tpu.dma_semaphore, #tpu.memory_space<semaphore_mem>> -> memref<1x!tpu.dma_semaphore, #tpu.memory_space<semaphore_mem>>
          %dma_wait3A_1114 = tpu.memref_squeeze %dma_wait3A_1113 : memref<1x!tpu.dma_semaphore, #tpu.memory_space<semaphore_mem>> -> memref<!tpu.dma_semaphore, #tpu.memory_space<semaphore_mem>>
          tpu.wait_indirect_dma semaphore(%dma_wait3A_1114 : memref<!tpu.dma_semaphore, #tpu.memory_space<semaphore_mem>>) src(%dma_wait3A_1108 : memref<40x128xf32, #tpu.memory_space<vmem>>) dst(%dma_wait3A_1112 : memref<10000x128xf32, #tpu.memory_space<vmem_shared>>)
        } else {
        }
        %add3A_1078 = arith.constant 6 : i32
        %add3A_1079 = arith.addi %add3A_1072, %add3A_1078 : i32
        %lt3A_1080 = arith.constant 25 : i32
        %lt3A_1081 = arith.cmpi slt, %add3A_1079, %lt3A_1080 : i32
        %convert_element_type3A_1082 = arith.extui %lt3A_1081 : i1 to i32
        %cond3A_1083 = arith.constant 0 : i32
        %cond3A_1084 = arith.cmpi ne, %convert_element_type3A_1082, %cond3A_1083 : i32
        scf.if %cond3A_1084 {
          %add3A_1101 = arith.constant 6 : i32
          %add3A_1102 = arith.addi %add3A_1072, %add3A_1101 : i32
          %mul3A_1103 = arith.constant 40 : i32
          %mul3A_1104 = arith.muli %add3A_1102, %mul3A_1103 : i32
          %add3A_1105 = arith.addi %mul3A_898, %mul3A_1104 : i32
          %dma_start3A_1106 = arith.constant 4 : i32
          %dma_start3A_1107 = arith.constant 4 : i32
          %dma_start3A_1108 = arith.constant 0 : i32
          %dma_start3A_1109 = arith.constant 0 : i32
          %dma_start3A_1110 = tpu.memref_slice %arg8[%dma_start3A_1106, %dma_start3A_1108, %dma_start3A_1109] : memref<6x40x128xf32, #tpu.memory_space<vmem>> -> memref<1x40x128xf32, #tpu.memory_space<vmem>>
          %dma_start3A_1111 = tpu.memref_squeeze %dma_start3A_1110 : memref<1x40x128xf32, #tpu.memory_space<vmem>> -> memref<40x128xf32, #tpu.memory_space<vmem>>
          %dma_start3A_1112 = tpu.memref_slice %arg6[%add3A_1105] : memref<2000xi32, #tpu.memory_space<vmem>> -> memref<40xi32, #tpu.memory_space<vmem>>
          %dma_start3A_1113 = arith.constant 0 : i32
          %dma_start3A_1114 = arith.constant 0 : i32
          %dma_start3A_1115 = tpu.memref_slice %arg2[%dma_start3A_1113, %dma_start3A_1114] : memref<10000x128xf32, #tpu.memory_space<hbm>> -> memref<10000x128xf32, #tpu.memory_space<hbm>>
          %dma_start3A_1116 = tpu.memref_slice %arg11[%dma_start3A_1107] : memref<6x!tpu.dma_semaphore, #tpu.memory_space<semaphore_mem>> -> memref<1x!tpu.dma_semaphore, #tpu.memory_space<semaphore_mem>>
          %dma_start3A_1117 = tpu.memref_squeeze %dma_start3A_1116 : memref<1x!tpu.dma_semaphore, #tpu.memory_space<semaphore_mem>> -> memref<!tpu.dma_semaphore, #tpu.memory_space<semaphore_mem>>
          tpu.enqueue_indirect_dma source(%dma_start3A_1115 : memref<10000x128xf32, #tpu.memory_space<hbm>>) target(%dma_start3A_1111 : memref<40x128xf32, #tpu.memory_space<vmem>>) offsets(%dma_start3A_1112 : memref<40xi32, #tpu.memory_space<vmem>>) semaphore(%dma_start3A_1117 : memref<!tpu.dma_semaphore, #tpu.memory_space<semaphore_mem>>)
        } else {
        }
        %mul3A_1085 = arith.constant 6 : i32
        %mul3A_1086 = arith.muli %scan3A_950, %mul3A_1085 : i32
        %add3A_1087 = arith.constant 5 : i32
        %add3A_1088 = arith.addi %mul3A_1086, %add3A_1087 : i32
        %lt3A_1089 = arith.constant 25 : i32
        %lt3A_1090 = arith.cmpi slt, %add3A_1088, %lt3A_1089 : i32
        %convert_element_type3A_1091 = arith.extui %lt3A_1090 : i1 to i32
        %cond3A_1092 = arith.constant 0 : i32
        %cond3A_1093 = arith.cmpi ne, %convert_element_type3A_1091, %cond3A_1092 : i32
        scf.if %cond3A_1093 {
          %mul3A_1101 = arith.constant 40 : i32
          %mul3A_1102 = arith.muli %add3A_1088, %mul3A_1101 : i32
          %add3A_1103 = arith.addi %mul3A_898, %mul3A_1102 : i32
          %dma_wait3A = arith.constant 5 : i32
          %dma_wait3A_1104 = arith.constant 5 : i32
          %dma_wait3A_1105 = arith.constant 0 : i32
          %dma_wait3A_1106 = arith.constant 0 : i32
          %dma_wait3A_1107 = tpu.memref_slice %arg8[%dma_wait3A, %dma_wait3A_1105, %dma_wait3A_1106] : memref<6x40x128xf32, #tpu.memory_space<vmem>> -> memref<1x40x128xf32, #tpu.memory_space<vmem>>
          %dma_wait3A_1108 = tpu.memref_squeeze %dma_wait3A_1107 : memref<1x40x128xf32, #tpu.memory_space<vmem>> -> memref<40x128xf32, #tpu.memory_space<vmem>>
          %dma_wait3A_1109 = tpu.memref_slice %arg7[%add3A_1103] : memref<2000xi32, #tpu.memory_space<vmem>> -> memref<40xi32, #tpu.memory_space<vmem>>
          %dma_wait3A_1110 = arith.constant 0 : i32
          %dma_wait3A_1111 = arith.constant 0 : i32
          %dma_wait3A_1112 = tpu.memref_slice %arg10[%dma_wait3A_1110, %dma_wait3A_1111] : memref<10000x128xf32, #tpu.memory_space<vmem_shared>> -> memref<10000x128xf32, #tpu.memory_space<vmem_shared>>
          %dma_wait3A_1113 = tpu.memref_slice %arg12[%dma_wait3A_1104] : memref<6x!tpu.dma_semaphore, #tpu.memory_space<semaphore_mem>> -> memref<1x!tpu.dma_semaphore, #tpu.memory_space<semaphore_mem>>
          %dma_wait3A_1114 = tpu.memref_squeeze %dma_wait3A_1113 : memref<1x!tpu.dma_semaphore, #tpu.memory_space<semaphore_mem>> -> memref<!tpu.dma_semaphore, #tpu.memory_space<semaphore_mem>>
          tpu.wait_indirect_dma semaphore(%dma_wait3A_1114 : memref<!tpu.dma_semaphore, #tpu.memory_space<semaphore_mem>>) src(%dma_wait3A_1108 : memref<40x128xf32, #tpu.memory_space<vmem>>) dst(%dma_wait3A_1112 : memref<10000x128xf32, #tpu.memory_space<vmem_shared>>)
        } else {
        }
        %add3A_1094 = arith.constant 6 : i32
        %add3A_1095 = arith.addi %add3A_1088, %add3A_1094 : i32
        %lt3A_1096 = arith.constant 25 : i32
        %lt3A_1097 = arith.cmpi slt, %add3A_1095, %lt3A_1096 : i32
        %convert_element_type3A_1098 = arith.extui %lt3A_1097 : i1 to i32
        %cond3A_1099 = arith.constant 0 : i32
        %cond3A_1100 = arith.cmpi ne, %convert_element_type3A_1098, %cond3A_1099 : i32
        scf.if %cond3A_1100 {
          %add3A_1101 = arith.constant 6 : i32
          %add3A_1102 = arith.addi %add3A_1088, %add3A_1101 : i32
          %mul3A_1103 = arith.constant 40 : i32
          %mul3A_1104 = arith.muli %add3A_1102, %mul3A_1103 : i32
          %add3A_1105 = arith.addi %mul3A_898, %mul3A_1104 : i32
          %dma_start3A_1106 = arith.constant 5 : i32
          %dma_start3A_1107 = arith.constant 5 : i32
          %dma_start3A_1108 = arith.constant 0 : i32
          %dma_start3A_1109 = arith.constant 0 : i32
          %dma_start3A_1110 = tpu.memref_slice %arg8[%dma_start3A_1106, %dma_start3A_1108, %dma_start3A_1109] : memref<6x40x128xf32, #tpu.memory_space<vmem>> -> memref<1x40x128xf32, #tpu.memory_space<vmem>>
          %dma_start3A_1111 = tpu.memref_squeeze %dma_start3A_1110 : memref<1x40x128xf32, #tpu.memory_space<vmem>> -> memref<40x128xf32, #tpu.memory_space<vmem>>
          %dma_start3A_1112 = tpu.memref_slice %arg6[%add3A_1105] : memref<2000xi32, #tpu.memory_space<vmem>> -> memref<40xi32, #tpu.memory_space<vmem>>
          %dma_start3A_1113 = arith.constant 0 : i32
          %dma_start3A_1114 = arith.constant 0 : i32
          %dma_start3A_1115 = tpu.memref_slice %arg2[%dma_start3A_1113, %dma_start3A_1114] : memref<10000x128xf32, #tpu.memory_space<hbm>> -> memref<10000x128xf32, #tpu.memory_space<hbm>>
          %dma_start3A_1116 = tpu.memref_slice %arg11[%dma_start3A_1107] : memref<6x!tpu.dma_semaphore, #tpu.memory_space<semaphore_mem>> -> memref<1x!tpu.dma_semaphore, #tpu.memory_space<semaphore_mem>>
          %dma_start3A_1117 = tpu.memref_squeeze %dma_start3A_1116 : memref<1x!tpu.dma_semaphore, #tpu.memory_space<semaphore_mem>> -> memref<!tpu.dma_semaphore, #tpu.memory_space<semaphore_mem>>
          tpu.enqueue_indirect_dma source(%dma_start3A_1115 : memref<10000x128xf32, #tpu.memory_space<hbm>>) target(%dma_start3A_1111 : memref<40x128xf32, #tpu.memory_space<vmem>>) offsets(%dma_start3A_1112 : memref<40xi32, #tpu.memory_space<vmem>>) semaphore(%dma_start3A_1117 : memref<!tpu.dma_semaphore, #tpu.memory_space<semaphore_mem>>)
        } else {
        }
      }
      %scan3A_942 = arith.constant 5 : i32
      %add3A_943 = arith.constant 1 : i32
      %add3A_944 = arith.addi %scan3A_884, %add3A_943 : i32
      %lt3A_945 = arith.constant 10 : i32
      %lt3A_946 = arith.cmpi slt, %add3A_944, %lt3A_945 : i32
      %convert_element_type3A_947 = arith.extui %lt3A_946 : i1 to i32
      %cond3A_948 = arith.constant 0 : i32
      %cond3A_949 = arith.cmpi ne, %convert_element_type3A_947, %cond3A_948 : i32
      scf.if %cond3A_949 {
        %dma_wait3A = tpu.memref_slice %arg6[%mul3A_920] : memref<2000xi32, #tpu.memory_space<vmem>> -> memref<1000xi32, #tpu.memory_space<vmem>>
        %dma_wait3A_950 = tpu.memref_slice %arg3[%add3A_929] : memref<320000xi32, #tpu.memory_space<hbm>> -> memref<1000xi32, #tpu.memory_space<hbm>>
        %dma_wait3A_951 = tpu.memref_slice %arg6[%mul3A_920] : memref<2000xi32, #tpu.memory_space<vmem>> -> memref<1000xi32, #tpu.memory_space<vmem>>
        %dma_wait3A_952 = tpu.memref_slice %arg3[%add3A_929] : memref<320000xi32, #tpu.memory_space<hbm>> -> memref<1000xi32, #tpu.memory_space<hbm>>
        tpu.wait_dma2 semaphore(%arg14 : memref<!tpu.dma_semaphore, #tpu.memory_space<semaphore_mem>>) src(%dma_wait3A_952 : memref<1000xi32, #tpu.memory_space<hbm>>) dst(%dma_wait3A_951 : memref<1000xi32, #tpu.memory_space<vmem>>)
        %dma_wait3A_953 = tpu.memref_slice %arg7[%mul3A_920] : memref<2000xi32, #tpu.memory_space<vmem>> -> memref<1000xi32, #tpu.memory_space<vmem>>
        %dma_wait3A_954 = tpu.memref_slice %arg4[%add3A_929] : memref<320000xi32, #tpu.memory_space<hbm>> -> memref<1000xi32, #tpu.memory_space<hbm>>
        %dma_wait3A_955 = tpu.memref_slice %arg7[%mul3A_920] : memref<2000xi32, #tpu.memory_space<vmem>> -> memref<1000xi32, #tpu.memory_space<vmem>>
        %dma_wait3A_956 = tpu.memref_slice %arg4[%add3A_929] : memref<320000xi32, #tpu.memory_space<hbm>> -> memref<1000xi32, #tpu.memory_space<hbm>>
        tpu.wait_dma2 semaphore(%arg14 : memref<!tpu.dma_semaphore, #tpu.memory_space<semaphore_mem>>) src(%dma_wait3A_956 : memref<1000xi32, #tpu.memory_space<hbm>>) dst(%dma_wait3A_955 : memref<1000xi32, #tpu.memory_space<vmem>>)
        %add3A_957 = arith.constant 0 : i32
        %add3A_958 = arith.addi %mul3A_920, %add3A_957 : i32
        %dma_start3A_959 = arith.constant 0 : i32
        %dma_start3A_960 = arith.constant 0 : i32
        %dma_start3A_961 = arith.constant 0 : i32
        %dma_start3A_962 = arith.constant 0 : i32
        %dma_start3A_963 = tpu.memref_slice %arg8[%dma_start3A_959, %dma_start3A_961, %dma_start3A_962] : memref<6x40x128xf32, #tpu.memory_space<vmem>> -> memref<1x40x128xf32, #tpu.memory_space<vmem>>
        %dma_start3A_964 = tpu.memref_squeeze %dma_start3A_963 : memref<1x40x128xf32, #tpu.memory_space<vmem>> -> memref<40x128xf32, #tpu.memory_space<vmem>>
        %dma_start3A_965 = tpu.memref_slice %arg6[%add3A_958] : memref<2000xi32, #tpu.memory_space<vmem>> -> memref<40xi32, #tpu.memory_space<vmem>>
        %dma_start3A_966 = arith.constant 0 : i32
        %dma_start3A_967 = arith.constant 0 : i32
        %dma_start3A_968 = tpu.memref_slice %arg2[%dma_start3A_966, %dma_start3A_967] : memref<10000x128xf32, #tpu.memory_space<hbm>> -> memref<10000x128xf32, #tpu.memory_space<hbm>>
        %dma_start3A_969 = tpu.memref_slice %arg11[%dma_start3A_960] : memref<6x!tpu.dma_semaphore, #tpu.memory_space<semaphore_mem>> -> memref<1x!tpu.dma_semaphore, #tpu.memory_space<semaphore_mem>>
        %dma_start3A_970 = tpu.memref_squeeze %dma_start3A_969 : memref<1x!tpu.dma_semaphore, #tpu.memory_space<semaphore_mem>> -> memref<!tpu.dma_semaphore, #tpu.memory_space<semaphore_mem>>
        tpu.enqueue_indirect_dma source(%dma_start3A_968 : memref<10000x128xf32, #tpu.memory_space<hbm>>) target(%dma_start3A_964 : memref<40x128xf32, #tpu.memory_space<vmem>>) offsets(%dma_start3A_965 : memref<40xi32, #tpu.memory_space<vmem>>) semaphore(%dma_start3A_970 : memref<!tpu.dma_semaphore, #tpu.memory_space<semaphore_mem>>)
        %add3A_971 = arith.constant 40 : i32
        %add3A_972 = arith.addi %mul3A_920, %add3A_971 : i32
        %dma_start3A_973 = arith.constant 1 : i32
        %dma_start3A_974 = arith.constant 1 : i32
        %dma_start3A_975 = arith.constant 0 : i32
        %dma_start3A_976 = arith.constant 0 : i32
        %dma_start3A_977 = tpu.memref_slice %arg8[%dma_start3A_973, %dma_start3A_975, %dma_start3A_976] : memref<6x40x128xf32, #tpu.memory_space<vmem>> -> memref<1x40x128xf32, #tpu.memory_space<vmem>>
        %dma_start3A_978 = tpu.memref_squeeze %dma_start3A_977 : memref<1x40x128xf32, #tpu.memory_space<vmem>> -> memref<40x128xf32, #tpu.memory_space<vmem>>
        %dma_start3A_979 = tpu.memref_slice %arg6[%add3A_972] : memref<2000xi32, #tpu.memory_space<vmem>> -> memref<40xi32, #tpu.memory_space<vmem>>
        %dma_start3A_980 = arith.constant 0 : i32
        %dma_start3A_981 = arith.constant 0 : i32
        %dma_start3A_982 = tpu.memref_slice %arg2[%dma_start3A_980, %dma_start3A_981] : memref<10000x128xf32, #tpu.memory_space<hbm>> -> memref<10000x128xf32, #tpu.memory_space<hbm>>
        %dma_start3A_983 = tpu.memref_slice %arg11[%dma_start3A_974] : memref<6x!tpu.dma_semaphore, #tpu.memory_space<semaphore_mem>> -> memref<1x!tpu.dma_semaphore, #tpu.memory_space<semaphore_mem>>
        %dma_start3A_984 = tpu.memref_squeeze %dma_start3A_983 : memref<1x!tpu.dma_semaphore, #tpu.memory_space<semaphore_mem>> -> memref<!tpu.dma_semaphore, #tpu.memory_space<semaphore_mem>>
        tpu.enqueue_indirect_dma source(%dma_start3A_982 : memref<10000x128xf32, #tpu.memory_space<hbm>>) target(%dma_start3A_978 : memref<40x128xf32, #tpu.memory_space<vmem>>) offsets(%dma_start3A_979 : memref<40xi32, #tpu.memory_space<vmem>>) semaphore(%dma_start3A_984 : memref<!tpu.dma_semaphore, #tpu.memory_space<semaphore_mem>>)
        %add3A_985 = arith.constant 80 : i32
        %add3A_986 = arith.addi %mul3A_920, %add3A_985 : i32
        %dma_start3A_987 = arith.constant 2 : i32
        %dma_start3A_988 = arith.constant 2 : i32
        %dma_start3A_989 = arith.constant 0 : i32
        %dma_start3A_990 = arith.constant 0 : i32
        %dma_start3A_991 = tpu.memref_slice %arg8[%dma_start3A_987, %dma_start3A_989, %dma_start3A_990] : memref<6x40x128xf32, #tpu.memory_space<vmem>> -> memref<1x40x128xf32, #tpu.memory_space<vmem>>
        %dma_start3A_992 = tpu.memref_squeeze %dma_start3A_991 : memref<1x40x128xf32, #tpu.memory_space<vmem>> -> memref<40x128xf32, #tpu.memory_space<vmem>>
        %dma_start3A_993 = tpu.memref_slice %arg6[%add3A_986] : memref<2000xi32, #tpu.memory_space<vmem>> -> memref<40xi32, #tpu.memory_space<vmem>>
        %dma_start3A_994 = arith.constant 0 : i32
        %dma_start3A_995 = arith.constant 0 : i32
        %dma_start3A_996 = tpu.memref_slice %arg2[%dma_start3A_994, %dma_start3A_995] : memref<10000x128xf32, #tpu.memory_space<hbm>> -> memref<10000x128xf32, #tpu.memory_space<hbm>>
        %dma_start3A_997 = tpu.memref_slice %arg11[%dma_start3A_988] : memref<6x!tpu.dma_semaphore, #tpu.memory_space<semaphore_mem>> -> memref<1x!tpu.dma_semaphore, #tpu.memory_space<semaphore_mem>>
        %dma_start3A_998 = tpu.memref_squeeze %dma_start3A_997 : memref<1x!tpu.dma_semaphore, #tpu.memory_space<semaphore_mem>> -> memref<!tpu.dma_semaphore, #tpu.memory_space<semaphore_mem>>
        tpu.enqueue_indirect_dma source(%dma_start3A_996 : memref<10000x128xf32, #tpu.memory_space<hbm>>) target(%dma_start3A_992 : memref<40x128xf32, #tpu.memory_space<vmem>>) offsets(%dma_start3A_993 : memref<40xi32, #tpu.memory_space<vmem>>) semaphore(%dma_start3A_998 : memref<!tpu.dma_semaphore, #tpu.memory_space<semaphore_mem>>)
        %add3A_999 = arith.constant 120 : i32
        %add3A_1000 = arith.addi %mul3A_920, %add3A_999 : i32
        %dma_start3A_1001 = arith.constant 3 : i32
        %dma_start3A_1002 = arith.constant 3 : i32
        %dma_start3A_1003 = arith.constant 0 : i32
        %dma_start3A_1004 = arith.constant 0 : i32
        %dma_start3A_1005 = tpu.memref_slice %arg8[%dma_start3A_1001, %dma_start3A_1003, %dma_start3A_1004] : memref<6x40x128xf32, #tpu.memory_space<vmem>> -> memref<1x40x128xf32, #tpu.memory_space<vmem>>
        %dma_start3A_1006 = tpu.memref_squeeze %dma_start3A_1005 : memref<1x40x128xf32, #tpu.memory_space<vmem>> -> memref<40x128xf32, #tpu.memory_space<vmem>>
        %dma_start3A_1007 = tpu.memref_slice %arg6[%add3A_1000] : memref<2000xi32, #tpu.memory_space<vmem>> -> memref<40xi32, #tpu.memory_space<vmem>>
        %dma_start3A_1008 = arith.constant 0 : i32
        %dma_start3A_1009 = arith.constant 0 : i32
        %dma_start3A_1010 = tpu.memref_slice %arg2[%dma_start3A_1008, %dma_start3A_1009] : memref<10000x128xf32, #tpu.memory_space<hbm>> -> memref<10000x128xf32, #tpu.memory_space<hbm>>
        %dma_start3A_1011 = tpu.memref_slice %arg11[%dma_start3A_1002] : memref<6x!tpu.dma_semaphore, #tpu.memory_space<semaphore_mem>> -> memref<1x!tpu.dma_semaphore, #tpu.memory_space<semaphore_mem>>
        %dma_start3A_1012 = tpu.memref_squeeze %dma_start3A_1011 : memref<1x!tpu.dma_semaphore, #tpu.memory_space<semaphore_mem>> -> memref<!tpu.dma_semaphore, #tpu.memory_space<semaphore_mem>>
        tpu.enqueue_indirect_dma source(%dma_start3A_1010 : memref<10000x128xf32, #tpu.memory_space<hbm>>) target(%dma_start3A_1006 : memref<40x128xf32, #tpu.memory_space<vmem>>) offsets(%dma_start3A_1007 : memref<40xi32, #tpu.memory_space<vmem>>) semaphore(%dma_start3A_1012 : memref<!tpu.dma_semaphore, #tpu.memory_space<semaphore_mem>>)
        %add3A_1013 = arith.constant 160 : i32
        %add3A_1014 = arith.addi %mul3A_920, %add3A_1013 : i32
        %dma_start3A_1015 = arith.constant 4 : i32
        %dma_start3A_1016 = arith.constant 4 : i32
        %dma_start3A_1017 = arith.constant 0 : i32
        %dma_start3A_1018 = arith.constant 0 : i32
        %dma_start3A_1019 = tpu.memref_slice %arg8[%dma_start3A_1015, %dma_start3A_1017, %dma_start3A_1018] : memref<6x40x128xf32, #tpu.memory_space<vmem>> -> memref<1x40x128xf32, #tpu.memory_space<vmem>>
        %dma_start3A_1020 = tpu.memref_squeeze %dma_start3A_1019 : memref<1x40x128xf32, #tpu.memory_space<vmem>> -> memref<40x128xf32, #tpu.memory_space<vmem>>
        %dma_start3A_1021 = tpu.memref_slice %arg6[%add3A_1014] : memref<2000xi32, #tpu.memory_space<vmem>> -> memref<40xi32, #tpu.memory_space<vmem>>
        %dma_start3A_1022 = arith.constant 0 : i32
        %dma_start3A_1023 = arith.constant 0 : i32
        %dma_start3A_1024 = tpu.memref_slice %arg2[%dma_start3A_1022, %dma_start3A_1023] : memref<10000x128xf32, #tpu.memory_space<hbm>> -> memref<10000x128xf32, #tpu.memory_space<hbm>>
        %dma_start3A_1025 = tpu.memref_slice %arg11[%dma_start3A_1016] : memref<6x!tpu.dma_semaphore, #tpu.memory_space<semaphore_mem>> -> memref<1x!tpu.dma_semaphore, #tpu.memory_space<semaphore_mem>>
        %dma_start3A_1026 = tpu.memref_squeeze %dma_start3A_1025 : memref<1x!tpu.dma_semaphore, #tpu.memory_space<semaphore_mem>> -> memref<!tpu.dma_semaphore, #tpu.memory_space<semaphore_mem>>
        tpu.enqueue_indirect_dma source(%dma_start3A_1024 : memref<10000x128xf32, #tpu.memory_space<hbm>>) target(%dma_start3A_1020 : memref<40x128xf32, #tpu.memory_space<vmem>>) offsets(%dma_start3A_1021 : memref<40xi32, #tpu.memory_space<vmem>>) semaphore(%dma_start3A_1026 : memref<!tpu.dma_semaphore, #tpu.memory_space<semaphore_mem>>)
        %add3A_1027 = arith.constant 200 : i32
        %add3A_1028 = arith.addi %mul3A_920, %add3A_1027 : i32
        %dma_start3A_1029 = arith.constant 5 : i32
        %dma_start3A_1030 = arith.constant 5 : i32
        %dma_start3A_1031 = arith.constant 0 : i32
        %dma_start3A_1032 = arith.constant 0 : i32
        %dma_start3A_1033 = tpu.memref_slice %arg8[%dma_start3A_1029, %dma_start3A_1031, %dma_start3A_1032] : memref<6x40x128xf32, #tpu.memory_space<vmem>> -> memref<1x40x128xf32, #tpu.memory_space<vmem>>
        %dma_start3A_1034 = tpu.memref_squeeze %dma_start3A_1033 : memref<1x40x128xf32, #tpu.memory_space<vmem>> -> memref<40x128xf32, #tpu.memory_space<vmem>>
        %dma_start3A_1035 = tpu.memref_slice %arg6[%add3A_1028] : memref<2000xi32, #tpu.memory_space<vmem>> -> memref<40xi32, #tpu.memory_space<vmem>>
        %dma_start3A_1036 = arith.constant 0 : i32
        %dma_start3A_1037 = arith.constant 0 : i32
        %dma_start3A_1038 = tpu.memref_slice %arg2[%dma_start3A_1036, %dma_start3A_1037] : memref<10000x128xf32, #tpu.memory_space<hbm>> -> memref<10000x128xf32, #tpu.memory_space<hbm>>
        %dma_start3A_1039 = tpu.memref_slice %arg11[%dma_start3A_1030] : memref<6x!tpu.dma_semaphore, #tpu.memory_space<semaphore_mem>> -> memref<1x!tpu.dma_semaphore, #tpu.memory_space<semaphore_mem>>
        %dma_start3A_1040 = tpu.memref_squeeze %dma_start3A_1039 : memref<1x!tpu.dma_semaphore, #tpu.memory_space<semaphore_mem>> -> memref<!tpu.dma_semaphore, #tpu.memory_space<semaphore_mem>>
        tpu.enqueue_indirect_dma source(%dma_start3A_1038 : memref<10000x128xf32, #tpu.memory_space<hbm>>) target(%dma_start3A_1034 : memref<40x128xf32, #tpu.memory_space<vmem>>) offsets(%dma_start3A_1035 : memref<40xi32, #tpu.memory_space<vmem>>) semaphore(%dma_start3A_1040 : memref<!tpu.dma_semaphore, #tpu.memory_space<semaphore_mem>>)
      } else {
      }
    }
    %scan3A_873 = arith.constant 10 : i32
    %barrier3A_874 = arith.constant 0 : index
    tpu.barrier barrier_id(%barrier3A_874)
    %mul3A_875 = arith.constant 624 : i32
    %mul3A_876 = arith.muli %arg1, %mul3A_875 : i32
    %mul3A_877 = arith.constant 624 : i32
    %mul3A_878 = arith.muli %arg1, %mul3A_877 : i32
    "tpu.region"() ({
      %run_scoped3A = tpu.sem_alloc : memref<!tpu.dma_semaphore, #tpu.memory_space<semaphore_mem>>
      %dma_start3A_884 = arith.constant 0 : i32
      %dma_start3A_885 = tpu.memref_slice %arg5[%arg0, %mul3A_878, %dma_start3A_884] : memref<2x10000x128xf32, #tpu.memory_space<hbm>> -> memref<1x624x128xf32, #tpu.memory_space<hbm>>
      %dma_start3A_886 = tpu.memref_squeeze %dma_start3A_885 : memref<1x624x128xf32, #tpu.memory_space<hbm>> -> memref<624x128xf32, #tpu.memory_space<hbm>>
      %dma_start3A_887 = arith.constant 0 : i32
      %dma_start3A_888 = tpu.memref_slice %arg10[%mul3A_876, %dma_start3A_887] : memref<10000x128xf32, #tpu.memory_space<vmem_shared>> -> memref<624x128xf32, #tpu.memory_space<vmem_shared>>
      tpu.enqueue_dma source(%dma_start3A_888 : memref<624x128xf32, #tpu.memory_space<vmem_shared>>) target(%dma_start3A_886 : memref<624x128xf32, #tpu.memory_space<hbm>>) target_semaphore(%run_scoped3A : memref<!tpu.dma_semaphore, #tpu.memory_space<semaphore_mem>>)
      %dma_wait3A = arith.constant 0 : i32
      %dma_wait3A_889 = tpu.memref_slice %arg5[%arg0, %mul3A_878, %dma_wait3A] : memref<2x10000x128xf32, #tpu.memory_space<hbm>> -> memref<1x624x128xf32, #tpu.memory_space<hbm>>
      %dma_wait3A_890 = tpu.memref_squeeze %dma_wait3A_889 : memref<1x624x128xf32, #tpu.memory_space<hbm>> -> memref<624x128xf32, #tpu.memory_space<hbm>>
      %dma_wait3A_891 = arith.constant 0 : i32
      %dma_wait3A_892 = tpu.memref_slice %arg10[%mul3A_876, %dma_wait3A_891] : memref<10000x128xf32, #tpu.memory_space<vmem_shared>> -> memref<624x128xf32, #tpu.memory_space<vmem_shared>>
      tpu.wait_dma2 semaphore(%run_scoped3A : memref<!tpu.dma_semaphore, #tpu.memory_space<semaphore_mem>>) src(%dma_wait3A_892 : memref<624x128xf32, #tpu.memory_space<vmem_shared>>) dst(%dma_wait3A_890 : memref<624x128xf32, #tpu.memory_space<hbm>>)
      tpu.yield
    }) : () -> ()
    %eq3A_879 = arith.constant 0 : i32
    %eq3A_880 = arith.cmpi eq, %arg1, %eq3A_879 : i32
    %convert_element_type3A_881 = arith.extui %eq3A_880 : i1 to i32
    %cond3A_882 = arith.constant 0 : i32
    %cond3A_883 = arith.cmpi ne, %convert_element_type3A_881, %cond3A_882 : i32
    scf.if %cond3A_883 {
      "tpu.region"() ({
        %run_scoped3A = tpu.sem_alloc : memref<!tpu.dma_semaphore, #tpu.memory_space<semaphore_mem>>
        %dma_start3A_884 = arith.constant 9984 : i32
        %dma_start3A_885 = arith.constant 0 : i32
        %dma_start3A_886 = tpu.memref_slice %arg5[%arg0, %dma_start3A_884, %dma_start3A_885] : memref<2x10000x128xf32, #tpu.memory_space<hbm>> -> memref<1x16x128xf32, #tpu.memory_space<hbm>>
        %dma_start3A_887 = tpu.memref_squeeze %dma_start3A_886 : memref<1x16x128xf32, #tpu.memory_space<hbm>> -> memref<16x128xf32, #tpu.memory_space<hbm>>
        %dma_start3A_888 = arith.constant 9984 : i32
        %dma_start3A_889 = arith.constant 0 : i32
        %dma_start3A_890 = tpu.memref_slice %arg10[%dma_start3A_888, %dma_start3A_889] : memref<10000x128xf32, #tpu.memory_space<vmem_shared>> -> memref<16x128xf32, #tpu.memory_space<vmem_shared>>
        tpu.enqueue_dma source(%dma_start3A_890 : memref<16x128xf32, #tpu.memory_space<vmem_shared>>) target(%dma_start3A_887 : memref<16x128xf32, #tpu.memory_space<hbm>>) target_semaphore(%run_scoped3A : memref<!tpu.dma_semaphore, #tpu.memory_space<semaphore_mem>>)
        %dma_wait3A = arith.constant 9984 : i32
        %dma_wait3A_891 = arith.constant 0 : i32
        %dma_wait3A_892 = tpu.memref_slice %arg5[%arg0, %dma_wait3A, %dma_wait3A_891] : memref<2x10000x128xf32, #tpu.memory_space<hbm>> -> memref<1x16x128xf32, #tpu.memory_space<hbm>>
        %dma_wait3A_893 = tpu.memref_squeeze %dma_wait3A_892 : memref<1x16x128xf32, #tpu.memory_space<hbm>> -> memref<16x128xf32, #tpu.memory_space<hbm>>
        %dma_wait3A_894 = arith.constant 9984 : i32
        %dma_wait3A_895 = arith.constant 0 : i32
        %dma_wait3A_896 = tpu.memref_slice %arg10[%dma_wait3A_894, %dma_wait3A_895] : memref<10000x128xf32, #tpu.memory_space<vmem_shared>> -> memref<16x128xf32, #tpu.memory_space<vmem_shared>>
        tpu.wait_dma2 semaphore(%run_scoped3A : memref<!tpu.dma_semaphore, #tpu.memory_space<semaphore_mem>>) src(%dma_wait3A_896 : memref<16x128xf32, #tpu.memory_space<vmem_shared>>) dst(%dma_wait3A_893 : memref<16x128xf32, #tpu.memory_space<hbm>>)
        tpu.yield
      }) : () -> ()
    } else {
    }
    return
  }
}

module attributes {stable_mosaic.version = 14 : i64} {
  func.func @_post_body(%arg0: i32, %arg1: memref<2x2000x128xf32, #tpu.memory_space<vmem>>, %arg2: memref<2000x128xf32, #tpu.memory_space<vmem>>, %arg3: memref<128x128xf32, #tpu.memory_space<vmem>>, %arg4: memref<2000x128xf32, #tpu.memory_space<vmem>>) attributes {dimension_semantics = [#tpu.dimension_semantics<arbitrary>], iteration_bounds = array<i64: 5>, scalar_prefetch = 0 : i64, scratch_operands = 0 : i64, tpu.core_type = #tpu.core_type<tc>, window_params = [{transform_indices = @transform_0, window_bounds = array<i64: 2, 2000, 128>}, {transform_indices = @transform_1, window_bounds = array<i64: 2000, 128>}, {pipeline_mode = #tpu.pipeline_mode<synchronous>, transform_indices = @transform_2, window_bounds = array<i64: 128, 128>}, {transform_indices = @transform_3, window_bounds = array<i64: 2000, 128>}]} {
    %get3A = arith.constant 0 : index
    %get3A_0 = arith.constant 0 : index
    %get3A_1 = arith.constant 0 : index
    %get3A_2 = vector.load %arg1[%get3A, %get3A_0, %get3A_1] : memref<2x2000x128xf32, #tpu.memory_space<vmem>>, vector<1x2000x128xf32>
    %get3A_3 = vector.shape_cast %get3A_2 : vector<1x2000x128xf32> to vector<2000x128xf32>
    %get3A_4 = arith.constant 1 : index
    %get3A_5 = arith.constant 0 : index
    %get3A_6 = arith.constant 0 : index
    %get3A_7 = vector.load %arg1[%get3A_4, %get3A_5, %get3A_6] : memref<2x2000x128xf32, #tpu.memory_space<vmem>>, vector<1x2000x128xf32>
    %get3A_8 = vector.shape_cast %get3A_7 : vector<1x2000x128xf32> to vector<2000x128xf32>
    %add3A = arith.addf %get3A_3, %get3A_8 : vector<2000x128xf32>
    %get3A_9 = arith.constant 0 : index
    %get3A_10 = arith.constant 0 : index
    %get3A_11 = vector.load %arg3[%get3A_9, %get3A_10] : memref<128x128xf32, #tpu.memory_space<vmem>>, vector<128x128xf32>
    %dot_general3A = arith.constant dense<0.000000e+00> : vector<2000x128xf32>
    %dot_general3A_12 = tpu.matmul %add3A, %get3A_11, %dot_general3A {dimension_numbers = #tpu.dot_dimension_numbers<[1], [0], [0], [1], [0, 0, 1, 1], [], []>, transpose_lhs_hint = false} : vector<2000x128xf32>, vector<128x128xf32>, vector<2000x128xf32> -> vector<2000x128xf32>
    %get3A_13 = arith.constant 0 : index
    %get3A_14 = arith.constant 0 : index
    %get3A_15 = vector.load %arg2[%get3A_13, %get3A_14] : memref<2000x128xf32, #tpu.memory_space<vmem>>, vector<2000x128xf32>
    %add3A_16 = arith.addf %dot_general3A_12, %get3A_15 : vector<2000x128xf32>
    %max3A = arith.constant 0.000000e+00 : f32
    %max3A_17 = vector.broadcast %max3A : f32 to vector<2000x128xf32>
    %max3A_18 = arith.maximumf %add3A_16, %max3A_17 : vector<2000x128xf32>
    %swap3A = arith.constant 0 : index
    %swap3A_19 = arith.constant 0 : index
    %swap3A_20 = vector.load %arg4[%swap3A, %swap3A_19] : memref<2000x128xf32, #tpu.memory_space<vmem>>, vector<2000x128xf32>
    tpu.vector_store %arg4[%swap3A, %swap3A_19], %max3A_18 {strides = array<i32>} : memref<2000x128xf32, #tpu.memory_space<vmem>>, vector<2000x128xf32>,
    return
  }
  func.func @transform_0(%arg0: i32) -> (i32, i32, i32) {
    %c0_i32 = arith.constant 0 : i32
    %c0_i32_0 = arith.constant 0 : i32
    %c0_i32_1 = arith.constant 0 : i32
    return %c0_i32, %arg0, %c0_i32_0 : i32, i32, i32
  }
  func.func @transform_1(%arg0: i32) -> (i32, i32) {
    %c0_i32 = arith.constant 0 : i32
    %c0_i32_0 = arith.constant 0 : i32
    return %arg0, %c0_i32 : i32, i32
  }
  func.func @transform_2(%arg0: i32) -> (i32, i32) {
    %c0_i32 = arith.constant 0 : i32
    %c0_i32_0 = arith.constant 0 : i32
    %c0_i32_1 = arith.constant 0 : i32
    return %c0_i32, %c0_i32_0 : i32, i32
  }
  func.func @transform_3(%arg0: i32) -> (i32, i32) {
    %c0_i32 = arith.constant 0 : i32
    %c0_i32_0 = arith.constant 0 : i32
    return %arg0, %c0_i32 : i32, i32
  }
}

module attributes {stable_mosaic.version = 14 : i64} {
  func.func @_root_body(%arg0: i32, %arg1: memref<2000x128xf32, #tpu.memory_space<vmem>>, %arg2: memref<128x128xf32, #tpu.memory_space<vmem>>, %arg3: memref<1x128xf32, #tpu.memory_space<vmem>>, %arg4: memref<2000x128xf32, #tpu.memory_space<vmem>>) attributes {dimension_semantics = [#tpu.dimension_semantics<arbitrary>], iteration_bounds = array<i64: 5>, scalar_prefetch = 0 : i64, scratch_operands = 0 : i64, tpu.core_type = #tpu.core_type<tc>, window_params = [{transform_indices = @transform_0, window_bounds = array<i64: 2000, 128>}, {pipeline_mode = #tpu.pipeline_mode<synchronous>, transform_indices = @transform_1, window_bounds = array<i64: 128, 128>}, {pipeline_mode = #tpu.pipeline_mode<synchronous>, transform_indices = @transform_2, window_bounds = array<i64: 1, 128>}, {transform_indices = @transform_3, window_bounds = array<i64: 2000, 128>}]} {
    %get3A = arith.constant 0 : index
    %get3A_0 = arith.constant 0 : index
    %get3A_1 = vector.load %arg1[%get3A, %get3A_0] : memref<2000x128xf32, #tpu.memory_space<vmem>>, vector<2000x128xf32>
    %get3A_2 = arith.constant 0 : index
    %get3A_3 = arith.constant 0 : index
    %get3A_4 = vector.load %arg2[%get3A_2, %get3A_3] : memref<128x128xf32, #tpu.memory_space<vmem>>, vector<128x128xf32>
    %dot_general3A = arith.constant dense<0.000000e+00> : vector<2000x128xf32>
    %dot_general3A_5 = tpu.matmul %get3A_1, %get3A_4, %dot_general3A {dimension_numbers = #tpu.dot_dimension_numbers<[1], [0], [0], [1], [0, 0, 1, 1], [], []>, transpose_lhs_hint = false} : vector<2000x128xf32>, vector<128x128xf32>, vector<2000x128xf32> -> vector<2000x128xf32>
    %get3A_6 = arith.constant 0 : index
    %get3A_7 = arith.constant 0 : index
    %get3A_8 = vector.load %arg3[%get3A_6, %get3A_7] : memref<1x128xf32, #tpu.memory_space<vmem>>, vector<1x128xf32>
    %add3A = vector.broadcast %get3A_8 : vector<1x128xf32> to vector<2000x128xf32>
    %add3A_9 = arith.addf %dot_general3A_5, %add3A : vector<2000x128xf32>
    %swap3A = arith.constant 0 : index
    %swap3A_10 = arith.constant 0 : index
    %swap3A_11 = vector.load %arg4[%swap3A, %swap3A_10] : memref<2000x128xf32, #tpu.memory_space<vmem>>, vector<2000x128xf32>
    tpu.vector_store %arg4[%swap3A, %swap3A_10], %add3A_9 {strides = array<i32>} : memref<2000x128xf32, #tpu.memory_space<vmem>>, vector<2000x128xf32>,
    return
  }
  func.func @transform_0(%arg0: i32) -> (i32, i32) {
    %c0_i32 = arith.constant 0 : i32
    %c0_i32_0 = arith.constant 0 : i32
    return %arg0, %c0_i32 : i32, i32
  }
  func.func @transform_1(%arg0: i32) -> (i32, i32) {
    %c0_i32 = arith.constant 0 : i32
    %c0_i32_0 = arith.constant 0 : i32
    %c0_i32_1 = arith.constant 0 : i32
    return %c0_i32, %c0_i32_0 : i32, i32
  }
  func.func @transform_2(%arg0: i32) -> (i32, i32) {
    %c0_i32 = arith.constant 0 : i32
    %c0_i32_0 = arith.constant 0 : i32
    %c0_i32_1 = arith.constant 0 : i32
    return %c0_i32, %c0_i32_0 : i32, i32
  }
  func.func @transform_3(%arg0: i32) -> (i32, i32) {
    %c0_i32 = arith.constant 0 : i32
    %c0_i32_0 = arith.constant 0 : i32
    return %arg0, %c0_i32 : i32, i32
  }
}

module attributes {stable_mosaic.version = 14 : i64} {
  func.func @_post_body(%arg0: i32, %arg1: memref<2x2000x128xf32, #tpu.memory_space<vmem>>, %arg2: memref<2000x128xf32, #tpu.memory_space<vmem>>, %arg3: memref<128x128xf32, #tpu.memory_space<vmem>>, %arg4: memref<2000x128xf32, #tpu.memory_space<vmem>>) attributes {dimension_semantics = [#tpu.dimension_semantics<arbitrary>], iteration_bounds = array<i64: 5>, scalar_prefetch = 0 : i64, scratch_operands = 0 : i64, tpu.core_type = #tpu.core_type<tc>, window_params = [{transform_indices = @transform_0, window_bounds = array<i64: 2, 2000, 128>}, {transform_indices = @transform_1, window_bounds = array<i64: 2000, 128>}, {pipeline_mode = #tpu.pipeline_mode<synchronous>, transform_indices = @transform_2, window_bounds = array<i64: 128, 128>}, {transform_indices = @transform_3, window_bounds = array<i64: 2000, 128>}]} {
    %get3A = arith.constant 0 : index
    %get3A_0 = arith.constant 0 : index
    %get3A_1 = arith.constant 0 : index
    %get3A_2 = vector.load %arg1[%get3A, %get3A_0, %get3A_1] : memref<2x2000x128xf32, #tpu.memory_space<vmem>>, vector<1x2000x128xf32>
    %get3A_3 = vector.shape_cast %get3A_2 : vector<1x2000x128xf32> to vector<2000x128xf32>
    %get3A_4 = arith.constant 1 : index
    %get3A_5 = arith.constant 0 : index
    %get3A_6 = arith.constant 0 : index
    %get3A_7 = vector.load %arg1[%get3A_4, %get3A_5, %get3A_6] : memref<2x2000x128xf32, #tpu.memory_space<vmem>>, vector<1x2000x128xf32>
    %get3A_8 = vector.shape_cast %get3A_7 : vector<1x2000x128xf32> to vector<2000x128xf32>
    %add3A = arith.addf %get3A_3, %get3A_8 : vector<2000x128xf32>
    %get3A_9 = arith.constant 0 : index
    %get3A_10 = arith.constant 0 : index
    %get3A_11 = vector.load %arg3[%get3A_9, %get3A_10] : memref<128x128xf32, #tpu.memory_space<vmem>>, vector<128x128xf32>
    %dot_general3A = arith.constant dense<0.000000e+00> : vector<2000x128xf32>
    %dot_general3A_12 = tpu.matmul %add3A, %get3A_11, %dot_general3A {dimension_numbers = #tpu.dot_dimension_numbers<[1], [0], [0], [1], [0, 0, 1, 1], [], []>, transpose_lhs_hint = false} : vector<2000x128xf32>, vector<128x128xf32>, vector<2000x128xf32> -> vector<2000x128xf32>
    %get3A_13 = arith.constant 0 : index
    %get3A_14 = arith.constant 0 : index
    %get3A_15 = vector.load %arg2[%get3A_13, %get3A_14] : memref<2000x128xf32, #tpu.memory_space<vmem>>, vector<2000x128xf32>
    %add3A_16 = arith.addf %dot_general3A_12, %get3A_15 : vector<2000x128xf32>
    %swap3A = arith.constant 0 : index
    %swap3A_17 = arith.constant 0 : index
    %swap3A_18 = vector.load %arg4[%swap3A, %swap3A_17] : memref<2000x128xf32, #tpu.memory_space<vmem>>, vector<2000x128xf32>
    tpu.vector_store %arg4[%swap3A, %swap3A_17], %add3A_16 {strides = array<i32>} : memref<2000x128xf32, #tpu.memory_space<vmem>>, vector<2000x128xf32>,
    return
  }
  func.func @transform_0(%arg0: i32) -> (i32, i32, i32) {
    %c0_i32 = arith.constant 0 : i32
    %c0_i32_0 = arith.constant 0 : i32
    %c0_i32_1 = arith.constant 0 : i32
    return %c0_i32, %arg0, %c0_i32_0 : i32, i32, i32
  }
  func.func @transform_1(%arg0: i32) -> (i32, i32) {
    %c0_i32 = arith.constant 0 : i32
    %c0_i32_0 = arith.constant 0 : i32
    return %arg0, %c0_i32 : i32, i32
  }
  func.func @transform_2(%arg0: i32) -> (i32, i32) {
    %c0_i32 = arith.constant 0 : i32
    %c0_i32_0 = arith.constant 0 : i32
    %c0_i32_1 = arith.constant 0 : i32
    return %c0_i32, %c0_i32_0 : i32, i32
  }
  func.func @transform_3(%arg0: i32) -> (i32, i32) {
    %c0_i32 = arith.constant 0 : i32
    %c0_i32_0 = arith.constant 0 : i32
    return %arg0, %c0_i32 : i32, i32
  }
}

</mosaic_0001>

<sc_bundles>
// kernel: kernel.11.cloned.1.call-start
scs
__scs_entry_jumppad:
0x0: {  	(pc) =	sbr.rel $0x88, $3  }
0x1: {  	(tag) =	ssettag $0x0;
	lr =	simm.s32 $0x1  }
0x2: {  	[smem:$0x3F99] =	sst lr;
	_ =	strace $0xD0000000  }
0x3: {  	_ = 	snop  }
0x4: {  	_ = 	snop  }
0x5: {  	_ = 	snop  }
0x6: {  	_ = 	snop  }
0x7: {  	_ = 	snop  }
__scs_overlays_trampoline_lowered:
0x8: {  	[smem:$0x3FA8] =	sst s0  }
0x9: {  	[smem:$0x3FA9] =	sst s1  }
0xa: {  	[smem:$0x3FAA] =	sst s2  }
0xb: {  	[smem:$0x3FAB] =	sst s3  }
0xc: {  	[smem:$0x3FAC] =	sst s4  }
0xd: {  	[smem:$0x3FAD] =	sst s5  }
0xe: {  	[smem:$0x3FAE] =	sst s6  }
0xf: {  	[smem:$0x3FAF] =	sst s7  }
0x10: {  	[smem:$0x3FB0] =	sst s8  }
0x11: {  	[smem:$0x3FB1] =	sst s9;
	s0 =	simm.s32 @!p0 $0x0  }
0x12: {  	s1 =	sld [smem:$0x3F97];
	s0 =	simm.s32 @p0 $0x1  }
0x13: {  	[smem:$0x3FB2] =	sst s0;
	s0 =	simm.s32 @!p1 $0x0  }
0x14: {  	s2 =	sld [smem:$0x3F96];
	s0 =	simm.s32 @p1 $0x1  }
0x15: {  	[smem:$0x3FB3] =	sst s0;
	s0 =	simm.s32 @!p2 $0x0  }
0x16: {  	s3 =	sld [smem:$0x3FDB];
	s0 =	simm.s32 @p2 $0x1  }
0x17: {  	s4 =	simm.s32 $0x1BF5;
	[smem:$0x3FB5] =	sst s0  }
0x18: {  	s0 =	sld [smem:$0x3F98];
	_ =	swait.ge [sflag:s4], $0x0  }
0x19: {  	s7 =	sld [smem:$0x3F99]  }
0x1a: {  	s8 =	sadd.s32 $0xFFFFE003, lr  }
0x1b: {  	s9 =	sadd.s32 $0xFFFFFEF7, lr;
	s5 =	simm.s32 $0xFFFFFFFF;
	p2 =	slt.u32 s8, $0xFFFFF086  }
0x1c: {  	p1 =	slt.u32 s9, $0xF7A;
	s5 =	simm.s32 @!p2 $0x0  }
0x1d: {  	s5 =	simm.s32 @p1 $0x1;
	p0 =	seq.s32 s7, s2  }
0x1e: {  	s7 =	smul.u32 @!p0 $0xF7A, s2;
	p2 =	seq.s32 @!p0 s5, $0x0  }
0x1f: {  	s9 =	smul.u32 $0xF7A, s1;
	s8 =	simm.s32 @!p0 $0x1BF5;
	p2 =	por !p2, p0  }
0x20: {  	[sflag:s8] =	ssyncset.s32 @!p0 $0xFFFFF086;
	s6 =	sadd.s32 @!p0 s3, s7;
	s7 =	simm.s32 @!p0 $0x108  }
0x21: {  	s3 =	sadd.s32 s3, s9;
	s6 =	sadd.s32 @!p0 $0x88, s6;
	s7 =	simm.s32 @p2 $0x1082  }
0x22: {  	[simem:s7], [sflag:s8] =	dma.local @!p0 [hbm:s6], $0xF7A  }
0x23: {  	s9 =	sor.u32 $0xD0000000, s2;
	s6 =	simm.s32 $0x108;
	_ =	swait.ge @!p0 [sflag:s8], $0x0  }
0x24: {  	s3 =	sadd.s32 $0x88, s3;
	s6 =	simm.s32 @!p1 $0x1082;
	[sflag:s4] =	ssyncset.s32 $0xFFFFF086  }
0x25: {  	[simem:s6], [sflag:s4] =	dma.local [hbm:s3], $0xF7A  }
0x26: {  	[smem:$0x3F99] =	sst s1;
	(tag) =	ssettag s2;
	_ =	strace s9  }
0x27: {  	s1 =	sld [smem:$0x3FA9]  }
0x28: {  	s2 =	sld [smem:$0x3FAA]  }
0x29: {  	s4 =	sld [smem:$0x3FAC]  }
0x2a: {  	p0 =	seq.s32 s5, $0x0;
	s5 =	sld [smem:$0x3FAD]  }
0x2b: {  	s6 =	sld [smem:$0x3FAE]  }
0x2c: {  	s7 =	sld [smem:$0x3FAF]  }
0x2d: {  	s3 =	simm.s32 $0x108;
	s8 =	sld [smem:$0x3FB0]  }
0x2e: {  	s3 =	simm.s32 @!p0 $0x1082;
	s9 =	sld [smem:$0x3FB1]  }
0x2f: {  	lr =	sadd.s32 s0, s3;
	s0 =	sld [smem:$0x3FA8]  }
0x30: {  	s3 =	sld [smem:$0x3FAB]  }
0x31: {  	[smem:$0x3FB4] =	sst s10  }
0x32: {  	s10 =	sld [smem:$0x3FB2];
	_ =	sdelay $0x3  }
0x33: {  	p0 =	seq.s32 s10, $0x1;
	s10 =	sld [smem:$0x3FB4];
	_ =	sdelay $0x3  }
0x34: {  	[smem:$0x3FB4] =	sst s10  }
0x35: {  	s10 =	sld [smem:$0x3FB3];
	_ =	sdelay $0x3  }
0x36: {  	p1 =	seq.s32 s10, $0x1;
	s10 =	sld [smem:$0x3FB4];
	_ =	sdelay $0x3  }
0x37: {  	[smem:$0x3FB4] =	sst s10  }
0x38: {  	s10 =	sld [smem:$0x3FB5]  }
0x39: {  	_ = 	snop;
	(pc) =	sbr.ind lr, $3  }
0x3a: {  	_ = 	snop  }
0x3b: {  	_ = 	snop  }
0x3c: {  	p2 =	seq.s32 s10, $0x1;
	s10 =	sld [smem:$0x3FB4]  }
0x3d: {  	_ =	shalt  }
0x3e: {  	_ =	shalt  }
0x3f: {  	_ =	shalt  }
0x40: {  	_ =	shalt  }
0x41: {  	_ =	shalt  }
0x42: {  	_ =	shalt  }
0x43: {  	_ =	shalt  }
0x44: {  	_ =	shalt  }
0x45: {  	_ =	shalt  }
0x46: {  	_ =	shalt  }
0x47: {  	_ =	shalt  }
0x48: {  	_ =	shalt  }
0x49: {  	_ =	shalt  }
0x4a: {  	_ =	shalt  }
0x4b: {  	_ =	shalt  }
0x4c: {  	_ =	shalt  }
0x4d: {  	_ =	shalt  }
0x4e: {  	_ =	shalt  }
0x4f: {  	_ =	shalt  }
0x50: {  	_ =	shalt  }
0x51: {  	_ =	shalt  }
0x52: {  	_ =	shalt  }
0x53: {  	_ =	shalt  }
0x54: {  	_ =	shalt  }
0x55: {  	_ =	shalt  }
0x56: {  	_ =	shalt  }
0x57: {  	_ =	shalt  }
0x58: {  	_ =	shalt  }
0x59: {  	_ =	shalt  }
0x5a: {  	_ =	shalt  }
0x5b: {  	_ =	shalt  }
0x5c: {  	_ =	shalt  }
0x5d: {  	_ =	shalt  }
0x5e: {  	_ =	shalt  }
0x5f: {  	_ =	shalt  }
0x60: {  	_ =	shalt  }
0x61: {  	_ =	shalt  }
0x62: {  	_ =	shalt  }
0x63: {  	_ =	shalt  }
0x64: {  	_ =	shalt  }
0x65: {  	_ =	shalt  }
0x66: {  	_ =	shalt  }
0x67: {  	_ =	shalt  }
0x68: {  	_ =	shalt  }
0x69: {  	_ =	shalt  }
0x6a: {  	_ =	shalt  }
0x6b: {  	_ =	shalt  }
0x6c: {  	_ =	shalt  }
0x6d: {  	_ =	shalt  }
0x6e: {  	_ =	shalt  }
0x6f: {  	_ =	shalt  }
0x70: {  	_ =	shalt  }
0x71: {  	_ =	shalt  }
0x72: {  	_ =	shalt  }
0x73: {  	_ =	shalt  }
0x74: {  	_ =	shalt  }
0x75: {  	_ =	shalt  }
0x76: {  	_ =	shalt  }
0x77: {  	_ =	shalt  }
0x78: {  	_ =	shalt  }
0x79: {  	_ =	shalt  }
0x7a: {  	_ =	shalt  }
0x7b: {  	_ =	shalt  }
0x7c: {  	_ =	shalt  }
0x7d: {  	_ =	shalt  }
0x7e: {  	_ =	shalt  }
0x7f: {  	_ =	shalt  }
0x80: {  	_ =	shalt  }
0x81: {  	_ =	shalt  }
0x82: {  	_ =	shalt  }
0x83: {  	_ =	shalt  }
0x84: {  	_ =	shalt  }
0x85: {  	_ =	shalt  }
0x86: {  	_ =	shalt  }
0x87: {  	_ =	shalt  }
.Lfunc_end0:
.L_simem_size_0:
called_computation.1_lowered:
.L_overlay_start_0:
0x88: {  	s2 =	sld [smem:$0x3FD9]  }
0x89: {  	s3 =	sld [smem:$0x3FFE];
	_ =	sdelay $0x1  }
0x8a: {  	s1 =	srdreg.scid  }
0x8b: {  	s0 =	sand.u32 $0x1, s1  }
0x8c: {  	s17 =	sshll.u32 s0, $0xA;
	s2 =	sadd.s32 s3, s2  }
0x8d: {  	s2 =	sadd.s32 s2, s17  }
0x8e: {  	[smem:$0x3FC0] =	sst s2  }
0x8f: {  	_ = 	snop  }
0x90: {  	s2 =	sld [smem:$0x3FD0];
	(tm) =	ssettm $0x1  }
0x91: {  	s18 =	sld [smem:$0x3FFB];
	_ =	sdelay $0x3  }
0x92: {  	_ =	strace s18  }
0x93: {  	s3 =	sld [smem:$0x3FFC];
	_ =	sdelay $0x3  }
0x94: {  	_ =	strace s3  }
0x95: {  	s3 =	sld [smem:$0x3FFD];
	_ =	sdelay $0x3  }
0x96: {  	_ =	strace s3  }
0x97: {  	_ =	strace $0x8FFFFFFF  }
0x98: {  	s19 =	sld [smem:$0x3FDB];
	_ =	sdelay $0x1  }
0x99: {  	s4 =	simm.s32 $_scs_section_size  }
0x9a: {  	s5 =	simm.s32 $_size__tile_overlayer_lowered;
	s6 =	simm.s32 $_tile_overlayer_lowered  }
0x9b: {  	s22 =	simm.s32 $0x1BFF;
	s21 =	sshll.u32 s6, $0x1;
	s3 =	sadd.s32 s4, s19  }
0x9c: {  	s7 =	simm.s32 $0x0;
	s20 =	sshll.u32 s5, $0x1;
	s5 =	sadd.s32 s21, s3  }
0x9d: {  	[timem:s7], [sflag:s22] =	dma.local [hbm:s5], s20  }
0x9e: {  	_ =	swait.ge [sflag:s22], s20  }
0x9f: {  	s4 =	ssub.s32 $0x0, s20;
	[sflag:s22] =	ssyncset.done $0x0  }
0xa0: {  	[sflag:s22] =	ssyncadd.s32 s4;
	_ =	sdelay $0x1  }
0xa1: {  	s23 =	simm.s32 $0x1B8B  }
0xa2: {  	_ =	swait.ge [sflag:s23], $0x1  }
0xa3: {  	[sflag:s23] =	ssyncset.done $0x0  }
0xa4: {  	s25 =	simm.s32 $0x1B8E;
	s24 =	sld [smem:$0x3FFE];
	[sflag:s23] =	ssyncadd.s32 $0xFFFFFFFF  }
0xa5: {  	s26 =	simm.s32 $execute0_lowered;
	[smem:$0x3FD2] =	sst s25  }
0xa6: {  	s5 =	sshll.u32 s26, $0x1;
	_ =	strace $0x80000049;
	[dreg:$0x1] =	wrdreg $0xFFFFFFFF  }
0xa7: {  	s28 =	simm.s32 $_size_execute0_lowered;
	s3 =	sadd.s32 s3, s5;
	[dreg:$0x0] =	wrdreg $0x0  }
0xa8: {  	s5 =	sshll.u32 s28, $0x1;
	[dreg:$0x2] =	wrdreg s3  }
0xa9: {  	[dreg:$0x3] =	wrdreg s5  }
0xaa: {  	[dreg:$0x4] =	wrdreg $0xC0  }
0xab: {  	_ =	task [dreg:s7], $0x5FFFF  }
0xac: {  	[dreg:$0x1] =	wrdreg $0xFFFFFFFF  }
0xad: {  	[dreg:$0x0] =	wrdreg $0x60  }
0xae: {  	[dreg:$0x2] =	wrdreg s2  }
0xaf: {  	[dreg:$0x3] =	wrdreg s24  }
0xb0: {  	[dreg:$0x4] =	wrdreg $0x90000  }
0xb1: {  	[dreg:$0x5] =	wrdreg $0x9  }
0xb2: {  	_ =	task.clear_ibuf [dreg:s7], $0x6FFFF;
	_ =	strace $0x90000049  }
0xb3: {  	s29 =	simm.s32 $0x9;
	_ =	strace $0x8000004B  }
0xb4: {  	_ =	swait.ge [sflag:s29], $0x1  }
0xb5: {  	[sflag:s29] =	ssyncadd.s32 $0xFFFFFFFF  }
0xb6: {  	_ =	strace $0x9000004B  }
0xb7: {  	_ =	sfence  }
0xb8: {  	s30 =	sld [smem:$0x0];
	_ =	sdelay $0x2  }
0xb9: {  	s31 =	sshll.u32 s1, $0xD;
	s1 =	sshrl.u32 s1, $0x2  }
0xba: {  	s3 =	sand.u32 $0x4000, s31;
	s1 =	sadd.s32 s1, s30  }
0xbb: {  	s0 =	sor.u32 s3, s0;
	s1 =	sshll.u32 s1, $0x11  }
0xbc: {  	s0 =	sor.u32 s1, s0  }
0xbd: {  	s0 =	sadd.s32 $0x8F2B, s0  }
0xbe: {  	[sflag:s0] =	ssyncadd.remote.s32 $0x1  }
0xbf: {  	_ =	sfence.sel $0xFFFF  }
0xc0: {  	[dreg:$0x0] =	wrdreg $0xFFFFFFFF;
	(pc) =	sbr.abs _section_cstart, $3  }
0xc1: {  	[dreg:$0x1] =	wrdreg $0xFFFFFFFF  }
0xc2: {  	_ =	task.clear_ibuf [dreg:s7], $0x2FFFF;
	_ =	strace $0x9FFFFFFF  }
0xc3: {  	(tm) =	ssettm $0x7FFFFFFF  }
tec
execute0_lowered:
.L_overlay_start_1:
0x0: {  	(tag) =	ssettag $0x1  }
0x1: {  	s1 =	rddreg [dreg:$0x0]  }
0x2: {  	s0 =	rddreg [dreg:$0x1]  }
0x3: {  	s2 =	rddreg [dreg:$0x2]  }
0x4: {  	s3 =	srdreg.scid;
	s5 =	stileid.u32;
	s6 =	simm.s32 $0x0  }
0x5: {  	s3 =	sand.u32 $0x1, s3;
	s4 =	sshll.u32 s5, $0x1;
	[smem:$0x7FF] =	sst s6  }
0x6: {  	s8 =	smul.u32 $0x4E000, s5;
	s23 =	sadd.s32 $0x138000, s2;
	s4 =	sor.u32 s3, s4  }
0x7: {  	_ =	strace $0x8000004A;
	s7 =	ssub.s32 $0x2, s3;
	s31 =	smul.u32 $0x2710, s4  }
0x8: {  	[dreg:$0x6] =	wrdreg s23;
	s9 =	sshrl.u32 s7, $0x1;
	s8 =	sshrl.u32 s8, $0x2  }
0x9: {  	s4 =	ssub.s32 s7, s9;
	s8 =	sadd.s32 s8, s2;
	[dreg:$0x4] =	wrdreg s31  }
0xa: {  	s15 =	smax.u32 s4, $0x1;
	[dreg:$0x5] =	wrdreg s8  }
0xb: {  	s16 =	sadd.s32 $0x800, s8;
	[dreg:$0xb] =	wrdreg s15  }
0xc: {  	s17 =	sadd.s32 $0x1000, s8;
	[dreg:$0xc] =	wrdreg s16  }
0xd: {  	s18 =	sadd.s32 $0x1800, s8;
	[dreg:$0xd] =	wrdreg s17  }
0xe: {  	s19 =	sadd.s32 $0x2000, s8;
	[dreg:$0xe] =	wrdreg s18  }
0xf: {  	s20 =	sadd.s32 $0x2800, s8;
	[dreg:$0xf] =	wrdreg s19  }
0x10: {  	s21 =	sadd.s32 $0x3000, s8;
	[dreg:$0x10] =	wrdreg s20  }
0x11: {  	s22 =	sadd.s32 $0x3800, s8;
	[dreg:$0x11] =	wrdreg s21  }
0x12: {  	s24 =	sadd.s32 $0x4000, s8;
	[dreg:$0x12] =	wrdreg s22  }
0x13: {  	s25 =	sadd.s32 $0x4800, s8;
	[dreg:$0x13] =	wrdreg s24  }
0x14: {  	s11 =	sadd.s32 $0xBA00, s0;
	s26 =	sadd.s32 $0x5000, s8;
	[dreg:$0x14] =	wrdreg s25  }
0x15: {  	s12 =	sadd.s32 $0x1C00, s0;
	s28 =	sadd.s32 $0x5800, s8;
	[dreg:$0x15] =	wrdreg s26  }
0x16: {  	s10 =	smul.u32 $0x13800, s5;
	s29 =	sadd.s32 $0x6000, s8;
	[dreg:$0x16] =	wrdreg s28  }
0x17: {  	s0 =	sadd.s32 $0x15800, s0;
	s30 =	sadd.s32 $0x6800, s8;
	[dreg:$0x17] =	wrdreg s29  }
0x18: {  	s13 =	sshrl.u32 s31, $0x3;
	s31 =	sadd.s32 $0x7000, s8;
	[dreg:$0x18] =	wrdreg s30  }
0x19: {  	s3 =	smul.u32 $0x138800, s3;
	s4 =	sadd.s32 $0x8000, s8;
	[dreg:$0x19] =	wrdreg s31  }
0x1a: {  	p0 =	sne.s32 s5, $0x0;
	s5 =	sadd.s32 $0x8800, s8;
	[dreg:$0x1b] =	wrdreg s4  }
0x1b: {  	s10 =	sadd.s32 s10, s3;
	s7 =	sadd.s32 s11, s13;
	[dreg:$0x1c] =	wrdreg s5  }
0x1c: {  	s10 =	sshrl.u32 s10, $0x3;
	s9 =	sadd.s32 s12, s13;
	[dreg:$0x7] =	wrdreg s7  }
0x1d: {  	s3 =	sshrl.u32 s3, $0x3;
	s14 =	sadd.s32 s0, s10;
	[dreg:$0x8] =	wrdreg s9  }
0x1e: {  	s0 =	sadd.s32 s0, s3;
	s3 =	sadd.s32 $0x7800, s8;
	[dreg:$0x9] =	wrdreg s14  }
0x1f: {  	s10 =	sadd.s32 $0x9800, s8;
	[dreg:$0x1a] =	wrdreg s3  }
0x20: {  	s6 =	smov.u32 s11;
	s11 =	sadd.s32 $0xA000, s8;
	[dreg:$0x1e] =	wrdreg s10  }
0x21: {  	s13 =	sadd.s32 $0xB000, s8;
	[dreg:$0x1f] =	wrdreg s11  }
0x22: {  	s15 =	sadd.s32 $0xC000, s8;
	[smem:$0x7ED] =	sst s13  }
0x23: {  	s16 =	sadd.s32 $0xC800, s8;
	[smem:$0x7EF] =	sst s15  }
0x24: {  	s17 =	sadd.s32 $0xD000, s8;
	[smem:$0x7F0] =	sst s16  }
0x25: {  	s18 =	sadd.s32 $0xD800, s8;
	[smem:$0x7F1] =	sst s17  }
0x26: {  	s19 =	sadd.s32 $0xE000, s8;
	[smem:$0x7F2] =	sst s18  }
0x27: {  	s20 =	sadd.s32 $0xE800, s8;
	[smem:$0x7F3] =	sst s19  }
0x28: {  	s21 =	sadd.s32 $0xF000, s8;
	[smem:$0x7F4] =	sst s20  }
0x29: {  	s22 =	sadd.s32 $0xF800, s8;
	[smem:$0x7F5] =	sst s21  }
0x2a: {  	s24 =	sadd.s32 $0x10000, s8;
	[smem:$0x7F6] =	sst s22  }
0x2b: {  	s25 =	sadd.s32 $0x10800, s8;
	s26 =	sadd.s32 $0x11000, s8;
	[smem:$0x7F7] =	sst s24  }
0x2c: {  	s28 =	sadd.s32 $0x11800, s8;
	s29 =	sadd.s32 $0x12000, s8;
	[smem:$0x7F8] =	sst s25  }
0x2d: {  	s30 =	sadd.s32 $0x12800, s8;
	s31 =	sadd.s32 $0x13000, s8;
	[smem:$0x7F9] =	sst s26  }
0x2e: {  	s5 =	simm.s32 $0x0;
	s7 =	smov.u32 s12;
	[smem:$0x7FA] =	sst s28  }
0x2f: {  	s0 =	sadd.s32 $0x27000, s0;
	s9 =	sadd.s32 $0x9000, s8;
	[smem:$0x7FB] =	sst s29  }
0x30: {  	s12 =	sadd.s32 $0xA800, s8;
	s14 =	sadd.s32 $0xB800, s8;
	[smem:$0x7FC] =	sst s30  }
0x31: {  	[smem:$0x7FD] =	sst s31;
	s3 =	simm.s32 $0x28;
	s10 =	simm.s32 $0x1000  }
0x32: {  	s11 =	simm.s32 $0x2400;
	s13 =	simm.s32 $0x4C00;
	s15 =	simm.s32 $0x7400  }
.Ltmp0:
0x33: {  	s16 =	simm.s32 $0xD;
	[dreg:$0xa] =	wrdreg s0;
	(pc) =	sbr.rel .LBB2_1-.Ltmp0, $4  }
0x34: {  	s17 =	simm.s32 $0x1;
	s18 =	simm.s32 $0x9;
	[dreg:$0x1d] =	wrdreg s9  }
0x35: {  	s19 =	simm.s32 $0xA;
	s20 =	simm.s32 $0xB;
	[smem:$0x7EC] =	sst s12  }
0x36: {  	s21 =	simm.s32 $0xC;
	s22 =	simm.s32 $0xE;
	[smem:$0x7EE] =	sst s14  }
0x37: {  	v0 =	vimm.f32 $0.0e+00;
	s9 =	simm.s32 $0xF;
	s12 =	simm.s32 $0x3800;
	s14 =	simm.s32 $0x6000  }
.LBB2_12:
0x38: {  	s0 =	stileid.u32;
	[bflag:$0x0] =	sbarrier.arrive $0xFFFF  }
0x39: {  	s9 =	simm.s32 $0xF;
	s0 =	sshll.u32 s0, $0x6;
	s8 =	rddreg [dreg:$0x5]  }
0x3a: {  	s5 =	rddreg [dreg:$0x9];
	s0 =	sor.u32 $0x1C0F, s0;
	s4 =	sshrl.u32 s8, $0x3  }
0x3b: {  	[hbm:s5], [sflag:s0] =	dma.local [spmem:s4], $0x2700  }
0x3c: {  	_ =	swait.ge [sflag:s9], $0x2700  }
0x3d: {  	[sflag:s9] =	ssyncset.done $0x0;
	s23 =	rddreg [dreg:$0x6]  }
0x3e: {  	s5 =	rddreg [dreg:$0xa];
	[sflag:s9] =	ssyncadd.s32 $0xFFFFD900;
	s4 =	sshrl.u32 @!p0 s23, $0x3  }
0x3f: {  	[hbm:s5], [sflag:s0] =	dma.local @!p0 [spmem:s4], $0x100  }
0x40: {  	s0 =	simm.s32 @!p0 $0xF  }
0x41: {  	_ =	swait.ge @!p0 [sflag:s0], $0x100  }
0x42: {  	s30 =	sld [smem:$0x7EB];
	_ =	sdelay $0x2  }
0x43: {  	s31 =	rddreg [dreg:$0xb];
	s5 =	sadd.s32 $0x1, s30  }
0x44: {  	p1 =	sne.s32 s5, s31  }
.Ltmp1:
0x45: {  	_ = 	snop;
	(pc) =	sbr.rel @!p1 .LBB2_13-.Ltmp1, $3  }
0x46: {  	_ =	sdelay $0x1  }
0x47: {  	[sflag:s0] =	ssyncset.done @!p0 $0x0  }
0x48: {  	[sflag:s0] =	ssyncadd.s32 @!p0 $0xFFFFFF00  }
.LBB2_1:
0x49: {  	[tilespmem:$0x8800] =	vst v0  }
0x4a: {  	[tilespmem:$0x8810] =	vst v0  }
0x4b: {  	[tilespmem:$0x8820] =	vst v0  }
0x4c: {  	[tilespmem:$0x8830] =	vst v0  }
0x4d: {  	[tilespmem:$0x8840] =	vst v0  }
0x4e: {  	[tilespmem:$0x8850] =	vst v0  }
0x4f: {  	[tilespmem:$0x8860] =	vst v0  }
0x50: {  	[tilespmem:$0x8870] =	vst v0  }
0x51: {  	[tilespmem:$0x8880] =	vst v0  }
0x52: {  	[tilespmem:$0x8890] =	vst v0  }
0x53: {  	[tilespmem:$0x88A0] =	vst v0  }
0x54: {  	[tilespmem:$0x88B0] =	vst v0  }
0x55: {  	[tilespmem:$0x88C0] =	vst v0  }
0x56: {  	[tilespmem:$0x88D0] =	vst v0  }
0x57: {  	[tilespmem:$0x88E0] =	vst v0  }
0x58: {  	[tilespmem:$0x88F0] =	vst v0  }
0x59: {  	[tilespmem:$0x8900] =	vst v0  }
0x5a: {  	[tilespmem:$0x8910] =	vst v0  }
0x5b: {  	[tilespmem:$0x8920] =	vst v0  }
0x5c: {  	[tilespmem:$0x8930] =	vst v0  }
0x5d: {  	[tilespmem:$0x8940] =	vst v0  }
0x5e: {  	[tilespmem:$0x8950] =	vst v0  }
0x5f: {  	[tilespmem:$0x8960] =	vst v0  }
0x60: {  	[tilespmem:$0x8970] =	vst v0  }
0x61: {  	[tilespmem:$0x8980] =	vst v0  }
0x62: {  	[tilespmem:$0x8990] =	vst v0  }
0x63: {  	[tilespmem:$0x89A0] =	vst v0  }
0x64: {  	[tilespmem:$0x89B0] =	vst v0  }
0x65: {  	[tilespmem:$0x89C0] =	vst v0  }
0x66: {  	[tilespmem:$0x89D0] =	vst v0  }
0x67: {  	[tilespmem:$0x89E0] =	vst v0  }
0x68: {  	[tilespmem:$0x89F0] =	vst v0  }
0x69: {  	[tilespmem:$0x8A00] =	vst v0  }
0x6a: {  	[tilespmem:$0x8A10] =	vst v0  }
0x6b: {  	[tilespmem:$0x8A20] =	vst v0  }
0x6c: {  	[tilespmem:$0x8A30] =	vst v0  }
0x6d: {  	[tilespmem:$0x8A40] =	vst v0  }
0x6e: {  	[tilespmem:$0x8A50] =	vst v0  }
0x6f: {  	[tilespmem:$0x8A60] =	vst v0  }
0x70: {  	[tilespmem:$0x8A70] =	vst v0  }
0x71: {  	[tilespmem:$0x8A80] =	vst v0  }
0x72: {  	[tilespmem:$0x8A90] =	vst v0  }
0x73: {  	[tilespmem:$0x8AA0] =	vst v0  }
0x74: {  	[tilespmem:$0x8AB0] =	vst v0  }
0x75: {  	[tilespmem:$0x8AC0] =	vst v0  }
0x76: {  	[tilespmem:$0x8AD0] =	vst v0  }
0x77: {  	[tilespmem:$0x8AE0] =	vst v0  }
0x78: {  	[tilespmem:$0x8AF0] =	vst v0  }
0x79: {  	[tilespmem:$0x8B00] =	vst v0  }
0x7a: {  	[tilespmem:$0x8B10] =	vst v0  }
0x7b: {  	[tilespmem:$0x8B20] =	vst v0  }
0x7c: {  	[tilespmem:$0x8B30] =	vst v0  }
0x7d: {  	[tilespmem:$0x8B40] =	vst v0  }
0x7e: {  	[tilespmem:$0x8B50] =	vst v0  }
0x7f: {  	[tilespmem:$0x8B60] =	vst v0  }
0x80: {  	[tilespmem:$0x8B70] =	vst v0  }
0x81: {  	[tilespmem:$0x8B80] =	vst v0  }
0x82: {  	[tilespmem:$0x8B90] =	vst v0  }
0x83: {  	[tilespmem:$0x8BA0] =	vst v0  }
0x84: {  	[tilespmem:$0x8BB0] =	vst v0  }
0x85: {  	[tilespmem:$0x8BC0] =	vst v0  }
0x86: {  	[tilespmem:$0x8BD0] =	vst v0  }
0x87: {  	[tilespmem:$0x8BE0] =	vst v0  }
0x88: {  	[tilespmem:$0x8BF0] =	vst v0  }
0x89: {  	[tilespmem:$0x8C00] =	vst v0  }
0x8a: {  	[tilespmem:$0x8C10] =	vst v0  }
0x8b: {  	[tilespmem:$0x8C20] =	vst v0  }
0x8c: {  	[tilespmem:$0x8C30] =	vst v0  }
0x8d: {  	[tilespmem:$0x8C40] =	vst v0  }
0x8e: {  	[tilespmem:$0x8C50] =	vst v0  }
0x8f: {  	[tilespmem:$0x8C60] =	vst v0  }
0x90: {  	[tilespmem:$0x8C70] =	vst v0  }
0x91: {  	[tilespmem:$0x8C80] =	vst v0  }
0x92: {  	[tilespmem:$0x8C90] =	vst v0  }
0x93: {  	[tilespmem:$0x8CA0] =	vst v0  }
0x94: {  	[tilespmem:$0x8CB0] =	vst v0  }
0x95: {  	[tilespmem:$0x8CC0] =	vst v0  }
0x96: {  	[tilespmem:$0x8CD0] =	vst v0  }
0x97: {  	[tilespmem:$0x8CE0] =	vst v0  }
0x98: {  	[tilespmem:$0x8CF0] =	vst v0  }
0x99: {  	[tilespmem:$0x8D00] =	vst v0  }
0x9a: {  	[tilespmem:$0x8D10] =	vst v0  }
0x9b: {  	[tilespmem:$0x8D20] =	vst v0  }
0x9c: {  	[tilespmem:$0x8D30] =	vst v0  }
0x9d: {  	[tilespmem:$0x8D40] =	vst v0  }
0x9e: {  	[tilespmem:$0x8D50] =	vst v0  }
0x9f: {  	[tilespmem:$0x8D60] =	vst v0  }
0xa0: {  	[tilespmem:$0x8D70] =	vst v0  }
0xa1: {  	[tilespmem:$0x8D80] =	vst v0  }
0xa2: {  	[tilespmem:$0x8D90] =	vst v0  }
0xa3: {  	[tilespmem:$0x8DA0] =	vst v0  }
0xa4: {  	[tilespmem:$0x8DB0] =	vst v0  }
0xa5: {  	[tilespmem:$0x8DC0] =	vst v0  }
0xa6: {  	[tilespmem:$0x8DD0] =	vst v0  }
0xa7: {  	[tilespmem:$0x8DE0] =	vst v0  }
0xa8: {  	[tilespmem:$0x8DF0] =	vst v0  }
0xa9: {  	[tilespmem:$0x8E00] =	vst v0  }
0xaa: {  	[tilespmem:$0x8E10] =	vst v0  }
0xab: {  	[tilespmem:$0x8E20] =	vst v0  }
0xac: {  	[tilespmem:$0x8E30] =	vst v0  }
0xad: {  	[tilespmem:$0x8E40] =	vst v0  }
0xae: {  	[tilespmem:$0x8E50] =	vst v0  }
0xaf: {  	[tilespmem:$0x8E60] =	vst v0  }
0xb0: {  	[tilespmem:$0x8E70] =	vst v0  }
0xb1: {  	[tilespmem:$0x8E80] =	vst v0  }
0xb2: {  	[tilespmem:$0x8E90] =	vst v0  }
0xb3: {  	[tilespmem:$0x8EA0] =	vst v0  }
0xb4: {  	[tilespmem:$0x8EB0] =	vst v0  }
0xb5: {  	[tilespmem:$0x8EC0] =	vst v0  }
0xb6: {  	[tilespmem:$0x8ED0] =	vst v0  }
0xb7: {  	[tilespmem:$0x8EE0] =	vst v0  }
0xb8: {  	[tilespmem:$0x8EF0] =	vst v0  }
0xb9: {  	[tilespmem:$0x8F00] =	vst v0  }
0xba: {  	[tilespmem:$0x8F10] =	vst v0  }
0xbb: {  	[tilespmem:$0x8F20] =	vst v0  }
0xbc: {  	[tilespmem:$0x8F30] =	vst v0  }
0xbd: {  	[tilespmem:$0x8F40] =	vst v0  }
0xbe: {  	[tilespmem:$0x8F50] =	vst v0  }
0xbf: {  	[tilespmem:$0x8F60] =	vst v0  }
0xc0: {  	[tilespmem:$0x8F70] =	vst v0  }
0xc1: {  	[tilespmem:$0x8F80] =	vst v0  }
0xc2: {  	[tilespmem:$0x8F90] =	vst v0  }
0xc3: {  	[tilespmem:$0x8FA0] =	vst v0  }
0xc4: {  	[tilespmem:$0x8FB0] =	vst v0  }
0xc5: {  	[tilespmem:$0x8FC0] =	vst v0  }
0xc6: {  	[tilespmem:$0x8FD0] =	vst v0  }
0xc7: {  	[smem:$0x7EB] =	sst s5;
	[tilespmem:$0x8FE0] =	vst v0  }
0xc8: {  	[tilespmem:$0x8FF0] =	vst v0;
	s4 =	simm.s32 $0x8800;
	s0 =	rddreg [dreg:$0xc]  }
0xc9: {  	[spmem:s8] =	stream.linear.scatter [tilespmem:s4], [sflag:$0xD], $0x800, $0x38;
	[tilespmem:$0x1C880] =	vst v63  }
0xca: {  	s24 =	rddreg [dreg:$0xe]  }
0xcb: {  	[spmem:s0] =	stream.linear.scatter [tilespmem:s4], [sflag:$0xD], $0x800, $0x38;
	[tilespmem:$0x1C880] =	vst v63  }
0xcc: {  	s8 =	rddreg [dreg:$0xd]  }
0xcd: {  	[spmem:s8] =	stream.linear.scatter [tilespmem:s4], [sflag:$0xD], $0x800, $0x38;
	[tilespmem:$0x1C880] =	vst v63  }
0xce: {  	s25 =	rddreg [dreg:$0xf]  }
0xcf: {  	[spmem:s24] =	stream.linear.scatter [tilespmem:s4], [sflag:$0xD], $0x800, $0x38;
	[tilespmem:$0x1C880] =	vst v63  }
0xd0: {  	s26 =	rddreg [dreg:$0x10]  }
0xd1: {  	[spmem:s25] =	stream.linear.scatter [tilespmem:s4], [sflag:$0xD], $0x800, $0x38;
	[tilespmem:$0x1C880] =	vst v63  }
0xd2: {  	s28 =	rddreg [dreg:$0x11]  }
0xd3: {  	[spmem:s26] =	stream.linear.scatter [tilespmem:s4], [sflag:$0xD], $0x800, $0x38;
	[tilespmem:$0x1C880] =	vst v63  }
0xd4: {  	s29 =	rddreg [dreg:$0x12]  }
0xd5: {  	[spmem:s28] =	stream.linear.scatter [tilespmem:s4], [sflag:$0xD], $0x800, $0x38;
	[tilespmem:$0x1C880] =	vst v63  }
0xd6: {  	s30 =	rddreg [dreg:$0x13]  }
0xd7: {  	[spmem:s29] =	stream.linear.scatter [tilespmem:s4], [sflag:$0xD], $0x800, $0x38;
	[tilespmem:$0x1C880] =	vst v63  }
0xd8: {  	s31 =	rddreg [dreg:$0x14]  }
0xd9: {  	[spmem:s30] =	stream.linear.scatter [tilespmem:s4], [sflag:$0xD], $0x800, $0x38;
	[tilespmem:$0x1C880] =	vst v63  }
0xda: {  	s5 =	rddreg [dreg:$0x15]  }
0xdb: {  	[spmem:s31] =	stream.linear.scatter [tilespmem:s4], [sflag:$0xD], $0x800, $0x38;
	[tilespmem:$0x1C880] =	vst v63  }
0xdc: {  	s8 =	rddreg [dreg:$0x16]  }
0xdd: {  	[spmem:s5] =	stream.linear.scatter [tilespmem:s4], [sflag:$0xD], $0x800, $0x38;
	[tilespmem:$0x1C880] =	vst v63  }
0xde: {  	s24 =	rddreg [dreg:$0x17]  }
0xdf: {  	[spmem:s8] =	stream.linear.scatter [tilespmem:s4], [sflag:$0xD], $0x800, $0x38;
	[tilespmem:$0x1C880] =	vst v63  }
0xe0: {  	s25 =	rddreg [dreg:$0x18]  }
0xe1: {  	[spmem:s24] =	stream.linear.scatter [tilespmem:s4], [sflag:$0xD], $0x800, $0x38;
	[tilespmem:$0x1C880] =	vst v63  }
0xe2: {  	s26 =	rddreg [dreg:$0x19]  }
0xe3: {  	[spmem:s25] =	stream.linear.scatter [tilespmem:s4], [sflag:$0xD], $0x800, $0x38;
	[tilespmem:$0x1C880] =	vst v63  }
0xe4: {  	s28 =	rddreg [dreg:$0x1a]  }
0xe5: {  	[spmem:s26] =	stream.linear.scatter [tilespmem:s4], [sflag:$0xD], $0x800, $0x38;
	[tilespmem:$0x1C880] =	vst v63  }
0xe6: {  	s29 =	rddreg [dreg:$0x1b]  }
0xe7: {  	[spmem:s28] =	stream.linear.scatter [tilespmem:s4], [sflag:$0xD], $0x800, $0x38;
	[tilespmem:$0x1C880] =	vst v63  }
0xe8: {  	s30 =	rddreg [dreg:$0x1c]  }
0xe9: {  	[spmem:s29] =	stream.linear.scatter [tilespmem:s4], [sflag:$0xD], $0x800, $0x38;
	[tilespmem:$0x1C880] =	vst v63  }
0xea: {  	s31 =	rddreg [dreg:$0x1d]  }
0xeb: {  	[spmem:s30] =	stream.linear.scatter [tilespmem:s4], [sflag:$0xD], $0x800, $0x38;
	[tilespmem:$0x1C880] =	vst v63  }
0xec: {  	s5 =	rddreg [dreg:$0x1e]  }
0xed: {  	[spmem:s31] =	stream.linear.scatter [tilespmem:s4], [sflag:$0xD], $0x800, $0x38;
	[tilespmem:$0x1C880] =	vst v63  }
0xee: {  	s8 =	rddreg [dreg:$0x1f]  }
0xef: {  	[spmem:s5] =	stream.linear.scatter [tilespmem:s4], [sflag:$0xD], $0x800, $0x38;
	[tilespmem:$0x1C880] =	vst v63  }
0xf0: {  	s24 =	sld [smem:$0x7EC]  }
0xf1: {  	[spmem:s8] =	stream.linear.scatter [tilespmem:s4], [sflag:$0xD], $0x800, $0x38;
	[tilespmem:$0x1C880] =	vst v63  }
0xf2: {  	s25 =	sld [smem:$0x7ED]  }
0xf3: {  	[spmem:s24] =	stream.linear.scatter [tilespmem:s4], [sflag:$0xD], $0x800, $0x38;
	[tilespmem:$0x1C880] =	vst v63  }
0xf4: {  	s26 =	sld [smem:$0x7EE]  }
0xf5: {  	[spmem:s25] =	stream.linear.scatter [tilespmem:s4], [sflag:$0xD], $0x800, $0x38;
	[tilespmem:$0x1C880] =	vst v63  }
0xf6: {  	s28 =	sld [smem:$0x7EF]  }
0xf7: {  	[spmem:s26] =	stream.linear.scatter [tilespmem:s4], [sflag:$0xD], $0x800, $0x38;
	[tilespmem:$0x1C880] =	vst v63  }
0xf8: {  	s29 =	sld [smem:$0x7F0]  }
0xf9: {  	[spmem:s28] =	stream.linear.scatter [tilespmem:s4], [sflag:$0xD], $0x800, $0x38;
	[tilespmem:$0x1C880] =	vst v63  }
0xfa: {  	s30 =	sld [smem:$0x7F1]  }
0xfb: {  	[spmem:s29] =	stream.linear.scatter [tilespmem:s4], [sflag:$0xD], $0x800, $0x38;
	[tilespmem:$0x1C880] =	vst v63  }
0xfc: {  	s31 =	sld [smem:$0x7F2]  }
0xfd: {  	[spmem:s30] =	stream.linear.scatter [tilespmem:s4], [sflag:$0xD], $0x800, $0x38;
	[tilespmem:$0x1C880] =	vst v63  }
0xfe: {  	s5 =	sld [smem:$0x7F3]  }
0xff: {  	[spmem:s31] =	stream.linear.scatter [tilespmem:s4], [sflag:$0xD], $0x800, $0x38;
	[tilespmem:$0x1C880] =	vst v63  }
0x100: {  	s8 =	sld [smem:$0x7F4]  }
0x101: {  	[spmem:s5] =	stream.linear.scatter [tilespmem:s4], [sflag:$0xD], $0x800, $0x38;
	[tilespmem:$0x1C880] =	vst v63  }
0x102: {  	s24 =	sld [smem:$0x7F5]  }
0x103: {  	[spmem:s8] =	stream.linear.scatter [tilespmem:s4], [sflag:$0xD], $0x800, $0x38;
	[tilespmem:$0x1C880] =	vst v63  }
0x104: {  	s25 =	sld [smem:$0x7F6]  }
0x105: {  	[spmem:s24] =	stream.linear.scatter [tilespmem:s4], [sflag:$0xD], $0x800, $0x38;
	[tilespmem:$0x1C880] =	vst v63  }
0x106: {  	s26 =	sld [smem:$0x7F7]  }
0x107: {  	[spmem:s25] =	stream.linear.scatter [tilespmem:s4], [sflag:$0xD], $0x800, $0x38;
	[tilespmem:$0x1C880] =	vst v63  }
0x108: {  	s28 =	sld [smem:$0x7F8]  }
0x109: {  	[spmem:s26] =	stream.linear.scatter [tilespmem:s4], [sflag:$0xD], $0x800, $0x38;
	[tilespmem:$0x1C880] =	vst v63  }
0x10a: {  	s29 =	sld [smem:$0x7F9]  }
0x10b: {  	[spmem:s28] =	stream.linear.scatter [tilespmem:s4], [sflag:$0xD], $0x800, $0x38;
	[tilespmem:$0x1C880] =	vst v63  }
0x10c: {  	s30 =	sld [smem:$0x7FA]  }
0x10d: {  	[spmem:s29] =	stream.linear.scatter [tilespmem:s4], [sflag:$0xD], $0x800, $0x38;
	[tilespmem:$0x1C880] =	vst v63  }
0x10e: {  	s31 =	sld [smem:$0x7FB]  }
0x10f: {  	[spmem:s30] =	stream.linear.scatter [tilespmem:s4], [sflag:$0xD], $0x800, $0x38;
	[tilespmem:$0x1C880] =	vst v63  }
0x110: {  	s5 =	sld [smem:$0x7FC]  }
0x111: {  	[spmem:s31] =	stream.linear.scatter [tilespmem:s4], [sflag:$0xD], $0x800, $0x38;
	[tilespmem:$0x1C880] =	vst v63  }
0x112: {  	s8 =	sld [smem:$0x7FD]  }
0x113: {  	[spmem:s5] =	stream.linear.scatter [tilespmem:s4], [sflag:$0xD], $0x800, $0x38;
	[tilespmem:$0x1C880] =	vst v63  }
0x114: {  	_ = 	snop  }
0x115: {  	[spmem:s8] =	stream.linear.scatter [tilespmem:s4], [sflag:$0xD], $0x800, $0x38;
	[tilespmem:$0x1C880] =	vst v63  }
0x116: {  	s4 =	simm.s32 @!p0 $0x8800  }
0x117: {  	[spmem:s23] =	stream.linear.scatter @!p0 [tilespmem:s4], [sflag:$0xD], $0x800, $0x38;
	[tilespmem:$0x1C880] =	vst v63  }
0x118: {  	s24 =	rddreg [dreg:$0x7];
	s23 =	simm.s32 $0x0  }
0x119: {  	[tilespmem:s23], [sflag:$0xF] =	stream.linear.gather [hbm4b:s24+s23], $0x3E8, $0x38;
	[tilespmem:$0x1C880] =	vst v63  }
0x11a: {  	_ =	swait.ge [sflag:s9], $0x3E8  }
0x11b: {  	[sflag:s9] =	ssyncset.done $0x0  }
0x11c: {  	s26 =	simm.s32 $0x800;
	s25 =	rddreg [dreg:$0x8];
	[sflag:s9] =	ssyncadd.s32 $0xFFFFFC18  }
0x11d: {  	[tilespmem:s26], [sflag:$0xF] =	stream.linear.gather [hbm4b:s25+s23], $0x3E8, $0x38;
	[tilespmem:$0x1C880] =	vst v63  }
0x11e: {  	_ =	swait.ge [sflag:s9], $0x3E8  }
0x11f: {  	[sflag:s9] =	ssyncset.done $0x0  }
0x120: {  	[sflag:s9] =	ssyncadd.s32 $0xFFFFFC18  }
0x121: {  	[tilespmem:s10], [sflag:$0x1] =	stream.indirect.gather [hbm4b:s1+s3], $0x80, s23, s3, $0xb8;
	[tilespmem:$0x1C880] =	vst v63  }
0x122: {  	_ = 	snop  }
0x123: {  	[tilespmem:s11], [sflag:$0x2] =	stream.indirect.gather [hbm4b:s1+s3], $0x80, s3, s3, $0xb8;
	[tilespmem:$0x1C880] =	vst v63  }
0x124: {  	s28 =	simm.s32 $0x50  }
0x125: {  	[tilespmem:s12], [sflag:$0x3] =	stream.indirect.gather [hbm4b:s1+s3], $0x80, s28, s3, $0xb8;
	[tilespmem:$0x1C880] =	vst v63  }
0x126: {  	s29 =	simm.s32 $0x78  }
0x127: {  	[tilespmem:s13], [sflag:$0x4] =	stream.indirect.gather [hbm4b:s1+s3], $0x80, s29, s3, $0xb8;
	[tilespmem:$0x1C880] =	vst v63  }
0x128: {  	s30 =	simm.s32 $0xA0  }
0x129: {  	[tilespmem:s14], [sflag:$0x5] =	stream.indirect.gather [hbm4b:s1+s3], $0x80, s30, s3, $0xb8;
	[tilespmem:$0x1C880] =	vst v63  }
0x12a: {  	s31 =	simm.s32 $0xC8  }
0x12b: {  	[tilespmem:s15], [sflag:$0x6] =	stream.indirect.gather [hbm4b:s1+s3], $0x80, s31, s3, $0xb8;
	[tilespmem:$0x1C880] =	vst v63  }
0x12c: {  	_ =	swait.ge [sflag:s16], $0x800  }
0x12d: {  	s4 =	simm.s32 $0x26;
	[sflag:s16] =	ssyncset.done $0x0  }
.LBB2_2:
0x12e: {  	p1 =	sne.s32 s4, $0x1;
	s4 =	sadd.s32 $0xFFFFFFFF, s4;
	[sflag:s16] =	ssyncadd.s32 $0xFFFFF800  }
.Ltmp2:
0x12f: {  	(pc) =	sbr.rel @p1 .LBB2_2-.Ltmp2, $3  }
0x130: {  	_ =	sdelay $0x1  }
0x131: {  	_ =	swait.ge [sflag:s16], $0x800  }
0x132: {  	[sflag:s16] =	ssyncset.done $0x0  }
0x133: {  	[sflag:s16] =	ssyncadd.s32 $0xFFFFF800;
	s4 =	simm.s32 @!p0 $0xD  }
0x134: {  	_ =	swait.ge @!p0 [sflag:s4], $0x800  }
0x135: {  	[sflag:s4] =	ssyncset.done @!p0 $0x0  }
0x136: {  	[sflag:s4] =	ssyncadd.s32 @!p0 $0xFFFFF800  }
0x137: {  	s24 =	simm.s32 $0x0;
	[bflag:$0x0] =	sbarrier.arrive $0xFFFF  }
.LBB2_4:
0x138: {  	s4 =	smov.u32 s24  }
0x139: {  	s24 =	sadd.s32 $0x1, s24;
	p1 =	seq.s32 s4, $0x9  }
0x13a: {  	s0 =	rddreg [dreg:$0x4];
	s26 =	simm.s32 $0x3E8;
	s9 =	smul.u32 @!p1 $0x3E8, s24  }
0x13b: {  	s29 =	simm.s32 $0x1;
	s4 =	sand.u32 $0x1, s4;
	s25 =	sand.u32 $0x1, s24  }
0x13c: {  	p2 =	seq.s32 s25, $0x1;
	s25 =	simm.s32 $0x3E8;
	s9 =	sadd.s32 @!p1 s0, s9  }
0x13d: {  	s25 =	simm.s32 @!p2 $0x0;
	p2 =	seq.s32 s4, $0x1;
	s4 =	sshrl.u32 @!p1 s9, $0x3  }
.Ltmp3:
0x13e: {  	s28 =	simm.s32 @!p1 $0x0;
	s9 =	sadd.s32 @!p1 s6, s4;
	(pc) =	sbr.rel .LBB2_5-.Ltmp3, $4  }
0x13f: {  	[tilespmem:s25], [sflag:$0xE] =	stream.linear.gather @!p1 [hbm4b:s9+s28], $0x3E8, $0x38;
	[tilespmem:$0x1C880] =	vst v63  }
0x140: {  	s26 =	simm.s32 @!p2 $0x0;
	s4 =	sadd.s32 @!p1 s7, s4;
	s9 =	sor.u32 @!p1 $0x800, s25  }
0x141: {  	[tilespmem:s9], [sflag:$0xE] =	stream.linear.gather @!p1 [hbm4b:s4+s28], $0x3E8, $0x38;
	[tilespmem:$0x1C880] =	vst v63  }
0x142: {  	s30 =	simm.s32 $0x0;
	s28 =	sor.u32 $0x800, s26;
	s4 =	simm.s32 $0x0  }
.LBB2_8:
0x143: {  	s0 =	sadd.s32 s9, s26  }
0x144: {  	s5 =	sadd.s32 $0x118, s0  }
0x145: {  	[tilespmem:s11], [sflag:$0x2] =	stream.indirect.gather [hbm4b:s1+s3], $0x80, s5, s3, $0xb8;
	[tilespmem:$0x1C880] =	vst v63  }
0x146: {  	_ =	swait.ge [sflag:s18], $0x1400  }
0x147: {  	[sflag:s18] =	ssyncset.done $0x0  }
0x148: {  	s9 =	sadd.s32 $0x140, s0;
	[sflag:s18] =	ssyncadd.s32 $0xFFFFEC00  }
0x149: {  	[tilespmem:s12], [sflag:$0x3] =	stream.indirect.gather [hbm4b:s1+s3], $0x80, s9, s3, $0xb8;
	[tilespmem:$0x1C880] =	vst v63  }
0x14a: {  	_ =	swait.ge [sflag:s19], $0x1400  }
0x14b: {  	[sflag:s19] =	ssyncset.done $0x0  }
0x14c: {  	s23 =	sadd.s32 $0x168, s0;
	[sflag:s19] =	ssyncadd.s32 $0xFFFFEC00  }
0x14d: {  	[tilespmem:s13], [sflag:$0x4] =	stream.indirect.gather [hbm4b:s1+s3], $0x80, s23, s3, $0xb8;
	[tilespmem:$0x1C880] =	vst v63  }
0x14e: {  	_ =	swait.ge [sflag:s20], $0x1400  }
0x14f: {  	[sflag:s20] =	ssyncset.done $0x0  }
0x150: {  	s31 =	sadd.s32 $0x190, s0;
	[sflag:s20] =	ssyncadd.s32 $0xFFFFEC00  }
0x151: {  	[tilespmem:s14], [sflag:$0x5] =	stream.indirect.gather [hbm4b:s1+s3], $0x80, s31, s3, $0xb8;
	[tilespmem:$0x1C880] =	vst v63  }
0x152: {  	_ =	swait.ge [sflag:s21], $0x1400  }
0x153: {  	[sflag:s21] =	ssyncset.done $0x0  }
0x154: {  	s0 =	sadd.s32 $0x1B8, s0;
	[sflag:s21] =	ssyncadd.s32 $0xFFFFEC00  }
0x155: {  	[tilespmem:s15], [sflag:$0x6] =	stream.indirect.gather [hbm4b:s1+s3], $0x80, s0, s3, $0xb8;
	[tilespmem:$0x1C880] =	vst v63  }
.LBB2_9:
0x156: {  	s30 =	sadd.s32 $0x3C0, s30  }
0x157: {  	p2 =	sne.s32 s30, $0x12C0  }
.Ltmp4:
0x158: {  	_ = 	snop;
	(pc) =	sbr.rel @!p2 .LBB2_10-.Ltmp4, $2  }
0x159: {  	_ =	sdelay $0x2  }
0x15a: {  	s4 =	sadd.s32 $0x1, s4;
	s29 =	sadd.s32 $0x6, s29  }
.LBB2_5:
0x15b: {  	_ =	swait.ge [sflag:s17], $0x1400  }
0x15c: {  	s9 =	sshra.s32 s30, $0x2;
	[sflag:s17] =	ssyncset.done $0x0  }
0x15d: {  	p2 =	sgt.u32 s29, $0x18;
	s8 =	sadd.s32 s9, s28;
	[sflag:s17] =	ssyncadd.s32 $0xFFFFEC00  }
0x15e: {  	[spmem:s2] =	stream.indirect.scatter.add.f32 [tilespmem:s10], [sflag:$0x7], $0x80, s8, s3, $0xb8;
	[tilespmem:$0x1C880] =	vst v63  }
0x15f: {  	s8 =	simm.s32 @!p2 $0x2  }
0x160: {  	p3 =	sne.s32 s30, $0xF00;
	s0 =	sshra.s32 @!p2 s30, $0x2;
	_ =	swait.ge @!p2 [sflag:s8], $0x1400  }
0x161: {  	s23 =	simm.s32 @!p2 $0x2400;
	s0 =	sadd.s32 @!p2 s0, s28;
	[sflag:s8] =	ssyncset.done @!p2 $0x0  }
0x162: {  	s0 =	sadd.s32 @!p2 $0x28, s0;
	[sflag:s8] =	ssyncadd.s32 @!p2 $0xFFFFEC00;
	s8 =	simm.s32 @!p2 $0x28  }
0x163: {  	[spmem:s2] =	stream.indirect.scatter.add.f32 @!p2 [tilespmem:s23], [sflag:$0x8], $0x80, s0, s8, $0xb8;
	[tilespmem:$0x1C880] =	vst v63  }
0x164: {  	s0 =	simm.s32 @p3 $0x3  }
0x165: {  	_ =	swait.ge @p3 [sflag:s0], $0x1400  }
0x166: {  	s8 =	sshra.s32 @p3 s30, $0x2;
	[sflag:s0] =	ssyncset.done @p3 $0x0  }
0x167: {  	[sflag:s0] =	ssyncadd.s32 @p3 $0xFFFFEC00;
	s0 =	sadd.s32 @p3 s8, s28  }
0x168: {  	s31 =	simm.s32 @p3 $0x28;
	s5 =	simm.s32 @p3 $0x3800;
	s23 =	sadd.s32 @p3 $0x50, s0  }
0x169: {  	[spmem:s2] =	stream.indirect.scatter.add.f32 @p3 [tilespmem:s5], [sflag:$0x9], $0x80, s23, s31, $0xb8;
	[tilespmem:$0x1C880] =	vst v63  }
0x16a: {  	s5 =	simm.s32 @p3 $0x4  }
0x16b: {  	_ =	swait.ge @p3 [sflag:s5], $0x1400  }
0x16c: {  	[sflag:s5] =	ssyncset.done @p3 $0x0  }
0x16d: {  	s23 =	simm.s32 @p3 $0x4C00;
	[sflag:s5] =	ssyncadd.s32 @p3 $0xFFFFEC00;
	s5 =	sadd.s32 @p3 $0x78, s0  }
0x16e: {  	[spmem:s2] =	stream.indirect.scatter.add.f32 @p3 [tilespmem:s23], [sflag:$0xA], $0x80, s5, s31, $0xb8;
	[tilespmem:$0x1C880] =	vst v63  }
0x16f: {  	s5 =	simm.s32 @p3 $0x5  }
0x170: {  	_ =	swait.ge @p3 [sflag:s5], $0x1400  }
0x171: {  	[sflag:s5] =	ssyncset.done @p3 $0x0  }
0x172: {  	s23 =	simm.s32 @p3 $0x6000;
	[sflag:s5] =	ssyncadd.s32 @p3 $0xFFFFEC00;
	s5 =	sadd.s32 @p3 $0xA0, s0  }
0x173: {  	[spmem:s2] =	stream.indirect.scatter.add.f32 @p3 [tilespmem:s23], [sflag:$0xB], $0x80, s5, s31, $0xb8;
	[tilespmem:$0x1C880] =	vst v63  }
0x174: {  	s5 =	simm.s32 @p3 $0x6  }
0x175: {  	_ =	swait.ge @p3 [sflag:s5], $0x1400  }
0x176: {  	[sflag:s5] =	ssyncset.done @p3 $0x0  }
0x177: {  	s0 =	sadd.s32 @p3 $0xC8, s0;
	[sflag:s5] =	ssyncadd.s32 @p3 $0xFFFFEC00;
	s5 =	simm.s32 @p3 $0x7400  }
0x178: {  	[spmem:s2] =	stream.indirect.scatter.add.f32 @p3 [tilespmem:s5], [sflag:$0xC], $0x80, s0, s31, $0xb8;
	[tilespmem:$0x1C880] =	vst v63  }
0x179: {  	s0 =	simm.s32 @p3 $0x7  }
0x17a: {  	_ =	swait.ge @p3 [sflag:s0], $0x1400  }
0x17b: {  	s5 =	sadd.s32 @p3 s8, s26;
	[sflag:s0] =	ssyncset.done @p3 $0x0  }
0x17c: {  	[sflag:s0] =	ssyncadd.s32 @p3 $0xFFFFEC00;
	s0 =	sadd.s32 @p3 $0xF0, s5;
	s5 =	simm.s32 @p3 $0x1000  }
0x17d: {  	[tilespmem:s5], [sflag:$0x1] =	stream.indirect.gather @p3 [hbm4b:s1+s31], $0x80, s0, s31, $0xb8;
	[tilespmem:$0x1C880] =	vst v63  }
0x17e: {  	s0 =	simm.s32 @!p3 $0x7  }
0x17f: {  	_ =	swait.ge @!p3 [sflag:s0], $0x1400  }
0x180: {  	[sflag:s0] =	ssyncset.done @!p3 $0x0  }
0x181: {  	[sflag:s0] =	ssyncadd.s32 @!p3 $0xFFFFEC00;
	p3 =	slt.u32 s4, $0x3  }
.Ltmp5:
0x182: {  	_ = 	snop;
	(pc) =	sbr.rel @p3 .LBB2_8-.Ltmp5, $4  }
0x183: {  	s0 =	simm.s32 @!p2 $0x8  }
0x184: {  	_ =	swait.ge @!p2 [sflag:s0], $0x1400  }
0x185: {  	[sflag:s0] =	ssyncset.done @!p2 $0x0  }
0x186: {  	[sflag:s0] =	ssyncadd.s32 @!p2 $0xFFFFEC00  }
0x187: {  	p2 =	seq.s32 s30, $0xF00  }
.Ltmp6:
0x188: {  	_ = 	snop;
	(pc) =	sbr.rel @p2 .LBB2_10-.Ltmp6, $1  }
0x189: {  	_ =	sdelay $0x3  }
0x18a: {  	_ =	swait.ge [sflag:s18], $0x1400  }
0x18b: {  	[sflag:s18] =	ssyncset.done $0x0  }
0x18c: {  	[sflag:s18] =	ssyncadd.s32 $0xFFFFEC00  }
0x18d: {  	_ =	swait.ge [sflag:s19], $0x1400  }
0x18e: {  	[sflag:s19] =	ssyncset.done $0x0  }
0x18f: {  	[sflag:s19] =	ssyncadd.s32 $0xFFFFEC00  }
0x190: {  	_ =	swait.ge [sflag:s20], $0x1400  }
.Ltmp7:
0x191: {  	[sflag:s20] =	ssyncset.done $0x0;
	(pc) =	sbr.rel .LBB2_9-.Ltmp7, $4  }
0x192: {  	[sflag:s20] =	ssyncadd.s32 $0xFFFFEC00  }
0x193: {  	_ =	swait.ge [sflag:s21], $0x1400  }
0x194: {  	[sflag:s21] =	ssyncset.done $0x0  }
0x195: {  	[sflag:s21] =	ssyncadd.s32 $0xFFFFEC00  }
.LBB2_10:
.Ltmp8:
0x196: {  	(pc) =	sbr.rel @p1 .LBB2_12-.Ltmp8, $1  }
0x197: {  	_ =	sdelay $0x3  }
0x198: {  	_ =	swait.ge [sflag:s22], $0x3E8  }
0x199: {  	[sflag:s22] =	ssyncset.done $0x0  }
0x19a: {  	[sflag:s22] =	ssyncadd.s32 $0xFFFFFC18  }
0x19b: {  	_ =	swait.ge [sflag:s22], $0x3E8  }
0x19c: {  	[sflag:s22] =	ssyncset.done $0x0  }
0x19d: {  	[sflag:s22] =	ssyncadd.s32 $0xFFFFFC18  }
0x19e: {  	[tilespmem:s10], [sflag:$0x1] =	stream.indirect.gather [hbm4b:s1+s3], $0x80, s25, s3, $0xb8;
	[tilespmem:$0x1C880] =	vst v63  }
0x19f: {  	s0 =	sadd.s32 $0x28, s25  }
0x1a0: {  	[tilespmem:s11], [sflag:$0x2] =	stream.indirect.gather [hbm4b:s1+s3], $0x80, s0, s3, $0xb8;
	[tilespmem:$0x1C880] =	vst v63  }
0x1a1: {  	s28 =	sadd.s32 $0x50, s25  }
0x1a2: {  	[tilespmem:s12], [sflag:$0x3] =	stream.indirect.gather [hbm4b:s1+s3], $0x80, s28, s3, $0xb8;
	[tilespmem:$0x1C880] =	vst v63  }
0x1a3: {  	s29 =	sadd.s32 $0x78, s25  }
0x1a4: {  	[tilespmem:s13], [sflag:$0x4] =	stream.indirect.gather [hbm4b:s1+s3], $0x80, s29, s3, $0xb8;
	[tilespmem:$0x1C880] =	vst v63  }
.Ltmp9:
0x1a5: {  	_ = 	snop;
	(pc) =	sbr.rel .LBB2_4-.Ltmp9, $4  }
0x1a6: {  	s30 =	sadd.s32 $0xA0, s25  }
0x1a7: {  	[tilespmem:s14], [sflag:$0x5] =	stream.indirect.gather [hbm4b:s1+s3], $0x80, s30, s3, $0xb8;
	[tilespmem:$0x1C880] =	vst v63  }
0x1a8: {  	s31 =	sadd.s32 $0xC8, s25  }
0x1a9: {  	[tilespmem:s15], [sflag:$0x6] =	stream.indirect.gather [hbm4b:s1+s3], $0x80, s31, s3, $0xb8;
	[tilespmem:$0x1C880] =	vst v63  }
.LBB2_13:
0x1aa: {  	_ =	sfence.sel $0x180000  }
0x1ab: {  	[bflag:$0x0] =	sbarrier.arrive $0xFFFF  }
0x1ac: {  	_ =	strace $0x9000004A  }
0x1ad: {  	[bflag:$0x2] =	sbarrier.arrive $0xFFFF  }
0x1ae: {  	s0 =	rddreg [dreg:$0x3]  }
0x1af: {  	s0 =	sadd.s32 @!p0 $0x100000, s0  }
0x1b0: {  	[sflag:s0] =	ssyncadd.tile.s32 @!p0 $0x1;
	_ =	shalt  }
.Lfunc_end2:
_tile_overlayer_lowered:
.L_overlay_start_2:
0x1b1: {  	(tag) =	ssettag $0x2  }
0x1b2: {  	s0 =	rddreg [dreg:$0x0];
	s2 =	stileid.u32  }
0x1b3: {  	s1 =	rddreg [dreg:$0x1];
	p0 =	sne.s32 s2, $0x0  }
0x1b4: {  	s3 =	rddreg [dreg:$0x2];
	[bflag:$0x3] =	sbarrier.arrive $0xFFFF;
	s2 =	simm.s32 @!p0 $0x1C0F  }
0x1b5: {  	[timem:s3], [sflag:s2] =	dma.local @!p0 [hbm:s0], s1  }
0x1b6: {  	s0 =	simm.s32 @!p0 $0xF  }
0x1b7: {  	_ =	swait.ge @!p0 [sflag:s0], s1  }
0x1b8: {  	s1 =	ssub.s32 @!p0 $0x0, s1;
	[sflag:s0] =	ssyncset.done @!p0 $0x0  }
0x1b9: {  	[sflag:s0] =	ssyncadd.s32 @!p0 s1  }
0x1ba: {  	[bflag:$0x3] =	sbarrier.arrive $0xFFFF  }
0x1bb: {  	_ =	shalt  }

// kernel: kernel.8.cloned.1.call-start
scs
__scs_entry_jumppad:
0x0: {  	(pc) =	sbr.rel $0x88, $3  }
0x1: {  	(tag) =	ssettag $0x0;
	lr =	simm.s32 $0x1  }
0x2: {  	[smem:$0x3F99] =	sst lr;
	_ =	strace $0xD0000000  }
0x3: {  	_ = 	snop  }
0x4: {  	_ = 	snop  }
0x5: {  	_ = 	snop  }
0x6: {  	_ = 	snop  }
0x7: {  	_ = 	snop  }
__scs_overlays_trampoline_lowered:
0x8: {  	[smem:$0x3FA8] =	sst s0  }
0x9: {  	[smem:$0x3FA9] =	sst s1  }
0xa: {  	[smem:$0x3FAA] =	sst s2  }
0xb: {  	[smem:$0x3FAB] =	sst s3  }
0xc: {  	[smem:$0x3FAC] =	sst s4  }
0xd: {  	[smem:$0x3FAD] =	sst s5  }
0xe: {  	[smem:$0x3FAE] =	sst s6  }
0xf: {  	[smem:$0x3FAF] =	sst s7  }
0x10: {  	[smem:$0x3FB0] =	sst s8  }
0x11: {  	[smem:$0x3FB1] =	sst s9;
	s0 =	simm.s32 @!p0 $0x0  }
0x12: {  	s1 =	sld [smem:$0x3F97];
	s0 =	simm.s32 @p0 $0x1  }
0x13: {  	[smem:$0x3FB2] =	sst s0;
	s0 =	simm.s32 @!p1 $0x0  }
0x14: {  	s2 =	sld [smem:$0x3F96];
	s0 =	simm.s32 @p1 $0x1  }
0x15: {  	[smem:$0x3FB3] =	sst s0;
	s0 =	simm.s32 @!p2 $0x0  }
0x16: {  	s3 =	sld [smem:$0x3FDB];
	s0 =	simm.s32 @p2 $0x1  }
0x17: {  	s4 =	simm.s32 $0x1BF5;
	[smem:$0x3FB5] =	sst s0  }
0x18: {  	s0 =	sld [smem:$0x3F98];
	_ =	swait.ge [sflag:s4], $0x0  }
0x19: {  	s7 =	sld [smem:$0x3F99]  }
0x1a: {  	s8 =	sadd.s32 $0xFFFFE003, lr  }
0x1b: {  	s9 =	sadd.s32 $0xFFFFFEF7, lr;
	s5 =	simm.s32 $0xFFFFFFFF;
	p2 =	slt.u32 s8, $0xFFFFF086  }
0x1c: {  	p1 =	slt.u32 s9, $0xF7A;
	s5 =	simm.s32 @!p2 $0x0  }
0x1d: {  	s5 =	simm.s32 @p1 $0x1;
	p0 =	seq.s32 s7, s2  }
0x1e: {  	s7 =	smul.u32 @!p0 $0xF7A, s2;
	p2 =	seq.s32 @!p0 s5, $0x0  }
0x1f: {  	s9 =	smul.u32 $0xF7A, s1;
	s8 =	simm.s32 @!p0 $0x1BF5;
	p2 =	por !p2, p0  }
0x20: {  	[sflag:s8] =	ssyncset.s32 @!p0 $0xFFFFF086;
	s6 =	sadd.s32 @!p0 s3, s7;
	s7 =	simm.s32 @!p0 $0x108  }
0x21: {  	s3 =	sadd.s32 s3, s9;
	s6 =	sadd.s32 @!p0 $0x88, s6;
	s7 =	simm.s32 @p2 $0x1082  }
0x22: {  	[simem:s7], [sflag:s8] =	dma.local @!p0 [hbm:s6], $0xF7A  }
0x23: {  	s9 =	sor.u32 $0xD0000000, s2;
	s6 =	simm.s32 $0x108;
	_ =	swait.ge @!p0 [sflag:s8], $0x0  }
0x24: {  	s3 =	sadd.s32 $0x88, s3;
	s6 =	simm.s32 @!p1 $0x1082;
	[sflag:s4] =	ssyncset.s32 $0xFFFFF086  }
0x25: {  	[simem:s6], [sflag:s4] =	dma.local [hbm:s3], $0xF7A  }
0x26: {  	[smem:$0x3F99] =	sst s1;
	(tag) =	ssettag s2;
	_ =	strace s9  }
0x27: {  	s1 =	sld [smem:$0x3FA9]  }
0x28: {  	s2 =	sld [smem:$0x3FAA]  }
0x29: {  	s4 =	sld [smem:$0x3FAC]  }
0x2a: {  	p0 =	seq.s32 s5, $0x0;
	s5 =	sld [smem:$0x3FAD]  }
0x2b: {  	s6 =	sld [smem:$0x3FAE]  }
0x2c: {  	s7 =	sld [smem:$0x3FAF]  }
0x2d: {  	s3 =	simm.s32 $0x108;
	s8 =	sld [smem:$0x3FB0]  }
0x2e: {  	s3 =	simm.s32 @!p0 $0x1082;
	s9 =	sld [smem:$0x3FB1]  }
0x2f: {  	lr =	sadd.s32 s0, s3;
	s0 =	sld [smem:$0x3FA8]  }
0x30: {  	s3 =	sld [smem:$0x3FAB]  }
0x31: {  	[smem:$0x3FB4] =	sst s10  }
0x32: {  	s10 =	sld [smem:$0x3FB2];
	_ =	sdelay $0x3  }
0x33: {  	p0 =	seq.s32 s10, $0x1;
	s10 =	sld [smem:$0x3FB4];
	_ =	sdelay $0x3  }
0x34: {  	[smem:$0x3FB4] =	sst s10  }
0x35: {  	s10 =	sld [smem:$0x3FB3];
	_ =	sdelay $0x3  }
0x36: {  	p1 =	seq.s32 s10, $0x1;
	s10 =	sld [smem:$0x3FB4];
	_ =	sdelay $0x3  }
0x37: {  	[smem:$0x3FB4] =	sst s10  }
0x38: {  	s10 =	sld [smem:$0x3FB5]  }
0x39: {  	_ = 	snop;
	(pc) =	sbr.ind lr, $3  }
0x3a: {  	_ = 	snop  }
0x3b: {  	_ = 	snop  }
0x3c: {  	p2 =	seq.s32 s10, $0x1;
	s10 =	sld [smem:$0x3FB4]  }
0x3d: {  	_ =	shalt  }
0x3e: {  	_ =	shalt  }
0x3f: {  	_ =	shalt  }
0x40: {  	_ =	shalt  }
0x41: {  	_ =	shalt  }
0x42: {  	_ =	shalt  }
0x43: {  	_ =	shalt  }
0x44: {  	_ =	shalt  }
0x45: {  	_ =	shalt  }
0x46: {  	_ =	shalt  }
0x47: {  	_ =	shalt  }
0x48: {  	_ =	shalt  }
0x49: {  	_ =	shalt  }
0x4a: {  	_ =	shalt  }
0x4b: {  	_ =	shalt  }
0x4c: {  	_ =	shalt  }
0x4d: {  	_ =	shalt  }
0x4e: {  	_ =	shalt  }
0x4f: {  	_ =	shalt  }
0x50: {  	_ =	shalt  }
0x51: {  	_ =	shalt  }
0x52: {  	_ =	shalt  }
0x53: {  	_ =	shalt  }
0x54: {  	_ =	shalt  }
0x55: {  	_ =	shalt  }
0x56: {  	_ =	shalt  }
0x57: {  	_ =	shalt  }
0x58: {  	_ =	shalt  }
0x59: {  	_ =	shalt  }
0x5a: {  	_ =	shalt  }
0x5b: {  	_ =	shalt  }
0x5c: {  	_ =	shalt  }
0x5d: {  	_ =	shalt  }
0x5e: {  	_ =	shalt  }
0x5f: {  	_ =	shalt  }
0x60: {  	_ =	shalt  }
0x61: {  	_ =	shalt  }
0x62: {  	_ =	shalt  }
0x63: {  	_ =	shalt  }
0x64: {  	_ =	shalt  }
0x65: {  	_ =	shalt  }
0x66: {  	_ =	shalt  }
0x67: {  	_ =	shalt  }
0x68: {  	_ =	shalt  }
0x69: {  	_ =	shalt  }
0x6a: {  	_ =	shalt  }
0x6b: {  	_ =	shalt  }
0x6c: {  	_ =	shalt  }
0x6d: {  	_ =	shalt  }
0x6e: {  	_ =	shalt  }
0x6f: {  	_ =	shalt  }
0x70: {  	_ =	shalt  }
0x71: {  	_ =	shalt  }
0x72: {  	_ =	shalt  }
0x73: {  	_ =	shalt  }
0x74: {  	_ =	shalt  }
0x75: {  	_ =	shalt  }
0x76: {  	_ =	shalt  }
0x77: {  	_ =	shalt  }
0x78: {  	_ =	shalt  }
0x79: {  	_ =	shalt  }
0x7a: {  	_ =	shalt  }
0x7b: {  	_ =	shalt  }
0x7c: {  	_ =	shalt  }
0x7d: {  	_ =	shalt  }
0x7e: {  	_ =	shalt  }
0x7f: {  	_ =	shalt  }
0x80: {  	_ =	shalt  }
0x81: {  	_ =	shalt  }
0x82: {  	_ =	shalt  }
0x83: {  	_ =	shalt  }
0x84: {  	_ =	shalt  }
0x85: {  	_ =	shalt  }
0x86: {  	_ =	shalt  }
0x87: {  	_ =	shalt  }
.Lfunc_end0:
.L_simem_size_0:
called_computation_lowered:
.L_overlay_start_0:
0x88: {  	s2 =	sld [smem:$0x3FD9]  }
0x89: {  	s3 =	sld [smem:$0x3FFE];
	_ =	sdelay $0x1  }
0x8a: {  	s1 =	srdreg.scid  }
0x8b: {  	s0 =	sand.u32 $0x1, s1  }
0x8c: {  	s17 =	sshll.u32 s0, $0xA;
	s2 =	sadd.s32 s3, s2  }
0x8d: {  	s2 =	sadd.s32 s2, s17  }
0x8e: {  	[smem:$0x3FC0] =	sst s2  }
0x8f: {  	_ = 	snop  }
0x90: {  	s2 =	sld [smem:$0x3FC9];
	(tm) =	ssettm $0x1  }
0x91: {  	s18 =	sld [smem:$0x3FFB];
	_ =	sdelay $0x3  }
0x92: {  	_ =	strace s18  }
0x93: {  	s3 =	sld [smem:$0x3FFC];
	_ =	sdelay $0x3  }
0x94: {  	_ =	strace s3  }
0x95: {  	s3 =	sld [smem:$0x3FFD];
	_ =	sdelay $0x3  }
0x96: {  	_ =	strace s3  }
0x97: {  	_ =	strace $0x8FFFFFFF  }
0x98: {  	s19 =	sld [smem:$0x3FDB];
	_ =	sdelay $0x1  }
0x99: {  	s4 =	simm.s32 $_scs_section_size  }
0x9a: {  	s5 =	simm.s32 $_size__tile_overlayer_lowered;
	s6 =	simm.s32 $_tile_overlayer_lowered  }
0x9b: {  	s22 =	simm.s32 $0x1BFF;
	s21 =	sshll.u32 s6, $0x1;
	s3 =	sadd.s32 s4, s19  }
0x9c: {  	s7 =	simm.s32 $0x0;
	s20 =	sshll.u32 s5, $0x1;
	s5 =	sadd.s32 s21, s3  }
0x9d: {  	[timem:s7], [sflag:s22] =	dma.local [hbm:s5], s20  }
0x9e: {  	_ =	swait.ge [sflag:s22], s20  }
0x9f: {  	s4 =	ssub.s32 $0x0, s20;
	[sflag:s22] =	ssyncset.done $0x0  }
0xa0: {  	[sflag:s22] =	ssyncadd.s32 s4;
	_ =	sdelay $0x1  }
0xa1: {  	s23 =	simm.s32 $0x1B8B  }
0xa2: {  	_ =	swait.ge [sflag:s23], $0x1  }
0xa3: {  	[sflag:s23] =	ssyncset.done $0x0  }
0xa4: {  	s25 =	simm.s32 $0x1B8E;
	s24 =	sld [smem:$0x3FFE];
	[sflag:s23] =	ssyncadd.s32 $0xFFFFFFFF  }
0xa5: {  	s26 =	simm.s32 $execute0_lowered;
	[smem:$0x3FD2] =	sst s25  }
0xa6: {  	s5 =	sshll.u32 s26, $0x1;
	_ =	strace $0x80000046;
	[dreg:$0x1] =	wrdreg $0xFFFFFFFF  }
0xa7: {  	s28 =	simm.s32 $_size_execute0_lowered;
	s3 =	sadd.s32 s3, s5;
	[dreg:$0x0] =	wrdreg $0x0  }
0xa8: {  	s5 =	sshll.u32 s28, $0x1;
	[dreg:$0x2] =	wrdreg s3  }
0xa9: {  	[dreg:$0x3] =	wrdreg s5  }
0xaa: {  	[dreg:$0x4] =	wrdreg $0xC0  }
0xab: {  	_ =	task [dreg:s7], $0x5FFFF  }
0xac: {  	[dreg:$0x1] =	wrdreg $0xFFFFFFFF  }
0xad: {  	[dreg:$0x0] =	wrdreg $0x60  }
0xae: {  	[dreg:$0x2] =	wrdreg s2  }
0xaf: {  	[dreg:$0x3] =	wrdreg s24  }
0xb0: {  	[dreg:$0x4] =	wrdreg $0x90000  }
0xb1: {  	[dreg:$0x5] =	wrdreg $0x9  }
0xb2: {  	_ =	task.clear_ibuf [dreg:s7], $0x6FFFF;
	_ =	strace $0x90000046  }
0xb3: {  	s29 =	simm.s32 $0x9;
	_ =	strace $0x80000048  }
0xb4: {  	_ =	swait.ge [sflag:s29], $0x1  }
0xb5: {  	[sflag:s29] =	ssyncadd.s32 $0xFFFFFFFF  }
0xb6: {  	_ =	strace $0x90000048  }
0xb7: {  	_ =	sfence  }
0xb8: {  	s30 =	sld [smem:$0x0];
	_ =	sdelay $0x2  }
0xb9: {  	s31 =	sshll.u32 s1, $0xD;
	s1 =	sshrl.u32 s1, $0x2  }
0xba: {  	s3 =	sand.u32 $0x4000, s31;
	s1 =	sadd.s32 s1, s30  }
0xbb: {  	s0 =	sor.u32 s3, s0;
	s1 =	sshll.u32 s1, $0x11  }
0xbc: {  	s0 =	sor.u32 s1, s0  }
0xbd: {  	s0 =	sadd.s32 $0x8F2B, s0  }
0xbe: {  	[sflag:s0] =	ssyncadd.remote.s32 $0x1  }
0xbf: {  	_ =	sfence.sel $0xFFFF  }
0xc0: {  	[dreg:$0x0] =	wrdreg $0xFFFFFFFF;
	(pc) =	sbr.abs _section_cstart, $3  }
0xc1: {  	[dreg:$0x1] =	wrdreg $0xFFFFFFFF  }
0xc2: {  	_ =	task.clear_ibuf [dreg:s7], $0x2FFFF;
	_ =	strace $0x9FFFFFFF  }
0xc3: {  	(tm) =	ssettm $0x7FFFFFFF  }
tec
execute0_lowered:
.L_overlay_start_1:
0x0: {  	(tag) =	ssettag $0x1  }
0x1: {  	s1 =	rddreg [dreg:$0x0]  }
0x2: {  	s0 =	rddreg [dreg:$0x1]  }
0x3: {  	s2 =	rddreg [dreg:$0x2]  }
0x4: {  	s3 =	srdreg.scid;
	s5 =	stileid.u32;
	s6 =	simm.s32 $0x0  }
0x5: {  	s3 =	sand.u32 $0x1, s3;
	s4 =	sshll.u32 s5, $0x1;
	[smem:$0x7FF] =	sst s6  }
0x6: {  	s8 =	smul.u32 $0x4E000, s5;
	s23 =	sadd.s32 $0x138000, s2;
	s4 =	sor.u32 s3, s4  }
0x7: {  	_ =	strace $0x80000047;
	s7 =	ssub.s32 $0x2, s3;
	s31 =	smul.u32 $0x2710, s4  }
0x8: {  	[dreg:$0x6] =	wrdreg s23;
	s9 =	sshrl.u32 s7, $0x1;
	s8 =	sshrl.u32 s8, $0x2  }
0x9: {  	s4 =	ssub.s32 s7, s9;
	s8 =	sadd.s32 s8, s2;
	[dreg:$0x4] =	wrdreg s31  }
0xa: {  	s15 =	smax.u32 s4, $0x1;
	[dreg:$0x5] =	wrdreg s8  }
0xb: {  	s16 =	sadd.s32 $0x800, s8;
	[dreg:$0xb] =	wrdreg s15  }
0xc: {  	s17 =	sadd.s32 $0x1000, s8;
	[dreg:$0xc] =	wrdreg s16  }
0xd: {  	s18 =	sadd.s32 $0x1800, s8;
	[dreg:$0xd] =	wrdreg s17  }
0xe: {  	s19 =	sadd.s32 $0x2000, s8;
	[dreg:$0xe] =	wrdreg s18  }
0xf: {  	s20 =	sadd.s32 $0x2800, s8;
	[dreg:$0xf] =	wrdreg s19  }
0x10: {  	s21 =	sadd.s32 $0x3000, s8;
	[dreg:$0x10] =	wrdreg s20  }
0x11: {  	s22 =	sadd.s32 $0x3800, s8;
	[dreg:$0x11] =	wrdreg s21  }
0x12: {  	s24 =	sadd.s32 $0x4000, s8;
	[dreg:$0x12] =	wrdreg s22  }
0x13: {  	s25 =	sadd.s32 $0x4800, s8;
	[dreg:$0x13] =	wrdreg s24  }
0x14: {  	s11 =	sadd.s32 $0xBA00, s0;
	s26 =	sadd.s32 $0x5000, s8;
	[dreg:$0x14] =	wrdreg s25  }
0x15: {  	s12 =	sadd.s32 $0x1C00, s0;
	s28 =	sadd.s32 $0x5800, s8;
	[dreg:$0x15] =	wrdreg s26  }
0x16: {  	s10 =	smul.u32 $0x13800, s5;
	s29 =	sadd.s32 $0x6000, s8;
	[dreg:$0x16] =	wrdreg s28  }
0x17: {  	s0 =	sadd.s32 $0x15800, s0;
	s30 =	sadd.s32 $0x6800, s8;
	[dreg:$0x17] =	wrdreg s29  }
0x18: {  	s13 =	sshrl.u32 s31, $0x3;
	s31 =	sadd.s32 $0x7000, s8;
	[dreg:$0x18] =	wrdreg s30  }
0x19: {  	s3 =	smul.u32 $0x138800, s3;
	s4 =	sadd.s32 $0x8000, s8;
	[dreg:$0x19] =	wrdreg s31  }
0x1a: {  	p0 =	sne.s32 s5, $0x0;
	s5 =	sadd.s32 $0x8800, s8;
	[dreg:$0x1b] =	wrdreg s4  }
0x1b: {  	s10 =	sadd.s32 s10, s3;
	s7 =	sadd.s32 s11, s13;
	[dreg:$0x1c] =	wrdreg s5  }
0x1c: {  	s10 =	sshrl.u32 s10, $0x3;
	s9 =	sadd.s32 s12, s13;
	[dreg:$0x7] =	wrdreg s7  }
0x1d: {  	s3 =	sshrl.u32 s3, $0x3;
	s14 =	sadd.s32 s0, s10;
	[dreg:$0x8] =	wrdreg s9  }
0x1e: {  	s0 =	sadd.s32 s0, s3;
	s3 =	sadd.s32 $0x7800, s8;
	[dreg:$0x9] =	wrdreg s14  }
0x1f: {  	s10 =	sadd.s32 $0x9800, s8;
	[dreg:$0x1a] =	wrdreg s3  }
0x20: {  	s6 =	smov.u32 s11;
	s11 =	sadd.s32 $0xA000, s8;
	[dreg:$0x1e] =	wrdreg s10  }
0x21: {  	s13 =	sadd.s32 $0xB000, s8;
	[dreg:$0x1f] =	wrdreg s11  }
0x22: {  	s15 =	sadd.s32 $0xC000, s8;
	[smem:$0x7ED] =	sst s13  }
0x23: {  	s16 =	sadd.s32 $0xC800, s8;
	[smem:$0x7EF] =	sst s15  }
0x24: {  	s17 =	sadd.s32 $0xD000, s8;
	[smem:$0x7F0] =	sst s16  }
0x25: {  	s18 =	sadd.s32 $0xD800, s8;
	[smem:$0x7F1] =	sst s17  }
0x26: {  	s19 =	sadd.s32 $0xE000, s8;
	[smem:$0x7F2] =	sst s18  }
0x27: {  	s20 =	sadd.s32 $0xE800, s8;
	[smem:$0x7F3] =	sst s19  }
0x28: {  	s21 =	sadd.s32 $0xF000, s8;
	[smem:$0x7F4] =	sst s20  }
0x29: {  	s22 =	sadd.s32 $0xF800, s8;
	[smem:$0x7F5] =	sst s21  }
0x2a: {  	s24 =	sadd.s32 $0x10000, s8;
	[smem:$0x7F6] =	sst s22  }
0x2b: {  	s25 =	sadd.s32 $0x10800, s8;
	s26 =	sadd.s32 $0x11000, s8;
	[smem:$0x7F7] =	sst s24  }
0x2c: {  	s28 =	sadd.s32 $0x11800, s8;
	s29 =	sadd.s32 $0x12000, s8;
	[smem:$0x7F8] =	sst s25  }
0x2d: {  	s30 =	sadd.s32 $0x12800, s8;
	s31 =	sadd.s32 $0x13000, s8;
	[smem:$0x7F9] =	sst s26  }
0x2e: {  	s5 =	simm.s32 $0x0;
	s7 =	smov.u32 s12;
	[smem:$0x7FA] =	sst s28  }
0x2f: {  	s0 =	sadd.s32 $0x27000, s0;
	s9 =	sadd.s32 $0x9000, s8;
	[smem:$0x7FB] =	sst s29  }
0x30: {  	s12 =	sadd.s32 $0xA800, s8;
	s14 =	sadd.s32 $0xB800, s8;
	[smem:$0x7FC] =	sst s30  }
0x31: {  	[smem:$0x7FD] =	sst s31;
	s3 =	simm.s32 $0x28;
	s10 =	simm.s32 $0x1000  }
0x32: {  	s11 =	simm.s32 $0x2400;
	s13 =	simm.s32 $0x4C00;
	s15 =	simm.s32 $0x7400  }
.Ltmp0:
0x33: {  	s16 =	simm.s32 $0xD;
	[dreg:$0xa] =	wrdreg s0;
	(pc) =	sbr.rel .LBB2_1-.Ltmp0, $4  }
0x34: {  	s17 =	simm.s32 $0x1;
	s18 =	simm.s32 $0x9;
	[dreg:$0x1d] =	wrdreg s9  }
0x35: {  	s19 =	simm.s32 $0xA;
	s20 =	simm.s32 $0xB;
	[smem:$0x7EC] =	sst s12  }
0x36: {  	s21 =	simm.s32 $0xC;
	s22 =	simm.s32 $0xE;
	[smem:$0x7EE] =	sst s14  }
0x37: {  	v0 =	vimm.f32 $0.0e+00;
	s9 =	simm.s32 $0xF;
	s12 =	simm.s32 $0x3800;
	s14 =	simm.s32 $0x6000  }
.LBB2_12:
0x38: {  	s0 =	stileid.u32;
	[bflag:$0x0] =	sbarrier.arrive $0xFFFF  }
0x39: {  	s9 =	simm.s32 $0xF;
	s0 =	sshll.u32 s0, $0x6;
	s8 =	rddreg [dreg:$0x5]  }
0x3a: {  	s5 =	rddreg [dreg:$0x9];
	s0 =	sor.u32 $0x1C0F, s0;
	s4 =	sshrl.u32 s8, $0x3  }
0x3b: {  	[hbm:s5], [sflag:s0] =	dma.local [spmem:s4], $0x2700  }
0x3c: {  	_ =	swait.ge [sflag:s9], $0x2700  }
0x3d: {  	[sflag:s9] =	ssyncset.done $0x0;
	s23 =	rddreg [dreg:$0x6]  }
0x3e: {  	s5 =	rddreg [dreg:$0xa];
	[sflag:s9] =	ssyncadd.s32 $0xFFFFD900;
	s4 =	sshrl.u32 @!p0 s23, $0x3  }
0x3f: {  	[hbm:s5], [sflag:s0] =	dma.local @!p0 [spmem:s4], $0x100  }
0x40: {  	s0 =	simm.s32 @!p0 $0xF  }
0x41: {  	_ =	swait.ge @!p0 [sflag:s0], $0x100  }
0x42: {  	s30 =	sld [smem:$0x7EB];
	_ =	sdelay $0x2  }
0x43: {  	s31 =	rddreg [dreg:$0xb];
	s5 =	sadd.s32 $0x1, s30  }
0x44: {  	p1 =	sne.s32 s5, s31  }
.Ltmp1:
0x45: {  	_ = 	snop;
	(pc) =	sbr.rel @!p1 .LBB2_13-.Ltmp1, $3  }
0x46: {  	_ =	sdelay $0x1  }
0x47: {  	[sflag:s0] =	ssyncset.done @!p0 $0x0  }
0x48: {  	[sflag:s0] =	ssyncadd.s32 @!p0 $0xFFFFFF00  }
.LBB2_1:
0x49: {  	[tilespmem:$0x8800] =	vst v0  }
0x4a: {  	[tilespmem:$0x8810] =	vst v0  }
0x4b: {  	[tilespmem:$0x8820] =	vst v0  }
0x4c: {  	[tilespmem:$0x8830] =	vst v0  }
0x4d: {  	[tilespmem:$0x8840] =	vst v0  }
0x4e: {  	[tilespmem:$0x8850] =	vst v0  }
0x4f: {  	[tilespmem:$0x8860] =	vst v0  }
0x50: {  	[tilespmem:$0x8870] =	vst v0  }
0x51: {  	[tilespmem:$0x8880] =	vst v0  }
0x52: {  	[tilespmem:$0x8890] =	vst v0  }
0x53: {  	[tilespmem:$0x88A0] =	vst v0  }
0x54: {  	[tilespmem:$0x88B0] =	vst v0  }
0x55: {  	[tilespmem:$0x88C0] =	vst v0  }
0x56: {  	[tilespmem:$0x88D0] =	vst v0  }
0x57: {  	[tilespmem:$0x88E0] =	vst v0  }
0x58: {  	[tilespmem:$0x88F0] =	vst v0  }
0x59: {  	[tilespmem:$0x8900] =	vst v0  }
0x5a: {  	[tilespmem:$0x8910] =	vst v0  }
0x5b: {  	[tilespmem:$0x8920] =	vst v0  }
0x5c: {  	[tilespmem:$0x8930] =	vst v0  }
0x5d: {  	[tilespmem:$0x8940] =	vst v0  }
0x5e: {  	[tilespmem:$0x8950] =	vst v0  }
0x5f: {  	[tilespmem:$0x8960] =	vst v0  }
0x60: {  	[tilespmem:$0x8970] =	vst v0  }
0x61: {  	[tilespmem:$0x8980] =	vst v0  }
0x62: {  	[tilespmem:$0x8990] =	vst v0  }
0x63: {  	[tilespmem:$0x89A0] =	vst v0  }
0x64: {  	[tilespmem:$0x89B0] =	vst v0  }
0x65: {  	[tilespmem:$0x89C0] =	vst v0  }
0x66: {  	[tilespmem:$0x89D0] =	vst v0  }
0x67: {  	[tilespmem:$0x89E0] =	vst v0  }
0x68: {  	[tilespmem:$0x89F0] =	vst v0  }
0x69: {  	[tilespmem:$0x8A00] =	vst v0  }
0x6a: {  	[tilespmem:$0x8A10] =	vst v0  }
0x6b: {  	[tilespmem:$0x8A20] =	vst v0  }
0x6c: {  	[tilespmem:$0x8A30] =	vst v0  }
0x6d: {  	[tilespmem:$0x8A40] =	vst v0  }
0x6e: {  	[tilespmem:$0x8A50] =	vst v0  }
0x6f: {  	[tilespmem:$0x8A60] =	vst v0  }
0x70: {  	[tilespmem:$0x8A70] =	vst v0  }
0x71: {  	[tilespmem:$0x8A80] =	vst v0  }
0x72: {  	[tilespmem:$0x8A90] =	vst v0  }
0x73: {  	[tilespmem:$0x8AA0] =	vst v0  }
0x74: {  	[tilespmem:$0x8AB0] =	vst v0  }
0x75: {  	[tilespmem:$0x8AC0] =	vst v0  }
0x76: {  	[tilespmem:$0x8AD0] =	vst v0  }
0x77: {  	[tilespmem:$0x8AE0] =	vst v0  }
0x78: {  	[tilespmem:$0x8AF0] =	vst v0  }
0x79: {  	[tilespmem:$0x8B00] =	vst v0  }
0x7a: {  	[tilespmem:$0x8B10] =	vst v0  }
0x7b: {  	[tilespmem:$0x8B20] =	vst v0  }
0x7c: {  	[tilespmem:$0x8B30] =	vst v0  }
0x7d: {  	[tilespmem:$0x8B40] =	vst v0  }
0x7e: {  	[tilespmem:$0x8B50] =	vst v0  }
0x7f: {  	[tilespmem:$0x8B60] =	vst v0  }
0x80: {  	[tilespmem:$0x8B70] =	vst v0  }
0x81: {  	[tilespmem:$0x8B80] =	vst v0  }
0x82: {  	[tilespmem:$0x8B90] =	vst v0  }
0x83: {  	[tilespmem:$0x8BA0] =	vst v0  }
0x84: {  	[tilespmem:$0x8BB0] =	vst v0  }
0x85: {  	[tilespmem:$0x8BC0] =	vst v0  }
0x86: {  	[tilespmem:$0x8BD0] =	vst v0  }
0x87: {  	[tilespmem:$0x8BE0] =	vst v0  }
0x88: {  	[tilespmem:$0x8BF0] =	vst v0  }
0x89: {  	[tilespmem:$0x8C00] =	vst v0  }
0x8a: {  	[tilespmem:$0x8C10] =	vst v0  }
0x8b: {  	[tilespmem:$0x8C20] =	vst v0  }
0x8c: {  	[tilespmem:$0x8C30] =	vst v0  }
0x8d: {  	[tilespmem:$0x8C40] =	vst v0  }
0x8e: {  	[tilespmem:$0x8C50] =	vst v0  }
0x8f: {  	[tilespmem:$0x8C60] =	vst v0  }
0x90: {  	[tilespmem:$0x8C70] =	vst v0  }
0x91: {  	[tilespmem:$0x8C80] =	vst v0  }
0x92: {  	[tilespmem:$0x8C90] =	vst v0  }
0x93: {  	[tilespmem:$0x8CA0] =	vst v0  }
0x94: {  	[tilespmem:$0x8CB0] =	vst v0  }
0x95: {  	[tilespmem:$0x8CC0] =	vst v0  }
0x96: {  	[tilespmem:$0x8CD0] =	vst v0  }
0x97: {  	[tilespmem:$0x8CE0] =	vst v0  }
0x98: {  	[tilespmem:$0x8CF0] =	vst v0  }
0x99: {  	[tilespmem:$0x8D00] =	vst v0  }
0x9a: {  	[tilespmem:$0x8D10] =	vst v0  }
0x9b: {  	[tilespmem:$0x8D20] =	vst v0  }
0x9c: {  	[tilespmem:$0x8D30] =	vst v0  }
0x9d: {  	[tilespmem:$0x8D40] =	vst v0  }
0x9e: {  	[tilespmem:$0x8D50] =	vst v0  }
0x9f: {  	[tilespmem:$0x8D60] =	vst v0  }
0xa0: {  	[tilespmem:$0x8D70] =	vst v0  }
0xa1: {  	[tilespmem:$0x8D80] =	vst v0  }
0xa2: {  	[tilespmem:$0x8D90] =	vst v0  }
0xa3: {  	[tilespmem:$0x8DA0] =	vst v0  }
0xa4: {  	[tilespmem:$0x8DB0] =	vst v0  }
0xa5: {  	[tilespmem:$0x8DC0] =	vst v0  }
0xa6: {  	[tilespmem:$0x8DD0] =	vst v0  }
0xa7: {  	[tilespmem:$0x8DE0] =	vst v0  }
0xa8: {  	[tilespmem:$0x8DF0] =	vst v0  }
0xa9: {  	[tilespmem:$0x8E00] =	vst v0  }
0xaa: {  	[tilespmem:$0x8E10] =	vst v0  }
0xab: {  	[tilespmem:$0x8E20] =	vst v0  }
0xac: {  	[tilespmem:$0x8E30] =	vst v0  }
0xad: {  	[tilespmem:$0x8E40] =	vst v0  }
0xae: {  	[tilespmem:$0x8E50] =	vst v0  }
0xaf: {  	[tilespmem:$0x8E60] =	vst v0  }
0xb0: {  	[tilespmem:$0x8E70] =	vst v0  }
0xb1: {  	[tilespmem:$0x8E80] =	vst v0  }
0xb2: {  	[tilespmem:$0x8E90] =	vst v0  }
0xb3: {  	[tilespmem:$0x8EA0] =	vst v0  }
0xb4: {  	[tilespmem:$0x8EB0] =	vst v0  }
0xb5: {  	[tilespmem:$0x8EC0] =	vst v0  }
0xb6: {  	[tilespmem:$0x8ED0] =	vst v0  }
0xb7: {  	[tilespmem:$0x8EE0] =	vst v0  }
0xb8: {  	[tilespmem:$0x8EF0] =	vst v0  }
0xb9: {  	[tilespmem:$0x8F00] =	vst v0  }
0xba: {  	[tilespmem:$0x8F10] =	vst v0  }
0xbb: {  	[tilespmem:$0x8F20] =	vst v0  }
0xbc: {  	[tilespmem:$0x8F30] =	vst v0  }
0xbd: {  	[tilespmem:$0x8F40] =	vst v0  }
0xbe: {  	[tilespmem:$0x8F50] =	vst v0  }
0xbf: {  	[tilespmem:$0x8F60] =	vst v0  }
0xc0: {  	[tilespmem:$0x8F70] =	vst v0  }
0xc1: {  	[tilespmem:$0x8F80] =	vst v0  }
0xc2: {  	[tilespmem:$0x8F90] =	vst v0  }
0xc3: {  	[tilespmem:$0x8FA0] =	vst v0  }
0xc4: {  	[tilespmem:$0x8FB0] =	vst v0  }
0xc5: {  	[tilespmem:$0x8FC0] =	vst v0  }
0xc6: {  	[tilespmem:$0x8FD0] =	vst v0  }
0xc7: {  	[smem:$0x7EB] =	sst s5;
	[tilespmem:$0x8FE0] =	vst v0  }
0xc8: {  	[tilespmem:$0x8FF0] =	vst v0;
	s4 =	simm.s32 $0x8800;
	s0 =	rddreg [dreg:$0xc]  }
0xc9: {  	[spmem:s8] =	stream.linear.scatter [tilespmem:s4], [sflag:$0xD], $0x800, $0x38;
	[tilespmem:$0x1C880] =	vst v63  }
0xca: {  	s24 =	rddreg [dreg:$0xe]  }
0xcb: {  	[spmem:s0] =	stream.linear.scatter [tilespmem:s4], [sflag:$0xD], $0x800, $0x38;
	[tilespmem:$0x1C880] =	vst v63  }
0xcc: {  	s8 =	rddreg [dreg:$0xd]  }
0xcd: {  	[spmem:s8] =	stream.linear.scatter [tilespmem:s4], [sflag:$0xD], $0x800, $0x38;
	[tilespmem:$0x1C880] =	vst v63  }
0xce: {  	s25 =	rddreg [dreg:$0xf]  }
0xcf: {  	[spmem:s24] =	stream.linear.scatter [tilespmem:s4], [sflag:$0xD], $0x800, $0x38;
	[tilespmem:$0x1C880] =	vst v63  }
0xd0: {  	s26 =	rddreg [dreg:$0x10]  }
0xd1: {  	[spmem:s25] =	stream.linear.scatter [tilespmem:s4], [sflag:$0xD], $0x800, $0x38;
	[tilespmem:$0x1C880] =	vst v63  }
0xd2: {  	s28 =	rddreg [dreg:$0x11]  }
0xd3: {  	[spmem:s26] =	stream.linear.scatter [tilespmem:s4], [sflag:$0xD], $0x800, $0x38;
	[tilespmem:$0x1C880] =	vst v63  }
0xd4: {  	s29 =	rddreg [dreg:$0x12]  }
0xd5: {  	[spmem:s28] =	stream.linear.scatter [tilespmem:s4], [sflag:$0xD], $0x800, $0x38;
	[tilespmem:$0x1C880] =	vst v63  }
0xd6: {  	s30 =	rddreg [dreg:$0x13]  }
0xd7: {  	[spmem:s29] =	stream.linear.scatter [tilespmem:s4], [sflag:$0xD], $0x800, $0x38;
	[tilespmem:$0x1C880] =	vst v63  }
0xd8: {  	s31 =	rddreg [dreg:$0x14]  }
0xd9: {  	[spmem:s30] =	stream.linear.scatter [tilespmem:s4], [sflag:$0xD], $0x800, $0x38;
	[tilespmem:$0x1C880] =	vst v63  }
0xda: {  	s5 =	rddreg [dreg:$0x15]  }
0xdb: {  	[spmem:s31] =	stream.linear.scatter [tilespmem:s4], [sflag:$0xD], $0x800, $0x38;
	[tilespmem:$0x1C880] =	vst v63  }
0xdc: {  	s8 =	rddreg [dreg:$0x16]  }
0xdd: {  	[spmem:s5] =	stream.linear.scatter [tilespmem:s4], [sflag:$0xD], $0x800, $0x38;
	[tilespmem:$0x1C880] =	vst v63  }
0xde: {  	s24 =	rddreg [dreg:$0x17]  }
0xdf: {  	[spmem:s8] =	stream.linear.scatter [tilespmem:s4], [sflag:$0xD], $0x800, $0x38;
	[tilespmem:$0x1C880] =	vst v63  }
0xe0: {  	s25 =	rddreg [dreg:$0x18]  }
0xe1: {  	[spmem:s24] =	stream.linear.scatter [tilespmem:s4], [sflag:$0xD], $0x800, $0x38;
	[tilespmem:$0x1C880] =	vst v63  }
0xe2: {  	s26 =	rddreg [dreg:$0x19]  }
0xe3: {  	[spmem:s25] =	stream.linear.scatter [tilespmem:s4], [sflag:$0xD], $0x800, $0x38;
	[tilespmem:$0x1C880] =	vst v63  }
0xe4: {  	s28 =	rddreg [dreg:$0x1a]  }
0xe5: {  	[spmem:s26] =	stream.linear.scatter [tilespmem:s4], [sflag:$0xD], $0x800, $0x38;
	[tilespmem:$0x1C880] =	vst v63  }
0xe6: {  	s29 =	rddreg [dreg:$0x1b]  }
0xe7: {  	[spmem:s28] =	stream.linear.scatter [tilespmem:s4], [sflag:$0xD], $0x800, $0x38;
	[tilespmem:$0x1C880] =	vst v63  }
0xe8: {  	s30 =	rddreg [dreg:$0x1c]  }
0xe9: {  	[spmem:s29] =	stream.linear.scatter [tilespmem:s4], [sflag:$0xD], $0x800, $0x38;
	[tilespmem:$0x1C880] =	vst v63  }
0xea: {  	s31 =	rddreg [dreg:$0x1d]  }
0xeb: {  	[spmem:s30] =	stream.linear.scatter [tilespmem:s4], [sflag:$0xD], $0x800, $0x38;
	[tilespmem:$0x1C880] =	vst v63  }
0xec: {  	s5 =	rddreg [dreg:$0x1e]  }
0xed: {  	[spmem:s31] =	stream.linear.scatter [tilespmem:s4], [sflag:$0xD], $0x800, $0x38;
	[tilespmem:$0x1C880] =	vst v63  }
0xee: {  	s8 =	rddreg [dreg:$0x1f]  }
0xef: {  	[spmem:s5] =	stream.linear.scatter [tilespmem:s4], [sflag:$0xD], $0x800, $0x38;
	[tilespmem:$0x1C880] =	vst v63  }
0xf0: {  	s24 =	sld [smem:$0x7EC]  }
0xf1: {  	[spmem:s8] =	stream.linear.scatter [tilespmem:s4], [sflag:$0xD], $0x800, $0x38;
	[tilespmem:$0x1C880] =	vst v63  }
0xf2: {  	s25 =	sld [smem:$0x7ED]  }
0xf3: {  	[spmem:s24] =	stream.linear.scatter [tilespmem:s4], [sflag:$0xD], $0x800, $0x38;
	[tilespmem:$0x1C880] =	vst v63  }
0xf4: {  	s26 =	sld [smem:$0x7EE]  }
0xf5: {  	[spmem:s25] =	stream.linear.scatter [tilespmem:s4], [sflag:$0xD], $0x800, $0x38;
	[tilespmem:$0x1C880] =	vst v63  }
0xf6: {  	s28 =	sld [smem:$0x7EF]  }
0xf7: {  	[spmem:s26] =	stream.linear.scatter [tilespmem:s4], [sflag:$0xD], $0x800, $0x38;
	[tilespmem:$0x1C880] =	vst v63  }
0xf8: {  	s29 =	sld [smem:$0x7F0]  }
0xf9: {  	[spmem:s28] =	stream.linear.scatter [tilespmem:s4], [sflag:$0xD], $0x800, $0x38;
	[tilespmem:$0x1C880] =	vst v63  }
0xfa: {  	s30 =	sld [smem:$0x7F1]  }
0xfb: {  	[spmem:s29] =	stream.linear.scatter [tilespmem:s4], [sflag:$0xD], $0x800, $0x38;
	[tilespmem:$0x1C880] =	vst v63  }
0xfc: {  	s31 =	sld [smem:$0x7F2]  }
0xfd: {  	[spmem:s30] =	stream.linear.scatter [tilespmem:s4], [sflag:$0xD], $0x800, $0x38;
	[tilespmem:$0x1C880] =	vst v63  }
0xfe: {  	s5 =	sld [smem:$0x7F3]  }
0xff: {  	[spmem:s31] =	stream.linear.scatter [tilespmem:s4], [sflag:$0xD], $0x800, $0x38;
	[tilespmem:$0x1C880] =	vst v63  }
0x100: {  	s8 =	sld [smem:$0x7F4]  }
0x101: {  	[spmem:s5] =	stream.linear.scatter [tilespmem:s4], [sflag:$0xD], $0x800, $0x38;
	[tilespmem:$0x1C880] =	vst v63  }
0x102: {  	s24 =	sld [smem:$0x7F5]  }
0x103: {  	[spmem:s8] =	stream.linear.scatter [tilespmem:s4], [sflag:$0xD], $0x800, $0x38;
	[tilespmem:$0x1C880] =	vst v63  }
0x104: {  	s25 =	sld [smem:$0x7F6]  }
0x105: {  	[spmem:s24] =	stream.linear.scatter [tilespmem:s4], [sflag:$0xD], $0x800, $0x38;
	[tilespmem:$0x1C880] =	vst v63  }
0x106: {  	s26 =	sld [smem:$0x7F7]  }
0x107: {  	[spmem:s25] =	stream.linear.scatter [tilespmem:s4], [sflag:$0xD], $0x800, $0x38;
	[tilespmem:$0x1C880] =	vst v63  }
0x108: {  	s28 =	sld [smem:$0x7F8]  }
0x109: {  	[spmem:s26] =	stream.linear.scatter [tilespmem:s4], [sflag:$0xD], $0x800, $0x38;
	[tilespmem:$0x1C880] =	vst v63  }
0x10a: {  	s29 =	sld [smem:$0x7F9]  }
0x10b: {  	[spmem:s28] =	stream.linear.scatter [tilespmem:s4], [sflag:$0xD], $0x800, $0x38;
	[tilespmem:$0x1C880] =	vst v63  }
0x10c: {  	s30 =	sld [smem:$0x7FA]  }
0x10d: {  	[spmem:s29] =	stream.linear.scatter [tilespmem:s4], [sflag:$0xD], $0x800, $0x38;
	[tilespmem:$0x1C880] =	vst v63  }
0x10e: {  	s31 =	sld [smem:$0x7FB]  }
0x10f: {  	[spmem:s30] =	stream.linear.scatter [tilespmem:s4], [sflag:$0xD], $0x800, $0x38;
	[tilespmem:$0x1C880] =	vst v63  }
0x110: {  	s5 =	sld [smem:$0x7FC]  }
0x111: {  	[spmem:s31] =	stream.linear.scatter [tilespmem:s4], [sflag:$0xD], $0x800, $0x38;
	[tilespmem:$0x1C880] =	vst v63  }
0x112: {  	s8 =	sld [smem:$0x7FD]  }
0x113: {  	[spmem:s5] =	stream.linear.scatter [tilespmem:s4], [sflag:$0xD], $0x800, $0x38;
	[tilespmem:$0x1C880] =	vst v63  }
0x114: {  	_ = 	snop  }
0x115: {  	[spmem:s8] =	stream.linear.scatter [tilespmem:s4], [sflag:$0xD], $0x800, $0x38;
	[tilespmem:$0x1C880] =	vst v63  }
0x116: {  	s4 =	simm.s32 @!p0 $0x8800  }
0x117: {  	[spmem:s23] =	stream.linear.scatter @!p0 [tilespmem:s4], [sflag:$0xD], $0x800, $0x38;
	[tilespmem:$0x1C880] =	vst v63  }
0x118: {  	s24 =	rddreg [dreg:$0x7];
	s23 =	simm.s32 $0x0  }
0x119: {  	[tilespmem:s23], [sflag:$0xF] =	stream.linear.gather [hbm4b:s24+s23], $0x3E8, $0x38;
	[tilespmem:$0x1C880] =	vst v63  }
0x11a: {  	_ =	swait.ge [sflag:s9], $0x3E8  }
0x11b: {  	[sflag:s9] =	ssyncset.done $0x0  }
0x11c: {  	s26 =	simm.s32 $0x800;
	s25 =	rddreg [dreg:$0x8];
	[sflag:s9] =	ssyncadd.s32 $0xFFFFFC18  }
0x11d: {  	[tilespmem:s26], [sflag:$0xF] =	stream.linear.gather [hbm4b:s25+s23], $0x3E8, $0x38;
	[tilespmem:$0x1C880] =	vst v63  }
0x11e: {  	_ =	swait.ge [sflag:s9], $0x3E8  }
0x11f: {  	[sflag:s9] =	ssyncset.done $0x0  }
0x120: {  	[sflag:s9] =	ssyncadd.s32 $0xFFFFFC18  }
0x121: {  	[tilespmem:s10], [sflag:$0x1] =	stream.indirect.gather [hbm4b:s1+s3], $0x80, s23, s3, $0xb8;
	[tilespmem:$0x1C880] =	vst v63  }
0x122: {  	_ = 	snop  }
0x123: {  	[tilespmem:s11], [sflag:$0x2] =	stream.indirect.gather [hbm4b:s1+s3], $0x80, s3, s3, $0xb8;
	[tilespmem:$0x1C880] =	vst v63  }
0x124: {  	s28 =	simm.s32 $0x50  }
0x125: {  	[tilespmem:s12], [sflag:$0x3] =	stream.indirect.gather [hbm4b:s1+s3], $0x80, s28, s3, $0xb8;
	[tilespmem:$0x1C880] =	vst v63  }
0x126: {  	s29 =	simm.s32 $0x78  }
0x127: {  	[tilespmem:s13], [sflag:$0x4] =	stream.indirect.gather [hbm4b:s1+s3], $0x80, s29, s3, $0xb8;
	[tilespmem:$0x1C880] =	vst v63  }
0x128: {  	s30 =	simm.s32 $0xA0  }
0x129: {  	[tilespmem:s14], [sflag:$0x5] =	stream.indirect.gather [hbm4b:s1+s3], $0x80, s30, s3, $0xb8;
	[tilespmem:$0x1C880] =	vst v63  }
0x12a: {  	s31 =	simm.s32 $0xC8  }
0x12b: {  	[tilespmem:s15], [sflag:$0x6] =	stream.indirect.gather [hbm4b:s1+s3], $0x80, s31, s3, $0xb8;
	[tilespmem:$0x1C880] =	vst v63  }
0x12c: {  	_ =	swait.ge [sflag:s16], $0x800  }
0x12d: {  	s4 =	simm.s32 $0x26;
	[sflag:s16] =	ssyncset.done $0x0  }
.LBB2_2:
0x12e: {  	p1 =	sne.s32 s4, $0x1;
	s4 =	sadd.s32 $0xFFFFFFFF, s4;
	[sflag:s16] =	ssyncadd.s32 $0xFFFFF800  }
.Ltmp2:
0x12f: {  	(pc) =	sbr.rel @p1 .LBB2_2-.Ltmp2, $3  }
0x130: {  	_ =	sdelay $0x1  }
0x131: {  	_ =	swait.ge [sflag:s16], $0x800  }
0x132: {  	[sflag:s16] =	ssyncset.done $0x0  }
0x133: {  	[sflag:s16] =	ssyncadd.s32 $0xFFFFF800;
	s4 =	simm.s32 @!p0 $0xD  }
0x134: {  	_ =	swait.ge @!p0 [sflag:s4], $0x800  }
0x135: {  	[sflag:s4] =	ssyncset.done @!p0 $0x0  }
0x136: {  	[sflag:s4] =	ssyncadd.s32 @!p0 $0xFFFFF800  }
0x137: {  	s24 =	simm.s32 $0x0;
	[bflag:$0x0] =	sbarrier.arrive $0xFFFF  }
.LBB2_4:
0x138: {  	s4 =	smov.u32 s24  }
0x139: {  	s24 =	sadd.s32 $0x1, s24;
	p1 =	seq.s32 s4, $0x9  }
0x13a: {  	s0 =	rddreg [dreg:$0x4];
	s26 =	simm.s32 $0x3E8;
	s9 =	smul.u32 @!p1 $0x3E8, s24  }
0x13b: {  	s29 =	simm.s32 $0x1;
	s4 =	sand.u32 $0x1, s4;
	s25 =	sand.u32 $0x1, s24  }
0x13c: {  	p2 =	seq.s32 s25, $0x1;
	s25 =	simm.s32 $0x3E8;
	s9 =	sadd.s32 @!p1 s0, s9  }
0x13d: {  	s25 =	simm.s32 @!p2 $0x0;
	p2 =	seq.s32 s4, $0x1;
	s4 =	sshrl.u32 @!p1 s9, $0x3  }
.Ltmp3:
0x13e: {  	s28 =	simm.s32 @!p1 $0x0;
	s9 =	sadd.s32 @!p1 s6, s4;
	(pc) =	sbr.rel .LBB2_5-.Ltmp3, $4  }
0x13f: {  	[tilespmem:s25], [sflag:$0xE] =	stream.linear.gather @!p1 [hbm4b:s9+s28], $0x3E8, $0x38;
	[tilespmem:$0x1C880] =	vst v63  }
0x140: {  	s26 =	simm.s32 @!p2 $0x0;
	s4 =	sadd.s32 @!p1 s7, s4;
	s9 =	sor.u32 @!p1 $0x800, s25  }
0x141: {  	[tilespmem:s9], [sflag:$0xE] =	stream.linear.gather @!p1 [hbm4b:s4+s28], $0x3E8, $0x38;
	[tilespmem:$0x1C880] =	vst v63  }
0x142: {  	s30 =	simm.s32 $0x0;
	s28 =	sor.u32 $0x800, s26;
	s4 =	simm.s32 $0x0  }
.LBB2_8:
0x143: {  	s0 =	sadd.s32 s9, s26  }
0x144: {  	s5 =	sadd.s32 $0x118, s0  }
0x145: {  	[tilespmem:s11], [sflag:$0x2] =	stream.indirect.gather [hbm4b:s1+s3], $0x80, s5, s3, $0xb8;
	[tilespmem:$0x1C880] =	vst v63  }
0x146: {  	_ =	swait.ge [sflag:s18], $0x1400  }
0x147: {  	[sflag:s18] =	ssyncset.done $0x0  }
0x148: {  	s9 =	sadd.s32 $0x140, s0;
	[sflag:s18] =	ssyncadd.s32 $0xFFFFEC00  }
0x149: {  	[tilespmem:s12], [sflag:$0x3] =	stream.indirect.gather [hbm4b:s1+s3], $0x80, s9, s3, $0xb8;
	[tilespmem:$0x1C880] =	vst v63  }
0x14a: {  	_ =	swait.ge [sflag:s19], $0x1400  }
0x14b: {  	[sflag:s19] =	ssyncset.done $0x0  }
0x14c: {  	s23 =	sadd.s32 $0x168, s0;
	[sflag:s19] =	ssyncadd.s32 $0xFFFFEC00  }
0x14d: {  	[tilespmem:s13], [sflag:$0x4] =	stream.indirect.gather [hbm4b:s1+s3], $0x80, s23, s3, $0xb8;
	[tilespmem:$0x1C880] =	vst v63  }
0x14e: {  	_ =	swait.ge [sflag:s20], $0x1400  }
0x14f: {  	[sflag:s20] =	ssyncset.done $0x0  }
0x150: {  	s31 =	sadd.s32 $0x190, s0;
	[sflag:s20] =	ssyncadd.s32 $0xFFFFEC00  }
0x151: {  	[tilespmem:s14], [sflag:$0x5] =	stream.indirect.gather [hbm4b:s1+s3], $0x80, s31, s3, $0xb8;
	[tilespmem:$0x1C880] =	vst v63  }
0x152: {  	_ =	swait.ge [sflag:s21], $0x1400  }
0x153: {  	[sflag:s21] =	ssyncset.done $0x0  }
0x154: {  	s0 =	sadd.s32 $0x1B8, s0;
	[sflag:s21] =	ssyncadd.s32 $0xFFFFEC00  }
0x155: {  	[tilespmem:s15], [sflag:$0x6] =	stream.indirect.gather [hbm4b:s1+s3], $0x80, s0, s3, $0xb8;
	[tilespmem:$0x1C880] =	vst v63  }
.LBB2_9:
0x156: {  	s30 =	sadd.s32 $0x3C0, s30  }
0x157: {  	p2 =	sne.s32 s30, $0x12C0  }
.Ltmp4:
0x158: {  	_ = 	snop;
	(pc) =	sbr.rel @!p2 .LBB2_10-.Ltmp4, $2  }
0x159: {  	_ =	sdelay $0x2  }
0x15a: {  	s4 =	sadd.s32 $0x1, s4;
	s29 =	sadd.s32 $0x6, s29  }
.LBB2_5:
0x15b: {  	_ =	swait.ge [sflag:s17], $0x1400  }
0x15c: {  	s9 =	sshra.s32 s30, $0x2;
	[sflag:s17] =	ssyncset.done $0x0  }
0x15d: {  	p2 =	sgt.u32 s29, $0x18;
	s8 =	sadd.s32 s9, s28;
	[sflag:s17] =	ssyncadd.s32 $0xFFFFEC00  }
0x15e: {  	[spmem:s2] =	stream.indirect.scatter.add.f32 [tilespmem:s10], [sflag:$0x7], $0x80, s8, s3, $0xb8;
	[tilespmem:$0x1C880] =	vst v63  }
0x15f: {  	s8 =	simm.s32 @!p2 $0x2  }
0x160: {  	p3 =	sne.s32 s30, $0xF00;
	s0 =	sshra.s32 @!p2 s30, $0x2;
	_ =	swait.ge @!p2 [sflag:s8], $0x1400  }
0x161: {  	s23 =	simm.s32 @!p2 $0x2400;
	s0 =	sadd.s32 @!p2 s0, s28;
	[sflag:s8] =	ssyncset.done @!p2 $0x0  }
0x162: {  	s0 =	sadd.s32 @!p2 $0x28, s0;
	[sflag:s8] =	ssyncadd.s32 @!p2 $0xFFFFEC00;
	s8 =	simm.s32 @!p2 $0x28  }
0x163: {  	[spmem:s2] =	stream.indirect.scatter.add.f32 @!p2 [tilespmem:s23], [sflag:$0x8], $0x80, s0, s8, $0xb8;
	[tilespmem:$0x1C880] =	vst v63  }
0x164: {  	s0 =	simm.s32 @p3 $0x3  }
0x165: {  	_ =	swait.ge @p3 [sflag:s0], $0x1400  }
0x166: {  	s8 =	sshra.s32 @p3 s30, $0x2;
	[sflag:s0] =	ssyncset.done @p3 $0x0  }
0x167: {  	[sflag:s0] =	ssyncadd.s32 @p3 $0xFFFFEC00;
	s0 =	sadd.s32 @p3 s8, s28  }
0x168: {  	s31 =	simm.s32 @p3 $0x28;
	s5 =	simm.s32 @p3 $0x3800;
	s23 =	sadd.s32 @p3 $0x50, s0  }
0x169: {  	[spmem:s2] =	stream.indirect.scatter.add.f32 @p3 [tilespmem:s5], [sflag:$0x9], $0x80, s23, s31, $0xb8;
	[tilespmem:$0x1C880] =	vst v63  }
0x16a: {  	s5 =	simm.s32 @p3 $0x4  }
0x16b: {  	_ =	swait.ge @p3 [sflag:s5], $0x1400  }
0x16c: {  	[sflag:s5] =	ssyncset.done @p3 $0x0  }
0x16d: {  	s23 =	simm.s32 @p3 $0x4C00;
	[sflag:s5] =	ssyncadd.s32 @p3 $0xFFFFEC00;
	s5 =	sadd.s32 @p3 $0x78, s0  }
0x16e: {  	[spmem:s2] =	stream.indirect.scatter.add.f32 @p3 [tilespmem:s23], [sflag:$0xA], $0x80, s5, s31, $0xb8;
	[tilespmem:$0x1C880] =	vst v63  }
0x16f: {  	s5 =	simm.s32 @p3 $0x5  }
0x170: {  	_ =	swait.ge @p3 [sflag:s5], $0x1400  }
0x171: {  	[sflag:s5] =	ssyncset.done @p3 $0x0  }
0x172: {  	s23 =	simm.s32 @p3 $0x6000;
	[sflag:s5] =	ssyncadd.s32 @p3 $0xFFFFEC00;
	s5 =	sadd.s32 @p3 $0xA0, s0  }
0x173: {  	[spmem:s2] =	stream.indirect.scatter.add.f32 @p3 [tilespmem:s23], [sflag:$0xB], $0x80, s5, s31, $0xb8;
	[tilespmem:$0x1C880] =	vst v63  }
0x174: {  	s5 =	simm.s32 @p3 $0x6  }
0x175: {  	_ =	swait.ge @p3 [sflag:s5], $0x1400  }
0x176: {  	[sflag:s5] =	ssyncset.done @p3 $0x0  }
0x177: {  	s0 =	sadd.s32 @p3 $0xC8, s0;
	[sflag:s5] =	ssyncadd.s32 @p3 $0xFFFFEC00;
	s5 =	simm.s32 @p3 $0x7400  }
0x178: {  	[spmem:s2] =	stream.indirect.scatter.add.f32 @p3 [tilespmem:s5], [sflag:$0xC], $0x80, s0, s31, $0xb8;
	[tilespmem:$0x1C880] =	vst v63  }
0x179: {  	s0 =	simm.s32 @p3 $0x7  }
0x17a: {  	_ =	swait.ge @p3 [sflag:s0], $0x1400  }
0x17b: {  	s5 =	sadd.s32 @p3 s8, s26;
	[sflag:s0] =	ssyncset.done @p3 $0x0  }
0x17c: {  	[sflag:s0] =	ssyncadd.s32 @p3 $0xFFFFEC00;
	s0 =	sadd.s32 @p3 $0xF0, s5;
	s5 =	simm.s32 @p3 $0x1000  }
0x17d: {  	[tilespmem:s5], [sflag:$0x1] =	stream.indirect.gather @p3 [hbm4b:s1+s31], $0x80, s0, s31, $0xb8;
	[tilespmem:$0x1C880] =	vst v63  }
0x17e: {  	s0 =	simm.s32 @!p3 $0x7  }
0x17f: {  	_ =	swait.ge @!p3 [sflag:s0], $0x1400  }
0x180: {  	[sflag:s0] =	ssyncset.done @!p3 $0x0  }
0x181: {  	[sflag:s0] =	ssyncadd.s32 @!p3 $0xFFFFEC00;
	p3 =	slt.u32 s4, $0x3  }
.Ltmp5:
0x182: {  	_ = 	snop;
	(pc) =	sbr.rel @p3 .LBB2_8-.Ltmp5, $4  }
0x183: {  	s0 =	simm.s32 @!p2 $0x8  }
0x184: {  	_ =	swait.ge @!p2 [sflag:s0], $0x1400  }
0x185: {  	[sflag:s0] =	ssyncset.done @!p2 $0x0  }
0x186: {  	[sflag:s0] =	ssyncadd.s32 @!p2 $0xFFFFEC00  }
0x187: {  	p2 =	seq.s32 s30, $0xF00  }
.Ltmp6:
0x188: {  	_ = 	snop;
	(pc) =	sbr.rel @p2 .LBB2_10-.Ltmp6, $1  }
0x189: {  	_ =	sdelay $0x3  }
0x18a: {  	_ =	swait.ge [sflag:s18], $0x1400  }
0x18b: {  	[sflag:s18] =	ssyncset.done $0x0  }
0x18c: {  	[sflag:s18] =	ssyncadd.s32 $0xFFFFEC00  }
0x18d: {  	_ =	swait.ge [sflag:s19], $0x1400  }
0x18e: {  	[sflag:s19] =	ssyncset.done $0x0  }
0x18f: {  	[sflag:s19] =	ssyncadd.s32 $0xFFFFEC00  }
0x190: {  	_ =	swait.ge [sflag:s20], $0x1400  }
.Ltmp7:
0x191: {  	[sflag:s20] =	ssyncset.done $0x0;
	(pc) =	sbr.rel .LBB2_9-.Ltmp7, $4  }
0x192: {  	[sflag:s20] =	ssyncadd.s32 $0xFFFFEC00  }
0x193: {  	_ =	swait.ge [sflag:s21], $0x1400  }
0x194: {  	[sflag:s21] =	ssyncset.done $0x0  }
0x195: {  	[sflag:s21] =	ssyncadd.s32 $0xFFFFEC00  }
.LBB2_10:
.Ltmp8:
0x196: {  	(pc) =	sbr.rel @p1 .LBB2_12-.Ltmp8, $1  }
0x197: {  	_ =	sdelay $0x3  }
0x198: {  	_ =	swait.ge [sflag:s22], $0x3E8  }
0x199: {  	[sflag:s22] =	ssyncset.done $0x0  }
0x19a: {  	[sflag:s22] =	ssyncadd.s32 $0xFFFFFC18  }
0x19b: {  	_ =	swait.ge [sflag:s22], $0x3E8  }
0x19c: {  	[sflag:s22] =	ssyncset.done $0x0  }
0x19d: {  	[sflag:s22] =	ssyncadd.s32 $0xFFFFFC18  }
0x19e: {  	[tilespmem:s10], [sflag:$0x1] =	stream.indirect.gather [hbm4b:s1+s3], $0x80, s25, s3, $0xb8;
	[tilespmem:$0x1C880] =	vst v63  }
0x19f: {  	s0 =	sadd.s32 $0x28, s25  }
0x1a0: {  	[tilespmem:s11], [sflag:$0x2] =	stream.indirect.gather [hbm4b:s1+s3], $0x80, s0, s3, $0xb8;
	[tilespmem:$0x1C880] =	vst v63  }
0x1a1: {  	s28 =	sadd.s32 $0x50, s25  }
0x1a2: {  	[tilespmem:s12], [sflag:$0x3] =	stream.indirect.gather [hbm4b:s1+s3], $0x80, s28, s3, $0xb8;
	[tilespmem:$0x1C880] =	vst v63  }
0x1a3: {  	s29 =	sadd.s32 $0x78, s25  }
0x1a4: {  	[tilespmem:s13], [sflag:$0x4] =	stream.indirect.gather [hbm4b:s1+s3], $0x80, s29, s3, $0xb8;
	[tilespmem:$0x1C880] =	vst v63  }
.Ltmp9:
0x1a5: {  	_ = 	snop;
	(pc) =	sbr.rel .LBB2_4-.Ltmp9, $4  }
0x1a6: {  	s30 =	sadd.s32 $0xA0, s25  }
0x1a7: {  	[tilespmem:s14], [sflag:$0x5] =	stream.indirect.gather [hbm4b:s1+s3], $0x80, s30, s3, $0xb8;
	[tilespmem:$0x1C880] =	vst v63  }
0x1a8: {  	s31 =	sadd.s32 $0xC8, s25  }
0x1a9: {  	[tilespmem:s15], [sflag:$0x6] =	stream.indirect.gather [hbm4b:s1+s3], $0x80, s31, s3, $0xb8;
	[tilespmem:$0x1C880] =	vst v63  }
.LBB2_13:
0x1aa: {  	_ =	sfence.sel $0x180000  }
0x1ab: {  	[bflag:$0x0] =	sbarrier.arrive $0xFFFF  }
0x1ac: {  	_ =	strace $0x90000047  }
0x1ad: {  	[bflag:$0x2] =	sbarrier.arrive $0xFFFF  }
0x1ae: {  	s0 =	rddreg [dreg:$0x3]  }
0x1af: {  	s0 =	sadd.s32 @!p0 $0x100000, s0  }
0x1b0: {  	[sflag:s0] =	ssyncadd.tile.s32 @!p0 $0x1;
	_ =	shalt  }
.Lfunc_end2:
_tile_overlayer_lowered:
.L_overlay_start_2:
0x1b1: {  	(tag) =	ssettag $0x2  }
0x1b2: {  	s0 =	rddreg [dreg:$0x0];
	s2 =	stileid.u32  }
0x1b3: {  	s1 =	rddreg [dreg:$0x1];
	p0 =	sne.s32 s2, $0x0  }
0x1b4: {  	s3 =	rddreg [dreg:$0x2];
	[bflag:$0x3] =	sbarrier.arrive $0xFFFF;
	s2 =	simm.s32 @!p0 $0x1C0F  }
0x1b5: {  	[timem:s3], [sflag:s2] =	dma.local @!p0 [hbm:s0], s1  }
0x1b6: {  	s0 =	simm.s32 @!p0 $0xF  }
0x1b7: {  	_ =	swait.ge @!p0 [sflag:s0], s1  }
0x1b8: {  	s1 =	ssub.s32 @!p0 $0x0, s1;
	[sflag:s0] =	ssyncset.done @!p0 $0x0  }
0x1b9: {  	[sflag:s0] =	ssyncadd.s32 @!p0 s1  }
0x1ba: {  	[bflag:$0x3] =	sbarrier.arrive $0xFFFF  }
0x1bb: {  	_ =	shalt  }

</sc_bundles>
